<compile_context>
chip_gen: v7x
topology: tpu7x:2x2x1
jax: 0.10.2.dev20260603
libtpu: 0.0.44.dev20260713+nightly
codegen_flags: <defaults>
</compile_context>

<pallas_src>
import functools

import jax
import jax.numpy as jnp
from jax import lax
from jax.experimental import pallas as pl
from jax.experimental.pallas import tpu as pltpu
from jax.experimental.pallas import tpu_sc as plsc

F32 = jnp.float32

NV = 50000
NSEG = 25000
E = 800000
H = 64
KOUT = 8

NCORE = 2
NSUB = 16
NW = NCORE * NSUB
CH = 128

EPW = E // NW
NFULL = EPW // CH
TAIL = EPW - NFULL * CH

EPT = E // NSUB
SUP = 5000
NSUP = EPT // SUP
NFS = SUP // CH
TAILS = SUP - NFS * CH

NBLK = NSEG // CH
NJ = (NBLK + NSUB) // NSUB

BV = 1000
BE = 3200
NBE = E // BE


def _relu(x):
    return jnp.maximum(x, 0.0)


def _dot(a, b):
    return jnp.dot(a, b, preferred_element_type=F32)



def _node_body(x_ref, w1_ref, b1_ref, w2_ref, b2_ref, y_ref):
    h = _relu(_dot(x_ref[...], w1_ref[...]) + b1_ref[...])
    y_ref[...] = _relu(_dot(h, w2_ref[...]) + b2_ref[...])


def _node_stage(x, w1, b1, w2, b2):
    n = x.shape[0]
    full = lambda b: (0, 0)
    return pl.pallas_call(
        _node_body,
        grid=(n // BV,),
        in_specs=[
            pl.BlockSpec((BV, 128), lambda b: (b, 0)),
            pl.BlockSpec((128, H), full),
            pl.BlockSpec((1, H), full),
            pl.BlockSpec((H, H), full),
            pl.BlockSpec((1, H), full),
        ],
        out_specs=pl.BlockSpec((BV, H), lambda b: (b, 0)),
        out_shape=jax.ShapeDtypeStruct((n, H), F32),
    )(x, w1, b1, w2, b2)


def _proj2_body(y_ref, wp1_ref, wp2_ref, p1_ref, p2_ref):
    y = y_ref[...]
    p1_ref[...] = _dot(y, wp1_ref[...])
    p2_ref[...] = _dot(y, wp2_ref[...])


def _proj2_stage(y, wp1, wp2, nrows):
    full = lambda b: (0, 0)
    return pl.pallas_call(
        _proj2_body,
        grid=(nrows // BV,),
        in_specs=[
            pl.BlockSpec((BV, H), lambda b: (b, 0)),
            pl.BlockSpec((H, H), full),
            pl.BlockSpec((H, H), full),
        ],
        out_specs=[
            pl.BlockSpec((BV, H), lambda b: (b, 0)),
            pl.BlockSpec((BV, H), lambda b: (b, 0)),
        ],
        out_shape=[jax.ShapeDtypeStruct((nrows, H), F32)] * 2,
    )(y, wp1, wp2)


def _node_c_body(x_ref, w1_ref, b1_ref, w2_ref, b2_ref, wp1_ref,
                 y_ref, p1_ref):
    h = _relu(_dot(x_ref[...], w1_ref[...]) + b1_ref[...])
    y = _relu(_dot(h, w2_ref[...]) + b2_ref[...])
    y_ref[...] = y
    p1_ref[...] = _dot(y, wp1_ref[...])


def _node_c_stage(x, w1, b1, w2, b2, wp1):
    n = x.shape[0]
    full = lambda b: (0, 0)
    return pl.pallas_call(
        _node_c_body,
        grid=(n // BV,),
        in_specs=[
            pl.BlockSpec((BV, 128), lambda b: (b, 0)),
            pl.BlockSpec((128, H), full),
            pl.BlockSpec((1, H), full),
            pl.BlockSpec((H, H), full),
            pl.BlockSpec((1, H), full),
            pl.BlockSpec((H, H), full),
        ],
        out_specs=[
            pl.BlockSpec((BV, H), lambda b: (b, 0)),
            pl.BlockSpec((BV, H), lambda b: (b, 0)),
        ],
        out_shape=[jax.ShapeDtypeStruct((n, H), F32)] * 2,
    )(x, w1, b1, w2, b2, wp1)



def _edge_body(ga_ref, gb_ref, ee_ref, eo_ref, we_ref, b1p_ref, w2d_ref,
               b2p_ref, g_ref):
    s = ga_ref[...] + gb_ref[...] + b1p_ref[...]
    oe = lax.dot_general(ee_ref[0], we_ref[...], (((0,), (0,)), ((), ())),
                         preferred_element_type=F32)
    oo = lax.dot_general(eo_ref[0], we_ref[...], (((0,), (0,)), ((), ())),
                         preferred_element_type=F32)
    s = s + jnp.concatenate([oe, oo], axis=1)
    h = _relu(s)
    g_ref[...] = _relu(_dot(h, w2d_ref[...]) + b2p_ref[...])


def _edge_stage(ga, gb, ee, eo, we, b1p, w2d, b2p):
    full2 = lambda b: (0, 0)
    ga2 = jnp.reshape(ga, (E // 2, 2 * H))
    gb2 = jnp.reshape(gb, (E // 2, 2 * H))
    BE2 = BE // 2
    g2 = pl.pallas_call(
        _edge_body,
        grid=(NBE,),
        in_specs=[
            pl.BlockSpec((BE2, 2 * H), lambda b: (b, 0)),
            pl.BlockSpec((BE2, 2 * H), lambda b: (b, 0)),
            pl.BlockSpec((1, 1, BE2), lambda b: (b, 0, 0)),
            pl.BlockSpec((1, 1, BE2), lambda b: (b, 0, 0)),
            pl.BlockSpec((1, H), full2),
            pl.BlockSpec((1, 2 * H), full2),
            pl.BlockSpec((2 * H, 2 * H), full2),
            pl.BlockSpec((1, 2 * H), full2),
        ],
        out_specs=pl.BlockSpec((BE2, 2 * H), lambda b: (b, 0)),
        out_shape=jax.ShapeDtypeStruct((E // 2, 2 * H), F32),
    )(ga2, gb2, ee, eo, we, b1p, w2d, b2p)
    return jnp.reshape(g2, (E, H))



def _cf_body(c1_ref, p0_ref, p1_ref, wa_ref, wb_ref, b1_ref, w2_ref, b2_ref,
             wp_ref, y_ref, proj_ref):
    agg = p0_ref[...] + p1_ref[...]
    h = _relu(_dot(c1_ref[...], wa_ref[...]) + _dot(agg, wb_ref[...])
              + b1_ref[...])
    y = _relu(_dot(h, w2_ref[...]) + b2_ref[...])
    y_ref[...] = y
    proj_ref[...] = _dot(y, wp_ref[...])


def _cf_stage(c1, p0, p1, wa, wb, b1, w2, b2, wp):
    full = lambda b: (0, 0)
    blk = lambda b: (b, 0)
    return pl.pallas_call(
        _cf_body,
        grid=(NSEG // BV,),
        in_specs=[
            pl.BlockSpec((BV, H), blk),
            pl.BlockSpec((BV, H), blk),
            pl.BlockSpec((BV, H), blk),
            pl.BlockSpec((H, H), full),
            pl.BlockSpec((H, H), full),
            pl.BlockSpec((1, H), full),
            pl.BlockSpec((H, H), full),
            pl.BlockSpec((1, H), full),
            pl.BlockSpec((H, H), full),
        ],
        out_specs=[pl.BlockSpec((BV, H), blk), pl.BlockSpec((BV, H), blk)],
        out_shape=[jax.ShapeDtypeStruct((NSEG, H), F32)] * 2,
    )(c1, p0, p1, wa, wb, b1, w2, b2, wp)


def _vf_body(v1_ref, p0_ref, p1_ref, wa_ref, wb_ref, b1_ref, w2_ref, b2_ref,
             t1w_ref, t1b_ref, t2w_ref, t2b_ref, o_ref):
    b = pl.program_id(0)
    row = lax.broadcasted_iota(jnp.int32, (BV, 1), 0) + b * BV
    agg = jnp.where(row < NSEG, p0_ref[...] + p1_ref[...], 0.0)
    h = _relu(_dot(v1_ref[...], wa_ref[...]) + _dot(agg, wb_ref[...])
              + b1_ref[...])
    v2 = _relu(_dot(h, w2_ref[...]) + b2_ref[...])
    t = _relu(_dot(v2, t1w_ref[...]) + t1b_ref[...])
    o = _dot(t, t2w_ref[...]) + t2b_ref[...]
    o_ref[...] = jax.nn.sigmoid(o)


def _vf_stage(v1, p0, p1, wa, wb, b1, w2, b2, t1w, t1b, t2w, t2b):
    full = lambda b: (0, 0)
    blk = lambda b: (b, 0)
    clampblk = lambda b: (jnp.minimum(b, NSEG // BV - 1), 0)
    return pl.pallas_call(
        _vf_body,
        grid=(NV // BV,),
        in_specs=[
            pl.BlockSpec((BV, H), blk),
            pl.BlockSpec((BV, H), clampblk),
            pl.BlockSpec((BV, H), clampblk),
            pl.BlockSpec((H, H), full),
            pl.BlockSpec((H, H), full),
            pl.BlockSpec((1, H), full),
            pl.BlockSpec((H, H), full),
            pl.BlockSpec((1, H), full),
            pl.BlockSpec((H, H), full),
            pl.BlockSpec((1, H), full),
            pl.BlockSpec((H, KOUT), full),
            pl.BlockSpec((1, KOUT), full),
        ],
        out_specs=pl.BlockSpec((BV, KOUT), blk),
        out_shape=jax.ShapeDtypeStruct((NV, KOUT), F32),
    )(v1, p0, p1, wa, wb, b1, w2, b2, t1w, t1b, t2w, t2b)



_SC_MESH = dict(core_axis_name="c", subcore_axis_name="s")


def _sc_gather_pair(tu, tv, iu, iv, iota):

    @functools.partial(
        pl.kernel,
        out_type=(jax.ShapeDtypeStruct((E, H), F32),
                  jax.ShapeDtypeStruct((E, H), F32)),
        mesh=plsc.VectorSubcoreMesh(**_SC_MESH),
        compiler_params=pltpu.CompilerParams(use_tc_tiling_on_sc=False),
        scratch_types=[
            pltpu.VMEM_SHARED((NSEG, H), F32),
            pltpu.VMEM((SUP,), jnp.int32),
            pltpu.VMEM((CH,), jnp.int32),
            pltpu.VMEM((CH, H), F32),
            pltpu.VMEM((CH, H), F32),
            pltpu.SemaphoreType.DMA((2,)),
            pltpu.SemaphoreType.DMA((2,)),
            pltpu.SemaphoreType.DMA,
        ],
    )
    def k(tu_h, tv_h, iu_h, iv_h, io_h, ga_h, gb_h, tab, ix, ixst, r0, r1,
          sg, so, sm):
        cid = lax.axis_index("c")
        sid = lax.axis_index("s")
        rows = (r0, r1)
        base = sid * EPT

        def side(t_h, i_h, o_h):
            def sbody(j, c):
                blk = sid + j * NSUB

                @pl.when(blk <= NBLK)
                def _():
                    start = jnp.where(blk < NBLK, blk * CH, NSEG - CH)
                    pltpu.sync_copy(t_h.at[pl.ds(start, CH)], r0)
                    pltpu.sync_copy(io_h.at[pl.ds(start, CH)], ixst)
                    pltpu.sync_copy(r0, tab.at[ixst])
                return c

            lax.fori_loop(0, NJ, sbody, 0)
            plsc.subcore_barrier()

            def super_body(s, carry):
                soff = base + s * SUP
                pltpu.sync_copy(i_h.at[pl.ds(soff, SUP)], ix)

                def fire(i, b):
                    pltpu.async_copy(tab.at[ix.at[pl.ds(i * CH, CH)]],
                                     rows[b], sg.at[b])

                def drain(i, b):
                    pltpu.make_async_copy(tab.at[ix.at[pl.ds(i * CH, CH)]],
                                          rows[b], sg.at[b]).wait()
                    pltpu.async_copy(rows[b],
                                     o_h.at[pl.ds(soff + i * CH, CH)],
                                     so.at[b]).wait()

                fire(0, 0)
                fire(1, 1)

                def body(j, c):
                    for b in range(2):
                        i = j * 2 + b
                        drain(i, b)

                        @pl.when(i + 2 < NFS)
                        def _():
                            fire(i + 2, b)
                    return c

                lax.fori_loop(0, NFS // 2, body, 0)
                if NFS % 2:
                    drain(NFS - 1, 0)
                toff = NFS * CH
                pltpu.async_copy(tab.at[ix.at[pl.ds(toff, TAILS)]],
                                 r0.at[pl.ds(0, TAILS)], sg.at[0]).wait()
                pltpu.async_copy(r0.at[pl.ds(0, TAILS)],
                                 o_h.at[pl.ds(soff + toff, TAILS)],
                                 so.at[0]).wait()
                return carry

            lax.fori_loop(0, NSUP, super_body, 0)

        @pl.when(cid == 0)
        def _():
            side(tu_h, iu_h, ga_h)

        @pl.when(cid == 1)
        def _():
            side(tv_h, iv_h, gb_h)

    return k(tu, tv, iu, iv, iota)



def _sc_scatter(g, idx, zeros, iota):
    @functools.partial(
        pl.kernel,
        out_type=jax.ShapeDtypeStruct((NCORE * NSEG, H), F32),
        mesh=plsc.VectorSubcoreMesh(**_SC_MESH),
        compiler_params=pltpu.CompilerParams(use_tc_tiling_on_sc=False),
        scratch_types=[
            pltpu.VMEM_SHARED((NSEG, H), F32),
            pltpu.VMEM((CH, H), F32),
            pltpu.VMEM((CH, H), F32),
            pltpu.VMEM((CH,), jnp.int32),
            pltpu.VMEM((CH,), jnp.int32),
            pltpu.VMEM((TAIL,), jnp.int32),
            pltpu.SemaphoreType.DMA((2,)),
            pltpu.SemaphoreType.DMA((2,)),
            pltpu.SemaphoreType.DMA((2,)),
            pltpu.SemaphoreType.DMA,
        ],
    )
    def k(g_h, ix_h, z_h, io_h, out_h, acc, r0, r1, ix0, ix1, ixt, sg, si,
          sa, sm):
        cid = lax.axis_index("c")
        sid = lax.axis_index("s")
        wid = sid * NCORE + cid
        base = wid * EPW
        obase = cid * NSEG
        rows = (r0, r1)
        ixs = (ix0, ix1)

        pltpu.sync_copy(z_h, r0)

        def zbody(j, c):
            blk = sid + j * NSUB

            @pl.when(blk <= NBLK)
            def _():
                start = jnp.where(blk < NBLK, blk * CH, NSEG - CH)
                pltpu.sync_copy(io_h.at[pl.ds(start, CH)], ix0)
                pltpu.sync_copy(r0, acc.at[ix0])
            return c

        lax.fori_loop(0, NJ, zbody, 0)

        plsc.subcore_barrier()

        def fire(i, b):
            pltpu.async_copy(g_h.at[pl.ds(base + i * CH, CH)], rows[b],
                             sg.at[b])
            pltpu.async_copy(ix_h.at[pl.ds(base + i * CH, CH)], ixs[b],
                             si.at[b])

        fire(0, 0)
        fire(1, 1)

        def body(j, carry):
            for b in range(2):
                i = j * 2 + b
                pltpu.make_async_copy(g_h.at[pl.ds(base + i * CH, CH)],
                                      rows[b], sg.at[b]).wait()
                pltpu.make_async_copy(ix_h.at[pl.ds(base + i * CH, CH)],
                                      ixs[b], si.at[b]).wait()
                pltpu.async_copy(rows[b], acc.at[ixs[b]], sa.at[b], add=True)
            for b in range(2):
                i = j * 2 + b
                pltpu.make_async_copy(rows[b], acc.at[ixs[b]],
                                      sa.at[b]).wait()

                @pl.when(i + 2 < NFULL)
                def _():
                    fire(i + 2, b)
            return carry

        lax.fori_loop(0, NFULL // 2, body, 0)
        if NFULL % 2:
            i = NFULL - 1
            pltpu.make_async_copy(g_h.at[pl.ds(base + i * CH, CH)], rows[0],
                                  sg.at[0]).wait()
            pltpu.make_async_copy(ix_h.at[pl.ds(base + i * CH, CH)], ixs[0],
                                  si.at[0]).wait()
            pltpu.sync_copy(rows[0], acc.at[ixs[0]], add=True)
        toff = base + NFULL * CH
        pltpu.sync_copy(ix_h.at[pl.ds(toff, TAIL)], ixt)
        pltpu.sync_copy(g_h.at[pl.ds(toff, TAIL)], r0.at[pl.ds(0, TAIL)])
        pltpu.sync_copy(r0.at[pl.ds(0, TAIL)], acc.at[ixt], add=True)

        plsc.subcore_barrier()

        def obody(j, c):
            blk = sid + j * NSUB

            @pl.when(blk <= NBLK)
            def _():
                start = jnp.where(blk < NBLK, blk * CH, NSEG - CH)
                pltpu.sync_copy(io_h.at[pl.ds(start, CH)], ix0)
                pltpu.sync_copy(acc.at[ix0], r0)
                pltpu.sync_copy(r0, out_h.at[pl.ds(obase + start, CH)])
            return c

        lax.fori_loop(0, NJ, obody, 0)

    return jnp.reshape(k(g, idx, zeros, iota), (NCORE, NSEG, H))



def kernel(v, c, e_indices, e_values, params):
    p = params
    c_idx = e_indices[0]
    v_idx = e_indices[1]
    ev = jnp.reshape(e_values, (E,))
    e_even = jnp.reshape(ev[0::2], (NBE, 1, BE // 2))
    e_odd = jnp.reshape(ev[1::2], (NBE, 1, BE // 2))
    zeros = jnp.zeros((CH, H), F32)
    iota = jnp.arange(NSEG, dtype=jnp.int32)
    eye2 = jnp.eye(2, dtype=F32)

    def pair(b):
        return jnp.concatenate([b, b], axis=1)

    def wb(name):
        w, b = p[name]
        return w, jnp.reshape(b, (1, -1))

    ev1w, ev1b = wb("ev1")
    ev2w, ev2b = wb("ev2")
    ec1w, ec1b = wb("ec1")
    ec2w, ec2b = wb("ec2")
    cg1w, cg1b = wb("cg1")
    cg2w, cg2b = wb("cg2")
    cf1w, cf1b = wb("cf1")
    cf2w, cf2b = wb("cf2")
    vg1w, vg1b = wb("vg1")
    vg2w, vg2b = wb("vg2")
    vf1w, vf1b = wb("vf1")
    vf2w, vf2b = wb("vf2")
    t1w, t1b = wb("t1")
    t2w, t2b = wb("t2")

    v1 = _node_stage(v, ev1w, ev1b, ev2w, ev2b)
    tb1, ta2 = _proj2_stage(v1, cg1w[64:128], vg1w[0:64], NSEG)
    c1, ta1 = _node_c_stage(c, ec1w, ec1b, ec2w, ec2b, cg1w[0:64])

    ga1, gb1 = _sc_gather_pair(ta1, tb1, c_idx, v_idx, iota)
    g1 = _edge_stage(ga1, gb1, e_even, e_odd, cg1w[128:129], pair(cg1b),
                     jnp.kron(eye2, cg2w), pair(cg2b))
    part1 = _sc_scatter(g1, c_idx, zeros, iota)
    c2, tb2 = _cf_stage(c1, part1[0], part1[1], cf1w[0:64], cf1w[64:128],
                        cf1b, cf2w, cf2b, vg1w[64:128])

    ga2, gb2 = _sc_gather_pair(ta2, tb2, v_idx, c_idx, iota)
    g2 = _edge_stage(ga2, gb2, e_even, e_odd, vg1w[128:129], pair(vg1b),
                     jnp.kron(eye2, vg2w), pair(vg2b))
    part2 = _sc_scatter(g2, v_idx, zeros, iota)

    return _vf_stage(v1, part2[0], part2[1], vf1w[0:64], vf1w[64:128],
                     vf1b, vf2w, vf2b, t1w, t1b, t2w, t2b)

# --- scband reference (transcript-rebuilt; emitter-appended) ---
"""Pipeline reference for scband-model-51702816309366 (READ-ONLY COPY).

The authoritative reference and input builder live on the scoring server;
editing this copy changes nothing except your own understanding.
"""

import jax, jax.numpy as jnp
import numpy as np

NV = 50000
NC = 25000
E = 800000
VD = 128
CD = 128
K = 8

_PARAM_SHAPES = [("ev1", VD, 64), ("ev2", 64, 64), ("ec1", CD, 64), ("ec2", 64, 64), ("cg1", 129, 64), ("cg2", 64, 64), ("cf1", 128, 64), ("cf2", 64, 64), ("vg1", 129, 64), ("vg2", 64, 64), ("vf1", 128, 64), ("vf2", 64, 64), ("t1", 64, 64), ("t2", 64, K)]


def _lin_init(k, fan_in, fan_out):
    bound = 1.0 / np.sqrt(fan_in)
    kw, kb = jax.random.split(k)
    W = jax.random.uniform(kw, (fan_in, fan_out), minval=-bound, maxval=bound, dtype=jnp.float32)
    b = jax.random.uniform(kb, (fan_out,), minval=-bound, maxval=bound, dtype=jnp.float32)
    return W, b


def setup_inputs(seed: int = 0):
    key = jax.random.key(seed)
    ks = jax.random.split(key, 4 + len(_PARAM_SHAPES))
    inp = {}
    inp["v"] = jax.random.normal(ks[0], (NV, VD), dtype=jnp.float32)
    inp["c"] = jax.random.normal(ks[1], (NC, CD), dtype=jnp.float32)
    # row 0: constraint index (< NC), row 1: variable index (< NV); NC <= NV so one range is safe
    inp["e_indices"] = jax.random.randint(ks[2], (2, E), 0, NC)
    inp["e_values"] = jax.random.normal(ks[3], (E, 1), dtype=jnp.float32)
    params = {}
    for i, (name, fi, fo) in enumerate(_PARAM_SHAPES):
        params[name] = _lin_init(ks[4 + i], fi, fo)
    inp["params"] = params
    return inp


def _mlp2(x, p1, p2, relu_out=True):
    # dense_stack(a, b, c): Linear+ReLU, Linear(+ReLU if output_relu)
    W1, b1 = p1
    W2, b2 = p2
    h = jax.nn.relu(x @ W1 + b1)
    h = h @ W2 + b2
    return jax.nn.relu(h) if relu_out else h


def _half_conv(u, v, idx_v, idx_u, e_vals, pg1, pg2, pf1, pf2):
    # HalfConv: gather both endpoints + edge feats, MLP g per edge,
    # sparse-sum over V dim (scatter-add onto U side), then MLP f.
    g_in = jnp.concatenate([u[idx_u], v[idx_v], e_vals], axis=-1)
    g_out = _mlp2(g_in, pg1, pg2)
    agg = jax.ops.segment_sum(g_out, idx_u, num_segments=u.shape[0])
    return _mlp2(jnp.concatenate([u, agg], axis=-1), pf1, pf2)


def reference(v, c, e_indices, e_values, params):
    p = params
    v1 = _mlp2(v, p["ev1"], p["ev2"])
    c1 = _mlp2(c, p["ec1"], p["ec2"])
    c_idx = e_indices[0]
    v_idx = e_indices[1]
    # c-side conv receives e.transpose(0,1): indices become (v_idx, c_idx), u = c1, v = v1
    c2 = _half_conv(c1, v1, v_idx, c_idx, e_values, p["cg1"], p["cg2"], p["cf1"], p["cf2"])
    # v-side conv receives e: indices (c_idx, v_idx), u = v1, v = c2
    v2 = _half_conv(v1, c2, c_idx, v_idx, e_values, p["vg1"], p["vg2"], p["vf1"], p["vf2"])
    out = _mlp2(v2, p["t1"], p["t2"], relu_out=False)
    return jax.nn.sigmoid(out)

if __name__ == "__main__":
    import jax
    _d = setup_inputs()
    print(jax.jit(kernel)(*tuple(_d.values())))

</pallas_src>

<mosaic_0001>
#map = affine_map<(d0, d1) -> (0, 0)>
#map1 = affine_map<(d0, d1) -> (0)>
module attributes {stable_mosaic.version = 14 : i64} {
  func.func @k(%arg0: i32, %arg1: i32, %arg2: memref<25000x64xf32, #tpu.memory_space<hbm>>, %arg3: memref<25000x64xf32, #tpu.memory_space<hbm>>, %arg4: memref<800000xi32, #tpu.memory_space<hbm>>, %arg5: memref<800000xi32, #tpu.memory_space<hbm>>, %arg6: memref<25000xi32, #tpu.memory_space<hbm>>, %arg7: memref<800000x64xf32, #tpu.memory_space<hbm>>, %arg8: memref<800000x64xf32, #tpu.memory_space<hbm>>, %arg9: memref<25000x64xf32, #tpu.memory_space<vmem_shared>>, %arg10: memref<5000xi32, #tpu.memory_space<vmem>>, %arg11: memref<128xi32, #tpu.memory_space<vmem>>, %arg12: memref<128x64xf32, #tpu.memory_space<vmem>>, %arg13: memref<128x64xf32, #tpu.memory_space<vmem>>, %arg14: memref<2x!tpu.dma_semaphore, #tpu.memory_space<semaphore_mem>>, %arg15: memref<2x!tpu.dma_semaphore, #tpu.memory_space<semaphore_mem>>, %arg16: memref<!tpu.dma_semaphore, #tpu.memory_space<semaphore_mem>>) attributes {dimension_semantics = [#tpu.dimension_semantics<core_parallel>, #tpu.dimension_semantics<subcore_parallel>], iteration_bounds = array<i64: 2, 16>, scalar_prefetch = 0 : i64, scratch_operands = 8 : i64, tpu.core_type = #tpu.core_type<sc_vector_subcore>, window_params = [{transform_indices = #map}, {transform_indices = #map}, {transform_indices = #map1}, {transform_indices = #map1}, {transform_indices = #map1}, {transform_indices = #map}, {transform_indices = #map}]} {
    %mul3A = arith.constant 50000 : i32
    %mul3A_0 = arith.muli %arg1, %mul3A : i32
    %eq3A = arith.constant 0 : i32
    %eq3A_1 = arith.cmpi eq, %arg0, %eq3A : i32
    %convert_element_type3A = arith.extui %eq3A_1 : i1 to i32
    %cond3A = arith.constant 0 : i32
    %cond3A_2 = arith.cmpi ne, %convert_element_type3A, %cond3A : i32
    scf.if %cond3A_2 {
      %scan3A = arith.constant 0 : i32
      %scan3A_8 = arith.constant 0 : i32
      %scan3A_9 = arith.constant 13 : i32
      %scan3A_10 = arith.addi %scan3A_8, %scan3A_9 : i32
      %scan3A_11 = arith.constant 1 : i32
      scf.for %scan3A_19 = %scan3A_8 to %scan3A_10 step %scan3A_11  : i32 {
        %mul3A_20 = arith.constant 16 : i32
        %mul3A_21 = arith.muli %scan3A_19, %mul3A_20 : i32
        %add3A = arith.addi %arg1, %mul3A_21 : i32
        %le3A = arith.constant 195 : i32
        %le3A_22 = arith.cmpi sle, %add3A, %le3A : i32
        %convert_element_type3A_23 = arith.extui %le3A_22 : i1 to i32
        %cond3A_24 = arith.constant 0 : i32
        %cond3A_25 = arith.cmpi ne, %convert_element_type3A_23, %cond3A_24 : i32
        scf.if %cond3A_25 {
          %lt3A = arith.constant 195 : i32
          %lt3A_26 = arith.cmpi slt, %add3A, %lt3A : i32
          %mul3A_27 = arith.constant 128 : i32
          %mul3A_28 = arith.muli %add3A, %mul3A_27 : i32
          %jit3A = arith.constant 24872 : i32
          %select_n3A = arith.select %lt3A_26, %mul3A_28, %jit3A : i32
          "tpu.region"() ({
            %run_scoped3A = tpu.sem_alloc : memref<!tpu.dma_semaphore, #tpu.memory_space<semaphore_mem>>
            %dma_start3A = arith.constant 0 : i32
            %dma_start3A_29 = tpu.memref_slice %arg2[%select_n3A, %dma_start3A] : memref<25000x64xf32, #tpu.memory_space<hbm>> -> memref<128x64xf32, #tpu.memory_space<hbm>>
            %dma_start3A_30 = arith.constant 0 : i32
            %dma_start3A_31 = tpu.memref_slice %arg2[%select_n3A, %dma_start3A_30] : memref<25000x64xf32, #tpu.memory_space<hbm>> -> memref<128x64xf32, #tpu.memory_space<hbm>>
            tpu.enqueue_dma source(%dma_start3A_31 : memref<128x64xf32, #tpu.memory_space<hbm>>) target(%arg12 : memref<128x64xf32, #tpu.memory_space<vmem>>) target_semaphore(%run_scoped3A : memref<!tpu.dma_semaphore, #tpu.memory_space<semaphore_mem>>)
            %dma_wait3A = arith.constant 0 : i32
            %dma_wait3A_32 = tpu.memref_slice %arg2[%select_n3A, %dma_wait3A] : memref<25000x64xf32, #tpu.memory_space<hbm>> -> memref<128x64xf32, #tpu.memory_space<hbm>>
            %dma_wait3A_33 = arith.constant 0 : i32
            %dma_wait3A_34 = tpu.memref_slice %arg2[%select_n3A, %dma_wait3A_33] : memref<25000x64xf32, #tpu.memory_space<hbm>> -> memref<128x64xf32, #tpu.memory_space<hbm>>
            tpu.wait_dma2 semaphore(%run_scoped3A : memref<!tpu.dma_semaphore, #tpu.memory_space<semaphore_mem>>) src(%dma_wait3A_34 : memref<128x64xf32, #tpu.memory_space<hbm>>) dst(%arg12 : memref<128x64xf32, #tpu.memory_space<vmem>>)
            tpu.yield
          }) : () -> ()
          "tpu.region"() ({
            %run_scoped3A = tpu.sem_alloc : memref<!tpu.dma_semaphore, #tpu.memory_space<semaphore_mem>>
            %dma_start3A = tpu.memref_slice %arg6[%select_n3A] : memref<25000xi32, #tpu.memory_space<hbm>> -> memref<128xi32, #tpu.memory_space<hbm>>
            %dma_start3A_29 = tpu.memref_slice %arg6[%select_n3A] : memref<25000xi32, #tpu.memory_space<hbm>> -> memref<128xi32, #tpu.memory_space<hbm>>
            tpu.enqueue_dma source(%dma_start3A_29 : memref<128xi32, #tpu.memory_space<hbm>>) target(%arg11 : memref<128xi32, #tpu.memory_space<vmem>>) target_semaphore(%run_scoped3A : memref<!tpu.dma_semaphore, #tpu.memory_space<semaphore_mem>>)
            %dma_wait3A = tpu.memref_slice %arg6[%select_n3A] : memref<25000xi32, #tpu.memory_space<hbm>> -> memref<128xi32, #tpu.memory_space<hbm>>
            %dma_wait3A_30 = tpu.memref_slice %arg6[%select_n3A] : memref<25000xi32, #tpu.memory_space<hbm>> -> memref<128xi32, #tpu.memory_space<hbm>>
            tpu.wait_dma2 semaphore(%run_scoped3A : memref<!tpu.dma_semaphore, #tpu.memory_space<semaphore_mem>>) src(%dma_wait3A_30 : memref<128xi32, #tpu.memory_space<hbm>>) dst(%arg11 : memref<128xi32, #tpu.memory_space<vmem>>)
            tpu.yield
          }) : () -> ()
          "tpu.region"() ({
            %run_scoped3A = tpu.sem_alloc : memref<!tpu.dma_semaphore, #tpu.memory_space<semaphore_mem>>
            %dma_start3A = arith.constant 0 : i32
            %dma_start3A_29 = arith.constant 0 : i32
            %dma_start3A_30 = tpu.memref_slice %arg9[%dma_start3A, %dma_start3A_29] : memref<25000x64xf32, #tpu.memory_space<vmem_shared>> -> memref<25000x64xf32, #tpu.memory_space<vmem_shared>>
            tpu.enqueue_indirect_dma source(%arg12 : memref<128x64xf32, #tpu.memory_space<vmem>>) target(%dma_start3A_30 : memref<25000x64xf32, #tpu.memory_space<vmem_shared>>) offsets(%arg11 : memref<128xi32, #tpu.memory_space<vmem>>) semaphore(%run_scoped3A : memref<!tpu.dma_semaphore, #tpu.memory_space<semaphore_mem>>)
            %dma_wait3A = arith.constant 0 : i32
            %dma_wait3A_31 = arith.constant 0 : i32
            %dma_wait3A_32 = tpu.memref_slice %arg9[%dma_wait3A, %dma_wait3A_31] : memref<25000x64xf32, #tpu.memory_space<vmem_shared>> -> memref<25000x64xf32, #tpu.memory_space<vmem_shared>>
            tpu.wait_indirect_dma semaphore(%run_scoped3A : memref<!tpu.dma_semaphore, #tpu.memory_space<semaphore_mem>>) src(%arg12 : memref<128x64xf32, #tpu.memory_space<vmem>>) dst(%dma_wait3A_32 : memref<25000x64xf32, #tpu.memory_space<vmem_shared>>)
            tpu.yield
          }) : () -> ()
        } else {
        }
      }
      %scan3A_12 = arith.constant 13 : i32
      %barrier3A = arith.constant 0 : index
      tpu.barrier barrier_id(%barrier3A)
      %scan3A_13 = arith.constant 0 : i32
      %scan3A_14 = arith.constant 0 : i32
      %scan3A_15 = arith.constant 10 : i32
      %scan3A_16 = arith.addi %scan3A_14, %scan3A_15 : i32
      %scan3A_17 = arith.constant 1 : i32
      scf.for %scan3A_19 = %scan3A_14 to %scan3A_16 step %scan3A_17  : i32 {
        %mul3A_20 = arith.constant 5000 : i32
        %mul3A_21 = arith.muli %scan3A_19, %mul3A_20 : i32
        %add3A = arith.addi %mul3A_0, %mul3A_21 : i32
        "tpu.region"() ({
          %run_scoped3A = tpu.sem_alloc : memref<!tpu.dma_semaphore, #tpu.memory_space<semaphore_mem>>
          %dma_start3A_116 = tpu.memref_slice %arg4[%add3A] : memref<800000xi32, #tpu.memory_space<hbm>> -> memref<5000xi32, #tpu.memory_space<hbm>>
          %dma_start3A_117 = tpu.memref_slice %arg4[%add3A] : memref<800000xi32, #tpu.memory_space<hbm>> -> memref<5000xi32, #tpu.memory_space<hbm>>
          tpu.enqueue_dma source(%dma_start3A_117 : memref<5000xi32, #tpu.memory_space<hbm>>) target(%arg10 : memref<5000xi32, #tpu.memory_space<vmem>>) target_semaphore(%run_scoped3A : memref<!tpu.dma_semaphore, #tpu.memory_space<semaphore_mem>>)
          %dma_wait3A_118 = tpu.memref_slice %arg4[%add3A] : memref<800000xi32, #tpu.memory_space<hbm>> -> memref<5000xi32, #tpu.memory_space<hbm>>
          %dma_wait3A_119 = tpu.memref_slice %arg4[%add3A] : memref<800000xi32, #tpu.memory_space<hbm>> -> memref<5000xi32, #tpu.memory_space<hbm>>
          tpu.wait_dma2 semaphore(%run_scoped3A : memref<!tpu.dma_semaphore, #tpu.memory_space<semaphore_mem>>) src(%dma_wait3A_119 : memref<5000xi32, #tpu.memory_space<hbm>>) dst(%arg10 : memref<5000xi32, #tpu.memory_space<vmem>>)
          tpu.yield
        }) : () -> ()
        %dma_start3A = arith.constant 0 : i32
        %dma_start3A_22 = arith.constant 0 : i32
        %dma_start3A_23 = tpu.memref_slice %arg10[%dma_start3A_22] : memref<5000xi32, #tpu.memory_space<vmem>> -> memref<128xi32, #tpu.memory_space<vmem>>
        %dma_start3A_24 = arith.constant 0 : i32
        %dma_start3A_25 = arith.constant 0 : i32
        %dma_start3A_26 = tpu.memref_slice %arg9[%dma_start3A_24, %dma_start3A_25] : memref<25000x64xf32, #tpu.memory_space<vmem_shared>> -> memref<25000x64xf32, #tpu.memory_space<vmem_shared>>
        %dma_start3A_27 = tpu.memref_slice %arg14[%dma_start3A] : memref<2x!tpu.dma_semaphore, #tpu.memory_space<semaphore_mem>> -> memref<1x!tpu.dma_semaphore, #tpu.memory_space<semaphore_mem>>
        %dma_start3A_28 = tpu.memref_squeeze %dma_start3A_27 : memref<1x!tpu.dma_semaphore, #tpu.memory_space<semaphore_mem>> -> memref<!tpu.dma_semaphore, #tpu.memory_space<semaphore_mem>>
        tpu.enqueue_indirect_dma source(%dma_start3A_26 : memref<25000x64xf32, #tpu.memory_space<vmem_shared>>) target(%arg12 : memref<128x64xf32, #tpu.memory_space<vmem>>) offsets(%dma_start3A_23 : memref<128xi32, #tpu.memory_space<vmem>>) semaphore(%dma_start3A_28 : memref<!tpu.dma_semaphore, #tpu.memory_space<semaphore_mem>>)
        %dma_start3A_29 = arith.constant 1 : i32
        %dma_start3A_30 = arith.constant 128 : i32
        %dma_start3A_31 = tpu.memref_slice %arg10[%dma_start3A_30] : memref<5000xi32, #tpu.memory_space<vmem>> -> memref<128xi32, #tpu.memory_space<vmem>>
        %dma_start3A_32 = arith.constant 0 : i32
        %dma_start3A_33 = arith.constant 0 : i32
        %dma_start3A_34 = tpu.memref_slice %arg9[%dma_start3A_32, %dma_start3A_33] : memref<25000x64xf32, #tpu.memory_space<vmem_shared>> -> memref<25000x64xf32, #tpu.memory_space<vmem_shared>>
        %dma_start3A_35 = tpu.memref_slice %arg14[%dma_start3A_29] : memref<2x!tpu.dma_semaphore, #tpu.memory_space<semaphore_mem>> -> memref<1x!tpu.dma_semaphore, #tpu.memory_space<semaphore_mem>>
        %dma_start3A_36 = tpu.memref_squeeze %dma_start3A_35 : memref<1x!tpu.dma_semaphore, #tpu.memory_space<semaphore_mem>> -> memref<!tpu.dma_semaphore, #tpu.memory_space<semaphore_mem>>
        tpu.enqueue_indirect_dma source(%dma_start3A_34 : memref<25000x64xf32, #tpu.memory_space<vmem_shared>>) target(%arg13 : memref<128x64xf32, #tpu.memory_space<vmem>>) offsets(%dma_start3A_31 : memref<128xi32, #tpu.memory_space<vmem>>) semaphore(%dma_start3A_36 : memref<!tpu.dma_semaphore, #tpu.memory_space<semaphore_mem>>)
        %scan3A_37 = arith.constant 0 : i32
        %scan3A_38 = arith.constant 0 : i32
        %scan3A_39 = arith.constant 19 : i32
        %scan3A_40 = arith.addi %scan3A_38, %scan3A_39 : i32
        %scan3A_41 = arith.constant 1 : i32
        scf.for %scan3A_116 = %scan3A_38 to %scan3A_40 step %scan3A_41  : i32 {
          %mul3A_117 = arith.constant 2 : i32
          %mul3A_118 = arith.muli %scan3A_116, %mul3A_117 : i32
          %add3A_119 = arith.constant 0 : i32
          %add3A_120 = arith.addi %mul3A_118, %add3A_119 : i32
          %mul3A_121 = arith.constant 128 : i32
          %mul3A_122 = arith.muli %add3A_120, %mul3A_121 : i32
          %dma_wait3A_123 = arith.constant 0 : i32
          %dma_wait3A_124 = tpu.memref_slice %arg10[%mul3A_122] : memref<5000xi32, #tpu.memory_space<vmem>> -> memref<128xi32, #tpu.memory_space<vmem>>
          %dma_wait3A_125 = arith.constant 0 : i32
          %dma_wait3A_126 = arith.constant 0 : i32
          %dma_wait3A_127 = tpu.memref_slice %arg9[%dma_wait3A_125, %dma_wait3A_126] : memref<25000x64xf32, #tpu.memory_space<vmem_shared>> -> memref<25000x64xf32, #tpu.memory_space<vmem_shared>>
          %dma_wait3A_128 = tpu.memref_slice %arg14[%dma_wait3A_123] : memref<2x!tpu.dma_semaphore, #tpu.memory_space<semaphore_mem>> -> memref<1x!tpu.dma_semaphore, #tpu.memory_space<semaphore_mem>>
          %dma_wait3A_129 = tpu.memref_squeeze %dma_wait3A_128 : memref<1x!tpu.dma_semaphore, #tpu.memory_space<semaphore_mem>> -> memref<!tpu.dma_semaphore, #tpu.memory_space<semaphore_mem>>
          tpu.wait_indirect_dma semaphore(%dma_wait3A_129 : memref<!tpu.dma_semaphore, #tpu.memory_space<semaphore_mem>>) src(%dma_wait3A_127 : memref<25000x64xf32, #tpu.memory_space<vmem_shared>>) dst(%arg12 : memref<128x64xf32, #tpu.memory_space<vmem>>)
          %mul3A_130 = arith.constant 128 : i32
          %mul3A_131 = arith.muli %add3A_120, %mul3A_130 : i32
          %add3A_132 = arith.addi %add3A, %mul3A_131 : i32
          %dma_start3A_133 = arith.constant 0 : i32
          %dma_start3A_134 = arith.constant 0 : i32
          %dma_start3A_135 = tpu.memref_slice %arg7[%add3A_132, %dma_start3A_134] : memref<800000x64xf32, #tpu.memory_space<hbm>> -> memref<128x64xf32, #tpu.memory_space<hbm>>
          %dma_start3A_136 = tpu.memref_slice %arg15[%dma_start3A_133] : memref<2x!tpu.dma_semaphore, #tpu.memory_space<semaphore_mem>> -> memref<1x!tpu.dma_semaphore, #tpu.memory_space<semaphore_mem>>
          %dma_start3A_137 = tpu.memref_squeeze %dma_start3A_136 : memref<1x!tpu.dma_semaphore, #tpu.memory_space<semaphore_mem>> -> memref<!tpu.dma_semaphore, #tpu.memory_space<semaphore_mem>>
          %dma_start3A_138 = arith.constant 0 : i32
          %dma_start3A_139 = tpu.memref_slice %arg7[%add3A_132, %dma_start3A_138] : memref<800000x64xf32, #tpu.memory_space<hbm>> -> memref<128x64xf32, #tpu.memory_space<hbm>>
          tpu.enqueue_dma source(%arg12 : memref<128x64xf32, #tpu.memory_space<vmem>>) target(%dma_start3A_139 : memref<128x64xf32, #tpu.memory_space<hbm>>) target_semaphore(%dma_start3A_137 : memref<!tpu.dma_semaphore, #tpu.memory_space<semaphore_mem>>)
          %dma_wait3A_140 = arith.constant 0 : i32
          %dma_wait3A_141 = arith.constant 0 : i32
          %dma_wait3A_142 = tpu.memref_slice %arg7[%add3A_132, %dma_wait3A_141] : memref<800000x64xf32, #tpu.memory_space<hbm>> -> memref<128x64xf32, #tpu.memory_space<hbm>>
          %dma_wait3A_143 = tpu.memref_slice %arg15[%dma_wait3A_140] : memref<2x!tpu.dma_semaphore, #tpu.memory_space<semaphore_mem>> -> memref<1x!tpu.dma_semaphore, #tpu.memory_space<semaphore_mem>>
          %dma_wait3A_144 = tpu.memref_squeeze %dma_wait3A_143 : memref<1x!tpu.dma_semaphore, #tpu.memory_space<semaphore_mem>> -> memref<!tpu.dma_semaphore, #tpu.memory_space<semaphore_mem>>
          %dma_wait3A_145 = arith.constant 0 : i32
          %dma_wait3A_146 = tpu.memref_slice %arg7[%add3A_132, %dma_wait3A_145] : memref<800000x64xf32, #tpu.memory_space<hbm>> -> memref<128x64xf32, #tpu.memory_space<hbm>>
          tpu.wait_dma2 semaphore(%dma_wait3A_144 : memref<!tpu.dma_semaphore, #tpu.memory_space<semaphore_mem>>) src(%arg12 : memref<128x64xf32, #tpu.memory_space<vmem>>) dst(%dma_wait3A_146 : memref<128x64xf32, #tpu.memory_space<hbm>>)
          %add3A_147 = arith.constant 2 : i32
          %add3A_148 = arith.addi %add3A_120, %add3A_147 : i32
          %lt3A = arith.constant 39 : i32
          %lt3A_149 = arith.cmpi slt, %add3A_148, %lt3A : i32
          %convert_element_type3A_150 = arith.extui %lt3A_149 : i1 to i32
          %cond3A_151 = arith.constant 0 : i32
          %cond3A_152 = arith.cmpi ne, %convert_element_type3A_150, %cond3A_151 : i32
          scf.if %cond3A_152 {
            %add3A_190 = arith.constant 2 : i32
            %add3A_191 = arith.addi %add3A_120, %add3A_190 : i32
            %mul3A_192 = arith.constant 128 : i32
            %mul3A_193 = arith.muli %add3A_191, %mul3A_192 : i32
            %dma_start3A_194 = arith.constant 0 : i32
            %dma_start3A_195 = tpu.memref_slice %arg10[%mul3A_193] : memref<5000xi32, #tpu.memory_space<vmem>> -> memref<128xi32, #tpu.memory_space<vmem>>
            %dma_start3A_196 = arith.constant 0 : i32
            %dma_start3A_197 = arith.constant 0 : i32
            %dma_start3A_198 = tpu.memref_slice %arg9[%dma_start3A_196, %dma_start3A_197] : memref<25000x64xf32, #tpu.memory_space<vmem_shared>> -> memref<25000x64xf32, #tpu.memory_space<vmem_shared>>
            %dma_start3A_199 = tpu.memref_slice %arg14[%dma_start3A_194] : memref<2x!tpu.dma_semaphore, #tpu.memory_space<semaphore_mem>> -> memref<1x!tpu.dma_semaphore, #tpu.memory_space<semaphore_mem>>
            %dma_start3A_200 = tpu.memref_squeeze %dma_start3A_199 : memref<1x!tpu.dma_semaphore, #tpu.memory_space<semaphore_mem>> -> memref<!tpu.dma_semaphore, #tpu.memory_space<semaphore_mem>>
            tpu.enqueue_indirect_dma source(%dma_start3A_198 : memref<25000x64xf32, #tpu.memory_space<vmem_shared>>) target(%arg12 : memref<128x64xf32, #tpu.memory_space<vmem>>) offsets(%dma_start3A_195 : memref<128xi32, #tpu.memory_space<vmem>>) semaphore(%dma_start3A_200 : memref<!tpu.dma_semaphore, #tpu.memory_space<semaphore_mem>>)
          } else {
          }
          %mul3A_153 = arith.constant 2 : i32
          %mul3A_154 = arith.muli %scan3A_116, %mul3A_153 : i32
          %add3A_155 = arith.constant 1 : i32
          %add3A_156 = arith.addi %mul3A_154, %add3A_155 : i32
          %mul3A_157 = arith.constant 128 : i32
          %mul3A_158 = arith.muli %add3A_156, %mul3A_157 : i32
          %dma_wait3A_159 = arith.constant 1 : i32
          %dma_wait3A_160 = tpu.memref_slice %arg10[%mul3A_158] : memref<5000xi32, #tpu.memory_space<vmem>> -> memref<128xi32, #tpu.memory_space<vmem>>
          %dma_wait3A_161 = arith.constant 0 : i32
          %dma_wait3A_162 = arith.constant 0 : i32
          %dma_wait3A_163 = tpu.memref_slice %arg9[%dma_wait3A_161, %dma_wait3A_162] : memref<25000x64xf32, #tpu.memory_space<vmem_shared>> -> memref<25000x64xf32, #tpu.memory_space<vmem_shared>>
          %dma_wait3A_164 = tpu.memref_slice %arg14[%dma_wait3A_159] : memref<2x!tpu.dma_semaphore, #tpu.memory_space<semaphore_mem>> -> memref<1x!tpu.dma_semaphore, #tpu.memory_space<semaphore_mem>>
          %dma_wait3A_165 = tpu.memref_squeeze %dma_wait3A_164 : memref<1x!tpu.dma_semaphore, #tpu.memory_space<semaphore_mem>> -> memref<!tpu.dma_semaphore, #tpu.memory_space<semaphore_mem>>
          tpu.wait_indirect_dma semaphore(%dma_wait3A_165 : memref<!tpu.dma_semaphore, #tpu.memory_space<semaphore_mem>>) src(%dma_wait3A_163 : memref<25000x64xf32, #tpu.memory_space<vmem_shared>>) dst(%arg13 : memref<128x64xf32, #tpu.memory_space<vmem>>)
          %mul3A_166 = arith.constant 128 : i32
          %mul3A_167 = arith.muli %add3A_156, %mul3A_166 : i32
          %add3A_168 = arith.addi %add3A, %mul3A_167 : i32
          %dma_start3A_169 = arith.constant 1 : i32
          %dma_start3A_170 = arith.constant 0 : i32
          %dma_start3A_171 = tpu.memref_slice %arg7[%add3A_168, %dma_start3A_170] : memref<800000x64xf32, #tpu.memory_space<hbm>> -> memref<128x64xf32, #tpu.memory_space<hbm>>
          %dma_start3A_172 = tpu.memref_slice %arg15[%dma_start3A_169] : memref<2x!tpu.dma_semaphore, #tpu.memory_space<semaphore_mem>> -> memref<1x!tpu.dma_semaphore, #tpu.memory_space<semaphore_mem>>
          %dma_start3A_173 = tpu.memref_squeeze %dma_start3A_172 : memref<1x!tpu.dma_semaphore, #tpu.memory_space<semaphore_mem>> -> memref<!tpu.dma_semaphore, #tpu.memory_space<semaphore_mem>>
          %dma_start3A_174 = arith.constant 0 : i32
          %dma_start3A_175 = tpu.memref_slice %arg7[%add3A_168, %dma_start3A_174] : memref<800000x64xf32, #tpu.memory_space<hbm>> -> memref<128x64xf32, #tpu.memory_space<hbm>>
          tpu.enqueue_dma source(%arg13 : memref<128x64xf32, #tpu.memory_space<vmem>>) target(%dma_start3A_175 : memref<128x64xf32, #tpu.memory_space<hbm>>) target_semaphore(%dma_start3A_173 : memref<!tpu.dma_semaphore, #tpu.memory_space<semaphore_mem>>)
          %dma_wait3A_176 = arith.constant 1 : i32
          %dma_wait3A_177 = arith.constant 0 : i32
          %dma_wait3A_178 = tpu.memref_slice %arg7[%add3A_168, %dma_wait3A_177] : memref<800000x64xf32, #tpu.memory_space<hbm>> -> memref<128x64xf32, #tpu.memory_space<hbm>>
          %dma_wait3A_179 = tpu.memref_slice %arg15[%dma_wait3A_176] : memref<2x!tpu.dma_semaphore, #tpu.memory_space<semaphore_mem>> -> memref<1x!tpu.dma_semaphore, #tpu.memory_space<semaphore_mem>>
          %dma_wait3A_180 = tpu.memref_squeeze %dma_wait3A_179 : memref<1x!tpu.dma_semaphore, #tpu.memory_space<semaphore_mem>> -> memref<!tpu.dma_semaphore, #tpu.memory_space<semaphore_mem>>
          %dma_wait3A_181 = arith.constant 0 : i32
          %dma_wait3A_182 = tpu.memref_slice %arg7[%add3A_168, %dma_wait3A_181] : memref<800000x64xf32, #tpu.memory_space<hbm>> -> memref<128x64xf32, #tpu.memory_space<hbm>>
          tpu.wait_dma2 semaphore(%dma_wait3A_180 : memref<!tpu.dma_semaphore, #tpu.memory_space<semaphore_mem>>) src(%arg13 : memref<128x64xf32, #tpu.memory_space<vmem>>) dst(%dma_wait3A_182 : memref<128x64xf32, #tpu.memory_space<hbm>>)
          %add3A_183 = arith.constant 2 : i32
          %add3A_184 = arith.addi %add3A_156, %add3A_183 : i32
          %lt3A_185 = arith.constant 39 : i32
          %lt3A_186 = arith.cmpi slt, %add3A_184, %lt3A_185 : i32
          %convert_element_type3A_187 = arith.extui %lt3A_186 : i1 to i32
          %cond3A_188 = arith.constant 0 : i32
          %cond3A_189 = arith.cmpi ne, %convert_element_type3A_187, %cond3A_188 : i32
          scf.if %cond3A_189 {
            %add3A_190 = arith.constant 2 : i32
            %add3A_191 = arith.addi %add3A_156, %add3A_190 : i32
            %mul3A_192 = arith.constant 128 : i32
            %mul3A_193 = arith.muli %add3A_191, %mul3A_192 : i32
            %dma_start3A_194 = arith.constant 1 : i32
            %dma_start3A_195 = tpu.memref_slice %arg10[%mul3A_193] : memref<5000xi32, #tpu.memory_space<vmem>> -> memref<128xi32, #tpu.memory_space<vmem>>
            %dma_start3A_196 = arith.constant 0 : i32
            %dma_start3A_197 = arith.constant 0 : i32
            %dma_start3A_198 = tpu.memref_slice %arg9[%dma_start3A_196, %dma_start3A_197] : memref<25000x64xf32, #tpu.memory_space<vmem_shared>> -> memref<25000x64xf32, #tpu.memory_space<vmem_shared>>
            %dma_start3A_199 = tpu.memref_slice %arg14[%dma_start3A_194] : memref<2x!tpu.dma_semaphore, #tpu.memory_space<semaphore_mem>> -> memref<1x!tpu.dma_semaphore, #tpu.memory_space<semaphore_mem>>
            %dma_start3A_200 = tpu.memref_squeeze %dma_start3A_199 : memref<1x!tpu.dma_semaphore, #tpu.memory_space<semaphore_mem>> -> memref<!tpu.dma_semaphore, #tpu.memory_space<semaphore_mem>>
            tpu.enqueue_indirect_dma source(%dma_start3A_198 : memref<25000x64xf32, #tpu.memory_space<vmem_shared>>) target(%arg13 : memref<128x64xf32, #tpu.memory_space<vmem>>) offsets(%dma_start3A_195 : memref<128xi32, #tpu.memory_space<vmem>>) semaphore(%dma_start3A_200 : memref<!tpu.dma_semaphore, #tpu.memory_space<semaphore_mem>>)
          } else {
          }
        }
        %scan3A_42 = arith.constant 19 : i32
        %dma_wait3A = arith.constant 0 : i32
        %dma_wait3A_43 = arith.constant 4864 : i32
        %dma_wait3A_44 = tpu.memref_slice %arg10[%dma_wait3A_43] : memref<5000xi32, #tpu.memory_space<vmem>> -> memref<128xi32, #tpu.memory_space<vmem>>
        %dma_wait3A_45 = arith.constant 0 : i32
        %dma_wait3A_46 = arith.constant 0 : i32
        %dma_wait3A_47 = tpu.memref_slice %arg9[%dma_wait3A_45, %dma_wait3A_46] : memref<25000x64xf32, #tpu.memory_space<vmem_shared>> -> memref<25000x64xf32, #tpu.memory_space<vmem_shared>>
        %dma_wait3A_48 = tpu.memref_slice %arg14[%dma_wait3A] : memref<2x!tpu.dma_semaphore, #tpu.memory_space<semaphore_mem>> -> memref<1x!tpu.dma_semaphore, #tpu.memory_space<semaphore_mem>>
        %dma_wait3A_49 = tpu.memref_squeeze %dma_wait3A_48 : memref<1x!tpu.dma_semaphore, #tpu.memory_space<semaphore_mem>> -> memref<!tpu.dma_semaphore, #tpu.memory_space<semaphore_mem>>
        tpu.wait_indirect_dma semaphore(%dma_wait3A_49 : memref<!tpu.dma_semaphore, #tpu.memory_space<semaphore_mem>>) src(%dma_wait3A_47 : memref<25000x64xf32, #tpu.memory_space<vmem_shared>>) dst(%arg12 : memref<128x64xf32, #tpu.memory_space<vmem>>)
        %add3A_50 = arith.constant 4864 : i32
        %add3A_51 = arith.addi %add3A, %add3A_50 : i32
        %dma_start3A_52 = arith.constant 0 : i32
        %dma_start3A_53 = arith.constant 0 : i32
        %dma_start3A_54 = tpu.memref_slice %arg7[%add3A_51, %dma_start3A_53] : memref<800000x64xf32, #tpu.memory_space<hbm>> -> memref<128x64xf32, #tpu.memory_space<hbm>>
        %dma_start3A_55 = tpu.memref_slice %arg15[%dma_start3A_52] : memref<2x!tpu.dma_semaphore, #tpu.memory_space<semaphore_mem>> -> memref<1x!tpu.dma_semaphore, #tpu.memory_space<semaphore_mem>>
        %dma_start3A_56 = tpu.memref_squeeze %dma_start3A_55 : memref<1x!tpu.dma_semaphore, #tpu.memory_space<semaphore_mem>> -> memref<!tpu.dma_semaphore, #tpu.memory_space<semaphore_mem>>
        %dma_start3A_57 = arith.constant 0 : i32
        %dma_start3A_58 = tpu.memref_slice %arg7[%add3A_51, %dma_start3A_57] : memref<800000x64xf32, #tpu.memory_space<hbm>> -> memref<128x64xf32, #tpu.memory_space<hbm>>
        tpu.enqueue_dma source(%arg12 : memref<128x64xf32, #tpu.memory_space<vmem>>) target(%dma_start3A_58 : memref<128x64xf32, #tpu.memory_space<hbm>>) target_semaphore(%dma_start3A_56 : memref<!tpu.dma_semaphore, #tpu.memory_space<semaphore_mem>>)
        %dma_wait3A_59 = arith.constant 0 : i32
        %dma_wait3A_60 = arith.constant 0 : i32
        %dma_wait3A_61 = tpu.memref_slice %arg7[%add3A_51, %dma_wait3A_60] : memref<800000x64xf32, #tpu.memory_space<hbm>> -> memref<128x64xf32, #tpu.memory_space<hbm>>
        %dma_wait3A_62 = tpu.memref_slice %arg15[%dma_wait3A_59] : memref<2x!tpu.dma_semaphore, #tpu.memory_space<semaphore_mem>> -> memref<1x!tpu.dma_semaphore, #tpu.memory_space<semaphore_mem>>
        %dma_wait3A_63 = tpu.memref_squeeze %dma_wait3A_62 : memref<1x!tpu.dma_semaphore, #tpu.memory_space<semaphore_mem>> -> memref<!tpu.dma_semaphore, #tpu.memory_space<semaphore_mem>>
        %dma_wait3A_64 = arith.constant 0 : i32
        %dma_wait3A_65 = tpu.memref_slice %arg7[%add3A_51, %dma_wait3A_64] : memref<800000x64xf32, #tpu.memory_space<hbm>> -> memref<128x64xf32, #tpu.memory_space<hbm>>
        tpu.wait_dma2 semaphore(%dma_wait3A_63 : memref<!tpu.dma_semaphore, #tpu.memory_space<semaphore_mem>>) src(%arg12 : memref<128x64xf32, #tpu.memory_space<vmem>>) dst(%dma_wait3A_65 : memref<128x64xf32, #tpu.memory_space<hbm>>)
        %dma_start3A_66 = arith.constant 0 : i32
        %dma_start3A_67 = arith.constant 0 : i32
        %dma_start3A_68 = arith.constant 0 : i32
        %dma_start3A_69 = tpu.memref_slice %arg12[%dma_start3A_67, %dma_start3A_68] : memref<128x64xf32, #tpu.memory_space<vmem>> -> memref<8x64xf32, #tpu.memory_space<vmem>>
        %dma_start3A_70 = arith.constant 4992 : i32
        %dma_start3A_71 = tpu.memref_slice %arg10[%dma_start3A_70] : memref<5000xi32, #tpu.memory_space<vmem>> -> memref<8xi32, #tpu.memory_space<vmem>>
        %dma_start3A_72 = arith.constant 0 : i32
        %dma_start3A_73 = arith.constant 0 : i32
        %dma_start3A_74 = tpu.memref_slice %arg9[%dma_start3A_72, %dma_start3A_73] : memref<25000x64xf32, #tpu.memory_space<vmem_shared>> -> memref<25000x64xf32, #tpu.memory_space<vmem_shared>>
        %dma_start3A_75 = tpu.memref_slice %arg14[%dma_start3A_66] : memref<2x!tpu.dma_semaphore, #tpu.memory_space<semaphore_mem>> -> memref<1x!tpu.dma_semaphore, #tpu.memory_space<semaphore_mem>>
        %dma_start3A_76 = tpu.memref_squeeze %dma_start3A_75 : memref<1x!tpu.dma_semaphore, #tpu.memory_space<semaphore_mem>> -> memref<!tpu.dma_semaphore, #tpu.memory_space<semaphore_mem>>
        tpu.enqueue_indirect_dma source(%dma_start3A_74 : memref<25000x64xf32, #tpu.memory_space<vmem_shared>>) target(%dma_start3A_69 : memref<8x64xf32, #tpu.memory_space<vmem>>) offsets(%dma_start3A_71 : memref<8xi32, #tpu.memory_space<vmem>>) semaphore(%dma_start3A_76 : memref<!tpu.dma_semaphore, #tpu.memory_space<semaphore_mem>>)
        %dma_wait3A_77 = arith.constant 0 : i32
        %dma_wait3A_78 = arith.constant 0 : i32
        %dma_wait3A_79 = arith.constant 0 : i32
        %dma_wait3A_80 = tpu.memref_slice %arg12[%dma_wait3A_78, %dma_wait3A_79] : memref<128x64xf32, #tpu.memory_space<vmem>> -> memref<8x64xf32, #tpu.memory_space<vmem>>
        %dma_wait3A_81 = arith.constant 4992 : i32
        %dma_wait3A_82 = tpu.memref_slice %arg10[%dma_wait3A_81] : memref<5000xi32, #tpu.memory_space<vmem>> -> memref<8xi32, #tpu.memory_space<vmem>>
        %dma_wait3A_83 = arith.constant 0 : i32
        %dma_wait3A_84 = arith.constant 0 : i32
        %dma_wait3A_85 = tpu.memref_slice %arg9[%dma_wait3A_83, %dma_wait3A_84] : memref<25000x64xf32, #tpu.memory_space<vmem_shared>> -> memref<25000x64xf32, #tpu.memory_space<vmem_shared>>
        %dma_wait3A_86 = tpu.memref_slice %arg14[%dma_wait3A_77] : memref<2x!tpu.dma_semaphore, #tpu.memory_space<semaphore_mem>> -> memref<1x!tpu.dma_semaphore, #tpu.memory_space<semaphore_mem>>
        %dma_wait3A_87 = tpu.memref_squeeze %dma_wait3A_86 : memref<1x!tpu.dma_semaphore, #tpu.memory_space<semaphore_mem>> -> memref<!tpu.dma_semaphore, #tpu.memory_space<semaphore_mem>>
        tpu.wait_indirect_dma semaphore(%dma_wait3A_87 : memref<!tpu.dma_semaphore, #tpu.memory_space<semaphore_mem>>) src(%dma_wait3A_85 : memref<25000x64xf32, #tpu.memory_space<vmem_shared>>) dst(%dma_wait3A_80 : memref<8x64xf32, #tpu.memory_space<vmem>>)
        %add3A_88 = arith.constant 4992 : i32
        %add3A_89 = arith.addi %add3A, %add3A_88 : i32
        %dma_start3A_90 = arith.constant 0 : i32
        %dma_start3A_91 = arith.constant 0 : i32
        %dma_start3A_92 = arith.constant 0 : i32
        %dma_start3A_93 = tpu.memref_slice %arg12[%dma_start3A_91, %dma_start3A_92] : memref<128x64xf32, #tpu.memory_space<vmem>> -> memref<8x64xf32, #tpu.memory_space<vmem>>
        %dma_start3A_94 = arith.constant 0 : i32
        %dma_start3A_95 = tpu.memref_slice %arg7[%add3A_89, %dma_start3A_94] : memref<800000x64xf32, #tpu.memory_space<hbm>> -> memref<8x64xf32, #tpu.memory_space<hbm>>
        %dma_start3A_96 = tpu.memref_slice %arg15[%dma_start3A_90] : memref<2x!tpu.dma_semaphore, #tpu.memory_space<semaphore_mem>> -> memref<1x!tpu.dma_semaphore, #tpu.memory_space<semaphore_mem>>
        %dma_start3A_97 = tpu.memref_squeeze %dma_start3A_96 : memref<1x!tpu.dma_semaphore, #tpu.memory_space<semaphore_mem>> -> memref<!tpu.dma_semaphore, #tpu.memory_space<semaphore_mem>>
        %dma_start3A_98 = arith.constant 0 : i32
        %dma_start3A_99 = tpu.memref_slice %arg7[%add3A_89, %dma_start3A_98] : memref<800000x64xf32, #tpu.memory_space<hbm>> -> memref<8x64xf32, #tpu.memory_space<hbm>>
        %dma_start3A_100 = arith.constant 0 : i32
        %dma_start3A_101 = arith.constant 0 : i32
        %dma_start3A_102 = tpu.memref_slice %arg12[%dma_start3A_100, %dma_start3A_101] : memref<128x64xf32, #tpu.memory_space<vmem>> -> memref<8x64xf32, #tpu.memory_space<vmem>>
        tpu.enqueue_dma source(%dma_start3A_102 : memref<8x64xf32, #tpu.memory_space<vmem>>) target(%dma_start3A_99 : memref<8x64xf32, #tpu.memory_space<hbm>>) target_semaphore(%dma_start3A_97 : memref<!tpu.dma_semaphore, #tpu.memory_space<semaphore_mem>>)
        %dma_wait3A_103 = arith.constant 0 : i32
        %dma_wait3A_104 = arith.constant 0 : i32
        %dma_wait3A_105 = arith.constant 0 : i32
        %dma_wait3A_106 = tpu.memref_slice %arg12[%dma_wait3A_104, %dma_wait3A_105] : memref<128x64xf32, #tpu.memory_space<vmem>> -> memref<8x64xf32, #tpu.memory_space<vmem>>
        %dma_wait3A_107 = arith.constant 0 : i32
        %dma_wait3A_108 = tpu.memref_slice %arg7[%add3A_89, %dma_wait3A_107] : memref<800000x64xf32, #tpu.memory_space<hbm>> -> memref<8x64xf32, #tpu.memory_space<hbm>>
        %dma_wait3A_109 = tpu.memref_slice %arg15[%dma_wait3A_103] : memref<2x!tpu.dma_semaphore, #tpu.memory_space<semaphore_mem>> -> memref<1x!tpu.dma_semaphore, #tpu.memory_space<semaphore_mem>>
        %dma_wait3A_110 = tpu.memref_squeeze %dma_wait3A_109 : memref<1x!tpu.dma_semaphore, #tpu.memory_space<semaphore_mem>> -> memref<!tpu.dma_semaphore, #tpu.memory_space<semaphore_mem>>
        %dma_wait3A_111 = arith.constant 0 : i32
        %dma_wait3A_112 = tpu.memref_slice %arg7[%add3A_89, %dma_wait3A_111] : memref<800000x64xf32, #tpu.memory_space<hbm>> -> memref<8x64xf32, #tpu.memory_space<hbm>>
        %dma_wait3A_113 = arith.constant 0 : i32
        %dma_wait3A_114 = arith.constant 0 : i32
        %dma_wait3A_115 = tpu.memref_slice %arg12[%dma_wait3A_113, %dma_wait3A_114] : memref<128x64xf32, #tpu.memory_space<vmem>> -> memref<8x64xf32, #tpu.memory_space<vmem>>
        tpu.wait_dma2 semaphore(%dma_wait3A_110 : memref<!tpu.dma_semaphore, #tpu.memory_space<semaphore_mem>>) src(%dma_wait3A_115 : memref<8x64xf32, #tpu.memory_space<vmem>>) dst(%dma_wait3A_112 : memref<8x64xf32, #tpu.memory_space<hbm>>)
      }
      %scan3A_18 = arith.constant 10 : i32
    } else {
    }
    %eq3A_3 = arith.constant 1 : i32
    %eq3A_4 = arith.cmpi eq, %arg0, %eq3A_3 : i32
    %convert_element_type3A_5 = arith.extui %eq3A_4 : i1 to i32
    %cond3A_6 = arith.constant 0 : i32
    %cond3A_7 = arith.cmpi ne, %convert_element_type3A_5, %cond3A_6 : i32
    scf.if %cond3A_7 {
      %scan3A = arith.constant 0 : i32
      %scan3A_8 = arith.constant 0 : i32
      %scan3A_9 = arith.constant 13 : i32
      %scan3A_10 = arith.addi %scan3A_8, %scan3A_9 : i32
      %scan3A_11 = arith.constant 1 : i32
      scf.for %scan3A_19 = %scan3A_8 to %scan3A_10 step %scan3A_11  : i32 {
        %mul3A_20 = arith.constant 16 : i32
        %mul3A_21 = arith.muli %scan3A_19, %mul3A_20 : i32
        %add3A = arith.addi %arg1, %mul3A_21 : i32
        %le3A = arith.constant 195 : i32
        %le3A_22 = arith.cmpi sle, %add3A, %le3A : i32
        %convert_element_type3A_23 = arith.extui %le3A_22 : i1 to i32
        %cond3A_24 = arith.constant 0 : i32
        %cond3A_25 = arith.cmpi ne, %convert_element_type3A_23, %cond3A_24 : i32
        scf.if %cond3A_25 {
          %lt3A = arith.constant 195 : i32
          %lt3A_26 = arith.cmpi slt, %add3A, %lt3A : i32
          %mul3A_27 = arith.constant 128 : i32
          %mul3A_28 = arith.muli %add3A, %mul3A_27 : i32
          %jit3A = arith.constant 24872 : i32
          %select_n3A = arith.select %lt3A_26, %mul3A_28, %jit3A : i32
          "tpu.region"() ({
            %run_scoped3A = tpu.sem_alloc : memref<!tpu.dma_semaphore, #tpu.memory_space<semaphore_mem>>
            %dma_start3A = arith.constant 0 : i32
            %dma_start3A_29 = tpu.memref_slice %arg3[%select_n3A, %dma_start3A] : memref<25000x64xf32, #tpu.memory_space<hbm>> -> memref<128x64xf32, #tpu.memory_space<hbm>>
            %dma_start3A_30 = arith.constant 0 : i32
            %dma_start3A_31 = tpu.memref_slice %arg3[%select_n3A, %dma_start3A_30] : memref<25000x64xf32, #tpu.memory_space<hbm>> -> memref<128x64xf32, #tpu.memory_space<hbm>>
            tpu.enqueue_dma source(%dma_start3A_31 : memref<128x64xf32, #tpu.memory_space<hbm>>) target(%arg12 : memref<128x64xf32, #tpu.memory_space<vmem>>) target_semaphore(%run_scoped3A : memref<!tpu.dma_semaphore, #tpu.memory_space<semaphore_mem>>)
            %dma_wait3A = arith.constant 0 : i32
            %dma_wait3A_32 = tpu.memref_slice %arg3[%select_n3A, %dma_wait3A] : memref<25000x64xf32, #tpu.memory_space<hbm>> -> memref<128x64xf32, #tpu.memory_space<hbm>>
            %dma_wait3A_33 = arith.constant 0 : i32
            %dma_wait3A_34 = tpu.memref_slice %arg3[%select_n3A, %dma_wait3A_33] : memref<25000x64xf32, #tpu.memory_space<hbm>> -> memref<128x64xf32, #tpu.memory_space<hbm>>
            tpu.wait_dma2 semaphore(%run_scoped3A : memref<!tpu.dma_semaphore, #tpu.memory_space<semaphore_mem>>) src(%dma_wait3A_34 : memref<128x64xf32, #tpu.memory_space<hbm>>) dst(%arg12 : memref<128x64xf32, #tpu.memory_space<vmem>>)
            tpu.yield
          }) : () -> ()
          "tpu.region"() ({
            %run_scoped3A = tpu.sem_alloc : memref<!tpu.dma_semaphore, #tpu.memory_space<semaphore_mem>>
            %dma_start3A = tpu.memref_slice %arg6[%select_n3A] : memref<25000xi32, #tpu.memory_space<hbm>> -> memref<128xi32, #tpu.memory_space<hbm>>
            %dma_start3A_29 = tpu.memref_slice %arg6[%select_n3A] : memref<25000xi32, #tpu.memory_space<hbm>> -> memref<128xi32, #tpu.memory_space<hbm>>
            tpu.enqueue_dma source(%dma_start3A_29 : memref<128xi32, #tpu.memory_space<hbm>>) target(%arg11 : memref<128xi32, #tpu.memory_space<vmem>>) target_semaphore(%run_scoped3A : memref<!tpu.dma_semaphore, #tpu.memory_space<semaphore_mem>>)
            %dma_wait3A = tpu.memref_slice %arg6[%select_n3A] : memref<25000xi32, #tpu.memory_space<hbm>> -> memref<128xi32, #tpu.memory_space<hbm>>
            %dma_wait3A_30 = tpu.memref_slice %arg6[%select_n3A] : memref<25000xi32, #tpu.memory_space<hbm>> -> memref<128xi32, #tpu.memory_space<hbm>>
            tpu.wait_dma2 semaphore(%run_scoped3A : memref<!tpu.dma_semaphore, #tpu.memory_space<semaphore_mem>>) src(%dma_wait3A_30 : memref<128xi32, #tpu.memory_space<hbm>>) dst(%arg11 : memref<128xi32, #tpu.memory_space<vmem>>)
            tpu.yield
          }) : () -> ()
          "tpu.region"() ({
            %run_scoped3A = tpu.sem_alloc : memref<!tpu.dma_semaphore, #tpu.memory_space<semaphore_mem>>
            %dma_start3A = arith.constant 0 : i32
            %dma_start3A_29 = arith.constant 0 : i32
            %dma_start3A_30 = tpu.memref_slice %arg9[%dma_start3A, %dma_start3A_29] : memref<25000x64xf32, #tpu.memory_space<vmem_shared>> -> memref<25000x64xf32, #tpu.memory_space<vmem_shared>>
            tpu.enqueue_indirect_dma source(%arg12 : memref<128x64xf32, #tpu.memory_space<vmem>>) target(%dma_start3A_30 : memref<25000x64xf32, #tpu.memory_space<vmem_shared>>) offsets(%arg11 : memref<128xi32, #tpu.memory_space<vmem>>) semaphore(%run_scoped3A : memref<!tpu.dma_semaphore, #tpu.memory_space<semaphore_mem>>)
            %dma_wait3A = arith.constant 0 : i32
            %dma_wait3A_31 = arith.constant 0 : i32
            %dma_wait3A_32 = tpu.memref_slice %arg9[%dma_wait3A, %dma_wait3A_31] : memref<25000x64xf32, #tpu.memory_space<vmem_shared>> -> memref<25000x64xf32, #tpu.memory_space<vmem_shared>>
            tpu.wait_indirect_dma semaphore(%run_scoped3A : memref<!tpu.dma_semaphore, #tpu.memory_space<semaphore_mem>>) src(%arg12 : memref<128x64xf32, #tpu.memory_space<vmem>>) dst(%dma_wait3A_32 : memref<25000x64xf32, #tpu.memory_space<vmem_shared>>)
            tpu.yield
          }) : () -> ()
        } else {
        }
      }
      %scan3A_12 = arith.constant 13 : i32
      %barrier3A = arith.constant 0 : index
      tpu.barrier barrier_id(%barrier3A)
      %scan3A_13 = arith.constant 0 : i32
      %scan3A_14 = arith.constant 0 : i32
      %scan3A_15 = arith.constant 10 : i32
      %scan3A_16 = arith.addi %scan3A_14, %scan3A_15 : i32
      %scan3A_17 = arith.constant 1 : i32
      scf.for %scan3A_19 = %scan3A_14 to %scan3A_16 step %scan3A_17  : i32 {
        %mul3A_20 = arith.constant 5000 : i32
        %mul3A_21 = arith.muli %scan3A_19, %mul3A_20 : i32
        %add3A = arith.addi %mul3A_0, %mul3A_21 : i32
        "tpu.region"() ({
          %run_scoped3A = tpu.sem_alloc : memref<!tpu.dma_semaphore, #tpu.memory_space<semaphore_mem>>
          %dma_start3A_116 = tpu.memref_slice %arg5[%add3A] : memref<800000xi32, #tpu.memory_space<hbm>> -> memref<5000xi32, #tpu.memory_space<hbm>>
          %dma_start3A_117 = tpu.memref_slice %arg5[%add3A] : memref<800000xi32, #tpu.memory_space<hbm>> -> memref<5000xi32, #tpu.memory_space<hbm>>
          tpu.enqueue_dma source(%dma_start3A_117 : memref<5000xi32, #tpu.memory_space<hbm>>) target(%arg10 : memref<5000xi32, #tpu.memory_space<vmem>>) target_semaphore(%run_scoped3A : memref<!tpu.dma_semaphore, #tpu.memory_space<semaphore_mem>>)
          %dma_wait3A_118 = tpu.memref_slice %arg5[%add3A] : memref<800000xi32, #tpu.memory_space<hbm>> -> memref<5000xi32, #tpu.memory_space<hbm>>
          %dma_wait3A_119 = tpu.memref_slice %arg5[%add3A] : memref<800000xi32, #tpu.memory_space<hbm>> -> memref<5000xi32, #tpu.memory_space<hbm>>
          tpu.wait_dma2 semaphore(%run_scoped3A : memref<!tpu.dma_semaphore, #tpu.memory_space<semaphore_mem>>) src(%dma_wait3A_119 : memref<5000xi32, #tpu.memory_space<hbm>>) dst(%arg10 : memref<5000xi32, #tpu.memory_space<vmem>>)
          tpu.yield
        }) : () -> ()
        %dma_start3A = arith.constant 0 : i32
        %dma_start3A_22 = arith.constant 0 : i32
        %dma_start3A_23 = tpu.memref_slice %arg10[%dma_start3A_22] : memref<5000xi32, #tpu.memory_space<vmem>> -> memref<128xi32, #tpu.memory_space<vmem>>
        %dma_start3A_24 = arith.constant 0 : i32
        %dma_start3A_25 = arith.constant 0 : i32
        %dma_start3A_26 = tpu.memref_slice %arg9[%dma_start3A_24, %dma_start3A_25] : memref<25000x64xf32, #tpu.memory_space<vmem_shared>> -> memref<25000x64xf32, #tpu.memory_space<vmem_shared>>
        %dma_start3A_27 = tpu.memref_slice %arg14[%dma_start3A] : memref<2x!tpu.dma_semaphore, #tpu.memory_space<semaphore_mem>> -> memref<1x!tpu.dma_semaphore, #tpu.memory_space<semaphore_mem>>
        %dma_start3A_28 = tpu.memref_squeeze %dma_start3A_27 : memref<1x!tpu.dma_semaphore, #tpu.memory_space<semaphore_mem>> -> memref<!tpu.dma_semaphore, #tpu.memory_space<semaphore_mem>>
        tpu.enqueue_indirect_dma source(%dma_start3A_26 : memref<25000x64xf32, #tpu.memory_space<vmem_shared>>) target(%arg12 : memref<128x64xf32, #tpu.memory_space<vmem>>) offsets(%dma_start3A_23 : memref<128xi32, #tpu.memory_space<vmem>>) semaphore(%dma_start3A_28 : memref<!tpu.dma_semaphore, #tpu.memory_space<semaphore_mem>>)
        %dma_start3A_29 = arith.constant 1 : i32
        %dma_start3A_30 = arith.constant 128 : i32
        %dma_start3A_31 = tpu.memref_slice %arg10[%dma_start3A_30] : memref<5000xi32, #tpu.memory_space<vmem>> -> memref<128xi32, #tpu.memory_space<vmem>>
        %dma_start3A_32 = arith.constant 0 : i32
        %dma_start3A_33 = arith.constant 0 : i32
        %dma_start3A_34 = tpu.memref_slice %arg9[%dma_start3A_32, %dma_start3A_33] : memref<25000x64xf32, #tpu.memory_space<vmem_shared>> -> memref<25000x64xf32, #tpu.memory_space<vmem_shared>>
        %dma_start3A_35 = tpu.memref_slice %arg14[%dma_start3A_29] : memref<2x!tpu.dma_semaphore, #tpu.memory_space<semaphore_mem>> -> memref<1x!tpu.dma_semaphore, #tpu.memory_space<semaphore_mem>>
        %dma_start3A_36 = tpu.memref_squeeze %dma_start3A_35 : memref<1x!tpu.dma_semaphore, #tpu.memory_space<semaphore_mem>> -> memref<!tpu.dma_semaphore, #tpu.memory_space<semaphore_mem>>
        tpu.enqueue_indirect_dma source(%dma_start3A_34 : memref<25000x64xf32, #tpu.memory_space<vmem_shared>>) target(%arg13 : memref<128x64xf32, #tpu.memory_space<vmem>>) offsets(%dma_start3A_31 : memref<128xi32, #tpu.memory_space<vmem>>) semaphore(%dma_start3A_36 : memref<!tpu.dma_semaphore, #tpu.memory_space<semaphore_mem>>)
        %scan3A_37 = arith.constant 0 : i32
        %scan3A_38 = arith.constant 0 : i32
        %scan3A_39 = arith.constant 19 : i32
        %scan3A_40 = arith.addi %scan3A_38, %scan3A_39 : i32
        %scan3A_41 = arith.constant 1 : i32
        scf.for %scan3A_116 = %scan3A_38 to %scan3A_40 step %scan3A_41  : i32 {
          %mul3A_117 = arith.constant 2 : i32
          %mul3A_118 = arith.muli %scan3A_116, %mul3A_117 : i32
          %add3A_119 = arith.constant 0 : i32
          %add3A_120 = arith.addi %mul3A_118, %add3A_119 : i32
          %mul3A_121 = arith.constant 128 : i32
          %mul3A_122 = arith.muli %add3A_120, %mul3A_121 : i32
          %dma_wait3A_123 = arith.constant 0 : i32
          %dma_wait3A_124 = tpu.memref_slice %arg10[%mul3A_122] : memref<5000xi32, #tpu.memory_space<vmem>> -> memref<128xi32, #tpu.memory_space<vmem>>
          %dma_wait3A_125 = arith.constant 0 : i32
          %dma_wait3A_126 = arith.constant 0 : i32
          %dma_wait3A_127 = tpu.memref_slice %arg9[%dma_wait3A_125, %dma_wait3A_126] : memref<25000x64xf32, #tpu.memory_space<vmem_shared>> -> memref<25000x64xf32, #tpu.memory_space<vmem_shared>>
          %dma_wait3A_128 = tpu.memref_slice %arg14[%dma_wait3A_123] : memref<2x!tpu.dma_semaphore, #tpu.memory_space<semaphore_mem>> -> memref<1x!tpu.dma_semaphore, #tpu.memory_space<semaphore_mem>>
          %dma_wait3A_129 = tpu.memref_squeeze %dma_wait3A_128 : memref<1x!tpu.dma_semaphore, #tpu.memory_space<semaphore_mem>> -> memref<!tpu.dma_semaphore, #tpu.memory_space<semaphore_mem>>
          tpu.wait_indirect_dma semaphore(%dma_wait3A_129 : memref<!tpu.dma_semaphore, #tpu.memory_space<semaphore_mem>>) src(%dma_wait3A_127 : memref<25000x64xf32, #tpu.memory_space<vmem_shared>>) dst(%arg12 : memref<128x64xf32, #tpu.memory_space<vmem>>)
          %mul3A_130 = arith.constant 128 : i32
          %mul3A_131 = arith.muli %add3A_120, %mul3A_130 : i32
          %add3A_132 = arith.addi %add3A, %mul3A_131 : i32
          %dma_start3A_133 = arith.constant 0 : i32
          %dma_start3A_134 = arith.constant 0 : i32
          %dma_start3A_135 = tpu.memref_slice %arg8[%add3A_132, %dma_start3A_134] : memref<800000x64xf32, #tpu.memory_space<hbm>> -> memref<128x64xf32, #tpu.memory_space<hbm>>
          %dma_start3A_136 = tpu.memref_slice %arg15[%dma_start3A_133] : memref<2x!tpu.dma_semaphore, #tpu.memory_space<semaphore_mem>> -> memref<1x!tpu.dma_semaphore, #tpu.memory_space<semaphore_mem>>
          %dma_start3A_137 = tpu.memref_squeeze %dma_start3A_136 : memref<1x!tpu.dma_semaphore, #tpu.memory_space<semaphore_mem>> -> memref<!tpu.dma_semaphore, #tpu.memory_space<semaphore_mem>>
          %dma_start3A_138 = arith.constant 0 : i32
          %dma_start3A_139 = tpu.memref_slice %arg8[%add3A_132, %dma_start3A_138] : memref<800000x64xf32, #tpu.memory_space<hbm>> -> memref<128x64xf32, #tpu.memory_space<hbm>>
          tpu.enqueue_dma source(%arg12 : memref<128x64xf32, #tpu.memory_space<vmem>>) target(%dma_start3A_139 : memref<128x64xf32, #tpu.memory_space<hbm>>) target_semaphore(%dma_start3A_137 : memref<!tpu.dma_semaphore, #tpu.memory_space<semaphore_mem>>)
          %dma_wait3A_140 = arith.constant 0 : i32
          %dma_wait3A_141 = arith.constant 0 : i32
          %dma_wait3A_142 = tpu.memref_slice %arg8[%add3A_132, %dma_wait3A_141] : memref<800000x64xf32, #tpu.memory_space<hbm>> -> memref<128x64xf32, #tpu.memory_space<hbm>>
          %dma_wait3A_143 = tpu.memref_slice %arg15[%dma_wait3A_140] : memref<2x!tpu.dma_semaphore, #tpu.memory_space<semaphore_mem>> -> memref<1x!tpu.dma_semaphore, #tpu.memory_space<semaphore_mem>>
          %dma_wait3A_144 = tpu.memref_squeeze %dma_wait3A_143 : memref<1x!tpu.dma_semaphore, #tpu.memory_space<semaphore_mem>> -> memref<!tpu.dma_semaphore, #tpu.memory_space<semaphore_mem>>
          %dma_wait3A_145 = arith.constant 0 : i32
          %dma_wait3A_146 = tpu.memref_slice %arg8[%add3A_132, %dma_wait3A_145] : memref<800000x64xf32, #tpu.memory_space<hbm>> -> memref<128x64xf32, #tpu.memory_space<hbm>>
          tpu.wait_dma2 semaphore(%dma_wait3A_144 : memref<!tpu.dma_semaphore, #tpu.memory_space<semaphore_mem>>) src(%arg12 : memref<128x64xf32, #tpu.memory_space<vmem>>) dst(%dma_wait3A_146 : memref<128x64xf32, #tpu.memory_space<hbm>>)
          %add3A_147 = arith.constant 2 : i32
          %add3A_148 = arith.addi %add3A_120, %add3A_147 : i32
          %lt3A = arith.constant 39 : i32
          %lt3A_149 = arith.cmpi slt, %add3A_148, %lt3A : i32
          %convert_element_type3A_150 = arith.extui %lt3A_149 : i1 to i32
          %cond3A_151 = arith.constant 0 : i32
          %cond3A_152 = arith.cmpi ne, %convert_element_type3A_150, %cond3A_151 : i32
          scf.if %cond3A_152 {
            %add3A_190 = arith.constant 2 : i32
            %add3A_191 = arith.addi %add3A_120, %add3A_190 : i32
            %mul3A_192 = arith.constant 128 : i32
            %mul3A_193 = arith.muli %add3A_191, %mul3A_192 : i32
            %dma_start3A_194 = arith.constant 0 : i32
            %dma_start3A_195 = tpu.memref_slice %arg10[%mul3A_193] : memref<5000xi32, #tpu.memory_space<vmem>> -> memref<128xi32, #tpu.memory_space<vmem>>
            %dma_start3A_196 = arith.constant 0 : i32
            %dma_start3A_197 = arith.constant 0 : i32
            %dma_start3A_198 = tpu.memref_slice %arg9[%dma_start3A_196, %dma_start3A_197] : memref<25000x64xf32, #tpu.memory_space<vmem_shared>> -> memref<25000x64xf32, #tpu.memory_space<vmem_shared>>
            %dma_start3A_199 = tpu.memref_slice %arg14[%dma_start3A_194] : memref<2x!tpu.dma_semaphore, #tpu.memory_space<semaphore_mem>> -> memref<1x!tpu.dma_semaphore, #tpu.memory_space<semaphore_mem>>
            %dma_start3A_200 = tpu.memref_squeeze %dma_start3A_199 : memref<1x!tpu.dma_semaphore, #tpu.memory_space<semaphore_mem>> -> memref<!tpu.dma_semaphore, #tpu.memory_space<semaphore_mem>>
            tpu.enqueue_indirect_dma source(%dma_start3A_198 : memref<25000x64xf32, #tpu.memory_space<vmem_shared>>) target(%arg12 : memref<128x64xf32, #tpu.memory_space<vmem>>) offsets(%dma_start3A_195 : memref<128xi32, #tpu.memory_space<vmem>>) semaphore(%dma_start3A_200 : memref<!tpu.dma_semaphore, #tpu.memory_space<semaphore_mem>>)
          } else {
          }
          %mul3A_153 = arith.constant 2 : i32
          %mul3A_154 = arith.muli %scan3A_116, %mul3A_153 : i32
          %add3A_155 = arith.constant 1 : i32
          %add3A_156 = arith.addi %mul3A_154, %add3A_155 : i32
          %mul3A_157 = arith.constant 128 : i32
          %mul3A_158 = arith.muli %add3A_156, %mul3A_157 : i32
          %dma_wait3A_159 = arith.constant 1 : i32
          %dma_wait3A_160 = tpu.memref_slice %arg10[%mul3A_158] : memref<5000xi32, #tpu.memory_space<vmem>> -> memref<128xi32, #tpu.memory_space<vmem>>
          %dma_wait3A_161 = arith.constant 0 : i32
          %dma_wait3A_162 = arith.constant 0 : i32
          %dma_wait3A_163 = tpu.memref_slice %arg9[%dma_wait3A_161, %dma_wait3A_162] : memref<25000x64xf32, #tpu.memory_space<vmem_shared>> -> memref<25000x64xf32, #tpu.memory_space<vmem_shared>>
          %dma_wait3A_164 = tpu.memref_slice %arg14[%dma_wait3A_159] : memref<2x!tpu.dma_semaphore, #tpu.memory_space<semaphore_mem>> -> memref<1x!tpu.dma_semaphore, #tpu.memory_space<semaphore_mem>>
          %dma_wait3A_165 = tpu.memref_squeeze %dma_wait3A_164 : memref<1x!tpu.dma_semaphore, #tpu.memory_space<semaphore_mem>> -> memref<!tpu.dma_semaphore, #tpu.memory_space<semaphore_mem>>
          tpu.wait_indirect_dma semaphore(%dma_wait3A_165 : memref<!tpu.dma_semaphore, #tpu.memory_space<semaphore_mem>>) src(%dma_wait3A_163 : memref<25000x64xf32, #tpu.memory_space<vmem_shared>>) dst(%arg13 : memref<128x64xf32, #tpu.memory_space<vmem>>)
          %mul3A_166 = arith.constant 128 : i32
          %mul3A_167 = arith.muli %add3A_156, %mul3A_166 : i32
          %add3A_168 = arith.addi %add3A, %mul3A_167 : i32
          %dma_start3A_169 = arith.constant 1 : i32
          %dma_start3A_170 = arith.constant 0 : i32
          %dma_start3A_171 = tpu.memref_slice %arg8[%add3A_168, %dma_start3A_170] : memref<800000x64xf32, #tpu.memory_space<hbm>> -> memref<128x64xf32, #tpu.memory_space<hbm>>
          %dma_start3A_172 = tpu.memref_slice %arg15[%dma_start3A_169] : memref<2x!tpu.dma_semaphore, #tpu.memory_space<semaphore_mem>> -> memref<1x!tpu.dma_semaphore, #tpu.memory_space<semaphore_mem>>
          %dma_start3A_173 = tpu.memref_squeeze %dma_start3A_172 : memref<1x!tpu.dma_semaphore, #tpu.memory_space<semaphore_mem>> -> memref<!tpu.dma_semaphore, #tpu.memory_space<semaphore_mem>>
          %dma_start3A_174 = arith.constant 0 : i32
          %dma_start3A_175 = tpu.memref_slice %arg8[%add3A_168, %dma_start3A_174] : memref<800000x64xf32, #tpu.memory_space<hbm>> -> memref<128x64xf32, #tpu.memory_space<hbm>>
          tpu.enqueue_dma source(%arg13 : memref<128x64xf32, #tpu.memory_space<vmem>>) target(%dma_start3A_175 : memref<128x64xf32, #tpu.memory_space<hbm>>) target_semaphore(%dma_start3A_173 : memref<!tpu.dma_semaphore, #tpu.memory_space<semaphore_mem>>)
          %dma_wait3A_176 = arith.constant 1 : i32
          %dma_wait3A_177 = arith.constant 0 : i32
          %dma_wait3A_178 = tpu.memref_slice %arg8[%add3A_168, %dma_wait3A_177] : memref<800000x64xf32, #tpu.memory_space<hbm>> -> memref<128x64xf32, #tpu.memory_space<hbm>>
          %dma_wait3A_179 = tpu.memref_slice %arg15[%dma_wait3A_176] : memref<2x!tpu.dma_semaphore, #tpu.memory_space<semaphore_mem>> -> memref<1x!tpu.dma_semaphore, #tpu.memory_space<semaphore_mem>>
          %dma_wait3A_180 = tpu.memref_squeeze %dma_wait3A_179 : memref<1x!tpu.dma_semaphore, #tpu.memory_space<semaphore_mem>> -> memref<!tpu.dma_semaphore, #tpu.memory_space<semaphore_mem>>
          %dma_wait3A_181 = arith.constant 0 : i32
          %dma_wait3A_182 = tpu.memref_slice %arg8[%add3A_168, %dma_wait3A_181] : memref<800000x64xf32, #tpu.memory_space<hbm>> -> memref<128x64xf32, #tpu.memory_space<hbm>>
          tpu.wait_dma2 semaphore(%dma_wait3A_180 : memref<!tpu.dma_semaphore, #tpu.memory_space<semaphore_mem>>) src(%arg13 : memref<128x64xf32, #tpu.memory_space<vmem>>) dst(%dma_wait3A_182 : memref<128x64xf32, #tpu.memory_space<hbm>>)
          %add3A_183 = arith.constant 2 : i32
          %add3A_184 = arith.addi %add3A_156, %add3A_183 : i32
          %lt3A_185 = arith.constant 39 : i32
          %lt3A_186 = arith.cmpi slt, %add3A_184, %lt3A_185 : i32
          %convert_element_type3A_187 = arith.extui %lt3A_186 : i1 to i32
          %cond3A_188 = arith.constant 0 : i32
          %cond3A_189 = arith.cmpi ne, %convert_element_type3A_187, %cond3A_188 : i32
          scf.if %cond3A_189 {
            %add3A_190 = arith.constant 2 : i32
            %add3A_191 = arith.addi %add3A_156, %add3A_190 : i32
            %mul3A_192 = arith.constant 128 : i32
            %mul3A_193 = arith.muli %add3A_191, %mul3A_192 : i32
            %dma_start3A_194 = arith.constant 1 : i32
            %dma_start3A_195 = tpu.memref_slice %arg10[%mul3A_193] : memref<5000xi32, #tpu.memory_space<vmem>> -> memref<128xi32, #tpu.memory_space<vmem>>
            %dma_start3A_196 = arith.constant 0 : i32
            %dma_start3A_197 = arith.constant 0 : i32
            %dma_start3A_198 = tpu.memref_slice %arg9[%dma_start3A_196, %dma_start3A_197] : memref<25000x64xf32, #tpu.memory_space<vmem_shared>> -> memref<25000x64xf32, #tpu.memory_space<vmem_shared>>
            %dma_start3A_199 = tpu.memref_slice %arg14[%dma_start3A_194] : memref<2x!tpu.dma_semaphore, #tpu.memory_space<semaphore_mem>> -> memref<1x!tpu.dma_semaphore, #tpu.memory_space<semaphore_mem>>
            %dma_start3A_200 = tpu.memref_squeeze %dma_start3A_199 : memref<1x!tpu.dma_semaphore, #tpu.memory_space<semaphore_mem>> -> memref<!tpu.dma_semaphore, #tpu.memory_space<semaphore_mem>>
            tpu.enqueue_indirect_dma source(%dma_start3A_198 : memref<25000x64xf32, #tpu.memory_space<vmem_shared>>) target(%arg13 : memref<128x64xf32, #tpu.memory_space<vmem>>) offsets(%dma_start3A_195 : memref<128xi32, #tpu.memory_space<vmem>>) semaphore(%dma_start3A_200 : memref<!tpu.dma_semaphore, #tpu.memory_space<semaphore_mem>>)
          } else {
          }
        }
        %scan3A_42 = arith.constant 19 : i32
        %dma_wait3A = arith.constant 0 : i32
        %dma_wait3A_43 = arith.constant 4864 : i32
        %dma_wait3A_44 = tpu.memref_slice %arg10[%dma_wait3A_43] : memref<5000xi32, #tpu.memory_space<vmem>> -> memref<128xi32, #tpu.memory_space<vmem>>
        %dma_wait3A_45 = arith.constant 0 : i32
        %dma_wait3A_46 = arith.constant 0 : i32
        %dma_wait3A_47 = tpu.memref_slice %arg9[%dma_wait3A_45, %dma_wait3A_46] : memref<25000x64xf32, #tpu.memory_space<vmem_shared>> -> memref<25000x64xf32, #tpu.memory_space<vmem_shared>>
        %dma_wait3A_48 = tpu.memref_slice %arg14[%dma_wait3A] : memref<2x!tpu.dma_semaphore, #tpu.memory_space<semaphore_mem>> -> memref<1x!tpu.dma_semaphore, #tpu.memory_space<semaphore_mem>>
        %dma_wait3A_49 = tpu.memref_squeeze %dma_wait3A_48 : memref<1x!tpu.dma_semaphore, #tpu.memory_space<semaphore_mem>> -> memref<!tpu.dma_semaphore, #tpu.memory_space<semaphore_mem>>
        tpu.wait_indirect_dma semaphore(%dma_wait3A_49 : memref<!tpu.dma_semaphore, #tpu.memory_space<semaphore_mem>>) src(%dma_wait3A_47 : memref<25000x64xf32, #tpu.memory_space<vmem_shared>>) dst(%arg12 : memref<128x64xf32, #tpu.memory_space<vmem>>)
        %add3A_50 = arith.constant 4864 : i32
        %add3A_51 = arith.addi %add3A, %add3A_50 : i32
        %dma_start3A_52 = arith.constant 0 : i32
        %dma_start3A_53 = arith.constant 0 : i32
        %dma_start3A_54 = tpu.memref_slice %arg8[%add3A_51, %dma_start3A_53] : memref<800000x64xf32, #tpu.memory_space<hbm>> -> memref<128x64xf32, #tpu.memory_space<hbm>>
        %dma_start3A_55 = tpu.memref_slice %arg15[%dma_start3A_52] : memref<2x!tpu.dma_semaphore, #tpu.memory_space<semaphore_mem>> -> memref<1x!tpu.dma_semaphore, #tpu.memory_space<semaphore_mem>>
        %dma_start3A_56 = tpu.memref_squeeze %dma_start3A_55 : memref<1x!tpu.dma_semaphore, #tpu.memory_space<semaphore_mem>> -> memref<!tpu.dma_semaphore, #tpu.memory_space<semaphore_mem>>
        %dma_start3A_57 = arith.constant 0 : i32
        %dma_start3A_58 = tpu.memref_slice %arg8[%add3A_51, %dma_start3A_57] : memref<800000x64xf32, #tpu.memory_space<hbm>> -> memref<128x64xf32, #tpu.memory_space<hbm>>
        tpu.enqueue_dma source(%arg12 : memref<128x64xf32, #tpu.memory_space<vmem>>) target(%dma_start3A_58 : memref<128x64xf32, #tpu.memory_space<hbm>>) target_semaphore(%dma_start3A_56 : memref<!tpu.dma_semaphore, #tpu.memory_space<semaphore_mem>>)
        %dma_wait3A_59 = arith.constant 0 : i32
        %dma_wait3A_60 = arith.constant 0 : i32
        %dma_wait3A_61 = tpu.memref_slice %arg8[%add3A_51, %dma_wait3A_60] : memref<800000x64xf32, #tpu.memory_space<hbm>> -> memref<128x64xf32, #tpu.memory_space<hbm>>
        %dma_wait3A_62 = tpu.memref_slice %arg15[%dma_wait3A_59] : memref<2x!tpu.dma_semaphore, #tpu.memory_space<semaphore_mem>> -> memref<1x!tpu.dma_semaphore, #tpu.memory_space<semaphore_mem>>
        %dma_wait3A_63 = tpu.memref_squeeze %dma_wait3A_62 : memref<1x!tpu.dma_semaphore, #tpu.memory_space<semaphore_mem>> -> memref<!tpu.dma_semaphore, #tpu.memory_space<semaphore_mem>>
        %dma_wait3A_64 = arith.constant 0 : i32
        %dma_wait3A_65 = tpu.memref_slice %arg8[%add3A_51, %dma_wait3A_64] : memref<800000x64xf32, #tpu.memory_space<hbm>> -> memref<128x64xf32, #tpu.memory_space<hbm>>
        tpu.wait_dma2 semaphore(%dma_wait3A_63 : memref<!tpu.dma_semaphore, #tpu.memory_space<semaphore_mem>>) src(%arg12 : memref<128x64xf32, #tpu.memory_space<vmem>>) dst(%dma_wait3A_65 : memref<128x64xf32, #tpu.memory_space<hbm>>)
        %dma_start3A_66 = arith.constant 0 : i32
        %dma_start3A_67 = arith.constant 0 : i32
        %dma_start3A_68 = arith.constant 0 : i32
        %dma_start3A_69 = tpu.memref_slice %arg12[%dma_start3A_67, %dma_start3A_68] : memref<128x64xf32, #tpu.memory_space<vmem>> -> memref<8x64xf32, #tpu.memory_space<vmem>>
        %dma_start3A_70 = arith.constant 4992 : i32
        %dma_start3A_71 = tpu.memref_slice %arg10[%dma_start3A_70] : memref<5000xi32, #tpu.memory_space<vmem>> -> memref<8xi32, #tpu.memory_space<vmem>>
        %dma_start3A_72 = arith.constant 0 : i32
        %dma_start3A_73 = arith.constant 0 : i32
        %dma_start3A_74 = tpu.memref_slice %arg9[%dma_start3A_72, %dma_start3A_73] : memref<25000x64xf32, #tpu.memory_space<vmem_shared>> -> memref<25000x64xf32, #tpu.memory_space<vmem_shared>>
        %dma_start3A_75 = tpu.memref_slice %arg14[%dma_start3A_66] : memref<2x!tpu.dma_semaphore, #tpu.memory_space<semaphore_mem>> -> memref<1x!tpu.dma_semaphore, #tpu.memory_space<semaphore_mem>>
        %dma_start3A_76 = tpu.memref_squeeze %dma_start3A_75 : memref<1x!tpu.dma_semaphore, #tpu.memory_space<semaphore_mem>> -> memref<!tpu.dma_semaphore, #tpu.memory_space<semaphore_mem>>
        tpu.enqueue_indirect_dma source(%dma_start3A_74 : memref<25000x64xf32, #tpu.memory_space<vmem_shared>>) target(%dma_start3A_69 : memref<8x64xf32, #tpu.memory_space<vmem>>) offsets(%dma_start3A_71 : memref<8xi32, #tpu.memory_space<vmem>>) semaphore(%dma_start3A_76 : memref<!tpu.dma_semaphore, #tpu.memory_space<semaphore_mem>>)
        %dma_wait3A_77 = arith.constant 0 : i32
        %dma_wait3A_78 = arith.constant 0 : i32
        %dma_wait3A_79 = arith.constant 0 : i32
        %dma_wait3A_80 = tpu.memref_slice %arg12[%dma_wait3A_78, %dma_wait3A_79] : memref<128x64xf32, #tpu.memory_space<vmem>> -> memref<8x64xf32, #tpu.memory_space<vmem>>
        %dma_wait3A_81 = arith.constant 4992 : i32
        %dma_wait3A_82 = tpu.memref_slice %arg10[%dma_wait3A_81] : memref<5000xi32, #tpu.memory_space<vmem>> -> memref<8xi32, #tpu.memory_space<vmem>>
        %dma_wait3A_83 = arith.constant 0 : i32
        %dma_wait3A_84 = arith.constant 0 : i32
        %dma_wait3A_85 = tpu.memref_slice %arg9[%dma_wait3A_83, %dma_wait3A_84] : memref<25000x64xf32, #tpu.memory_space<vmem_shared>> -> memref<25000x64xf32, #tpu.memory_space<vmem_shared>>
        %dma_wait3A_86 = tpu.memref_slice %arg14[%dma_wait3A_77] : memref<2x!tpu.dma_semaphore, #tpu.memory_space<semaphore_mem>> -> memref<1x!tpu.dma_semaphore, #tpu.memory_space<semaphore_mem>>
        %dma_wait3A_87 = tpu.memref_squeeze %dma_wait3A_86 : memref<1x!tpu.dma_semaphore, #tpu.memory_space<semaphore_mem>> -> memref<!tpu.dma_semaphore, #tpu.memory_space<semaphore_mem>>
        tpu.wait_indirect_dma semaphore(%dma_wait3A_87 : memref<!tpu.dma_semaphore, #tpu.memory_space<semaphore_mem>>) src(%dma_wait3A_85 : memref<25000x64xf32, #tpu.memory_space<vmem_shared>>) dst(%dma_wait3A_80 : memref<8x64xf32, #tpu.memory_space<vmem>>)
        %add3A_88 = arith.constant 4992 : i32
        %add3A_89 = arith.addi %add3A, %add3A_88 : i32
        %dma_start3A_90 = arith.constant 0 : i32
        %dma_start3A_91 = arith.constant 0 : i32
        %dma_start3A_92 = arith.constant 0 : i32
        %dma_start3A_93 = tpu.memref_slice %arg12[%dma_start3A_91, %dma_start3A_92] : memref<128x64xf32, #tpu.memory_space<vmem>> -> memref<8x64xf32, #tpu.memory_space<vmem>>
        %dma_start3A_94 = arith.constant 0 : i32
        %dma_start3A_95 = tpu.memref_slice %arg8[%add3A_89, %dma_start3A_94] : memref<800000x64xf32, #tpu.memory_space<hbm>> -> memref<8x64xf32, #tpu.memory_space<hbm>>
        %dma_start3A_96 = tpu.memref_slice %arg15[%dma_start3A_90] : memref<2x!tpu.dma_semaphore, #tpu.memory_space<semaphore_mem>> -> memref<1x!tpu.dma_semaphore, #tpu.memory_space<semaphore_mem>>
        %dma_start3A_97 = tpu.memref_squeeze %dma_start3A_96 : memref<1x!tpu.dma_semaphore, #tpu.memory_space<semaphore_mem>> -> memref<!tpu.dma_semaphore, #tpu.memory_space<semaphore_mem>>
        %dma_start3A_98 = arith.constant 0 : i32
        %dma_start3A_99 = tpu.memref_slice %arg8[%add3A_89, %dma_start3A_98] : memref<800000x64xf32, #tpu.memory_space<hbm>> -> memref<8x64xf32, #tpu.memory_space<hbm>>
        %dma_start3A_100 = arith.constant 0 : i32
        %dma_start3A_101 = arith.constant 0 : i32
        %dma_start3A_102 = tpu.memref_slice %arg12[%dma_start3A_100, %dma_start3A_101] : memref<128x64xf32, #tpu.memory_space<vmem>> -> memref<8x64xf32, #tpu.memory_space<vmem>>
        tpu.enqueue_dma source(%dma_start3A_102 : memref<8x64xf32, #tpu.memory_space<vmem>>) target(%dma_start3A_99 : memref<8x64xf32, #tpu.memory_space<hbm>>) target_semaphore(%dma_start3A_97 : memref<!tpu.dma_semaphore, #tpu.memory_space<semaphore_mem>>)
        %dma_wait3A_103 = arith.constant 0 : i32
        %dma_wait3A_104 = arith.constant 0 : i32
        %dma_wait3A_105 = arith.constant 0 : i32
        %dma_wait3A_106 = tpu.memref_slice %arg12[%dma_wait3A_104, %dma_wait3A_105] : memref<128x64xf32, #tpu.memory_space<vmem>> -> memref<8x64xf32, #tpu.memory_space<vmem>>
        %dma_wait3A_107 = arith.constant 0 : i32
        %dma_wait3A_108 = tpu.memref_slice %arg8[%add3A_89, %dma_wait3A_107] : memref<800000x64xf32, #tpu.memory_space<hbm>> -> memref<8x64xf32, #tpu.memory_space<hbm>>
        %dma_wait3A_109 = tpu.memref_slice %arg15[%dma_wait3A_103] : memref<2x!tpu.dma_semaphore, #tpu.memory_space<semaphore_mem>> -> memref<1x!tpu.dma_semaphore, #tpu.memory_space<semaphore_mem>>
        %dma_wait3A_110 = tpu.memref_squeeze %dma_wait3A_109 : memref<1x!tpu.dma_semaphore, #tpu.memory_space<semaphore_mem>> -> memref<!tpu.dma_semaphore, #tpu.memory_space<semaphore_mem>>
        %dma_wait3A_111 = arith.constant 0 : i32
        %dma_wait3A_112 = tpu.memref_slice %arg8[%add3A_89, %dma_wait3A_111] : memref<800000x64xf32, #tpu.memory_space<hbm>> -> memref<8x64xf32, #tpu.memory_space<hbm>>
        %dma_wait3A_113 = arith.constant 0 : i32
        %dma_wait3A_114 = arith.constant 0 : i32
        %dma_wait3A_115 = tpu.memref_slice %arg12[%dma_wait3A_113, %dma_wait3A_114] : memref<128x64xf32, #tpu.memory_space<vmem>> -> memref<8x64xf32, #tpu.memory_space<vmem>>
        tpu.wait_dma2 semaphore(%dma_wait3A_110 : memref<!tpu.dma_semaphore, #tpu.memory_space<semaphore_mem>>) src(%dma_wait3A_115 : memref<8x64xf32, #tpu.memory_space<vmem>>) dst(%dma_wait3A_112 : memref<8x64xf32, #tpu.memory_space<hbm>>)
      }
      %scan3A_18 = arith.constant 10 : i32
    } else {
    }
    return
  }
}

#map = affine_map<(d0, d1) -> (0, 0)>
#map1 = affine_map<(d0, d1) -> (0)>
module attributes {stable_mosaic.version = 14 : i64} {
  func.func @k(%arg0: i32, %arg1: i32, %arg2: memref<25000x64xf32, #tpu.memory_space<hbm>>, %arg3: memref<25000x64xf32, #tpu.memory_space<hbm>>, %arg4: memref<800000xi32, #tpu.memory_space<hbm>>, %arg5: memref<800000xi32, #tpu.memory_space<hbm>>, %arg6: memref<25000xi32, #tpu.memory_space<hbm>>, %arg7: memref<800000x64xf32, #tpu.memory_space<hbm>>, %arg8: memref<800000x64xf32, #tpu.memory_space<hbm>>, %arg9: memref<25000x64xf32, #tpu.memory_space<vmem_shared>>, %arg10: memref<5000xi32, #tpu.memory_space<vmem>>, %arg11: memref<128xi32, #tpu.memory_space<vmem>>, %arg12: memref<128x64xf32, #tpu.memory_space<vmem>>, %arg13: memref<128x64xf32, #tpu.memory_space<vmem>>, %arg14: memref<2x!tpu.dma_semaphore, #tpu.memory_space<semaphore_mem>>, %arg15: memref<2x!tpu.dma_semaphore, #tpu.memory_space<semaphore_mem>>, %arg16: memref<!tpu.dma_semaphore, #tpu.memory_space<semaphore_mem>>) attributes {dimension_semantics = [#tpu.dimension_semantics<core_parallel>, #tpu.dimension_semantics<subcore_parallel>], iteration_bounds = array<i64: 2, 16>, scalar_prefetch = 0 : i64, scratch_operands = 8 : i64, tpu.core_type = #tpu.core_type<sc_vector_subcore>, window_params = [{transform_indices = #map}, {transform_indices = #map}, {transform_indices = #map1}, {transform_indices = #map1}, {transform_indices = #map1}, {transform_indices = #map}, {transform_indices = #map}]} {
    %mul3A = arith.constant 50000 : i32
    %mul3A_0 = arith.muli %arg1, %mul3A : i32
    %eq3A = arith.constant 0 : i32
    %eq3A_1 = arith.cmpi eq, %arg0, %eq3A : i32
    %convert_element_type3A = arith.extui %eq3A_1 : i1 to i32
    %cond3A = arith.constant 0 : i32
    %cond3A_2 = arith.cmpi ne, %convert_element_type3A, %cond3A : i32
    scf.if %cond3A_2 {
      %scan3A = arith.constant 0 : i32
      %scan3A_8 = arith.constant 0 : i32
      %scan3A_9 = arith.constant 13 : i32
      %scan3A_10 = arith.addi %scan3A_8, %scan3A_9 : i32
      %scan3A_11 = arith.constant 1 : i32
      scf.for %scan3A_19 = %scan3A_8 to %scan3A_10 step %scan3A_11  : i32 {
        %mul3A_20 = arith.constant 16 : i32
        %mul3A_21 = arith.muli %scan3A_19, %mul3A_20 : i32
        %add3A = arith.addi %arg1, %mul3A_21 : i32
        %le3A = arith.constant 195 : i32
        %le3A_22 = arith.cmpi sle, %add3A, %le3A : i32
        %convert_element_type3A_23 = arith.extui %le3A_22 : i1 to i32
        %cond3A_24 = arith.constant 0 : i32
        %cond3A_25 = arith.cmpi ne, %convert_element_type3A_23, %cond3A_24 : i32
        scf.if %cond3A_25 {
          %lt3A = arith.constant 195 : i32
          %lt3A_26 = arith.cmpi slt, %add3A, %lt3A : i32
          %mul3A_27 = arith.constant 128 : i32
          %mul3A_28 = arith.muli %add3A, %mul3A_27 : i32
          %jit3A = arith.constant 24872 : i32
          %select_n3A = arith.select %lt3A_26, %mul3A_28, %jit3A : i32
          "tpu.region"() ({
            %run_scoped3A = tpu.sem_alloc : memref<!tpu.dma_semaphore, #tpu.memory_space<semaphore_mem>>
            %dma_start3A = arith.constant 0 : i32
            %dma_start3A_29 = tpu.memref_slice %arg2[%select_n3A, %dma_start3A] : memref<25000x64xf32, #tpu.memory_space<hbm>> -> memref<128x64xf32, #tpu.memory_space<hbm>>
            %dma_start3A_30 = arith.constant 0 : i32
            %dma_start3A_31 = tpu.memref_slice %arg2[%select_n3A, %dma_start3A_30] : memref<25000x64xf32, #tpu.memory_space<hbm>> -> memref<128x64xf32, #tpu.memory_space<hbm>>
            tpu.enqueue_dma source(%dma_start3A_31 : memref<128x64xf32, #tpu.memory_space<hbm>>) target(%arg12 : memref<128x64xf32, #tpu.memory_space<vmem>>) target_semaphore(%run_scoped3A : memref<!tpu.dma_semaphore, #tpu.memory_space<semaphore_mem>>)
            %dma_wait3A = arith.constant 0 : i32
            %dma_wait3A_32 = tpu.memref_slice %arg2[%select_n3A, %dma_wait3A] : memref<25000x64xf32, #tpu.memory_space<hbm>> -> memref<128x64xf32, #tpu.memory_space<hbm>>
            %dma_wait3A_33 = arith.constant 0 : i32
            %dma_wait3A_34 = tpu.memref_slice %arg2[%select_n3A, %dma_wait3A_33] : memref<25000x64xf32, #tpu.memory_space<hbm>> -> memref<128x64xf32, #tpu.memory_space<hbm>>
            tpu.wait_dma2 semaphore(%run_scoped3A : memref<!tpu.dma_semaphore, #tpu.memory_space<semaphore_mem>>) src(%dma_wait3A_34 : memref<128x64xf32, #tpu.memory_space<hbm>>) dst(%arg12 : memref<128x64xf32, #tpu.memory_space<vmem>>)
            tpu.yield
          }) : () -> ()
          "tpu.region"() ({
            %run_scoped3A = tpu.sem_alloc : memref<!tpu.dma_semaphore, #tpu.memory_space<semaphore_mem>>
            %dma_start3A = tpu.memref_slice %arg6[%select_n3A] : memref<25000xi32, #tpu.memory_space<hbm>> -> memref<128xi32, #tpu.memory_space<hbm>>
            %dma_start3A_29 = tpu.memref_slice %arg6[%select_n3A] : memref<25000xi32, #tpu.memory_space<hbm>> -> memref<128xi32, #tpu.memory_space<hbm>>
            tpu.enqueue_dma source(%dma_start3A_29 : memref<128xi32, #tpu.memory_space<hbm>>) target(%arg11 : memref<128xi32, #tpu.memory_space<vmem>>) target_semaphore(%run_scoped3A : memref<!tpu.dma_semaphore, #tpu.memory_space<semaphore_mem>>)
            %dma_wait3A = tpu.memref_slice %arg6[%select_n3A] : memref<25000xi32, #tpu.memory_space<hbm>> -> memref<128xi32, #tpu.memory_space<hbm>>
            %dma_wait3A_30 = tpu.memref_slice %arg6[%select_n3A] : memref<25000xi32, #tpu.memory_space<hbm>> -> memref<128xi32, #tpu.memory_space<hbm>>
            tpu.wait_dma2 semaphore(%run_scoped3A : memref<!tpu.dma_semaphore, #tpu.memory_space<semaphore_mem>>) src(%dma_wait3A_30 : memref<128xi32, #tpu.memory_space<hbm>>) dst(%arg11 : memref<128xi32, #tpu.memory_space<vmem>>)
            tpu.yield
          }) : () -> ()
          "tpu.region"() ({
            %run_scoped3A = tpu.sem_alloc : memref<!tpu.dma_semaphore, #tpu.memory_space<semaphore_mem>>
            %dma_start3A = arith.constant 0 : i32
            %dma_start3A_29 = arith.constant 0 : i32
            %dma_start3A_30 = tpu.memref_slice %arg9[%dma_start3A, %dma_start3A_29] : memref<25000x64xf32, #tpu.memory_space<vmem_shared>> -> memref<25000x64xf32, #tpu.memory_space<vmem_shared>>
            tpu.enqueue_indirect_dma source(%arg12 : memref<128x64xf32, #tpu.memory_space<vmem>>) target(%dma_start3A_30 : memref<25000x64xf32, #tpu.memory_space<vmem_shared>>) offsets(%arg11 : memref<128xi32, #tpu.memory_space<vmem>>) semaphore(%run_scoped3A : memref<!tpu.dma_semaphore, #tpu.memory_space<semaphore_mem>>)
            %dma_wait3A = arith.constant 0 : i32
            %dma_wait3A_31 = arith.constant 0 : i32
            %dma_wait3A_32 = tpu.memref_slice %arg9[%dma_wait3A, %dma_wait3A_31] : memref<25000x64xf32, #tpu.memory_space<vmem_shared>> -> memref<25000x64xf32, #tpu.memory_space<vmem_shared>>
            tpu.wait_indirect_dma semaphore(%run_scoped3A : memref<!tpu.dma_semaphore, #tpu.memory_space<semaphore_mem>>) src(%arg12 : memref<128x64xf32, #tpu.memory_space<vmem>>) dst(%dma_wait3A_32 : memref<25000x64xf32, #tpu.memory_space<vmem_shared>>)
            tpu.yield
          }) : () -> ()
        } else {
        }
      }
      %scan3A_12 = arith.constant 13 : i32
      %barrier3A = arith.constant 0 : index
      tpu.barrier barrier_id(%barrier3A)
      %scan3A_13 = arith.constant 0 : i32
      %scan3A_14 = arith.constant 0 : i32
      %scan3A_15 = arith.constant 10 : i32
      %scan3A_16 = arith.addi %scan3A_14, %scan3A_15 : i32
      %scan3A_17 = arith.constant 1 : i32
      scf.for %scan3A_19 = %scan3A_14 to %scan3A_16 step %scan3A_17  : i32 {
        %mul3A_20 = arith.constant 5000 : i32
        %mul3A_21 = arith.muli %scan3A_19, %mul3A_20 : i32
        %add3A = arith.addi %mul3A_0, %mul3A_21 : i32
        "tpu.region"() ({
          %run_scoped3A = tpu.sem_alloc : memref<!tpu.dma_semaphore, #tpu.memory_space<semaphore_mem>>
          %dma_start3A_116 = tpu.memref_slice %arg4[%add3A] : memref<800000xi32, #tpu.memory_space<hbm>> -> memref<5000xi32, #tpu.memory_space<hbm>>
          %dma_start3A_117 = tpu.memref_slice %arg4[%add3A] : memref<800000xi32, #tpu.memory_space<hbm>> -> memref<5000xi32, #tpu.memory_space<hbm>>
          tpu.enqueue_dma source(%dma_start3A_117 : memref<5000xi32, #tpu.memory_space<hbm>>) target(%arg10 : memref<5000xi32, #tpu.memory_space<vmem>>) target_semaphore(%run_scoped3A : memref<!tpu.dma_semaphore, #tpu.memory_space<semaphore_mem>>)
          %dma_wait3A_118 = tpu.memref_slice %arg4[%add3A] : memref<800000xi32, #tpu.memory_space<hbm>> -> memref<5000xi32, #tpu.memory_space<hbm>>
          %dma_wait3A_119 = tpu.memref_slice %arg4[%add3A] : memref<800000xi32, #tpu.memory_space<hbm>> -> memref<5000xi32, #tpu.memory_space<hbm>>
          tpu.wait_dma2 semaphore(%run_scoped3A : memref<!tpu.dma_semaphore, #tpu.memory_space<semaphore_mem>>) src(%dma_wait3A_119 : memref<5000xi32, #tpu.memory_space<hbm>>) dst(%arg10 : memref<5000xi32, #tpu.memory_space<vmem>>)
          tpu.yield
        }) : () -> ()
        %dma_start3A = arith.constant 0 : i32
        %dma_start3A_22 = arith.constant 0 : i32
        %dma_start3A_23 = tpu.memref_slice %arg10[%dma_start3A_22] : memref<5000xi32, #tpu.memory_space<vmem>> -> memref<128xi32, #tpu.memory_space<vmem>>
        %dma_start3A_24 = arith.constant 0 : i32
        %dma_start3A_25 = arith.constant 0 : i32
        %dma_start3A_26 = tpu.memref_slice %arg9[%dma_start3A_24, %dma_start3A_25] : memref<25000x64xf32, #tpu.memory_space<vmem_shared>> -> memref<25000x64xf32, #tpu.memory_space<vmem_shared>>
        %dma_start3A_27 = tpu.memref_slice %arg14[%dma_start3A] : memref<2x!tpu.dma_semaphore, #tpu.memory_space<semaphore_mem>> -> memref<1x!tpu.dma_semaphore, #tpu.memory_space<semaphore_mem>>
        %dma_start3A_28 = tpu.memref_squeeze %dma_start3A_27 : memref<1x!tpu.dma_semaphore, #tpu.memory_space<semaphore_mem>> -> memref<!tpu.dma_semaphore, #tpu.memory_space<semaphore_mem>>
        tpu.enqueue_indirect_dma source(%dma_start3A_26 : memref<25000x64xf32, #tpu.memory_space<vmem_shared>>) target(%arg12 : memref<128x64xf32, #tpu.memory_space<vmem>>) offsets(%dma_start3A_23 : memref<128xi32, #tpu.memory_space<vmem>>) semaphore(%dma_start3A_28 : memref<!tpu.dma_semaphore, #tpu.memory_space<semaphore_mem>>)
        %dma_start3A_29 = arith.constant 1 : i32
        %dma_start3A_30 = arith.constant 128 : i32
        %dma_start3A_31 = tpu.memref_slice %arg10[%dma_start3A_30] : memref<5000xi32, #tpu.memory_space<vmem>> -> memref<128xi32, #tpu.memory_space<vmem>>
        %dma_start3A_32 = arith.constant 0 : i32
        %dma_start3A_33 = arith.constant 0 : i32
        %dma_start3A_34 = tpu.memref_slice %arg9[%dma_start3A_32, %dma_start3A_33] : memref<25000x64xf32, #tpu.memory_space<vmem_shared>> -> memref<25000x64xf32, #tpu.memory_space<vmem_shared>>
        %dma_start3A_35 = tpu.memref_slice %arg14[%dma_start3A_29] : memref<2x!tpu.dma_semaphore, #tpu.memory_space<semaphore_mem>> -> memref<1x!tpu.dma_semaphore, #tpu.memory_space<semaphore_mem>>
        %dma_start3A_36 = tpu.memref_squeeze %dma_start3A_35 : memref<1x!tpu.dma_semaphore, #tpu.memory_space<semaphore_mem>> -> memref<!tpu.dma_semaphore, #tpu.memory_space<semaphore_mem>>
        tpu.enqueue_indirect_dma source(%dma_start3A_34 : memref<25000x64xf32, #tpu.memory_space<vmem_shared>>) target(%arg13 : memref<128x64xf32, #tpu.memory_space<vmem>>) offsets(%dma_start3A_31 : memref<128xi32, #tpu.memory_space<vmem>>) semaphore(%dma_start3A_36 : memref<!tpu.dma_semaphore, #tpu.memory_space<semaphore_mem>>)
        %scan3A_37 = arith.constant 0 : i32
        %scan3A_38 = arith.constant 0 : i32
        %scan3A_39 = arith.constant 19 : i32
        %scan3A_40 = arith.addi %scan3A_38, %scan3A_39 : i32
        %scan3A_41 = arith.constant 1 : i32
        scf.for %scan3A_116 = %scan3A_38 to %scan3A_40 step %scan3A_41  : i32 {
          %mul3A_117 = arith.constant 2 : i32
          %mul3A_118 = arith.muli %scan3A_116, %mul3A_117 : i32
          %add3A_119 = arith.constant 0 : i32
          %add3A_120 = arith.addi %mul3A_118, %add3A_119 : i32
          %mul3A_121 = arith.constant 128 : i32
          %mul3A_122 = arith.muli %add3A_120, %mul3A_121 : i32
          %dma_wait3A_123 = arith.constant 0 : i32
          %dma_wait3A_124 = tpu.memref_slice %arg10[%mul3A_122] : memref<5000xi32, #tpu.memory_space<vmem>> -> memref<128xi32, #tpu.memory_space<vmem>>
          %dma_wait3A_125 = arith.constant 0 : i32
          %dma_wait3A_126 = arith.constant 0 : i32
          %dma_wait3A_127 = tpu.memref_slice %arg9[%dma_wait3A_125, %dma_wait3A_126] : memref<25000x64xf32, #tpu.memory_space<vmem_shared>> -> memref<25000x64xf32, #tpu.memory_space<vmem_shared>>
          %dma_wait3A_128 = tpu.memref_slice %arg14[%dma_wait3A_123] : memref<2x!tpu.dma_semaphore, #tpu.memory_space<semaphore_mem>> -> memref<1x!tpu.dma_semaphore, #tpu.memory_space<semaphore_mem>>
          %dma_wait3A_129 = tpu.memref_squeeze %dma_wait3A_128 : memref<1x!tpu.dma_semaphore, #tpu.memory_space<semaphore_mem>> -> memref<!tpu.dma_semaphore, #tpu.memory_space<semaphore_mem>>
          tpu.wait_indirect_dma semaphore(%dma_wait3A_129 : memref<!tpu.dma_semaphore, #tpu.memory_space<semaphore_mem>>) src(%dma_wait3A_127 : memref<25000x64xf32, #tpu.memory_space<vmem_shared>>) dst(%arg12 : memref<128x64xf32, #tpu.memory_space<vmem>>)
          %mul3A_130 = arith.constant 128 : i32
          %mul3A_131 = arith.muli %add3A_120, %mul3A_130 : i32
          %add3A_132 = arith.addi %add3A, %mul3A_131 : i32
          %dma_start3A_133 = arith.constant 0 : i32
          %dma_start3A_134 = arith.constant 0 : i32
          %dma_start3A_135 = tpu.memref_slice %arg7[%add3A_132, %dma_start3A_134] : memref<800000x64xf32, #tpu.memory_space<hbm>> -> memref<128x64xf32, #tpu.memory_space<hbm>>
          %dma_start3A_136 = tpu.memref_slice %arg15[%dma_start3A_133] : memref<2x!tpu.dma_semaphore, #tpu.memory_space<semaphore_mem>> -> memref<1x!tpu.dma_semaphore, #tpu.memory_space<semaphore_mem>>
          %dma_start3A_137 = tpu.memref_squeeze %dma_start3A_136 : memref<1x!tpu.dma_semaphore, #tpu.memory_space<semaphore_mem>> -> memref<!tpu.dma_semaphore, #tpu.memory_space<semaphore_mem>>
          %dma_start3A_138 = arith.constant 0 : i32
          %dma_start3A_139 = tpu.memref_slice %arg7[%add3A_132, %dma_start3A_138] : memref<800000x64xf32, #tpu.memory_space<hbm>> -> memref<128x64xf32, #tpu.memory_space<hbm>>
          tpu.enqueue_dma source(%arg12 : memref<128x64xf32, #tpu.memory_space<vmem>>) target(%dma_start3A_139 : memref<128x64xf32, #tpu.memory_space<hbm>>) target_semaphore(%dma_start3A_137 : memref<!tpu.dma_semaphore, #tpu.memory_space<semaphore_mem>>)
          %dma_wait3A_140 = arith.constant 0 : i32
          %dma_wait3A_141 = arith.constant 0 : i32
          %dma_wait3A_142 = tpu.memref_slice %arg7[%add3A_132, %dma_wait3A_141] : memref<800000x64xf32, #tpu.memory_space<hbm>> -> memref<128x64xf32, #tpu.memory_space<hbm>>
          %dma_wait3A_143 = tpu.memref_slice %arg15[%dma_wait3A_140] : memref<2x!tpu.dma_semaphore, #tpu.memory_space<semaphore_mem>> -> memref<1x!tpu.dma_semaphore, #tpu.memory_space<semaphore_mem>>
          %dma_wait3A_144 = tpu.memref_squeeze %dma_wait3A_143 : memref<1x!tpu.dma_semaphore, #tpu.memory_space<semaphore_mem>> -> memref<!tpu.dma_semaphore, #tpu.memory_space<semaphore_mem>>
          %dma_wait3A_145 = arith.constant 0 : i32
          %dma_wait3A_146 = tpu.memref_slice %arg7[%add3A_132, %dma_wait3A_145] : memref<800000x64xf32, #tpu.memory_space<hbm>> -> memref<128x64xf32, #tpu.memory_space<hbm>>
          tpu.wait_dma2 semaphore(%dma_wait3A_144 : memref<!tpu.dma_semaphore, #tpu.memory_space<semaphore_mem>>) src(%arg12 : memref<128x64xf32, #tpu.memory_space<vmem>>) dst(%dma_wait3A_146 : memref<128x64xf32, #tpu.memory_space<hbm>>)
          %add3A_147 = arith.constant 2 : i32
          %add3A_148 = arith.addi %add3A_120, %add3A_147 : i32
          %lt3A = arith.constant 39 : i32
          %lt3A_149 = arith.cmpi slt, %add3A_148, %lt3A : i32
          %convert_element_type3A_150 = arith.extui %lt3A_149 : i1 to i32
          %cond3A_151 = arith.constant 0 : i32
          %cond3A_152 = arith.cmpi ne, %convert_element_type3A_150, %cond3A_151 : i32
          scf.if %cond3A_152 {
            %add3A_190 = arith.constant 2 : i32
            %add3A_191 = arith.addi %add3A_120, %add3A_190 : i32
            %mul3A_192 = arith.constant 128 : i32
            %mul3A_193 = arith.muli %add3A_191, %mul3A_192 : i32
            %dma_start3A_194 = arith.constant 0 : i32
            %dma_start3A_195 = tpu.memref_slice %arg10[%mul3A_193] : memref<5000xi32, #tpu.memory_space<vmem>> -> memref<128xi32, #tpu.memory_space<vmem>>
            %dma_start3A_196 = arith.constant 0 : i32
            %dma_start3A_197 = arith.constant 0 : i32
            %dma_start3A_198 = tpu.memref_slice %arg9[%dma_start3A_196, %dma_start3A_197] : memref<25000x64xf32, #tpu.memory_space<vmem_shared>> -> memref<25000x64xf32, #tpu.memory_space<vmem_shared>>
            %dma_start3A_199 = tpu.memref_slice %arg14[%dma_start3A_194] : memref<2x!tpu.dma_semaphore, #tpu.memory_space<semaphore_mem>> -> memref<1x!tpu.dma_semaphore, #tpu.memory_space<semaphore_mem>>
            %dma_start3A_200 = tpu.memref_squeeze %dma_start3A_199 : memref<1x!tpu.dma_semaphore, #tpu.memory_space<semaphore_mem>> -> memref<!tpu.dma_semaphore, #tpu.memory_space<semaphore_mem>>
            tpu.enqueue_indirect_dma source(%dma_start3A_198 : memref<25000x64xf32, #tpu.memory_space<vmem_shared>>) target(%arg12 : memref<128x64xf32, #tpu.memory_space<vmem>>) offsets(%dma_start3A_195 : memref<128xi32, #tpu.memory_space<vmem>>) semaphore(%dma_start3A_200 : memref<!tpu.dma_semaphore, #tpu.memory_space<semaphore_mem>>)
          } else {
          }
          %mul3A_153 = arith.constant 2 : i32
          %mul3A_154 = arith.muli %scan3A_116, %mul3A_153 : i32
          %add3A_155 = arith.constant 1 : i32
          %add3A_156 = arith.addi %mul3A_154, %add3A_155 : i32
          %mul3A_157 = arith.constant 128 : i32
          %mul3A_158 = arith.muli %add3A_156, %mul3A_157 : i32
          %dma_wait3A_159 = arith.constant 1 : i32
          %dma_wait3A_160 = tpu.memref_slice %arg10[%mul3A_158] : memref<5000xi32, #tpu.memory_space<vmem>> -> memref<128xi32, #tpu.memory_space<vmem>>
          %dma_wait3A_161 = arith.constant 0 : i32
          %dma_wait3A_162 = arith.constant 0 : i32
          %dma_wait3A_163 = tpu.memref_slice %arg9[%dma_wait3A_161, %dma_wait3A_162] : memref<25000x64xf32, #tpu.memory_space<vmem_shared>> -> memref<25000x64xf32, #tpu.memory_space<vmem_shared>>
          %dma_wait3A_164 = tpu.memref_slice %arg14[%dma_wait3A_159] : memref<2x!tpu.dma_semaphore, #tpu.memory_space<semaphore_mem>> -> memref<1x!tpu.dma_semaphore, #tpu.memory_space<semaphore_mem>>
          %dma_wait3A_165 = tpu.memref_squeeze %dma_wait3A_164 : memref<1x!tpu.dma_semaphore, #tpu.memory_space<semaphore_mem>> -> memref<!tpu.dma_semaphore, #tpu.memory_space<semaphore_mem>>
          tpu.wait_indirect_dma semaphore(%dma_wait3A_165 : memref<!tpu.dma_semaphore, #tpu.memory_space<semaphore_mem>>) src(%dma_wait3A_163 : memref<25000x64xf32, #tpu.memory_space<vmem_shared>>) dst(%arg13 : memref<128x64xf32, #tpu.memory_space<vmem>>)
          %mul3A_166 = arith.constant 128 : i32
          %mul3A_167 = arith.muli %add3A_156, %mul3A_166 : i32
          %add3A_168 = arith.addi %add3A, %mul3A_167 : i32
          %dma_start3A_169 = arith.constant 1 : i32
          %dma_start3A_170 = arith.constant 0 : i32
          %dma_start3A_171 = tpu.memref_slice %arg7[%add3A_168, %dma_start3A_170] : memref<800000x64xf32, #tpu.memory_space<hbm>> -> memref<128x64xf32, #tpu.memory_space<hbm>>
          %dma_start3A_172 = tpu.memref_slice %arg15[%dma_start3A_169] : memref<2x!tpu.dma_semaphore, #tpu.memory_space<semaphore_mem>> -> memref<1x!tpu.dma_semaphore, #tpu.memory_space<semaphore_mem>>
          %dma_start3A_173 = tpu.memref_squeeze %dma_start3A_172 : memref<1x!tpu.dma_semaphore, #tpu.memory_space<semaphore_mem>> -> memref<!tpu.dma_semaphore, #tpu.memory_space<semaphore_mem>>
          %dma_start3A_174 = arith.constant 0 : i32
          %dma_start3A_175 = tpu.memref_slice %arg7[%add3A_168, %dma_start3A_174] : memref<800000x64xf32, #tpu.memory_space<hbm>> -> memref<128x64xf32, #tpu.memory_space<hbm>>
          tpu.enqueue_dma source(%arg13 : memref<128x64xf32, #tpu.memory_space<vmem>>) target(%dma_start3A_175 : memref<128x64xf32, #tpu.memory_space<hbm>>) target_semaphore(%dma_start3A_173 : memref<!tpu.dma_semaphore, #tpu.memory_space<semaphore_mem>>)
          %dma_wait3A_176 = arith.constant 1 : i32
          %dma_wait3A_177 = arith.constant 0 : i32
          %dma_wait3A_178 = tpu.memref_slice %arg7[%add3A_168, %dma_wait3A_177] : memref<800000x64xf32, #tpu.memory_space<hbm>> -> memref<128x64xf32, #tpu.memory_space<hbm>>
          %dma_wait3A_179 = tpu.memref_slice %arg15[%dma_wait3A_176] : memref<2x!tpu.dma_semaphore, #tpu.memory_space<semaphore_mem>> -> memref<1x!tpu.dma_semaphore, #tpu.memory_space<semaphore_mem>>
          %dma_wait3A_180 = tpu.memref_squeeze %dma_wait3A_179 : memref<1x!tpu.dma_semaphore, #tpu.memory_space<semaphore_mem>> -> memref<!tpu.dma_semaphore, #tpu.memory_space<semaphore_mem>>
          %dma_wait3A_181 = arith.constant 0 : i32
          %dma_wait3A_182 = tpu.memref_slice %arg7[%add3A_168, %dma_wait3A_181] : memref<800000x64xf32, #tpu.memory_space<hbm>> -> memref<128x64xf32, #tpu.memory_space<hbm>>
          tpu.wait_dma2 semaphore(%dma_wait3A_180 : memref<!tpu.dma_semaphore, #tpu.memory_space<semaphore_mem>>) src(%arg13 : memref<128x64xf32, #tpu.memory_space<vmem>>) dst(%dma_wait3A_182 : memref<128x64xf32, #tpu.memory_space<hbm>>)
          %add3A_183 = arith.constant 2 : i32
          %add3A_184 = arith.addi %add3A_156, %add3A_183 : i32
          %lt3A_185 = arith.constant 39 : i32
          %lt3A_186 = arith.cmpi slt, %add3A_184, %lt3A_185 : i32
          %convert_element_type3A_187 = arith.extui %lt3A_186 : i1 to i32
          %cond3A_188 = arith.constant 0 : i32
          %cond3A_189 = arith.cmpi ne, %convert_element_type3A_187, %cond3A_188 : i32
          scf.if %cond3A_189 {
            %add3A_190 = arith.constant 2 : i32
            %add3A_191 = arith.addi %add3A_156, %add3A_190 : i32
            %mul3A_192 = arith.constant 128 : i32
            %mul3A_193 = arith.muli %add3A_191, %mul3A_192 : i32
            %dma_start3A_194 = arith.constant 1 : i32
            %dma_start3A_195 = tpu.memref_slice %arg10[%mul3A_193] : memref<5000xi32, #tpu.memory_space<vmem>> -> memref<128xi32, #tpu.memory_space<vmem>>
            %dma_start3A_196 = arith.constant 0 : i32
            %dma_start3A_197 = arith.constant 0 : i32
            %dma_start3A_198 = tpu.memref_slice %arg9[%dma_start3A_196, %dma_start3A_197] : memref<25000x64xf32, #tpu.memory_space<vmem_shared>> -> memref<25000x64xf32, #tpu.memory_space<vmem_shared>>
            %dma_start3A_199 = tpu.memref_slice %arg14[%dma_start3A_194] : memref<2x!tpu.dma_semaphore, #tpu.memory_space<semaphore_mem>> -> memref<1x!tpu.dma_semaphore, #tpu.memory_space<semaphore_mem>>
            %dma_start3A_200 = tpu.memref_squeeze %dma_start3A_199 : memref<1x!tpu.dma_semaphore, #tpu.memory_space<semaphore_mem>> -> memref<!tpu.dma_semaphore, #tpu.memory_space<semaphore_mem>>
            tpu.enqueue_indirect_dma source(%dma_start3A_198 : memref<25000x64xf32, #tpu.memory_space<vmem_shared>>) target(%arg13 : memref<128x64xf32, #tpu.memory_space<vmem>>) offsets(%dma_start3A_195 : memref<128xi32, #tpu.memory_space<vmem>>) semaphore(%dma_start3A_200 : memref<!tpu.dma_semaphore, #tpu.memory_space<semaphore_mem>>)
          } else {
          }
        }
        %scan3A_42 = arith.constant 19 : i32
        %dma_wait3A = arith.constant 0 : i32
        %dma_wait3A_43 = arith.constant 4864 : i32
        %dma_wait3A_44 = tpu.memref_slice %arg10[%dma_wait3A_43] : memref<5000xi32, #tpu.memory_space<vmem>> -> memref<128xi32, #tpu.memory_space<vmem>>
        %dma_wait3A_45 = arith.constant 0 : i32
        %dma_wait3A_46 = arith.constant 0 : i32
        %dma_wait3A_47 = tpu.memref_slice %arg9[%dma_wait3A_45, %dma_wait3A_46] : memref<25000x64xf32, #tpu.memory_space<vmem_shared>> -> memref<25000x64xf32, #tpu.memory_space<vmem_shared>>
        %dma_wait3A_48 = tpu.memref_slice %arg14[%dma_wait3A] : memref<2x!tpu.dma_semaphore, #tpu.memory_space<semaphore_mem>> -> memref<1x!tpu.dma_semaphore, #tpu.memory_space<semaphore_mem>>
        %dma_wait3A_49 = tpu.memref_squeeze %dma_wait3A_48 : memref<1x!tpu.dma_semaphore, #tpu.memory_space<semaphore_mem>> -> memref<!tpu.dma_semaphore, #tpu.memory_space<semaphore_mem>>
        tpu.wait_indirect_dma semaphore(%dma_wait3A_49 : memref<!tpu.dma_semaphore, #tpu.memory_space<semaphore_mem>>) src(%dma_wait3A_47 : memref<25000x64xf32, #tpu.memory_space<vmem_shared>>) dst(%arg12 : memref<128x64xf32, #tpu.memory_space<vmem>>)
        %add3A_50 = arith.constant 4864 : i32
        %add3A_51 = arith.addi %add3A, %add3A_50 : i32
        %dma_start3A_52 = arith.constant 0 : i32
        %dma_start3A_53 = arith.constant 0 : i32
        %dma_start3A_54 = tpu.memref_slice %arg7[%add3A_51, %dma_start3A_53] : memref<800000x64xf32, #tpu.memory_space<hbm>> -> memref<128x64xf32, #tpu.memory_space<hbm>>
        %dma_start3A_55 = tpu.memref_slice %arg15[%dma_start3A_52] : memref<2x!tpu.dma_semaphore, #tpu.memory_space<semaphore_mem>> -> memref<1x!tpu.dma_semaphore, #tpu.memory_space<semaphore_mem>>
        %dma_start3A_56 = tpu.memref_squeeze %dma_start3A_55 : memref<1x!tpu.dma_semaphore, #tpu.memory_space<semaphore_mem>> -> memref<!tpu.dma_semaphore, #tpu.memory_space<semaphore_mem>>
        %dma_start3A_57 = arith.constant 0 : i32
        %dma_start3A_58 = tpu.memref_slice %arg7[%add3A_51, %dma_start3A_57] : memref<800000x64xf32, #tpu.memory_space<hbm>> -> memref<128x64xf32, #tpu.memory_space<hbm>>
        tpu.enqueue_dma source(%arg12 : memref<128x64xf32, #tpu.memory_space<vmem>>) target(%dma_start3A_58 : memref<128x64xf32, #tpu.memory_space<hbm>>) target_semaphore(%dma_start3A_56 : memref<!tpu.dma_semaphore, #tpu.memory_space<semaphore_mem>>)
        %dma_wait3A_59 = arith.constant 0 : i32
        %dma_wait3A_60 = arith.constant 0 : i32
        %dma_wait3A_61 = tpu.memref_slice %arg7[%add3A_51, %dma_wait3A_60] : memref<800000x64xf32, #tpu.memory_space<hbm>> -> memref<128x64xf32, #tpu.memory_space<hbm>>
        %dma_wait3A_62 = tpu.memref_slice %arg15[%dma_wait3A_59] : memref<2x!tpu.dma_semaphore, #tpu.memory_space<semaphore_mem>> -> memref<1x!tpu.dma_semaphore, #tpu.memory_space<semaphore_mem>>
        %dma_wait3A_63 = tpu.memref_squeeze %dma_wait3A_62 : memref<1x!tpu.dma_semaphore, #tpu.memory_space<semaphore_mem>> -> memref<!tpu.dma_semaphore, #tpu.memory_space<semaphore_mem>>
        %dma_wait3A_64 = arith.constant 0 : i32
        %dma_wait3A_65 = tpu.memref_slice %arg7[%add3A_51, %dma_wait3A_64] : memref<800000x64xf32, #tpu.memory_space<hbm>> -> memref<128x64xf32, #tpu.memory_space<hbm>>
        tpu.wait_dma2 semaphore(%dma_wait3A_63 : memref<!tpu.dma_semaphore, #tpu.memory_space<semaphore_mem>>) src(%arg12 : memref<128x64xf32, #tpu.memory_space<vmem>>) dst(%dma_wait3A_65 : memref<128x64xf32, #tpu.memory_space<hbm>>)
        %dma_start3A_66 = arith.constant 0 : i32
        %dma_start3A_67 = arith.constant 0 : i32
        %dma_start3A_68 = arith.constant 0 : i32
        %dma_start3A_69 = tpu.memref_slice %arg12[%dma_start3A_67, %dma_start3A_68] : memref<128x64xf32, #tpu.memory_space<vmem>> -> memref<8x64xf32, #tpu.memory_space<vmem>>
        %dma_start3A_70 = arith.constant 4992 : i32
        %dma_start3A_71 = tpu.memref_slice %arg10[%dma_start3A_70] : memref<5000xi32, #tpu.memory_space<vmem>> -> memref<8xi32, #tpu.memory_space<vmem>>
        %dma_start3A_72 = arith.constant 0 : i32
        %dma_start3A_73 = arith.constant 0 : i32
        %dma_start3A_74 = tpu.memref_slice %arg9[%dma_start3A_72, %dma_start3A_73] : memref<25000x64xf32, #tpu.memory_space<vmem_shared>> -> memref<25000x64xf32, #tpu.memory_space<vmem_shared>>
        %dma_start3A_75 = tpu.memref_slice %arg14[%dma_start3A_66] : memref<2x!tpu.dma_semaphore, #tpu.memory_space<semaphore_mem>> -> memref<1x!tpu.dma_semaphore, #tpu.memory_space<semaphore_mem>>
        %dma_start3A_76 = tpu.memref_squeeze %dma_start3A_75 : memref<1x!tpu.dma_semaphore, #tpu.memory_space<semaphore_mem>> -> memref<!tpu.dma_semaphore, #tpu.memory_space<semaphore_mem>>
        tpu.enqueue_indirect_dma source(%dma_start3A_74 : memref<25000x64xf32, #tpu.memory_space<vmem_shared>>) target(%dma_start3A_69 : memref<8x64xf32, #tpu.memory_space<vmem>>) offsets(%dma_start3A_71 : memref<8xi32, #tpu.memory_space<vmem>>) semaphore(%dma_start3A_76 : memref<!tpu.dma_semaphore, #tpu.memory_space<semaphore_mem>>)
        %dma_wait3A_77 = arith.constant 0 : i32
        %dma_wait3A_78 = arith.constant 0 : i32
        %dma_wait3A_79 = arith.constant 0 : i32
        %dma_wait3A_80 = tpu.memref_slice %arg12[%dma_wait3A_78, %dma_wait3A_79] : memref<128x64xf32, #tpu.memory_space<vmem>> -> memref<8x64xf32, #tpu.memory_space<vmem>>
        %dma_wait3A_81 = arith.constant 4992 : i32
        %dma_wait3A_82 = tpu.memref_slice %arg10[%dma_wait3A_81] : memref<5000xi32, #tpu.memory_space<vmem>> -> memref<8xi32, #tpu.memory_space<vmem>>
        %dma_wait3A_83 = arith.constant 0 : i32
        %dma_wait3A_84 = arith.constant 0 : i32
        %dma_wait3A_85 = tpu.memref_slice %arg9[%dma_wait3A_83, %dma_wait3A_84] : memref<25000x64xf32, #tpu.memory_space<vmem_shared>> -> memref<25000x64xf32, #tpu.memory_space<vmem_shared>>
        %dma_wait3A_86 = tpu.memref_slice %arg14[%dma_wait3A_77] : memref<2x!tpu.dma_semaphore, #tpu.memory_space<semaphore_mem>> -> memref<1x!tpu.dma_semaphore, #tpu.memory_space<semaphore_mem>>
        %dma_wait3A_87 = tpu.memref_squeeze %dma_wait3A_86 : memref<1x!tpu.dma_semaphore, #tpu.memory_space<semaphore_mem>> -> memref<!tpu.dma_semaphore, #tpu.memory_space<semaphore_mem>>
        tpu.wait_indirect_dma semaphore(%dma_wait3A_87 : memref<!tpu.dma_semaphore, #tpu.memory_space<semaphore_mem>>) src(%dma_wait3A_85 : memref<25000x64xf32, #tpu.memory_space<vmem_shared>>) dst(%dma_wait3A_80 : memref<8x64xf32, #tpu.memory_space<vmem>>)
        %add3A_88 = arith.constant 4992 : i32
        %add3A_89 = arith.addi %add3A, %add3A_88 : i32
        %dma_start3A_90 = arith.constant 0 : i32
        %dma_start3A_91 = arith.constant 0 : i32
        %dma_start3A_92 = arith.constant 0 : i32
        %dma_start3A_93 = tpu.memref_slice %arg12[%dma_start3A_91, %dma_start3A_92] : memref<128x64xf32, #tpu.memory_space<vmem>> -> memref<8x64xf32, #tpu.memory_space<vmem>>
        %dma_start3A_94 = arith.constant 0 : i32
        %dma_start3A_95 = tpu.memref_slice %arg7[%add3A_89, %dma_start3A_94] : memref<800000x64xf32, #tpu.memory_space<hbm>> -> memref<8x64xf32, #tpu.memory_space<hbm>>
        %dma_start3A_96 = tpu.memref_slice %arg15[%dma_start3A_90] : memref<2x!tpu.dma_semaphore, #tpu.memory_space<semaphore_mem>> -> memref<1x!tpu.dma_semaphore, #tpu.memory_space<semaphore_mem>>
        %dma_start3A_97 = tpu.memref_squeeze %dma_start3A_96 : memref<1x!tpu.dma_semaphore, #tpu.memory_space<semaphore_mem>> -> memref<!tpu.dma_semaphore, #tpu.memory_space<semaphore_mem>>
        %dma_start3A_98 = arith.constant 0 : i32
        %dma_start3A_99 = tpu.memref_slice %arg7[%add3A_89, %dma_start3A_98] : memref<800000x64xf32, #tpu.memory_space<hbm>> -> memref<8x64xf32, #tpu.memory_space<hbm>>
        %dma_start3A_100 = arith.constant 0 : i32
        %dma_start3A_101 = arith.constant 0 : i32
        %dma_start3A_102 = tpu.memref_slice %arg12[%dma_start3A_100, %dma_start3A_101] : memref<128x64xf32, #tpu.memory_space<vmem>> -> memref<8x64xf32, #tpu.memory_space<vmem>>
        tpu.enqueue_dma source(%dma_start3A_102 : memref<8x64xf32, #tpu.memory_space<vmem>>) target(%dma_start3A_99 : memref<8x64xf32, #tpu.memory_space<hbm>>) target_semaphore(%dma_start3A_97 : memref<!tpu.dma_semaphore, #tpu.memory_space<semaphore_mem>>)
        %dma_wait3A_103 = arith.constant 0 : i32
        %dma_wait3A_104 = arith.constant 0 : i32
        %dma_wait3A_105 = arith.constant 0 : i32
        %dma_wait3A_106 = tpu.memref_slice %arg12[%dma_wait3A_104, %dma_wait3A_105] : memref<128x64xf32, #tpu.memory_space<vmem>> -> memref<8x64xf32, #tpu.memory_space<vmem>>
        %dma_wait3A_107 = arith.constant 0 : i32
        %dma_wait3A_108 = tpu.memref_slice %arg7[%add3A_89, %dma_wait3A_107] : memref<800000x64xf32, #tpu.memory_space<hbm>> -> memref<8x64xf32, #tpu.memory_space<hbm>>
        %dma_wait3A_109 = tpu.memref_slice %arg15[%dma_wait3A_103] : memref<2x!tpu.dma_semaphore, #tpu.memory_space<semaphore_mem>> -> memref<1x!tpu.dma_semaphore, #tpu.memory_space<semaphore_mem>>
        %dma_wait3A_110 = tpu.memref_squeeze %dma_wait3A_109 : memref<1x!tpu.dma_semaphore, #tpu.memory_space<semaphore_mem>> -> memref<!tpu.dma_semaphore, #tpu.memory_space<semaphore_mem>>
        %dma_wait3A_111 = arith.constant 0 : i32
        %dma_wait3A_112 = tpu.memref_slice %arg7[%add3A_89, %dma_wait3A_111] : memref<800000x64xf32, #tpu.memory_space<hbm>> -> memref<8x64xf32, #tpu.memory_space<hbm>>
        %dma_wait3A_113 = arith.constant 0 : i32
        %dma_wait3A_114 = arith.constant 0 : i32
        %dma_wait3A_115 = tpu.memref_slice %arg12[%dma_wait3A_113, %dma_wait3A_114] : memref<128x64xf32, #tpu.memory_space<vmem>> -> memref<8x64xf32, #tpu.memory_space<vmem>>
        tpu.wait_dma2 semaphore(%dma_wait3A_110 : memref<!tpu.dma_semaphore, #tpu.memory_space<semaphore_mem>>) src(%dma_wait3A_115 : memref<8x64xf32, #tpu.memory_space<vmem>>) dst(%dma_wait3A_112 : memref<8x64xf32, #tpu.memory_space<hbm>>)
      }
      %scan3A_18 = arith.constant 10 : i32
    } else {
    }
    %eq3A_3 = arith.constant 1 : i32
    %eq3A_4 = arith.cmpi eq, %arg0, %eq3A_3 : i32
    %convert_element_type3A_5 = arith.extui %eq3A_4 : i1 to i32
    %cond3A_6 = arith.constant 0 : i32
    %cond3A_7 = arith.cmpi ne, %convert_element_type3A_5, %cond3A_6 : i32
    scf.if %cond3A_7 {
      %scan3A = arith.constant 0 : i32
      %scan3A_8 = arith.constant 0 : i32
      %scan3A_9 = arith.constant 13 : i32
      %scan3A_10 = arith.addi %scan3A_8, %scan3A_9 : i32
      %scan3A_11 = arith.constant 1 : i32
      scf.for %scan3A_19 = %scan3A_8 to %scan3A_10 step %scan3A_11  : i32 {
        %mul3A_20 = arith.constant 16 : i32
        %mul3A_21 = arith.muli %scan3A_19, %mul3A_20 : i32
        %add3A = arith.addi %arg1, %mul3A_21 : i32
        %le3A = arith.constant 195 : i32
        %le3A_22 = arith.cmpi sle, %add3A, %le3A : i32
        %convert_element_type3A_23 = arith.extui %le3A_22 : i1 to i32
        %cond3A_24 = arith.constant 0 : i32
        %cond3A_25 = arith.cmpi ne, %convert_element_type3A_23, %cond3A_24 : i32
        scf.if %cond3A_25 {
          %lt3A = arith.constant 195 : i32
          %lt3A_26 = arith.cmpi slt, %add3A, %lt3A : i32
          %mul3A_27 = arith.constant 128 : i32
          %mul3A_28 = arith.muli %add3A, %mul3A_27 : i32
          %jit3A = arith.constant 24872 : i32
          %select_n3A = arith.select %lt3A_26, %mul3A_28, %jit3A : i32
          "tpu.region"() ({
            %run_scoped3A = tpu.sem_alloc : memref<!tpu.dma_semaphore, #tpu.memory_space<semaphore_mem>>
            %dma_start3A = arith.constant 0 : i32
            %dma_start3A_29 = tpu.memref_slice %arg3[%select_n3A, %dma_start3A] : memref<25000x64xf32, #tpu.memory_space<hbm>> -> memref<128x64xf32, #tpu.memory_space<hbm>>
            %dma_start3A_30 = arith.constant 0 : i32
            %dma_start3A_31 = tpu.memref_slice %arg3[%select_n3A, %dma_start3A_30] : memref<25000x64xf32, #tpu.memory_space<hbm>> -> memref<128x64xf32, #tpu.memory_space<hbm>>
            tpu.enqueue_dma source(%dma_start3A_31 : memref<128x64xf32, #tpu.memory_space<hbm>>) target(%arg12 : memref<128x64xf32, #tpu.memory_space<vmem>>) target_semaphore(%run_scoped3A : memref<!tpu.dma_semaphore, #tpu.memory_space<semaphore_mem>>)
            %dma_wait3A = arith.constant 0 : i32
            %dma_wait3A_32 = tpu.memref_slice %arg3[%select_n3A, %dma_wait3A] : memref<25000x64xf32, #tpu.memory_space<hbm>> -> memref<128x64xf32, #tpu.memory_space<hbm>>
            %dma_wait3A_33 = arith.constant 0 : i32
            %dma_wait3A_34 = tpu.memref_slice %arg3[%select_n3A, %dma_wait3A_33] : memref<25000x64xf32, #tpu.memory_space<hbm>> -> memref<128x64xf32, #tpu.memory_space<hbm>>
            tpu.wait_dma2 semaphore(%run_scoped3A : memref<!tpu.dma_semaphore, #tpu.memory_space<semaphore_mem>>) src(%dma_wait3A_34 : memref<128x64xf32, #tpu.memory_space<hbm>>) dst(%arg12 : memref<128x64xf32, #tpu.memory_space<vmem>>)
            tpu.yield
          }) : () -> ()
          "tpu.region"() ({
            %run_scoped3A = tpu.sem_alloc : memref<!tpu.dma_semaphore, #tpu.memory_space<semaphore_mem>>
            %dma_start3A = tpu.memref_slice %arg6[%select_n3A] : memref<25000xi32, #tpu.memory_space<hbm>> -> memref<128xi32, #tpu.memory_space<hbm>>
            %dma_start3A_29 = tpu.memref_slice %arg6[%select_n3A] : memref<25000xi32, #tpu.memory_space<hbm>> -> memref<128xi32, #tpu.memory_space<hbm>>
            tpu.enqueue_dma source(%dma_start3A_29 : memref<128xi32, #tpu.memory_space<hbm>>) target(%arg11 : memref<128xi32, #tpu.memory_space<vmem>>) target_semaphore(%run_scoped3A : memref<!tpu.dma_semaphore, #tpu.memory_space<semaphore_mem>>)
            %dma_wait3A = tpu.memref_slice %arg6[%select_n3A] : memref<25000xi32, #tpu.memory_space<hbm>> -> memref<128xi32, #tpu.memory_space<hbm>>
            %dma_wait3A_30 = tpu.memref_slice %arg6[%select_n3A] : memref<25000xi32, #tpu.memory_space<hbm>> -> memref<128xi32, #tpu.memory_space<hbm>>
            tpu.wait_dma2 semaphore(%run_scoped3A : memref<!tpu.dma_semaphore, #tpu.memory_space<semaphore_mem>>) src(%dma_wait3A_30 : memref<128xi32, #tpu.memory_space<hbm>>) dst(%arg11 : memref<128xi32, #tpu.memory_space<vmem>>)
            tpu.yield
          }) : () -> ()
          "tpu.region"() ({
            %run_scoped3A = tpu.sem_alloc : memref<!tpu.dma_semaphore, #tpu.memory_space<semaphore_mem>>
            %dma_start3A = arith.constant 0 : i32
            %dma_start3A_29 = arith.constant 0 : i32
            %dma_start3A_30 = tpu.memref_slice %arg9[%dma_start3A, %dma_start3A_29] : memref<25000x64xf32, #tpu.memory_space<vmem_shared>> -> memref<25000x64xf32, #tpu.memory_space<vmem_shared>>
            tpu.enqueue_indirect_dma source(%arg12 : memref<128x64xf32, #tpu.memory_space<vmem>>) target(%dma_start3A_30 : memref<25000x64xf32, #tpu.memory_space<vmem_shared>>) offsets(%arg11 : memref<128xi32, #tpu.memory_space<vmem>>) semaphore(%run_scoped3A : memref<!tpu.dma_semaphore, #tpu.memory_space<semaphore_mem>>)
            %dma_wait3A = arith.constant 0 : i32
            %dma_wait3A_31 = arith.constant 0 : i32
            %dma_wait3A_32 = tpu.memref_slice %arg9[%dma_wait3A, %dma_wait3A_31] : memref<25000x64xf32, #tpu.memory_space<vmem_shared>> -> memref<25000x64xf32, #tpu.memory_space<vmem_shared>>
            tpu.wait_indirect_dma semaphore(%run_scoped3A : memref<!tpu.dma_semaphore, #tpu.memory_space<semaphore_mem>>) src(%arg12 : memref<128x64xf32, #tpu.memory_space<vmem>>) dst(%dma_wait3A_32 : memref<25000x64xf32, #tpu.memory_space<vmem_shared>>)
            tpu.yield
          }) : () -> ()
        } else {
        }
      }
      %scan3A_12 = arith.constant 13 : i32
      %barrier3A = arith.constant 0 : index
      tpu.barrier barrier_id(%barrier3A)
      %scan3A_13 = arith.constant 0 : i32
      %scan3A_14 = arith.constant 0 : i32
      %scan3A_15 = arith.constant 10 : i32
      %scan3A_16 = arith.addi %scan3A_14, %scan3A_15 : i32
      %scan3A_17 = arith.constant 1 : i32
      scf.for %scan3A_19 = %scan3A_14 to %scan3A_16 step %scan3A_17  : i32 {
        %mul3A_20 = arith.constant 5000 : i32
        %mul3A_21 = arith.muli %scan3A_19, %mul3A_20 : i32
        %add3A = arith.addi %mul3A_0, %mul3A_21 : i32
        "tpu.region"() ({
          %run_scoped3A = tpu.sem_alloc : memref<!tpu.dma_semaphore, #tpu.memory_space<semaphore_mem>>
          %dma_start3A_116 = tpu.memref_slice %arg5[%add3A] : memref<800000xi32, #tpu.memory_space<hbm>> -> memref<5000xi32, #tpu.memory_space<hbm>>
          %dma_start3A_117 = tpu.memref_slice %arg5[%add3A] : memref<800000xi32, #tpu.memory_space<hbm>> -> memref<5000xi32, #tpu.memory_space<hbm>>
          tpu.enqueue_dma source(%dma_start3A_117 : memref<5000xi32, #tpu.memory_space<hbm>>) target(%arg10 : memref<5000xi32, #tpu.memory_space<vmem>>) target_semaphore(%run_scoped3A : memref<!tpu.dma_semaphore, #tpu.memory_space<semaphore_mem>>)
          %dma_wait3A_118 = tpu.memref_slice %arg5[%add3A] : memref<800000xi32, #tpu.memory_space<hbm>> -> memref<5000xi32, #tpu.memory_space<hbm>>
          %dma_wait3A_119 = tpu.memref_slice %arg5[%add3A] : memref<800000xi32, #tpu.memory_space<hbm>> -> memref<5000xi32, #tpu.memory_space<hbm>>
          tpu.wait_dma2 semaphore(%run_scoped3A : memref<!tpu.dma_semaphore, #tpu.memory_space<semaphore_mem>>) src(%dma_wait3A_119 : memref<5000xi32, #tpu.memory_space<hbm>>) dst(%arg10 : memref<5000xi32, #tpu.memory_space<vmem>>)
          tpu.yield
        }) : () -> ()
        %dma_start3A = arith.constant 0 : i32
        %dma_start3A_22 = arith.constant 0 : i32
        %dma_start3A_23 = tpu.memref_slice %arg10[%dma_start3A_22] : memref<5000xi32, #tpu.memory_space<vmem>> -> memref<128xi32, #tpu.memory_space<vmem>>
        %dma_start3A_24 = arith.constant 0 : i32
        %dma_start3A_25 = arith.constant 0 : i32
        %dma_start3A_26 = tpu.memref_slice %arg9[%dma_start3A_24, %dma_start3A_25] : memref<25000x64xf32, #tpu.memory_space<vmem_shared>> -> memref<25000x64xf32, #tpu.memory_space<vmem_shared>>
        %dma_start3A_27 = tpu.memref_slice %arg14[%dma_start3A] : memref<2x!tpu.dma_semaphore, #tpu.memory_space<semaphore_mem>> -> memref<1x!tpu.dma_semaphore, #tpu.memory_space<semaphore_mem>>
        %dma_start3A_28 = tpu.memref_squeeze %dma_start3A_27 : memref<1x!tpu.dma_semaphore, #tpu.memory_space<semaphore_mem>> -> memref<!tpu.dma_semaphore, #tpu.memory_space<semaphore_mem>>
        tpu.enqueue_indirect_dma source(%dma_start3A_26 : memref<25000x64xf32, #tpu.memory_space<vmem_shared>>) target(%arg12 : memref<128x64xf32, #tpu.memory_space<vmem>>) offsets(%dma_start3A_23 : memref<128xi32, #tpu.memory_space<vmem>>) semaphore(%dma_start3A_28 : memref<!tpu.dma_semaphore, #tpu.memory_space<semaphore_mem>>)
        %dma_start3A_29 = arith.constant 1 : i32
        %dma_start3A_30 = arith.constant 128 : i32
        %dma_start3A_31 = tpu.memref_slice %arg10[%dma_start3A_30] : memref<5000xi32, #tpu.memory_space<vmem>> -> memref<128xi32, #tpu.memory_space<vmem>>
        %dma_start3A_32 = arith.constant 0 : i32
        %dma_start3A_33 = arith.constant 0 : i32
        %dma_start3A_34 = tpu.memref_slice %arg9[%dma_start3A_32, %dma_start3A_33] : memref<25000x64xf32, #tpu.memory_space<vmem_shared>> -> memref<25000x64xf32, #tpu.memory_space<vmem_shared>>
        %dma_start3A_35 = tpu.memref_slice %arg14[%dma_start3A_29] : memref<2x!tpu.dma_semaphore, #tpu.memory_space<semaphore_mem>> -> memref<1x!tpu.dma_semaphore, #tpu.memory_space<semaphore_mem>>
        %dma_start3A_36 = tpu.memref_squeeze %dma_start3A_35 : memref<1x!tpu.dma_semaphore, #tpu.memory_space<semaphore_mem>> -> memref<!tpu.dma_semaphore, #tpu.memory_space<semaphore_mem>>
        tpu.enqueue_indirect_dma source(%dma_start3A_34 : memref<25000x64xf32, #tpu.memory_space<vmem_shared>>) target(%arg13 : memref<128x64xf32, #tpu.memory_space<vmem>>) offsets(%dma_start3A_31 : memref<128xi32, #tpu.memory_space<vmem>>) semaphore(%dma_start3A_36 : memref<!tpu.dma_semaphore, #tpu.memory_space<semaphore_mem>>)
        %scan3A_37 = arith.constant 0 : i32
        %scan3A_38 = arith.constant 0 : i32
        %scan3A_39 = arith.constant 19 : i32
        %scan3A_40 = arith.addi %scan3A_38, %scan3A_39 : i32
        %scan3A_41 = arith.constant 1 : i32
        scf.for %scan3A_116 = %scan3A_38 to %scan3A_40 step %scan3A_41  : i32 {
          %mul3A_117 = arith.constant 2 : i32
          %mul3A_118 = arith.muli %scan3A_116, %mul3A_117 : i32
          %add3A_119 = arith.constant 0 : i32
          %add3A_120 = arith.addi %mul3A_118, %add3A_119 : i32
          %mul3A_121 = arith.constant 128 : i32
          %mul3A_122 = arith.muli %add3A_120, %mul3A_121 : i32
          %dma_wait3A_123 = arith.constant 0 : i32
          %dma_wait3A_124 = tpu.memref_slice %arg10[%mul3A_122] : memref<5000xi32, #tpu.memory_space<vmem>> -> memref<128xi32, #tpu.memory_space<vmem>>
          %dma_wait3A_125 = arith.constant 0 : i32
          %dma_wait3A_126 = arith.constant 0 : i32
          %dma_wait3A_127 = tpu.memref_slice %arg9[%dma_wait3A_125, %dma_wait3A_126] : memref<25000x64xf32, #tpu.memory_space<vmem_shared>> -> memref<25000x64xf32, #tpu.memory_space<vmem_shared>>
          %dma_wait3A_128 = tpu.memref_slice %arg14[%dma_wait3A_123] : memref<2x!tpu.dma_semaphore, #tpu.memory_space<semaphore_mem>> -> memref<1x!tpu.dma_semaphore, #tpu.memory_space<semaphore_mem>>
          %dma_wait3A_129 = tpu.memref_squeeze %dma_wait3A_128 : memref<1x!tpu.dma_semaphore, #tpu.memory_space<semaphore_mem>> -> memref<!tpu.dma_semaphore, #tpu.memory_space<semaphore_mem>>
          tpu.wait_indirect_dma semaphore(%dma_wait3A_129 : memref<!tpu.dma_semaphore, #tpu.memory_space<semaphore_mem>>) src(%dma_wait3A_127 : memref<25000x64xf32, #tpu.memory_space<vmem_shared>>) dst(%arg12 : memref<128x64xf32, #tpu.memory_space<vmem>>)
          %mul3A_130 = arith.constant 128 : i32
          %mul3A_131 = arith.muli %add3A_120, %mul3A_130 : i32
          %add3A_132 = arith.addi %add3A, %mul3A_131 : i32
          %dma_start3A_133 = arith.constant 0 : i32
          %dma_start3A_134 = arith.constant 0 : i32
          %dma_start3A_135 = tpu.memref_slice %arg8[%add3A_132, %dma_start3A_134] : memref<800000x64xf32, #tpu.memory_space<hbm>> -> memref<128x64xf32, #tpu.memory_space<hbm>>
          %dma_start3A_136 = tpu.memref_slice %arg15[%dma_start3A_133] : memref<2x!tpu.dma_semaphore, #tpu.memory_space<semaphore_mem>> -> memref<1x!tpu.dma_semaphore, #tpu.memory_space<semaphore_mem>>
          %dma_start3A_137 = tpu.memref_squeeze %dma_start3A_136 : memref<1x!tpu.dma_semaphore, #tpu.memory_space<semaphore_mem>> -> memref<!tpu.dma_semaphore, #tpu.memory_space<semaphore_mem>>
          %dma_start3A_138 = arith.constant 0 : i32
          %dma_start3A_139 = tpu.memref_slice %arg8[%add3A_132, %dma_start3A_138] : memref<800000x64xf32, #tpu.memory_space<hbm>> -> memref<128x64xf32, #tpu.memory_space<hbm>>
          tpu.enqueue_dma source(%arg12 : memref<128x64xf32, #tpu.memory_space<vmem>>) target(%dma_start3A_139 : memref<128x64xf32, #tpu.memory_space<hbm>>) target_semaphore(%dma_start3A_137 : memref<!tpu.dma_semaphore, #tpu.memory_space<semaphore_mem>>)
          %dma_wait3A_140 = arith.constant 0 : i32
          %dma_wait3A_141 = arith.constant 0 : i32
          %dma_wait3A_142 = tpu.memref_slice %arg8[%add3A_132, %dma_wait3A_141] : memref<800000x64xf32, #tpu.memory_space<hbm>> -> memref<128x64xf32, #tpu.memory_space<hbm>>
          %dma_wait3A_143 = tpu.memref_slice %arg15[%dma_wait3A_140] : memref<2x!tpu.dma_semaphore, #tpu.memory_space<semaphore_mem>> -> memref<1x!tpu.dma_semaphore, #tpu.memory_space<semaphore_mem>>
          %dma_wait3A_144 = tpu.memref_squeeze %dma_wait3A_143 : memref<1x!tpu.dma_semaphore, #tpu.memory_space<semaphore_mem>> -> memref<!tpu.dma_semaphore, #tpu.memory_space<semaphore_mem>>
          %dma_wait3A_145 = arith.constant 0 : i32
          %dma_wait3A_146 = tpu.memref_slice %arg8[%add3A_132, %dma_wait3A_145] : memref<800000x64xf32, #tpu.memory_space<hbm>> -> memref<128x64xf32, #tpu.memory_space<hbm>>
          tpu.wait_dma2 semaphore(%dma_wait3A_144 : memref<!tpu.dma_semaphore, #tpu.memory_space<semaphore_mem>>) src(%arg12 : memref<128x64xf32, #tpu.memory_space<vmem>>) dst(%dma_wait3A_146 : memref<128x64xf32, #tpu.memory_space<hbm>>)
          %add3A_147 = arith.constant 2 : i32
          %add3A_148 = arith.addi %add3A_120, %add3A_147 : i32
          %lt3A = arith.constant 39 : i32
          %lt3A_149 = arith.cmpi slt, %add3A_148, %lt3A : i32
          %convert_element_type3A_150 = arith.extui %lt3A_149 : i1 to i32
          %cond3A_151 = arith.constant 0 : i32
          %cond3A_152 = arith.cmpi ne, %convert_element_type3A_150, %cond3A_151 : i32
          scf.if %cond3A_152 {
            %add3A_190 = arith.constant 2 : i32
            %add3A_191 = arith.addi %add3A_120, %add3A_190 : i32
            %mul3A_192 = arith.constant 128 : i32
            %mul3A_193 = arith.muli %add3A_191, %mul3A_192 : i32
            %dma_start3A_194 = arith.constant 0 : i32
            %dma_start3A_195 = tpu.memref_slice %arg10[%mul3A_193] : memref<5000xi32, #tpu.memory_space<vmem>> -> memref<128xi32, #tpu.memory_space<vmem>>
            %dma_start3A_196 = arith.constant 0 : i32
            %dma_start3A_197 = arith.constant 0 : i32
            %dma_start3A_198 = tpu.memref_slice %arg9[%dma_start3A_196, %dma_start3A_197] : memref<25000x64xf32, #tpu.memory_space<vmem_shared>> -> memref<25000x64xf32, #tpu.memory_space<vmem_shared>>
            %dma_start3A_199 = tpu.memref_slice %arg14[%dma_start3A_194] : memref<2x!tpu.dma_semaphore, #tpu.memory_space<semaphore_mem>> -> memref<1x!tpu.dma_semaphore, #tpu.memory_space<semaphore_mem>>
            %dma_start3A_200 = tpu.memref_squeeze %dma_start3A_199 : memref<1x!tpu.dma_semaphore, #tpu.memory_space<semaphore_mem>> -> memref<!tpu.dma_semaphore, #tpu.memory_space<semaphore_mem>>
            tpu.enqueue_indirect_dma source(%dma_start3A_198 : memref<25000x64xf32, #tpu.memory_space<vmem_shared>>) target(%arg12 : memref<128x64xf32, #tpu.memory_space<vmem>>) offsets(%dma_start3A_195 : memref<128xi32, #tpu.memory_space<vmem>>) semaphore(%dma_start3A_200 : memref<!tpu.dma_semaphore, #tpu.memory_space<semaphore_mem>>)
          } else {
          }
          %mul3A_153 = arith.constant 2 : i32
          %mul3A_154 = arith.muli %scan3A_116, %mul3A_153 : i32
          %add3A_155 = arith.constant 1 : i32
          %add3A_156 = arith.addi %mul3A_154, %add3A_155 : i32
          %mul3A_157 = arith.constant 128 : i32
          %mul3A_158 = arith.muli %add3A_156, %mul3A_157 : i32
          %dma_wait3A_159 = arith.constant 1 : i32
          %dma_wait3A_160 = tpu.memref_slice %arg10[%mul3A_158] : memref<5000xi32, #tpu.memory_space<vmem>> -> memref<128xi32, #tpu.memory_space<vmem>>
          %dma_wait3A_161 = arith.constant 0 : i32
          %dma_wait3A_162 = arith.constant 0 : i32
          %dma_wait3A_163 = tpu.memref_slice %arg9[%dma_wait3A_161, %dma_wait3A_162] : memref<25000x64xf32, #tpu.memory_space<vmem_shared>> -> memref<25000x64xf32, #tpu.memory_space<vmem_shared>>
          %dma_wait3A_164 = tpu.memref_slice %arg14[%dma_wait3A_159] : memref<2x!tpu.dma_semaphore, #tpu.memory_space<semaphore_mem>> -> memref<1x!tpu.dma_semaphore, #tpu.memory_space<semaphore_mem>>
          %dma_wait3A_165 = tpu.memref_squeeze %dma_wait3A_164 : memref<1x!tpu.dma_semaphore, #tpu.memory_space<semaphore_mem>> -> memref<!tpu.dma_semaphore, #tpu.memory_space<semaphore_mem>>
          tpu.wait_indirect_dma semaphore(%dma_wait3A_165 : memref<!tpu.dma_semaphore, #tpu.memory_space<semaphore_mem>>) src(%dma_wait3A_163 : memref<25000x64xf32, #tpu.memory_space<vmem_shared>>) dst(%arg13 : memref<128x64xf32, #tpu.memory_space<vmem>>)
          %mul3A_166 = arith.constant 128 : i32
          %mul3A_167 = arith.muli %add3A_156, %mul3A_166 : i32
          %add3A_168 = arith.addi %add3A, %mul3A_167 : i32
          %dma_start3A_169 = arith.constant 1 : i32
          %dma_start3A_170 = arith.constant 0 : i32
          %dma_start3A_171 = tpu.memref_slice %arg8[%add3A_168, %dma_start3A_170] : memref<800000x64xf32, #tpu.memory_space<hbm>> -> memref<128x64xf32, #tpu.memory_space<hbm>>
          %dma_start3A_172 = tpu.memref_slice %arg15[%dma_start3A_169] : memref<2x!tpu.dma_semaphore, #tpu.memory_space<semaphore_mem>> -> memref<1x!tpu.dma_semaphore, #tpu.memory_space<semaphore_mem>>
          %dma_start3A_173 = tpu.memref_squeeze %dma_start3A_172 : memref<1x!tpu.dma_semaphore, #tpu.memory_space<semaphore_mem>> -> memref<!tpu.dma_semaphore, #tpu.memory_space<semaphore_mem>>
          %dma_start3A_174 = arith.constant 0 : i32
          %dma_start3A_175 = tpu.memref_slice %arg8[%add3A_168, %dma_start3A_174] : memref<800000x64xf32, #tpu.memory_space<hbm>> -> memref<128x64xf32, #tpu.memory_space<hbm>>
          tpu.enqueue_dma source(%arg13 : memref<128x64xf32, #tpu.memory_space<vmem>>) target(%dma_start3A_175 : memref<128x64xf32, #tpu.memory_space<hbm>>) target_semaphore(%dma_start3A_173 : memref<!tpu.dma_semaphore, #tpu.memory_space<semaphore_mem>>)
          %dma_wait3A_176 = arith.constant 1 : i32
          %dma_wait3A_177 = arith.constant 0 : i32
          %dma_wait3A_178 = tpu.memref_slice %arg8[%add3A_168, %dma_wait3A_177] : memref<800000x64xf32, #tpu.memory_space<hbm>> -> memref<128x64xf32, #tpu.memory_space<hbm>>
          %dma_wait3A_179 = tpu.memref_slice %arg15[%dma_wait3A_176] : memref<2x!tpu.dma_semaphore, #tpu.memory_space<semaphore_mem>> -> memref<1x!tpu.dma_semaphore, #tpu.memory_space<semaphore_mem>>
          %dma_wait3A_180 = tpu.memref_squeeze %dma_wait3A_179 : memref<1x!tpu.dma_semaphore, #tpu.memory_space<semaphore_mem>> -> memref<!tpu.dma_semaphore, #tpu.memory_space<semaphore_mem>>
          %dma_wait3A_181 = arith.constant 0 : i32
          %dma_wait3A_182 = tpu.memref_slice %arg8[%add3A_168, %dma_wait3A_181] : memref<800000x64xf32, #tpu.memory_space<hbm>> -> memref<128x64xf32, #tpu.memory_space<hbm>>
          tpu.wait_dma2 semaphore(%dma_wait3A_180 : memref<!tpu.dma_semaphore, #tpu.memory_space<semaphore_mem>>) src(%arg13 : memref<128x64xf32, #tpu.memory_space<vmem>>) dst(%dma_wait3A_182 : memref<128x64xf32, #tpu.memory_space<hbm>>)
          %add3A_183 = arith.constant 2 : i32
          %add3A_184 = arith.addi %add3A_156, %add3A_183 : i32
          %lt3A_185 = arith.constant 39 : i32
          %lt3A_186 = arith.cmpi slt, %add3A_184, %lt3A_185 : i32
          %convert_element_type3A_187 = arith.extui %lt3A_186 : i1 to i32
          %cond3A_188 = arith.constant 0 : i32
          %cond3A_189 = arith.cmpi ne, %convert_element_type3A_187, %cond3A_188 : i32
          scf.if %cond3A_189 {
            %add3A_190 = arith.constant 2 : i32
            %add3A_191 = arith.addi %add3A_156, %add3A_190 : i32
            %mul3A_192 = arith.constant 128 : i32
            %mul3A_193 = arith.muli %add3A_191, %mul3A_192 : i32
            %dma_start3A_194 = arith.constant 1 : i32
            %dma_start3A_195 = tpu.memref_slice %arg10[%mul3A_193] : memref<5000xi32, #tpu.memory_space<vmem>> -> memref<128xi32, #tpu.memory_space<vmem>>
            %dma_start3A_196 = arith.constant 0 : i32
            %dma_start3A_197 = arith.constant 0 : i32
            %dma_start3A_198 = tpu.memref_slice %arg9[%dma_start3A_196, %dma_start3A_197] : memref<25000x64xf32, #tpu.memory_space<vmem_shared>> -> memref<25000x64xf32, #tpu.memory_space<vmem_shared>>
            %dma_start3A_199 = tpu.memref_slice %arg14[%dma_start3A_194] : memref<2x!tpu.dma_semaphore, #tpu.memory_space<semaphore_mem>> -> memref<1x!tpu.dma_semaphore, #tpu.memory_space<semaphore_mem>>
            %dma_start3A_200 = tpu.memref_squeeze %dma_start3A_199 : memref<1x!tpu.dma_semaphore, #tpu.memory_space<semaphore_mem>> -> memref<!tpu.dma_semaphore, #tpu.memory_space<semaphore_mem>>
            tpu.enqueue_indirect_dma source(%dma_start3A_198 : memref<25000x64xf32, #tpu.memory_space<vmem_shared>>) target(%arg13 : memref<128x64xf32, #tpu.memory_space<vmem>>) offsets(%dma_start3A_195 : memref<128xi32, #tpu.memory_space<vmem>>) semaphore(%dma_start3A_200 : memref<!tpu.dma_semaphore, #tpu.memory_space<semaphore_mem>>)
          } else {
          }
        }
        %scan3A_42 = arith.constant 19 : i32
        %dma_wait3A = arith.constant 0 : i32
        %dma_wait3A_43 = arith.constant 4864 : i32
        %dma_wait3A_44 = tpu.memref_slice %arg10[%dma_wait3A_43] : memref<5000xi32, #tpu.memory_space<vmem>> -> memref<128xi32, #tpu.memory_space<vmem>>
        %dma_wait3A_45 = arith.constant 0 : i32
        %dma_wait3A_46 = arith.constant 0 : i32
        %dma_wait3A_47 = tpu.memref_slice %arg9[%dma_wait3A_45, %dma_wait3A_46] : memref<25000x64xf32, #tpu.memory_space<vmem_shared>> -> memref<25000x64xf32, #tpu.memory_space<vmem_shared>>
        %dma_wait3A_48 = tpu.memref_slice %arg14[%dma_wait3A] : memref<2x!tpu.dma_semaphore, #tpu.memory_space<semaphore_mem>> -> memref<1x!tpu.dma_semaphore, #tpu.memory_space<semaphore_mem>>
        %dma_wait3A_49 = tpu.memref_squeeze %dma_wait3A_48 : memref<1x!tpu.dma_semaphore, #tpu.memory_space<semaphore_mem>> -> memref<!tpu.dma_semaphore, #tpu.memory_space<semaphore_mem>>
        tpu.wait_indirect_dma semaphore(%dma_wait3A_49 : memref<!tpu.dma_semaphore, #tpu.memory_space<semaphore_mem>>) src(%dma_wait3A_47 : memref<25000x64xf32, #tpu.memory_space<vmem_shared>>) dst(%arg12 : memref<128x64xf32, #tpu.memory_space<vmem>>)
        %add3A_50 = arith.constant 4864 : i32
        %add3A_51 = arith.addi %add3A, %add3A_50 : i32
        %dma_start3A_52 = arith.constant 0 : i32
        %dma_start3A_53 = arith.constant 0 : i32
        %dma_start3A_54 = tpu.memref_slice %arg8[%add3A_51, %dma_start3A_53] : memref<800000x64xf32, #tpu.memory_space<hbm>> -> memref<128x64xf32, #tpu.memory_space<hbm>>
        %dma_start3A_55 = tpu.memref_slice %arg15[%dma_start3A_52] : memref<2x!tpu.dma_semaphore, #tpu.memory_space<semaphore_mem>> -> memref<1x!tpu.dma_semaphore, #tpu.memory_space<semaphore_mem>>
        %dma_start3A_56 = tpu.memref_squeeze %dma_start3A_55 : memref<1x!tpu.dma_semaphore, #tpu.memory_space<semaphore_mem>> -> memref<!tpu.dma_semaphore, #tpu.memory_space<semaphore_mem>>
        %dma_start3A_57 = arith.constant 0 : i32
        %dma_start3A_58 = tpu.memref_slice %arg8[%add3A_51, %dma_start3A_57] : memref<800000x64xf32, #tpu.memory_space<hbm>> -> memref<128x64xf32, #tpu.memory_space<hbm>>
        tpu.enqueue_dma source(%arg12 : memref<128x64xf32, #tpu.memory_space<vmem>>) target(%dma_start3A_58 : memref<128x64xf32, #tpu.memory_space<hbm>>) target_semaphore(%dma_start3A_56 : memref<!tpu.dma_semaphore, #tpu.memory_space<semaphore_mem>>)
        %dma_wait3A_59 = arith.constant 0 : i32
        %dma_wait3A_60 = arith.constant 0 : i32
        %dma_wait3A_61 = tpu.memref_slice %arg8[%add3A_51, %dma_wait3A_60] : memref<800000x64xf32, #tpu.memory_space<hbm>> -> memref<128x64xf32, #tpu.memory_space<hbm>>
        %dma_wait3A_62 = tpu.memref_slice %arg15[%dma_wait3A_59] : memref<2x!tpu.dma_semaphore, #tpu.memory_space<semaphore_mem>> -> memref<1x!tpu.dma_semaphore, #tpu.memory_space<semaphore_mem>>
        %dma_wait3A_63 = tpu.memref_squeeze %dma_wait3A_62 : memref<1x!tpu.dma_semaphore, #tpu.memory_space<semaphore_mem>> -> memref<!tpu.dma_semaphore, #tpu.memory_space<semaphore_mem>>
        %dma_wait3A_64 = arith.constant 0 : i32
        %dma_wait3A_65 = tpu.memref_slice %arg8[%add3A_51, %dma_wait3A_64] : memref<800000x64xf32, #tpu.memory_space<hbm>> -> memref<128x64xf32, #tpu.memory_space<hbm>>
        tpu.wait_dma2 semaphore(%dma_wait3A_63 : memref<!tpu.dma_semaphore, #tpu.memory_space<semaphore_mem>>) src(%arg12 : memref<128x64xf32, #tpu.memory_space<vmem>>) dst(%dma_wait3A_65 : memref<128x64xf32, #tpu.memory_space<hbm>>)
        %dma_start3A_66 = arith.constant 0 : i32
        %dma_start3A_67 = arith.constant 0 : i32
        %dma_start3A_68 = arith.constant 0 : i32
        %dma_start3A_69 = tpu.memref_slice %arg12[%dma_start3A_67, %dma_start3A_68] : memref<128x64xf32, #tpu.memory_space<vmem>> -> memref<8x64xf32, #tpu.memory_space<vmem>>
        %dma_start3A_70 = arith.constant 4992 : i32
        %dma_start3A_71 = tpu.memref_slice %arg10[%dma_start3A_70] : memref<5000xi32, #tpu.memory_space<vmem>> -> memref<8xi32, #tpu.memory_space<vmem>>
        %dma_start3A_72 = arith.constant 0 : i32
        %dma_start3A_73 = arith.constant 0 : i32
        %dma_start3A_74 = tpu.memref_slice %arg9[%dma_start3A_72, %dma_start3A_73] : memref<25000x64xf32, #tpu.memory_space<vmem_shared>> -> memref<25000x64xf32, #tpu.memory_space<vmem_shared>>
        %dma_start3A_75 = tpu.memref_slice %arg14[%dma_start3A_66] : memref<2x!tpu.dma_semaphore, #tpu.memory_space<semaphore_mem>> -> memref<1x!tpu.dma_semaphore, #tpu.memory_space<semaphore_mem>>
        %dma_start3A_76 = tpu.memref_squeeze %dma_start3A_75 : memref<1x!tpu.dma_semaphore, #tpu.memory_space<semaphore_mem>> -> memref<!tpu.dma_semaphore, #tpu.memory_space<semaphore_mem>>
        tpu.enqueue_indirect_dma source(%dma_start3A_74 : memref<25000x64xf32, #tpu.memory_space<vmem_shared>>) target(%dma_start3A_69 : memref<8x64xf32, #tpu.memory_space<vmem>>) offsets(%dma_start3A_71 : memref<8xi32, #tpu.memory_space<vmem>>) semaphore(%dma_start3A_76 : memref<!tpu.dma_semaphore, #tpu.memory_space<semaphore_mem>>)
        %dma_wait3A_77 = arith.constant 0 : i32
        %dma_wait3A_78 = arith.constant 0 : i32
        %dma_wait3A_79 = arith.constant 0 : i32
        %dma_wait3A_80 = tpu.memref_slice %arg12[%dma_wait3A_78, %dma_wait3A_79] : memref<128x64xf32, #tpu.memory_space<vmem>> -> memref<8x64xf32, #tpu.memory_space<vmem>>
        %dma_wait3A_81 = arith.constant 4992 : i32
        %dma_wait3A_82 = tpu.memref_slice %arg10[%dma_wait3A_81] : memref<5000xi32, #tpu.memory_space<vmem>> -> memref<8xi32, #tpu.memory_space<vmem>>
        %dma_wait3A_83 = arith.constant 0 : i32
        %dma_wait3A_84 = arith.constant 0 : i32
        %dma_wait3A_85 = tpu.memref_slice %arg9[%dma_wait3A_83, %dma_wait3A_84] : memref<25000x64xf32, #tpu.memory_space<vmem_shared>> -> memref<25000x64xf32, #tpu.memory_space<vmem_shared>>
        %dma_wait3A_86 = tpu.memref_slice %arg14[%dma_wait3A_77] : memref<2x!tpu.dma_semaphore, #tpu.memory_space<semaphore_mem>> -> memref<1x!tpu.dma_semaphore, #tpu.memory_space<semaphore_mem>>
        %dma_wait3A_87 = tpu.memref_squeeze %dma_wait3A_86 : memref<1x!tpu.dma_semaphore, #tpu.memory_space<semaphore_mem>> -> memref<!tpu.dma_semaphore, #tpu.memory_space<semaphore_mem>>
        tpu.wait_indirect_dma semaphore(%dma_wait3A_87 : memref<!tpu.dma_semaphore, #tpu.memory_space<semaphore_mem>>) src(%dma_wait3A_85 : memref<25000x64xf32, #tpu.memory_space<vmem_shared>>) dst(%dma_wait3A_80 : memref<8x64xf32, #tpu.memory_space<vmem>>)
        %add3A_88 = arith.constant 4992 : i32
        %add3A_89 = arith.addi %add3A, %add3A_88 : i32
        %dma_start3A_90 = arith.constant 0 : i32
        %dma_start3A_91 = arith.constant 0 : i32
        %dma_start3A_92 = arith.constant 0 : i32
        %dma_start3A_93 = tpu.memref_slice %arg12[%dma_start3A_91, %dma_start3A_92] : memref<128x64xf32, #tpu.memory_space<vmem>> -> memref<8x64xf32, #tpu.memory_space<vmem>>
        %dma_start3A_94 = arith.constant 0 : i32
        %dma_start3A_95 = tpu.memref_slice %arg8[%add3A_89, %dma_start3A_94] : memref<800000x64xf32, #tpu.memory_space<hbm>> -> memref<8x64xf32, #tpu.memory_space<hbm>>
        %dma_start3A_96 = tpu.memref_slice %arg15[%dma_start3A_90] : memref<2x!tpu.dma_semaphore, #tpu.memory_space<semaphore_mem>> -> memref<1x!tpu.dma_semaphore, #tpu.memory_space<semaphore_mem>>
        %dma_start3A_97 = tpu.memref_squeeze %dma_start3A_96 : memref<1x!tpu.dma_semaphore, #tpu.memory_space<semaphore_mem>> -> memref<!tpu.dma_semaphore, #tpu.memory_space<semaphore_mem>>
        %dma_start3A_98 = arith.constant 0 : i32
        %dma_start3A_99 = tpu.memref_slice %arg8[%add3A_89, %dma_start3A_98] : memref<800000x64xf32, #tpu.memory_space<hbm>> -> memref<8x64xf32, #tpu.memory_space<hbm>>
        %dma_start3A_100 = arith.constant 0 : i32
        %dma_start3A_101 = arith.constant 0 : i32
        %dma_start3A_102 = tpu.memref_slice %arg12[%dma_start3A_100, %dma_start3A_101] : memref<128x64xf32, #tpu.memory_space<vmem>> -> memref<8x64xf32, #tpu.memory_space<vmem>>
        tpu.enqueue_dma source(%dma_start3A_102 : memref<8x64xf32, #tpu.memory_space<vmem>>) target(%dma_start3A_99 : memref<8x64xf32, #tpu.memory_space<hbm>>) target_semaphore(%dma_start3A_97 : memref<!tpu.dma_semaphore, #tpu.memory_space<semaphore_mem>>)
        %dma_wait3A_103 = arith.constant 0 : i32
        %dma_wait3A_104 = arith.constant 0 : i32
        %dma_wait3A_105 = arith.constant 0 : i32
        %dma_wait3A_106 = tpu.memref_slice %arg12[%dma_wait3A_104, %dma_wait3A_105] : memref<128x64xf32, #tpu.memory_space<vmem>> -> memref<8x64xf32, #tpu.memory_space<vmem>>
        %dma_wait3A_107 = arith.constant 0 : i32
        %dma_wait3A_108 = tpu.memref_slice %arg8[%add3A_89, %dma_wait3A_107] : memref<800000x64xf32, #tpu.memory_space<hbm>> -> memref<8x64xf32, #tpu.memory_space<hbm>>
        %dma_wait3A_109 = tpu.memref_slice %arg15[%dma_wait3A_103] : memref<2x!tpu.dma_semaphore, #tpu.memory_space<semaphore_mem>> -> memref<1x!tpu.dma_semaphore, #tpu.memory_space<semaphore_mem>>
        %dma_wait3A_110 = tpu.memref_squeeze %dma_wait3A_109 : memref<1x!tpu.dma_semaphore, #tpu.memory_space<semaphore_mem>> -> memref<!tpu.dma_semaphore, #tpu.memory_space<semaphore_mem>>
        %dma_wait3A_111 = arith.constant 0 : i32
        %dma_wait3A_112 = tpu.memref_slice %arg8[%add3A_89, %dma_wait3A_111] : memref<800000x64xf32, #tpu.memory_space<hbm>> -> memref<8x64xf32, #tpu.memory_space<hbm>>
        %dma_wait3A_113 = arith.constant 0 : i32
        %dma_wait3A_114 = arith.constant 0 : i32
        %dma_wait3A_115 = tpu.memref_slice %arg12[%dma_wait3A_113, %dma_wait3A_114] : memref<128x64xf32, #tpu.memory_space<vmem>> -> memref<8x64xf32, #tpu.memory_space<vmem>>
        tpu.wait_dma2 semaphore(%dma_wait3A_110 : memref<!tpu.dma_semaphore, #tpu.memory_space<semaphore_mem>>) src(%dma_wait3A_115 : memref<8x64xf32, #tpu.memory_space<vmem>>) dst(%dma_wait3A_112 : memref<8x64xf32, #tpu.memory_space<hbm>>)
      }
      %scan3A_18 = arith.constant 10 : i32
    } else {
    }
    return
  }
}

#map = affine_map<(d0, d1) -> (0, 0)>
#map1 = affine_map<(d0, d1) -> (0)>
module attributes {stable_mosaic.version = 14 : i64} {
  func.func @k(%arg0: i32, %arg1: i32, %arg2: memref<800000x64xf32, #tpu.memory_space<hbm>>, %arg3: memref<800000xi32, #tpu.memory_space<hbm>>, %arg4: memref<128x64xf32, #tpu.memory_space<hbm>>, %arg5: memref<25000xi32, #tpu.memory_space<hbm>>, %arg6: memref<50000x64xf32, #tpu.memory_space<hbm>>, %arg7: memref<25000x64xf32, #tpu.memory_space<vmem_shared>>, %arg8: memref<128x64xf32, #tpu.memory_space<vmem>>, %arg9: memref<128x64xf32, #tpu.memory_space<vmem>>, %arg10: memref<128xi32, #tpu.memory_space<vmem>>, %arg11: memref<128xi32, #tpu.memory_space<vmem>>, %arg12: memref<40xi32, #tpu.memory_space<vmem>>, %arg13: memref<2x!tpu.dma_semaphore, #tpu.memory_space<semaphore_mem>>, %arg14: memref<2x!tpu.dma_semaphore, #tpu.memory_space<semaphore_mem>>, %arg15: memref<2x!tpu.dma_semaphore, #tpu.memory_space<semaphore_mem>>, %arg16: memref<!tpu.dma_semaphore, #tpu.memory_space<semaphore_mem>>) attributes {dimension_semantics = [#tpu.dimension_semantics<core_parallel>, #tpu.dimension_semantics<subcore_parallel>], iteration_bounds = array<i64: 2, 16>, scalar_prefetch = 0 : i64, scratch_operands = 10 : i64, tpu.core_type = #tpu.core_type<sc_vector_subcore>, window_params = [{transform_indices = #map}, {transform_indices = #map1}, {transform_indices = #map}, {transform_indices = #map1}, {transform_indices = #map}]} {
    %mul3A = arith.constant 2 : i32
    %mul3A_0 = arith.muli %arg1, %mul3A : i32
    %add3A = arith.addi %mul3A_0, %arg0 : i32
    %mul3A_1 = arith.constant 25000 : i32
    %mul3A_2 = arith.muli %add3A, %mul3A_1 : i32
    %mul3A_3 = arith.constant 25000 : i32
    %mul3A_4 = arith.muli %arg0, %mul3A_3 : i32
    "tpu.region"() ({
      %run_scoped3A = tpu.sem_alloc : memref<!tpu.dma_semaphore, #tpu.memory_space<semaphore_mem>>
      tpu.enqueue_dma source(%arg4 : memref<128x64xf32, #tpu.memory_space<hbm>>) target(%arg8 : memref<128x64xf32, #tpu.memory_space<vmem>>) target_semaphore(%run_scoped3A : memref<!tpu.dma_semaphore, #tpu.memory_space<semaphore_mem>>)
      tpu.wait_dma2 semaphore(%run_scoped3A : memref<!tpu.dma_semaphore, #tpu.memory_space<semaphore_mem>>) src(%arg4 : memref<128x64xf32, #tpu.memory_space<hbm>>) dst(%arg8 : memref<128x64xf32, #tpu.memory_space<vmem>>)
      tpu.yield
    }) : () -> ()
    %scan3A = arith.constant 0 : i32
    %scan3A_5 = arith.constant 0 : i32
    %scan3A_6 = arith.constant 13 : i32
    %scan3A_7 = arith.addi %scan3A_5, %scan3A_6 : i32
    %scan3A_8 = arith.constant 1 : i32
    scf.for %scan3A_71 = %scan3A_5 to %scan3A_7 step %scan3A_8  : i32 {
      %mul3A_72 = arith.constant 16 : i32
      %mul3A_73 = arith.muli %scan3A_71, %mul3A_72 : i32
      %add3A_74 = arith.addi %arg1, %mul3A_73 : i32
      %le3A = arith.constant 195 : i32
      %le3A_75 = arith.cmpi sle, %add3A_74, %le3A : i32
      %convert_element_type3A = arith.extui %le3A_75 : i1 to i32
      %cond3A = arith.constant 0 : i32
      %cond3A_76 = arith.cmpi ne, %convert_element_type3A, %cond3A : i32
      scf.if %cond3A_76 {
        %lt3A = arith.constant 195 : i32
        %lt3A_77 = arith.cmpi slt, %add3A_74, %lt3A : i32
        %mul3A_78 = arith.constant 128 : i32
        %mul3A_79 = arith.muli %add3A_74, %mul3A_78 : i32
        %jit3A = arith.constant 24872 : i32
        %select_n3A = arith.select %lt3A_77, %mul3A_79, %jit3A : i32
        "tpu.region"() ({
          %run_scoped3A = tpu.sem_alloc : memref<!tpu.dma_semaphore, #tpu.memory_space<semaphore_mem>>
          %dma_start3A_80 = tpu.memref_slice %arg5[%select_n3A] : memref<25000xi32, #tpu.memory_space<hbm>> -> memref<128xi32, #tpu.memory_space<hbm>>
          %dma_start3A_81 = tpu.memref_slice %arg5[%select_n3A] : memref<25000xi32, #tpu.memory_space<hbm>> -> memref<128xi32, #tpu.memory_space<hbm>>
          tpu.enqueue_dma source(%dma_start3A_81 : memref<128xi32, #tpu.memory_space<hbm>>) target(%arg10 : memref<128xi32, #tpu.memory_space<vmem>>) target_semaphore(%run_scoped3A : memref<!tpu.dma_semaphore, #tpu.memory_space<semaphore_mem>>)
          %dma_wait3A_82 = tpu.memref_slice %arg5[%select_n3A] : memref<25000xi32, #tpu.memory_space<hbm>> -> memref<128xi32, #tpu.memory_space<hbm>>
          %dma_wait3A_83 = tpu.memref_slice %arg5[%select_n3A] : memref<25000xi32, #tpu.memory_space<hbm>> -> memref<128xi32, #tpu.memory_space<hbm>>
          tpu.wait_dma2 semaphore(%run_scoped3A : memref<!tpu.dma_semaphore, #tpu.memory_space<semaphore_mem>>) src(%dma_wait3A_83 : memref<128xi32, #tpu.memory_space<hbm>>) dst(%arg10 : memref<128xi32, #tpu.memory_space<vmem>>)
          tpu.yield
        }) : () -> ()
        "tpu.region"() ({
          %run_scoped3A = tpu.sem_alloc : memref<!tpu.dma_semaphore, #tpu.memory_space<semaphore_mem>>
          %dma_start3A_80 = arith.constant 0 : i32
          %dma_start3A_81 = arith.constant 0 : i32
          %dma_start3A_82 = tpu.memref_slice %arg7[%dma_start3A_80, %dma_start3A_81] : memref<25000x64xf32, #tpu.memory_space<vmem_shared>> -> memref<25000x64xf32, #tpu.memory_space<vmem_shared>>
          tpu.enqueue_indirect_dma source(%arg8 : memref<128x64xf32, #tpu.memory_space<vmem>>) target(%dma_start3A_82 : memref<25000x64xf32, #tpu.memory_space<vmem_shared>>) offsets(%arg10 : memref<128xi32, #tpu.memory_space<vmem>>) semaphore(%run_scoped3A : memref<!tpu.dma_semaphore, #tpu.memory_space<semaphore_mem>>)
          %dma_wait3A_83 = arith.constant 0 : i32
          %dma_wait3A_84 = arith.constant 0 : i32
          %dma_wait3A_85 = tpu.memref_slice %arg7[%dma_wait3A_83, %dma_wait3A_84] : memref<25000x64xf32, #tpu.memory_space<vmem_shared>> -> memref<25000x64xf32, #tpu.memory_space<vmem_shared>>
          tpu.wait_indirect_dma semaphore(%run_scoped3A : memref<!tpu.dma_semaphore, #tpu.memory_space<semaphore_mem>>) src(%arg8 : memref<128x64xf32, #tpu.memory_space<vmem>>) dst(%dma_wait3A_85 : memref<25000x64xf32, #tpu.memory_space<vmem_shared>>)
          tpu.yield
        }) : () -> ()
      } else {
      }
    }
    %scan3A_9 = arith.constant 13 : i32
    %barrier3A = arith.constant 0 : index
    tpu.barrier barrier_id(%barrier3A)
    %add3A_10 = arith.constant 0 : i32
    %add3A_11 = arith.addi %mul3A_2, %add3A_10 : i32
    %dma_start3A = arith.constant 0 : i32
    %dma_start3A_12 = arith.constant 0 : i32
    %dma_start3A_13 = tpu.memref_slice %arg2[%add3A_11, %dma_start3A_12] : memref<800000x64xf32, #tpu.memory_space<hbm>> -> memref<128x64xf32, #tpu.memory_space<hbm>>
    %dma_start3A_14 = tpu.memref_slice %arg13[%dma_start3A] : memref<2x!tpu.dma_semaphore, #tpu.memory_space<semaphore_mem>> -> memref<1x!tpu.dma_semaphore, #tpu.memory_space<semaphore_mem>>
    %dma_start3A_15 = tpu.memref_squeeze %dma_start3A_14 : memref<1x!tpu.dma_semaphore, #tpu.memory_space<semaphore_mem>> -> memref<!tpu.dma_semaphore, #tpu.memory_space<semaphore_mem>>
    %dma_start3A_16 = arith.constant 0 : i32
    %dma_start3A_17 = tpu.memref_slice %arg2[%add3A_11, %dma_start3A_16] : memref<800000x64xf32, #tpu.memory_space<hbm>> -> memref<128x64xf32, #tpu.memory_space<hbm>>
    tpu.enqueue_dma source(%dma_start3A_17 : memref<128x64xf32, #tpu.memory_space<hbm>>) target(%arg8 : memref<128x64xf32, #tpu.memory_space<vmem>>) target_semaphore(%dma_start3A_15 : memref<!tpu.dma_semaphore, #tpu.memory_space<semaphore_mem>>)
    %add3A_18 = arith.constant 0 : i32
    %add3A_19 = arith.addi %mul3A_2, %add3A_18 : i32
    %dma_start3A_20 = arith.constant 0 : i32
    %dma_start3A_21 = tpu.memref_slice %arg3[%add3A_19] : memref<800000xi32, #tpu.memory_space<hbm>> -> memref<128xi32, #tpu.memory_space<hbm>>
    %dma_start3A_22 = tpu.memref_slice %arg14[%dma_start3A_20] : memref<2x!tpu.dma_semaphore, #tpu.memory_space<semaphore_mem>> -> memref<1x!tpu.dma_semaphore, #tpu.memory_space<semaphore_mem>>
    %dma_start3A_23 = tpu.memref_squeeze %dma_start3A_22 : memref<1x!tpu.dma_semaphore, #tpu.memory_space<semaphore_mem>> -> memref<!tpu.dma_semaphore, #tpu.memory_space<semaphore_mem>>
    %dma_start3A_24 = tpu.memref_slice %arg3[%add3A_19] : memref<800000xi32, #tpu.memory_space<hbm>> -> memref<128xi32, #tpu.memory_space<hbm>>
    tpu.enqueue_dma source(%dma_start3A_24 : memref<128xi32, #tpu.memory_space<hbm>>) target(%arg10 : memref<128xi32, #tpu.memory_space<vmem>>) target_semaphore(%dma_start3A_23 : memref<!tpu.dma_semaphore, #tpu.memory_space<semaphore_mem>>)
    %add3A_25 = arith.constant 128 : i32
    %add3A_26 = arith.addi %mul3A_2, %add3A_25 : i32
    %dma_start3A_27 = arith.constant 1 : i32
    %dma_start3A_28 = arith.constant 0 : i32
    %dma_start3A_29 = tpu.memref_slice %arg2[%add3A_26, %dma_start3A_28] : memref<800000x64xf32, #tpu.memory_space<hbm>> -> memref<128x64xf32, #tpu.memory_space<hbm>>
    %dma_start3A_30 = tpu.memref_slice %arg13[%dma_start3A_27] : memref<2x!tpu.dma_semaphore, #tpu.memory_space<semaphore_mem>> -> memref<1x!tpu.dma_semaphore, #tpu.memory_space<semaphore_mem>>
    %dma_start3A_31 = tpu.memref_squeeze %dma_start3A_30 : memref<1x!tpu.dma_semaphore, #tpu.memory_space<semaphore_mem>> -> memref<!tpu.dma_semaphore, #tpu.memory_space<semaphore_mem>>
    %dma_start3A_32 = arith.constant 0 : i32
    %dma_start3A_33 = tpu.memref_slice %arg2[%add3A_26, %dma_start3A_32] : memref<800000x64xf32, #tpu.memory_space<hbm>> -> memref<128x64xf32, #tpu.memory_space<hbm>>
    tpu.enqueue_dma source(%dma_start3A_33 : memref<128x64xf32, #tpu.memory_space<hbm>>) target(%arg9 : memref<128x64xf32, #tpu.memory_space<vmem>>) target_semaphore(%dma_start3A_31 : memref<!tpu.dma_semaphore, #tpu.memory_space<semaphore_mem>>)
    %add3A_34 = arith.constant 128 : i32
    %add3A_35 = arith.addi %mul3A_2, %add3A_34 : i32
    %dma_start3A_36 = arith.constant 1 : i32
    %dma_start3A_37 = tpu.memref_slice %arg3[%add3A_35] : memref<800000xi32, #tpu.memory_space<hbm>> -> memref<128xi32, #tpu.memory_space<hbm>>
    %dma_start3A_38 = tpu.memref_slice %arg14[%dma_start3A_36] : memref<2x!tpu.dma_semaphore, #tpu.memory_space<semaphore_mem>> -> memref<1x!tpu.dma_semaphore, #tpu.memory_space<semaphore_mem>>
    %dma_start3A_39 = tpu.memref_squeeze %dma_start3A_38 : memref<1x!tpu.dma_semaphore, #tpu.memory_space<semaphore_mem>> -> memref<!tpu.dma_semaphore, #tpu.memory_space<semaphore_mem>>
    %dma_start3A_40 = tpu.memref_slice %arg3[%add3A_35] : memref<800000xi32, #tpu.memory_space<hbm>> -> memref<128xi32, #tpu.memory_space<hbm>>
    tpu.enqueue_dma source(%dma_start3A_40 : memref<128xi32, #tpu.memory_space<hbm>>) target(%arg11 : memref<128xi32, #tpu.memory_space<vmem>>) target_semaphore(%dma_start3A_39 : memref<!tpu.dma_semaphore, #tpu.memory_space<semaphore_mem>>)
    %scan3A_41 = arith.constant 0 : i32
    %scan3A_42 = arith.constant 0 : i32
    %scan3A_43 = arith.constant 97 : i32
    %scan3A_44 = arith.addi %scan3A_42, %scan3A_43 : i32
    %scan3A_45 = arith.constant 1 : i32
    scf.for %scan3A_71 = %scan3A_42 to %scan3A_44 step %scan3A_45  : i32 {
      %mul3A_72 = arith.constant 2 : i32
      %mul3A_73 = arith.muli %scan3A_71, %mul3A_72 : i32
      %add3A_74 = arith.constant 0 : i32
      %add3A_75 = arith.addi %mul3A_73, %add3A_74 : i32
      %mul3A_76 = arith.constant 128 : i32
      %mul3A_77 = arith.muli %add3A_75, %mul3A_76 : i32
      %add3A_78 = arith.addi %mul3A_2, %mul3A_77 : i32
      %dma_wait3A_79 = arith.constant 0 : i32
      %dma_wait3A_80 = arith.constant 0 : i32
      %dma_wait3A_81 = tpu.memref_slice %arg2[%add3A_78, %dma_wait3A_80] : memref<800000x64xf32, #tpu.memory_space<hbm>> -> memref<128x64xf32, #tpu.memory_space<hbm>>
      %dma_wait3A_82 = tpu.memref_slice %arg13[%dma_wait3A_79] : memref<2x!tpu.dma_semaphore, #tpu.memory_space<semaphore_mem>> -> memref<1x!tpu.dma_semaphore, #tpu.memory_space<semaphore_mem>>
      %dma_wait3A_83 = tpu.memref_squeeze %dma_wait3A_82 : memref<1x!tpu.dma_semaphore, #tpu.memory_space<semaphore_mem>> -> memref<!tpu.dma_semaphore, #tpu.memory_space<semaphore_mem>>
      %dma_wait3A_84 = arith.constant 0 : i32
      %dma_wait3A_85 = tpu.memref_slice %arg2[%add3A_78, %dma_wait3A_84] : memref<800000x64xf32, #tpu.memory_space<hbm>> -> memref<128x64xf32, #tpu.memory_space<hbm>>
      tpu.wait_dma2 semaphore(%dma_wait3A_83 : memref<!tpu.dma_semaphore, #tpu.memory_space<semaphore_mem>>) src(%dma_wait3A_85 : memref<128x64xf32, #tpu.memory_space<hbm>>) dst(%arg8 : memref<128x64xf32, #tpu.memory_space<vmem>>)
      %mul3A_86 = arith.constant 128 : i32
      %mul3A_87 = arith.muli %add3A_75, %mul3A_86 : i32
      %add3A_88 = arith.addi %mul3A_2, %mul3A_87 : i32
      %dma_wait3A_89 = arith.constant 0 : i32
      %dma_wait3A_90 = tpu.memref_slice %arg3[%add3A_88] : memref<800000xi32, #tpu.memory_space<hbm>> -> memref<128xi32, #tpu.memory_space<hbm>>
      %dma_wait3A_91 = tpu.memref_slice %arg14[%dma_wait3A_89] : memref<2x!tpu.dma_semaphore, #tpu.memory_space<semaphore_mem>> -> memref<1x!tpu.dma_semaphore, #tpu.memory_space<semaphore_mem>>
      %dma_wait3A_92 = tpu.memref_squeeze %dma_wait3A_91 : memref<1x!tpu.dma_semaphore, #tpu.memory_space<semaphore_mem>> -> memref<!tpu.dma_semaphore, #tpu.memory_space<semaphore_mem>>
      %dma_wait3A_93 = tpu.memref_slice %arg3[%add3A_88] : memref<800000xi32, #tpu.memory_space<hbm>> -> memref<128xi32, #tpu.memory_space<hbm>>
      tpu.wait_dma2 semaphore(%dma_wait3A_92 : memref<!tpu.dma_semaphore, #tpu.memory_space<semaphore_mem>>) src(%dma_wait3A_93 : memref<128xi32, #tpu.memory_space<hbm>>) dst(%arg10 : memref<128xi32, #tpu.memory_space<vmem>>)
      %dma_start3A_94 = arith.constant 0 : i32
      %dma_start3A_95 = arith.constant 0 : i32
      %dma_start3A_96 = arith.constant 0 : i32
      %dma_start3A_97 = tpu.memref_slice %arg7[%dma_start3A_95, %dma_start3A_96] : memref<25000x64xf32, #tpu.memory_space<vmem_shared>> -> memref<25000x64xf32, #tpu.memory_space<vmem_shared>>
      %dma_start3A_98 = tpu.memref_slice %arg15[%dma_start3A_94] : memref<2x!tpu.dma_semaphore, #tpu.memory_space<semaphore_mem>> -> memref<1x!tpu.dma_semaphore, #tpu.memory_space<semaphore_mem>>
      %dma_start3A_99 = tpu.memref_squeeze %dma_start3A_98 : memref<1x!tpu.dma_semaphore, #tpu.memory_space<semaphore_mem>> -> memref<!tpu.dma_semaphore, #tpu.memory_space<semaphore_mem>>
      tpu.enqueue_indirect_dma source(%arg8 : memref<128x64xf32, #tpu.memory_space<vmem>>) target(%dma_start3A_97 : memref<25000x64xf32, #tpu.memory_space<vmem_shared>>) offsets(%arg10 : memref<128xi32, #tpu.memory_space<vmem>>) semaphore(%dma_start3A_99 : memref<!tpu.dma_semaphore, #tpu.memory_space<semaphore_mem>>) {add = true}
      %mul3A_100 = arith.constant 2 : i32
      %mul3A_101 = arith.muli %scan3A_71, %mul3A_100 : i32
      %add3A_102 = arith.constant 1 : i32
      %add3A_103 = arith.addi %mul3A_101, %add3A_102 : i32
      %mul3A_104 = arith.constant 128 : i32
      %mul3A_105 = arith.muli %add3A_103, %mul3A_104 : i32
      %add3A_106 = arith.addi %mul3A_2, %mul3A_105 : i32
      %dma_wait3A_107 = arith.constant 1 : i32
      %dma_wait3A_108 = arith.constant 0 : i32
      %dma_wait3A_109 = tpu.memref_slice %arg2[%add3A_106, %dma_wait3A_108] : memref<800000x64xf32, #tpu.memory_space<hbm>> -> memref<128x64xf32, #tpu.memory_space<hbm>>
      %dma_wait3A_110 = tpu.memref_slice %arg13[%dma_wait3A_107] : memref<2x!tpu.dma_semaphore, #tpu.memory_space<semaphore_mem>> -> memref<1x!tpu.dma_semaphore, #tpu.memory_space<semaphore_mem>>
      %dma_wait3A_111 = tpu.memref_squeeze %dma_wait3A_110 : memref<1x!tpu.dma_semaphore, #tpu.memory_space<semaphore_mem>> -> memref<!tpu.dma_semaphore, #tpu.memory_space<semaphore_mem>>
      %dma_wait3A_112 = arith.constant 0 : i32
      %dma_wait3A_113 = tpu.memref_slice %arg2[%add3A_106, %dma_wait3A_112] : memref<800000x64xf32, #tpu.memory_space<hbm>> -> memref<128x64xf32, #tpu.memory_space<hbm>>
      tpu.wait_dma2 semaphore(%dma_wait3A_111 : memref<!tpu.dma_semaphore, #tpu.memory_space<semaphore_mem>>) src(%dma_wait3A_113 : memref<128x64xf32, #tpu.memory_space<hbm>>) dst(%arg9 : memref<128x64xf32, #tpu.memory_space<vmem>>)
      %mul3A_114 = arith.constant 128 : i32
      %mul3A_115 = arith.muli %add3A_103, %mul3A_114 : i32
      %add3A_116 = arith.addi %mul3A_2, %mul3A_115 : i32
      %dma_wait3A_117 = arith.constant 1 : i32
      %dma_wait3A_118 = tpu.memref_slice %arg3[%add3A_116] : memref<800000xi32, #tpu.memory_space<hbm>> -> memref<128xi32, #tpu.memory_space<hbm>>
      %dma_wait3A_119 = tpu.memref_slice %arg14[%dma_wait3A_117] : memref<2x!tpu.dma_semaphore, #tpu.memory_space<semaphore_mem>> -> memref<1x!tpu.dma_semaphore, #tpu.memory_space<semaphore_mem>>
      %dma_wait3A_120 = tpu.memref_squeeze %dma_wait3A_119 : memref<1x!tpu.dma_semaphore, #tpu.memory_space<semaphore_mem>> -> memref<!tpu.dma_semaphore, #tpu.memory_space<semaphore_mem>>
      %dma_wait3A_121 = tpu.memref_slice %arg3[%add3A_116] : memref<800000xi32, #tpu.memory_space<hbm>> -> memref<128xi32, #tpu.memory_space<hbm>>
      tpu.wait_dma2 semaphore(%dma_wait3A_120 : memref<!tpu.dma_semaphore, #tpu.memory_space<semaphore_mem>>) src(%dma_wait3A_121 : memref<128xi32, #tpu.memory_space<hbm>>) dst(%arg11 : memref<128xi32, #tpu.memory_space<vmem>>)
      %dma_start3A_122 = arith.constant 1 : i32
      %dma_start3A_123 = arith.constant 0 : i32
      %dma_start3A_124 = arith.constant 0 : i32
      %dma_start3A_125 = tpu.memref_slice %arg7[%dma_start3A_123, %dma_start3A_124] : memref<25000x64xf32, #tpu.memory_space<vmem_shared>> -> memref<25000x64xf32, #tpu.memory_space<vmem_shared>>
      %dma_start3A_126 = tpu.memref_slice %arg15[%dma_start3A_122] : memref<2x!tpu.dma_semaphore, #tpu.memory_space<semaphore_mem>> -> memref<1x!tpu.dma_semaphore, #tpu.memory_space<semaphore_mem>>
      %dma_start3A_127 = tpu.memref_squeeze %dma_start3A_126 : memref<1x!tpu.dma_semaphore, #tpu.memory_space<semaphore_mem>> -> memref<!tpu.dma_semaphore, #tpu.memory_space<semaphore_mem>>
      tpu.enqueue_indirect_dma source(%arg9 : memref<128x64xf32, #tpu.memory_space<vmem>>) target(%dma_start3A_125 : memref<25000x64xf32, #tpu.memory_space<vmem_shared>>) offsets(%arg11 : memref<128xi32, #tpu.memory_space<vmem>>) semaphore(%dma_start3A_127 : memref<!tpu.dma_semaphore, #tpu.memory_space<semaphore_mem>>) {add = true}
      %mul3A_128 = arith.constant 2 : i32
      %mul3A_129 = arith.muli %scan3A_71, %mul3A_128 : i32
      %add3A_130 = arith.constant 0 : i32
      %add3A_131 = arith.addi %mul3A_129, %add3A_130 : i32
      %dma_wait3A_132 = arith.constant 0 : i32
      %dma_wait3A_133 = arith.constant 0 : i32
      %dma_wait3A_134 = arith.constant 0 : i32
      %dma_wait3A_135 = tpu.memref_slice %arg7[%dma_wait3A_133, %dma_wait3A_134] : memref<25000x64xf32, #tpu.memory_space<vmem_shared>> -> memref<25000x64xf32, #tpu.memory_space<vmem_shared>>
      %dma_wait3A_136 = tpu.memref_slice %arg15[%dma_wait3A_132] : memref<2x!tpu.dma_semaphore, #tpu.memory_space<semaphore_mem>> -> memref<1x!tpu.dma_semaphore, #tpu.memory_space<semaphore_mem>>
      %dma_wait3A_137 = tpu.memref_squeeze %dma_wait3A_136 : memref<1x!tpu.dma_semaphore, #tpu.memory_space<semaphore_mem>> -> memref<!tpu.dma_semaphore, #tpu.memory_space<semaphore_mem>>
      tpu.wait_indirect_dma semaphore(%dma_wait3A_137 : memref<!tpu.dma_semaphore, #tpu.memory_space<semaphore_mem>>) src(%arg8 : memref<128x64xf32, #tpu.memory_space<vmem>>) dst(%dma_wait3A_135 : memref<25000x64xf32, #tpu.memory_space<vmem_shared>>)
      %add3A_138 = arith.constant 2 : i32
      %add3A_139 = arith.addi %add3A_131, %add3A_138 : i32
      %lt3A = arith.constant 195 : i32
      %lt3A_140 = arith.cmpi slt, %add3A_139, %lt3A : i32
      %convert_element_type3A = arith.extui %lt3A_140 : i1 to i32
      %cond3A = arith.constant 0 : i32
      %cond3A_141 = arith.cmpi ne, %convert_element_type3A, %cond3A : i32
      scf.if %cond3A_141 {
        %add3A_159 = arith.constant 2 : i32
        %add3A_160 = arith.addi %add3A_131, %add3A_159 : i32
        %mul3A_161 = arith.constant 128 : i32
        %mul3A_162 = arith.muli %add3A_160, %mul3A_161 : i32
        %add3A_163 = arith.addi %mul3A_2, %mul3A_162 : i32
        %dma_start3A_164 = arith.constant 0 : i32
        %dma_start3A_165 = arith.constant 0 : i32
        %dma_start3A_166 = tpu.memref_slice %arg2[%add3A_163, %dma_start3A_165] : memref<800000x64xf32, #tpu.memory_space<hbm>> -> memref<128x64xf32, #tpu.memory_space<hbm>>
        %dma_start3A_167 = tpu.memref_slice %arg13[%dma_start3A_164] : memref<2x!tpu.dma_semaphore, #tpu.memory_space<semaphore_mem>> -> memref<1x!tpu.dma_semaphore, #tpu.memory_space<semaphore_mem>>
        %dma_start3A_168 = tpu.memref_squeeze %dma_start3A_167 : memref<1x!tpu.dma_semaphore, #tpu.memory_space<semaphore_mem>> -> memref<!tpu.dma_semaphore, #tpu.memory_space<semaphore_mem>>
        %dma_start3A_169 = arith.constant 0 : i32
        %dma_start3A_170 = tpu.memref_slice %arg2[%add3A_163, %dma_start3A_169] : memref<800000x64xf32, #tpu.memory_space<hbm>> -> memref<128x64xf32, #tpu.memory_space<hbm>>
        tpu.enqueue_dma source(%dma_start3A_170 : memref<128x64xf32, #tpu.memory_space<hbm>>) target(%arg8 : memref<128x64xf32, #tpu.memory_space<vmem>>) target_semaphore(%dma_start3A_168 : memref<!tpu.dma_semaphore, #tpu.memory_space<semaphore_mem>>)
        %mul3A_171 = arith.constant 128 : i32
        %mul3A_172 = arith.muli %add3A_160, %mul3A_171 : i32
        %add3A_173 = arith.addi %mul3A_2, %mul3A_172 : i32
        %dma_start3A_174 = arith.constant 0 : i32
        %dma_start3A_175 = tpu.memref_slice %arg3[%add3A_173] : memref<800000xi32, #tpu.memory_space<hbm>> -> memref<128xi32, #tpu.memory_space<hbm>>
        %dma_start3A_176 = tpu.memref_slice %arg14[%dma_start3A_174] : memref<2x!tpu.dma_semaphore, #tpu.memory_space<semaphore_mem>> -> memref<1x!tpu.dma_semaphore, #tpu.memory_space<semaphore_mem>>
        %dma_start3A_177 = tpu.memref_squeeze %dma_start3A_176 : memref<1x!tpu.dma_semaphore, #tpu.memory_space<semaphore_mem>> -> memref<!tpu.dma_semaphore, #tpu.memory_space<semaphore_mem>>
        %dma_start3A_178 = tpu.memref_slice %arg3[%add3A_173] : memref<800000xi32, #tpu.memory_space<hbm>> -> memref<128xi32, #tpu.memory_space<hbm>>
        tpu.enqueue_dma source(%dma_start3A_178 : memref<128xi32, #tpu.memory_space<hbm>>) target(%arg10 : memref<128xi32, #tpu.memory_space<vmem>>) target_semaphore(%dma_start3A_177 : memref<!tpu.dma_semaphore, #tpu.memory_space<semaphore_mem>>)
      } else {
      }
      %mul3A_142 = arith.constant 2 : i32
      %mul3A_143 = arith.muli %scan3A_71, %mul3A_142 : i32
      %add3A_144 = arith.constant 1 : i32
      %add3A_145 = arith.addi %mul3A_143, %add3A_144 : i32
      %dma_wait3A_146 = arith.constant 1 : i32
      %dma_wait3A_147 = arith.constant 0 : i32
      %dma_wait3A_148 = arith.constant 0 : i32
      %dma_wait3A_149 = tpu.memref_slice %arg7[%dma_wait3A_147, %dma_wait3A_148] : memref<25000x64xf32, #tpu.memory_space<vmem_shared>> -> memref<25000x64xf32, #tpu.memory_space<vmem_shared>>
      %dma_wait3A_150 = tpu.memref_slice %arg15[%dma_wait3A_146] : memref<2x!tpu.dma_semaphore, #tpu.memory_space<semaphore_mem>> -> memref<1x!tpu.dma_semaphore, #tpu.memory_space<semaphore_mem>>
      %dma_wait3A_151 = tpu.memref_squeeze %dma_wait3A_150 : memref<1x!tpu.dma_semaphore, #tpu.memory_space<semaphore_mem>> -> memref<!tpu.dma_semaphore, #tpu.memory_space<semaphore_mem>>
      tpu.wait_indirect_dma semaphore(%dma_wait3A_151 : memref<!tpu.dma_semaphore, #tpu.memory_space<semaphore_mem>>) src(%arg9 : memref<128x64xf32, #tpu.memory_space<vmem>>) dst(%dma_wait3A_149 : memref<25000x64xf32, #tpu.memory_space<vmem_shared>>)
      %add3A_152 = arith.constant 2 : i32
      %add3A_153 = arith.addi %add3A_145, %add3A_152 : i32
      %lt3A_154 = arith.constant 195 : i32
      %lt3A_155 = arith.cmpi slt, %add3A_153, %lt3A_154 : i32
      %convert_element_type3A_156 = arith.extui %lt3A_155 : i1 to i32
      %cond3A_157 = arith.constant 0 : i32
      %cond3A_158 = arith.cmpi ne, %convert_element_type3A_156, %cond3A_157 : i32
      scf.if %cond3A_158 {
        %add3A_159 = arith.constant 2 : i32
        %add3A_160 = arith.addi %add3A_145, %add3A_159 : i32
        %mul3A_161 = arith.constant 128 : i32
        %mul3A_162 = arith.muli %add3A_160, %mul3A_161 : i32
        %add3A_163 = arith.addi %mul3A_2, %mul3A_162 : i32
        %dma_start3A_164 = arith.constant 1 : i32
        %dma_start3A_165 = arith.constant 0 : i32
        %dma_start3A_166 = tpu.memref_slice %arg2[%add3A_163, %dma_start3A_165] : memref<800000x64xf32, #tpu.memory_space<hbm>> -> memref<128x64xf32, #tpu.memory_space<hbm>>
        %dma_start3A_167 = tpu.memref_slice %arg13[%dma_start3A_164] : memref<2x!tpu.dma_semaphore, #tpu.memory_space<semaphore_mem>> -> memref<1x!tpu.dma_semaphore, #tpu.memory_space<semaphore_mem>>
        %dma_start3A_168 = tpu.memref_squeeze %dma_start3A_167 : memref<1x!tpu.dma_semaphore, #tpu.memory_space<semaphore_mem>> -> memref<!tpu.dma_semaphore, #tpu.memory_space<semaphore_mem>>
        %dma_start3A_169 = arith.constant 0 : i32
        %dma_start3A_170 = tpu.memref_slice %arg2[%add3A_163, %dma_start3A_169] : memref<800000x64xf32, #tpu.memory_space<hbm>> -> memref<128x64xf32, #tpu.memory_space<hbm>>
        tpu.enqueue_dma source(%dma_start3A_170 : memref<128x64xf32, #tpu.memory_space<hbm>>) target(%arg9 : memref<128x64xf32, #tpu.memory_space<vmem>>) target_semaphore(%dma_start3A_168 : memref<!tpu.dma_semaphore, #tpu.memory_space<semaphore_mem>>)
        %mul3A_171 = arith.constant 128 : i32
        %mul3A_172 = arith.muli %add3A_160, %mul3A_171 : i32
        %add3A_173 = arith.addi %mul3A_2, %mul3A_172 : i32
        %dma_start3A_174 = arith.constant 1 : i32
        %dma_start3A_175 = tpu.memref_slice %arg3[%add3A_173] : memref<800000xi32, #tpu.memory_space<hbm>> -> memref<128xi32, #tpu.memory_space<hbm>>
        %dma_start3A_176 = tpu.memref_slice %arg14[%dma_start3A_174] : memref<2x!tpu.dma_semaphore, #tpu.memory_space<semaphore_mem>> -> memref<1x!tpu.dma_semaphore, #tpu.memory_space<semaphore_mem>>
        %dma_start3A_177 = tpu.memref_squeeze %dma_start3A_176 : memref<1x!tpu.dma_semaphore, #tpu.memory_space<semaphore_mem>> -> memref<!tpu.dma_semaphore, #tpu.memory_space<semaphore_mem>>
        %dma_start3A_178 = tpu.memref_slice %arg3[%add3A_173] : memref<800000xi32, #tpu.memory_space<hbm>> -> memref<128xi32, #tpu.memory_space<hbm>>
        tpu.enqueue_dma source(%dma_start3A_178 : memref<128xi32, #tpu.memory_space<hbm>>) target(%arg11 : memref<128xi32, #tpu.memory_space<vmem>>) target_semaphore(%dma_start3A_177 : memref<!tpu.dma_semaphore, #tpu.memory_space<semaphore_mem>>)
      } else {
      }
    }
    %scan3A_46 = arith.constant 97 : i32
    %add3A_47 = arith.constant 24832 : i32
    %add3A_48 = arith.addi %mul3A_2, %add3A_47 : i32
    %dma_wait3A = arith.constant 0 : i32
    %dma_wait3A_49 = arith.constant 0 : i32
    %dma_wait3A_50 = tpu.memref_slice %arg2[%add3A_48, %dma_wait3A_49] : memref<800000x64xf32, #tpu.memory_space<hbm>> -> memref<128x64xf32, #tpu.memory_space<hbm>>
    %dma_wait3A_51 = tpu.memref_slice %arg13[%dma_wait3A] : memref<2x!tpu.dma_semaphore, #tpu.memory_space<semaphore_mem>> -> memref<1x!tpu.dma_semaphore, #tpu.memory_space<semaphore_mem>>
    %dma_wait3A_52 = tpu.memref_squeeze %dma_wait3A_51 : memref<1x!tpu.dma_semaphore, #tpu.memory_space<semaphore_mem>> -> memref<!tpu.dma_semaphore, #tpu.memory_space<semaphore_mem>>
    %dma_wait3A_53 = arith.constant 0 : i32
    %dma_wait3A_54 = tpu.memref_slice %arg2[%add3A_48, %dma_wait3A_53] : memref<800000x64xf32, #tpu.memory_space<hbm>> -> memref<128x64xf32, #tpu.memory_space<hbm>>
    tpu.wait_dma2 semaphore(%dma_wait3A_52 : memref<!tpu.dma_semaphore, #tpu.memory_space<semaphore_mem>>) src(%dma_wait3A_54 : memref<128x64xf32, #tpu.memory_space<hbm>>) dst(%arg8 : memref<128x64xf32, #tpu.memory_space<vmem>>)
    %add3A_55 = arith.constant 24832 : i32
    %add3A_56 = arith.addi %mul3A_2, %add3A_55 : i32
    %dma_wait3A_57 = arith.constant 0 : i32
    %dma_wait3A_58 = tpu.memref_slice %arg3[%add3A_56] : memref<800000xi32, #tpu.memory_space<hbm>> -> memref<128xi32, #tpu.memory_space<hbm>>
    %dma_wait3A_59 = tpu.memref_slice %arg14[%dma_wait3A_57] : memref<2x!tpu.dma_semaphore, #tpu.memory_space<semaphore_mem>> -> memref<1x!tpu.dma_semaphore, #tpu.memory_space<semaphore_mem>>
    %dma_wait3A_60 = tpu.memref_squeeze %dma_wait3A_59 : memref<1x!tpu.dma_semaphore, #tpu.memory_space<semaphore_mem>> -> memref<!tpu.dma_semaphore, #tpu.memory_space<semaphore_mem>>
    %dma_wait3A_61 = tpu.memref_slice %arg3[%add3A_56] : memref<800000xi32, #tpu.memory_space<hbm>> -> memref<128xi32, #tpu.memory_space<hbm>>
    tpu.wait_dma2 semaphore(%dma_wait3A_60 : memref<!tpu.dma_semaphore, #tpu.memory_space<semaphore_mem>>) src(%dma_wait3A_61 : memref<128xi32, #tpu.memory_space<hbm>>) dst(%arg10 : memref<128xi32, #tpu.memory_space<vmem>>)
    "tpu.region"() ({
      %run_scoped3A = tpu.sem_alloc : memref<!tpu.dma_semaphore, #tpu.memory_space<semaphore_mem>>
      %dma_start3A_71 = arith.constant 0 : i32
      %dma_start3A_72 = arith.constant 0 : i32
      %dma_start3A_73 = tpu.memref_slice %arg7[%dma_start3A_71, %dma_start3A_72] : memref<25000x64xf32, #tpu.memory_space<vmem_shared>> -> memref<25000x64xf32, #tpu.memory_space<vmem_shared>>
      tpu.enqueue_indirect_dma source(%arg8 : memref<128x64xf32, #tpu.memory_space<vmem>>) target(%dma_start3A_73 : memref<25000x64xf32, #tpu.memory_space<vmem_shared>>) offsets(%arg10 : memref<128xi32, #tpu.memory_space<vmem>>) semaphore(%run_scoped3A : memref<!tpu.dma_semaphore, #tpu.memory_space<semaphore_mem>>) {add = true}
      %dma_wait3A_74 = arith.constant 0 : i32
      %dma_wait3A_75 = arith.constant 0 : i32
      %dma_wait3A_76 = tpu.memref_slice %arg7[%dma_wait3A_74, %dma_wait3A_75] : memref<25000x64xf32, #tpu.memory_space<vmem_shared>> -> memref<25000x64xf32, #tpu.memory_space<vmem_shared>>
      tpu.wait_indirect_dma semaphore(%run_scoped3A : memref<!tpu.dma_semaphore, #tpu.memory_space<semaphore_mem>>) src(%arg8 : memref<128x64xf32, #tpu.memory_space<vmem>>) dst(%dma_wait3A_76 : memref<25000x64xf32, #tpu.memory_space<vmem_shared>>)
      tpu.yield
    }) : () -> ()
    %add3A_62 = arith.constant 24960 : i32
    %add3A_63 = arith.addi %mul3A_2, %add3A_62 : i32
    "tpu.region"() ({
      %run_scoped3A = tpu.sem_alloc : memref<!tpu.dma_semaphore, #tpu.memory_space<semaphore_mem>>
      %dma_start3A_71 = tpu.memref_slice %arg3[%add3A_63] : memref<800000xi32, #tpu.memory_space<hbm>> -> memref<40xi32, #tpu.memory_space<hbm>>
      %dma_start3A_72 = tpu.memref_slice %arg3[%add3A_63] : memref<800000xi32, #tpu.memory_space<hbm>> -> memref<40xi32, #tpu.memory_space<hbm>>
      tpu.enqueue_dma source(%dma_start3A_72 : memref<40xi32, #tpu.memory_space<hbm>>) target(%arg12 : memref<40xi32, #tpu.memory_space<vmem>>) target_semaphore(%run_scoped3A : memref<!tpu.dma_semaphore, #tpu.memory_space<semaphore_mem>>)
      %dma_wait3A_73 = tpu.memref_slice %arg3[%add3A_63] : memref<800000xi32, #tpu.memory_space<hbm>> -> memref<40xi32, #tpu.memory_space<hbm>>
      %dma_wait3A_74 = tpu.memref_slice %arg3[%add3A_63] : memref<800000xi32, #tpu.memory_space<hbm>> -> memref<40xi32, #tpu.memory_space<hbm>>
      tpu.wait_dma2 semaphore(%run_scoped3A : memref<!tpu.dma_semaphore, #tpu.memory_space<semaphore_mem>>) src(%dma_wait3A_74 : memref<40xi32, #tpu.memory_space<hbm>>) dst(%arg12 : memref<40xi32, #tpu.memory_space<vmem>>)
      tpu.yield
    }) : () -> ()
    "tpu.region"() ({
      %run_scoped3A = tpu.sem_alloc : memref<!tpu.dma_semaphore, #tpu.memory_space<semaphore_mem>>
      %dma_start3A_71 = arith.constant 0 : i32
      %dma_start3A_72 = arith.constant 0 : i32
      %dma_start3A_73 = tpu.memref_slice %arg8[%dma_start3A_71, %dma_start3A_72] : memref<128x64xf32, #tpu.memory_space<vmem>> -> memref<40x64xf32, #tpu.memory_space<vmem>>
      %dma_start3A_74 = arith.constant 0 : i32
      %dma_start3A_75 = tpu.memref_slice %arg2[%add3A_63, %dma_start3A_74] : memref<800000x64xf32, #tpu.memory_space<hbm>> -> memref<40x64xf32, #tpu.memory_space<hbm>>
      %dma_start3A_76 = arith.constant 0 : i32
      %dma_start3A_77 = arith.constant 0 : i32
      %dma_start3A_78 = tpu.memref_slice %arg8[%dma_start3A_76, %dma_start3A_77] : memref<128x64xf32, #tpu.memory_space<vmem>> -> memref<40x64xf32, #tpu.memory_space<vmem>>
      %dma_start3A_79 = arith.constant 0 : i32
      %dma_start3A_80 = tpu.memref_slice %arg2[%add3A_63, %dma_start3A_79] : memref<800000x64xf32, #tpu.memory_space<hbm>> -> memref<40x64xf32, #tpu.memory_space<hbm>>
      tpu.enqueue_dma source(%dma_start3A_80 : memref<40x64xf32, #tpu.memory_space<hbm>>) target(%dma_start3A_78 : memref<40x64xf32, #tpu.memory_space<vmem>>) target_semaphore(%run_scoped3A : memref<!tpu.dma_semaphore, #tpu.memory_space<semaphore_mem>>)
      %dma_wait3A_81 = arith.constant 0 : i32
      %dma_wait3A_82 = arith.constant 0 : i32
      %dma_wait3A_83 = tpu.memref_slice %arg8[%dma_wait3A_81, %dma_wait3A_82] : memref<128x64xf32, #tpu.memory_space<vmem>> -> memref<40x64xf32, #tpu.memory_space<vmem>>
      %dma_wait3A_84 = arith.constant 0 : i32
      %dma_wait3A_85 = tpu.memref_slice %arg2[%add3A_63, %dma_wait3A_84] : memref<800000x64xf32, #tpu.memory_space<hbm>> -> memref<40x64xf32, #tpu.memory_space<hbm>>
      %dma_wait3A_86 = arith.constant 0 : i32
      %dma_wait3A_87 = arith.constant 0 : i32
      %dma_wait3A_88 = tpu.memref_slice %arg8[%dma_wait3A_86, %dma_wait3A_87] : memref<128x64xf32, #tpu.memory_space<vmem>> -> memref<40x64xf32, #tpu.memory_space<vmem>>
      %dma_wait3A_89 = arith.constant 0 : i32
      %dma_wait3A_90 = tpu.memref_slice %arg2[%add3A_63, %dma_wait3A_89] : memref<800000x64xf32, #tpu.memory_space<hbm>> -> memref<40x64xf32, #tpu.memory_space<hbm>>
      tpu.wait_dma2 semaphore(%run_scoped3A : memref<!tpu.dma_semaphore, #tpu.memory_space<semaphore_mem>>) src(%dma_wait3A_90 : memref<40x64xf32, #tpu.memory_space<hbm>>) dst(%dma_wait3A_88 : memref<40x64xf32, #tpu.memory_space<vmem>>)
      tpu.yield
    }) : () -> ()
    "tpu.region"() ({
      %run_scoped3A = tpu.sem_alloc : memref<!tpu.dma_semaphore, #tpu.memory_space<semaphore_mem>>
      %dma_start3A_71 = arith.constant 0 : i32
      %dma_start3A_72 = arith.constant 0 : i32
      %dma_start3A_73 = tpu.memref_slice %arg8[%dma_start3A_71, %dma_start3A_72] : memref<128x64xf32, #tpu.memory_space<vmem>> -> memref<40x64xf32, #tpu.memory_space<vmem>>
      %dma_start3A_74 = arith.constant 0 : i32
      %dma_start3A_75 = arith.constant 0 : i32
      %dma_start3A_76 = tpu.memref_slice %arg7[%dma_start3A_74, %dma_start3A_75] : memref<25000x64xf32, #tpu.memory_space<vmem_shared>> -> memref<25000x64xf32, #tpu.memory_space<vmem_shared>>
      tpu.enqueue_indirect_dma source(%dma_start3A_73 : memref<40x64xf32, #tpu.memory_space<vmem>>) target(%dma_start3A_76 : memref<25000x64xf32, #tpu.memory_space<vmem_shared>>) offsets(%arg12 : memref<40xi32, #tpu.memory_space<vmem>>) semaphore(%run_scoped3A : memref<!tpu.dma_semaphore, #tpu.memory_space<semaphore_mem>>) {add = true}
      %dma_wait3A_77 = arith.constant 0 : i32
      %dma_wait3A_78 = arith.constant 0 : i32
      %dma_wait3A_79 = tpu.memref_slice %arg8[%dma_wait3A_77, %dma_wait3A_78] : memref<128x64xf32, #tpu.memory_space<vmem>> -> memref<40x64xf32, #tpu.memory_space<vmem>>
      %dma_wait3A_80 = arith.constant 0 : i32
      %dma_wait3A_81 = arith.constant 0 : i32
      %dma_wait3A_82 = tpu.memref_slice %arg7[%dma_wait3A_80, %dma_wait3A_81] : memref<25000x64xf32, #tpu.memory_space<vmem_shared>> -> memref<25000x64xf32, #tpu.memory_space<vmem_shared>>
      tpu.wait_indirect_dma semaphore(%run_scoped3A : memref<!tpu.dma_semaphore, #tpu.memory_space<semaphore_mem>>) src(%dma_wait3A_79 : memref<40x64xf32, #tpu.memory_space<vmem>>) dst(%dma_wait3A_82 : memref<25000x64xf32, #tpu.memory_space<vmem_shared>>)
      tpu.yield
    }) : () -> ()
    %barrier3A_64 = arith.constant 0 : index
    tpu.barrier barrier_id(%barrier3A_64)
    %scan3A_65 = arith.constant 0 : i32
    %scan3A_66 = arith.constant 0 : i32
    %scan3A_67 = arith.constant 13 : i32
    %scan3A_68 = arith.addi %scan3A_66, %scan3A_67 : i32
    %scan3A_69 = arith.constant 1 : i32
    scf.for %scan3A_71 = %scan3A_66 to %scan3A_68 step %scan3A_69  : i32 {
      %mul3A_72 = arith.constant 16 : i32
      %mul3A_73 = arith.muli %scan3A_71, %mul3A_72 : i32
      %add3A_74 = arith.addi %arg1, %mul3A_73 : i32
      %le3A = arith.constant 195 : i32
      %le3A_75 = arith.cmpi sle, %add3A_74, %le3A : i32
      %convert_element_type3A = arith.extui %le3A_75 : i1 to i32
      %cond3A = arith.constant 0 : i32
      %cond3A_76 = arith.cmpi ne, %convert_element_type3A, %cond3A : i32
      scf.if %cond3A_76 {
        %lt3A = arith.constant 195 : i32
        %lt3A_77 = arith.cmpi slt, %add3A_74, %lt3A : i32
        %mul3A_78 = arith.constant 128 : i32
        %mul3A_79 = arith.muli %add3A_74, %mul3A_78 : i32
        %jit3A = arith.constant 24872 : i32
        %select_n3A = arith.select %lt3A_77, %mul3A_79, %jit3A : i32
        "tpu.region"() ({
          %run_scoped3A = tpu.sem_alloc : memref<!tpu.dma_semaphore, #tpu.memory_space<semaphore_mem>>
          %dma_start3A_81 = tpu.memref_slice %arg5[%select_n3A] : memref<25000xi32, #tpu.memory_space<hbm>> -> memref<128xi32, #tpu.memory_space<hbm>>
          %dma_start3A_82 = tpu.memref_slice %arg5[%select_n3A] : memref<25000xi32, #tpu.memory_space<hbm>> -> memref<128xi32, #tpu.memory_space<hbm>>
          tpu.enqueue_dma source(%dma_start3A_82 : memref<128xi32, #tpu.memory_space<hbm>>) target(%arg10 : memref<128xi32, #tpu.memory_space<vmem>>) target_semaphore(%run_scoped3A : memref<!tpu.dma_semaphore, #tpu.memory_space<semaphore_mem>>)
          %dma_wait3A_83 = tpu.memref_slice %arg5[%select_n3A] : memref<25000xi32, #tpu.memory_space<hbm>> -> memref<128xi32, #tpu.memory_space<hbm>>
          %dma_wait3A_84 = tpu.memref_slice %arg5[%select_n3A] : memref<25000xi32, #tpu.memory_space<hbm>> -> memref<128xi32, #tpu.memory_space<hbm>>
          tpu.wait_dma2 semaphore(%run_scoped3A : memref<!tpu.dma_semaphore, #tpu.memory_space<semaphore_mem>>) src(%dma_wait3A_84 : memref<128xi32, #tpu.memory_space<hbm>>) dst(%arg10 : memref<128xi32, #tpu.memory_space<vmem>>)
          tpu.yield
        }) : () -> ()
        "tpu.region"() ({
          %run_scoped3A = tpu.sem_alloc : memref<!tpu.dma_semaphore, #tpu.memory_space<semaphore_mem>>
          %dma_start3A_81 = arith.constant 0 : i32
          %dma_start3A_82 = arith.constant 0 : i32
          %dma_start3A_83 = tpu.memref_slice %arg7[%dma_start3A_81, %dma_start3A_82] : memref<25000x64xf32, #tpu.memory_space<vmem_shared>> -> memref<25000x64xf32, #tpu.memory_space<vmem_shared>>
          tpu.enqueue_indirect_dma source(%dma_start3A_83 : memref<25000x64xf32, #tpu.memory_space<vmem_shared>>) target(%arg8 : memref<128x64xf32, #tpu.memory_space<vmem>>) offsets(%arg10 : memref<128xi32, #tpu.memory_space<vmem>>) semaphore(%run_scoped3A : memref<!tpu.dma_semaphore, #tpu.memory_space<semaphore_mem>>)
          %dma_wait3A_84 = arith.constant 0 : i32
          %dma_wait3A_85 = arith.constant 0 : i32
          %dma_wait3A_86 = tpu.memref_slice %arg7[%dma_wait3A_84, %dma_wait3A_85] : memref<25000x64xf32, #tpu.memory_space<vmem_shared>> -> memref<25000x64xf32, #tpu.memory_space<vmem_shared>>
          tpu.wait_indirect_dma semaphore(%run_scoped3A : memref<!tpu.dma_semaphore, #tpu.memory_space<semaphore_mem>>) src(%dma_wait3A_86 : memref<25000x64xf32, #tpu.memory_space<vmem_shared>>) dst(%arg8 : memref<128x64xf32, #tpu.memory_space<vmem>>)
          tpu.yield
        }) : () -> ()
        %add3A_80 = arith.addi %mul3A_4, %select_n3A : i32
        "tpu.region"() ({
          %run_scoped3A = tpu.sem_alloc : memref<!tpu.dma_semaphore, #tpu.memory_space<semaphore_mem>>
          %dma_start3A_81 = arith.constant 0 : i32
          %dma_start3A_82 = tpu.memref_slice %arg6[%add3A_80, %dma_start3A_81] : memref<50000x64xf32, #tpu.memory_space<hbm>> -> memref<128x64xf32, #tpu.memory_space<hbm>>
          %dma_start3A_83 = arith.constant 0 : i32
          %dma_start3A_84 = tpu.memref_slice %arg6[%add3A_80, %dma_start3A_83] : memref<50000x64xf32, #tpu.memory_space<hbm>> -> memref<128x64xf32, #tpu.memory_space<hbm>>
          tpu.enqueue_dma source(%arg8 : memref<128x64xf32, #tpu.memory_space<vmem>>) target(%dma_start3A_84 : memref<128x64xf32, #tpu.memory_space<hbm>>) target_semaphore(%run_scoped3A : memref<!tpu.dma_semaphore, #tpu.memory_space<semaphore_mem>>)
          %dma_wait3A_85 = arith.constant 0 : i32
          %dma_wait3A_86 = tpu.memref_slice %arg6[%add3A_80, %dma_wait3A_85] : memref<50000x64xf32, #tpu.memory_space<hbm>> -> memref<128x64xf32, #tpu.memory_space<hbm>>
          %dma_wait3A_87 = arith.constant 0 : i32
          %dma_wait3A_88 = tpu.memref_slice %arg6[%add3A_80, %dma_wait3A_87] : memref<50000x64xf32, #tpu.memory_space<hbm>> -> memref<128x64xf32, #tpu.memory_space<hbm>>
          tpu.wait_dma2 semaphore(%run_scoped3A : memref<!tpu.dma_semaphore, #tpu.memory_space<semaphore_mem>>) src(%arg8 : memref<128x64xf32, #tpu.memory_space<vmem>>) dst(%dma_wait3A_88 : memref<128x64xf32, #tpu.memory_space<hbm>>)
          tpu.yield
        }) : () -> ()
      } else {
      }
    }
    %scan3A_70 = arith.constant 13 : i32
    return
  }
}

#map = affine_map<(d0, d1) -> (0, 0)>
#map1 = affine_map<(d0, d1) -> (0)>
module attributes {stable_mosaic.version = 14 : i64} {
  func.func @k(%arg0: i32, %arg1: i32, %arg2: memref<800000x64xf32, #tpu.memory_space<hbm>>, %arg3: memref<800000xi32, #tpu.memory_space<hbm>>, %arg4: memref<128x64xf32, #tpu.memory_space<hbm>>, %arg5: memref<25000xi32, #tpu.memory_space<hbm>>, %arg6: memref<50000x64xf32, #tpu.memory_space<hbm>>, %arg7: memref<25000x64xf32, #tpu.memory_space<vmem_shared>>, %arg8: memref<128x64xf32, #tpu.memory_space<vmem>>, %arg9: memref<128x64xf32, #tpu.memory_space<vmem>>, %arg10: memref<128xi32, #tpu.memory_space<vmem>>, %arg11: memref<128xi32, #tpu.memory_space<vmem>>, %arg12: memref<40xi32, #tpu.memory_space<vmem>>, %arg13: memref<2x!tpu.dma_semaphore, #tpu.memory_space<semaphore_mem>>, %arg14: memref<2x!tpu.dma_semaphore, #tpu.memory_space<semaphore_mem>>, %arg15: memref<2x!tpu.dma_semaphore, #tpu.memory_space<semaphore_mem>>, %arg16: memref<!tpu.dma_semaphore, #tpu.memory_space<semaphore_mem>>) attributes {dimension_semantics = [#tpu.dimension_semantics<core_parallel>, #tpu.dimension_semantics<subcore_parallel>], iteration_bounds = array<i64: 2, 16>, scalar_prefetch = 0 : i64, scratch_operands = 10 : i64, tpu.core_type = #tpu.core_type<sc_vector_subcore>, window_params = [{transform_indices = #map}, {transform_indices = #map1}, {transform_indices = #map}, {transform_indices = #map1}, {transform_indices = #map}]} {
    %mul3A = arith.constant 2 : i32
    %mul3A_0 = arith.muli %arg1, %mul3A : i32
    %add3A = arith.addi %mul3A_0, %arg0 : i32
    %mul3A_1 = arith.constant 25000 : i32
    %mul3A_2 = arith.muli %add3A, %mul3A_1 : i32
    %mul3A_3 = arith.constant 25000 : i32
    %mul3A_4 = arith.muli %arg0, %mul3A_3 : i32
    "tpu.region"() ({
      %run_scoped3A = tpu.sem_alloc : memref<!tpu.dma_semaphore, #tpu.memory_space<semaphore_mem>>
      tpu.enqueue_dma source(%arg4 : memref<128x64xf32, #tpu.memory_space<hbm>>) target(%arg8 : memref<128x64xf32, #tpu.memory_space<vmem>>) target_semaphore(%run_scoped3A : memref<!tpu.dma_semaphore, #tpu.memory_space<semaphore_mem>>)
      tpu.wait_dma2 semaphore(%run_scoped3A : memref<!tpu.dma_semaphore, #tpu.memory_space<semaphore_mem>>) src(%arg4 : memref<128x64xf32, #tpu.memory_space<hbm>>) dst(%arg8 : memref<128x64xf32, #tpu.memory_space<vmem>>)
      tpu.yield
    }) : () -> ()
    %scan3A = arith.constant 0 : i32
    %scan3A_5 = arith.constant 0 : i32
    %scan3A_6 = arith.constant 13 : i32
    %scan3A_7 = arith.addi %scan3A_5, %scan3A_6 : i32
    %scan3A_8 = arith.constant 1 : i32
    scf.for %scan3A_71 = %scan3A_5 to %scan3A_7 step %scan3A_8  : i32 {
      %mul3A_72 = arith.constant 16 : i32
      %mul3A_73 = arith.muli %scan3A_71, %mul3A_72 : i32
      %add3A_74 = arith.addi %arg1, %mul3A_73 : i32
      %le3A = arith.constant 195 : i32
      %le3A_75 = arith.cmpi sle, %add3A_74, %le3A : i32
      %convert_element_type3A = arith.extui %le3A_75 : i1 to i32
      %cond3A = arith.constant 0 : i32
      %cond3A_76 = arith.cmpi ne, %convert_element_type3A, %cond3A : i32
      scf.if %cond3A_76 {
        %lt3A = arith.constant 195 : i32
        %lt3A_77 = arith.cmpi slt, %add3A_74, %lt3A : i32
        %mul3A_78 = arith.constant 128 : i32
        %mul3A_79 = arith.muli %add3A_74, %mul3A_78 : i32
        %jit3A = arith.constant 24872 : i32
        %select_n3A = arith.select %lt3A_77, %mul3A_79, %jit3A : i32
        "tpu.region"() ({
          %run_scoped3A = tpu.sem_alloc : memref<!tpu.dma_semaphore, #tpu.memory_space<semaphore_mem>>
          %dma_start3A_80 = tpu.memref_slice %arg5[%select_n3A] : memref<25000xi32, #tpu.memory_space<hbm>> -> memref<128xi32, #tpu.memory_space<hbm>>
          %dma_start3A_81 = tpu.memref_slice %arg5[%select_n3A] : memref<25000xi32, #tpu.memory_space<hbm>> -> memref<128xi32, #tpu.memory_space<hbm>>
          tpu.enqueue_dma source(%dma_start3A_81 : memref<128xi32, #tpu.memory_space<hbm>>) target(%arg10 : memref<128xi32, #tpu.memory_space<vmem>>) target_semaphore(%run_scoped3A : memref<!tpu.dma_semaphore, #tpu.memory_space<semaphore_mem>>)
          %dma_wait3A_82 = tpu.memref_slice %arg5[%select_n3A] : memref<25000xi32, #tpu.memory_space<hbm>> -> memref<128xi32, #tpu.memory_space<hbm>>
          %dma_wait3A_83 = tpu.memref_slice %arg5[%select_n3A] : memref<25000xi32, #tpu.memory_space<hbm>> -> memref<128xi32, #tpu.memory_space<hbm>>
          tpu.wait_dma2 semaphore(%run_scoped3A : memref<!tpu.dma_semaphore, #tpu.memory_space<semaphore_mem>>) src(%dma_wait3A_83 : memref<128xi32, #tpu.memory_space<hbm>>) dst(%arg10 : memref<128xi32, #tpu.memory_space<vmem>>)
          tpu.yield
        }) : () -> ()
        "tpu.region"() ({
          %run_scoped3A = tpu.sem_alloc : memref<!tpu.dma_semaphore, #tpu.memory_space<semaphore_mem>>
          %dma_start3A_80 = arith.constant 0 : i32
          %dma_start3A_81 = arith.constant 0 : i32
          %dma_start3A_82 = tpu.memref_slice %arg7[%dma_start3A_80, %dma_start3A_81] : memref<25000x64xf32, #tpu.memory_space<vmem_shared>> -> memref<25000x64xf32, #tpu.memory_space<vmem_shared>>
          tpu.enqueue_indirect_dma source(%arg8 : memref<128x64xf32, #tpu.memory_space<vmem>>) target(%dma_start3A_82 : memref<25000x64xf32, #tpu.memory_space<vmem_shared>>) offsets(%arg10 : memref<128xi32, #tpu.memory_space<vmem>>) semaphore(%run_scoped3A : memref<!tpu.dma_semaphore, #tpu.memory_space<semaphore_mem>>)
          %dma_wait3A_83 = arith.constant 0 : i32
          %dma_wait3A_84 = arith.constant 0 : i32
          %dma_wait3A_85 = tpu.memref_slice %arg7[%dma_wait3A_83, %dma_wait3A_84] : memref<25000x64xf32, #tpu.memory_space<vmem_shared>> -> memref<25000x64xf32, #tpu.memory_space<vmem_shared>>
          tpu.wait_indirect_dma semaphore(%run_scoped3A : memref<!tpu.dma_semaphore, #tpu.memory_space<semaphore_mem>>) src(%arg8 : memref<128x64xf32, #tpu.memory_space<vmem>>) dst(%dma_wait3A_85 : memref<25000x64xf32, #tpu.memory_space<vmem_shared>>)
          tpu.yield
        }) : () -> ()
      } else {
      }
    }
    %scan3A_9 = arith.constant 13 : i32
    %barrier3A = arith.constant 0 : index
    tpu.barrier barrier_id(%barrier3A)
    %add3A_10 = arith.constant 0 : i32
    %add3A_11 = arith.addi %mul3A_2, %add3A_10 : i32
    %dma_start3A = arith.constant 0 : i32
    %dma_start3A_12 = arith.constant 0 : i32
    %dma_start3A_13 = tpu.memref_slice %arg2[%add3A_11, %dma_start3A_12] : memref<800000x64xf32, #tpu.memory_space<hbm>> -> memref<128x64xf32, #tpu.memory_space<hbm>>
    %dma_start3A_14 = tpu.memref_slice %arg13[%dma_start3A] : memref<2x!tpu.dma_semaphore, #tpu.memory_space<semaphore_mem>> -> memref<1x!tpu.dma_semaphore, #tpu.memory_space<semaphore_mem>>
    %dma_start3A_15 = tpu.memref_squeeze %dma_start3A_14 : memref<1x!tpu.dma_semaphore, #tpu.memory_space<semaphore_mem>> -> memref<!tpu.dma_semaphore, #tpu.memory_space<semaphore_mem>>
    %dma_start3A_16 = arith.constant 0 : i32
    %dma_start3A_17 = tpu.memref_slice %arg2[%add3A_11, %dma_start3A_16] : memref<800000x64xf32, #tpu.memory_space<hbm>> -> memref<128x64xf32, #tpu.memory_space<hbm>>
    tpu.enqueue_dma source(%dma_start3A_17 : memref<128x64xf32, #tpu.memory_space<hbm>>) target(%arg8 : memref<128x64xf32, #tpu.memory_space<vmem>>) target_semaphore(%dma_start3A_15 : memref<!tpu.dma_semaphore, #tpu.memory_space<semaphore_mem>>)
    %add3A_18 = arith.constant 0 : i32
    %add3A_19 = arith.addi %mul3A_2, %add3A_18 : i32
    %dma_start3A_20 = arith.constant 0 : i32
    %dma_start3A_21 = tpu.memref_slice %arg3[%add3A_19] : memref<800000xi32, #tpu.memory_space<hbm>> -> memref<128xi32, #tpu.memory_space<hbm>>
    %dma_start3A_22 = tpu.memref_slice %arg14[%dma_start3A_20] : memref<2x!tpu.dma_semaphore, #tpu.memory_space<semaphore_mem>> -> memref<1x!tpu.dma_semaphore, #tpu.memory_space<semaphore_mem>>
    %dma_start3A_23 = tpu.memref_squeeze %dma_start3A_22 : memref<1x!tpu.dma_semaphore, #tpu.memory_space<semaphore_mem>> -> memref<!tpu.dma_semaphore, #tpu.memory_space<semaphore_mem>>
    %dma_start3A_24 = tpu.memref_slice %arg3[%add3A_19] : memref<800000xi32, #tpu.memory_space<hbm>> -> memref<128xi32, #tpu.memory_space<hbm>>
    tpu.enqueue_dma source(%dma_start3A_24 : memref<128xi32, #tpu.memory_space<hbm>>) target(%arg10 : memref<128xi32, #tpu.memory_space<vmem>>) target_semaphore(%dma_start3A_23 : memref<!tpu.dma_semaphore, #tpu.memory_space<semaphore_mem>>)
    %add3A_25 = arith.constant 128 : i32
    %add3A_26 = arith.addi %mul3A_2, %add3A_25 : i32
    %dma_start3A_27 = arith.constant 1 : i32
    %dma_start3A_28 = arith.constant 0 : i32
    %dma_start3A_29 = tpu.memref_slice %arg2[%add3A_26, %dma_start3A_28] : memref<800000x64xf32, #tpu.memory_space<hbm>> -> memref<128x64xf32, #tpu.memory_space<hbm>>
    %dma_start3A_30 = tpu.memref_slice %arg13[%dma_start3A_27] : memref<2x!tpu.dma_semaphore, #tpu.memory_space<semaphore_mem>> -> memref<1x!tpu.dma_semaphore, #tpu.memory_space<semaphore_mem>>
    %dma_start3A_31 = tpu.memref_squeeze %dma_start3A_30 : memref<1x!tpu.dma_semaphore, #tpu.memory_space<semaphore_mem>> -> memref<!tpu.dma_semaphore, #tpu.memory_space<semaphore_mem>>
    %dma_start3A_32 = arith.constant 0 : i32
    %dma_start3A_33 = tpu.memref_slice %arg2[%add3A_26, %dma_start3A_32] : memref<800000x64xf32, #tpu.memory_space<hbm>> -> memref<128x64xf32, #tpu.memory_space<hbm>>
    tpu.enqueue_dma source(%dma_start3A_33 : memref<128x64xf32, #tpu.memory_space<hbm>>) target(%arg9 : memref<128x64xf32, #tpu.memory_space<vmem>>) target_semaphore(%dma_start3A_31 : memref<!tpu.dma_semaphore, #tpu.memory_space<semaphore_mem>>)
    %add3A_34 = arith.constant 128 : i32
    %add3A_35 = arith.addi %mul3A_2, %add3A_34 : i32
    %dma_start3A_36 = arith.constant 1 : i32
    %dma_start3A_37 = tpu.memref_slice %arg3[%add3A_35] : memref<800000xi32, #tpu.memory_space<hbm>> -> memref<128xi32, #tpu.memory_space<hbm>>
    %dma_start3A_38 = tpu.memref_slice %arg14[%dma_start3A_36] : memref<2x!tpu.dma_semaphore, #tpu.memory_space<semaphore_mem>> -> memref<1x!tpu.dma_semaphore, #tpu.memory_space<semaphore_mem>>
    %dma_start3A_39 = tpu.memref_squeeze %dma_start3A_38 : memref<1x!tpu.dma_semaphore, #tpu.memory_space<semaphore_mem>> -> memref<!tpu.dma_semaphore, #tpu.memory_space<semaphore_mem>>
    %dma_start3A_40 = tpu.memref_slice %arg3[%add3A_35] : memref<800000xi32, #tpu.memory_space<hbm>> -> memref<128xi32, #tpu.memory_space<hbm>>
    tpu.enqueue_dma source(%dma_start3A_40 : memref<128xi32, #tpu.memory_space<hbm>>) target(%arg11 : memref<128xi32, #tpu.memory_space<vmem>>) target_semaphore(%dma_start3A_39 : memref<!tpu.dma_semaphore, #tpu.memory_space<semaphore_mem>>)
    %scan3A_41 = arith.constant 0 : i32
    %scan3A_42 = arith.constant 0 : i32
    %scan3A_43 = arith.constant 97 : i32
    %scan3A_44 = arith.addi %scan3A_42, %scan3A_43 : i32
    %scan3A_45 = arith.constant 1 : i32
    scf.for %scan3A_71 = %scan3A_42 to %scan3A_44 step %scan3A_45  : i32 {
      %mul3A_72 = arith.constant 2 : i32
      %mul3A_73 = arith.muli %scan3A_71, %mul3A_72 : i32
      %add3A_74 = arith.constant 0 : i32
      %add3A_75 = arith.addi %mul3A_73, %add3A_74 : i32
      %mul3A_76 = arith.constant 128 : i32
      %mul3A_77 = arith.muli %add3A_75, %mul3A_76 : i32
      %add3A_78 = arith.addi %mul3A_2, %mul3A_77 : i32
      %dma_wait3A_79 = arith.constant 0 : i32
      %dma_wait3A_80 = arith.constant 0 : i32
      %dma_wait3A_81 = tpu.memref_slice %arg2[%add3A_78, %dma_wait3A_80] : memref<800000x64xf32, #tpu.memory_space<hbm>> -> memref<128x64xf32, #tpu.memory_space<hbm>>
      %dma_wait3A_82 = tpu.memref_slice %arg13[%dma_wait3A_79] : memref<2x!tpu.dma_semaphore, #tpu.memory_space<semaphore_mem>> -> memref<1x!tpu.dma_semaphore, #tpu.memory_space<semaphore_mem>>
      %dma_wait3A_83 = tpu.memref_squeeze %dma_wait3A_82 : memref<1x!tpu.dma_semaphore, #tpu.memory_space<semaphore_mem>> -> memref<!tpu.dma_semaphore, #tpu.memory_space<semaphore_mem>>
      %dma_wait3A_84 = arith.constant 0 : i32
      %dma_wait3A_85 = tpu.memref_slice %arg2[%add3A_78, %dma_wait3A_84] : memref<800000x64xf32, #tpu.memory_space<hbm>> -> memref<128x64xf32, #tpu.memory_space<hbm>>
      tpu.wait_dma2 semaphore(%dma_wait3A_83 : memref<!tpu.dma_semaphore, #tpu.memory_space<semaphore_mem>>) src(%dma_wait3A_85 : memref<128x64xf32, #tpu.memory_space<hbm>>) dst(%arg8 : memref<128x64xf32, #tpu.memory_space<vmem>>)
      %mul3A_86 = arith.constant 128 : i32
      %mul3A_87 = arith.muli %add3A_75, %mul3A_86 : i32
      %add3A_88 = arith.addi %mul3A_2, %mul3A_87 : i32
      %dma_wait3A_89 = arith.constant 0 : i32
      %dma_wait3A_90 = tpu.memref_slice %arg3[%add3A_88] : memref<800000xi32, #tpu.memory_space<hbm>> -> memref<128xi32, #tpu.memory_space<hbm>>
      %dma_wait3A_91 = tpu.memref_slice %arg14[%dma_wait3A_89] : memref<2x!tpu.dma_semaphore, #tpu.memory_space<semaphore_mem>> -> memref<1x!tpu.dma_semaphore, #tpu.memory_space<semaphore_mem>>
      %dma_wait3A_92 = tpu.memref_squeeze %dma_wait3A_91 : memref<1x!tpu.dma_semaphore, #tpu.memory_space<semaphore_mem>> -> memref<!tpu.dma_semaphore, #tpu.memory_space<semaphore_mem>>
      %dma_wait3A_93 = tpu.memref_slice %arg3[%add3A_88] : memref<800000xi32, #tpu.memory_space<hbm>> -> memref<128xi32, #tpu.memory_space<hbm>>
      tpu.wait_dma2 semaphore(%dma_wait3A_92 : memref<!tpu.dma_semaphore, #tpu.memory_space<semaphore_mem>>) src(%dma_wait3A_93 : memref<128xi32, #tpu.memory_space<hbm>>) dst(%arg10 : memref<128xi32, #tpu.memory_space<vmem>>)
      %dma_start3A_94 = arith.constant 0 : i32
      %dma_start3A_95 = arith.constant 0 : i32
      %dma_start3A_96 = arith.constant 0 : i32
      %dma_start3A_97 = tpu.memref_slice %arg7[%dma_start3A_95, %dma_start3A_96] : memref<25000x64xf32, #tpu.memory_space<vmem_shared>> -> memref<25000x64xf32, #tpu.memory_space<vmem_shared>>
      %dma_start3A_98 = tpu.memref_slice %arg15[%dma_start3A_94] : memref<2x!tpu.dma_semaphore, #tpu.memory_space<semaphore_mem>> -> memref<1x!tpu.dma_semaphore, #tpu.memory_space<semaphore_mem>>
      %dma_start3A_99 = tpu.memref_squeeze %dma_start3A_98 : memref<1x!tpu.dma_semaphore, #tpu.memory_space<semaphore_mem>> -> memref<!tpu.dma_semaphore, #tpu.memory_space<semaphore_mem>>
      tpu.enqueue_indirect_dma source(%arg8 : memref<128x64xf32, #tpu.memory_space<vmem>>) target(%dma_start3A_97 : memref<25000x64xf32, #tpu.memory_space<vmem_shared>>) offsets(%arg10 : memref<128xi32, #tpu.memory_space<vmem>>) semaphore(%dma_start3A_99 : memref<!tpu.dma_semaphore, #tpu.memory_space<semaphore_mem>>) {add = true}
      %mul3A_100 = arith.constant 2 : i32
      %mul3A_101 = arith.muli %scan3A_71, %mul3A_100 : i32
      %add3A_102 = arith.constant 1 : i32
      %add3A_103 = arith.addi %mul3A_101, %add3A_102 : i32
      %mul3A_104 = arith.constant 128 : i32
      %mul3A_105 = arith.muli %add3A_103, %mul3A_104 : i32
      %add3A_106 = arith.addi %mul3A_2, %mul3A_105 : i32
      %dma_wait3A_107 = arith.constant 1 : i32
      %dma_wait3A_108 = arith.constant 0 : i32
      %dma_wait3A_109 = tpu.memref_slice %arg2[%add3A_106, %dma_wait3A_108] : memref<800000x64xf32, #tpu.memory_space<hbm>> -> memref<128x64xf32, #tpu.memory_space<hbm>>
      %dma_wait3A_110 = tpu.memref_slice %arg13[%dma_wait3A_107] : memref<2x!tpu.dma_semaphore, #tpu.memory_space<semaphore_mem>> -> memref<1x!tpu.dma_semaphore, #tpu.memory_space<semaphore_mem>>
      %dma_wait3A_111 = tpu.memref_squeeze %dma_wait3A_110 : memref<1x!tpu.dma_semaphore, #tpu.memory_space<semaphore_mem>> -> memref<!tpu.dma_semaphore, #tpu.memory_space<semaphore_mem>>
      %dma_wait3A_112 = arith.constant 0 : i32
      %dma_wait3A_113 = tpu.memref_slice %arg2[%add3A_106, %dma_wait3A_112] : memref<800000x64xf32, #tpu.memory_space<hbm>> -> memref<128x64xf32, #tpu.memory_space<hbm>>
      tpu.wait_dma2 semaphore(%dma_wait3A_111 : memref<!tpu.dma_semaphore, #tpu.memory_space<semaphore_mem>>) src(%dma_wait3A_113 : memref<128x64xf32, #tpu.memory_space<hbm>>) dst(%arg9 : memref<128x64xf32, #tpu.memory_space<vmem>>)
      %mul3A_114 = arith.constant 128 : i32
      %mul3A_115 = arith.muli %add3A_103, %mul3A_114 : i32
      %add3A_116 = arith.addi %mul3A_2, %mul3A_115 : i32
      %dma_wait3A_117 = arith.constant 1 : i32
      %dma_wait3A_118 = tpu.memref_slice %arg3[%add3A_116] : memref<800000xi32, #tpu.memory_space<hbm>> -> memref<128xi32, #tpu.memory_space<hbm>>
      %dma_wait3A_119 = tpu.memref_slice %arg14[%dma_wait3A_117] : memref<2x!tpu.dma_semaphore, #tpu.memory_space<semaphore_mem>> -> memref<1x!tpu.dma_semaphore, #tpu.memory_space<semaphore_mem>>
      %dma_wait3A_120 = tpu.memref_squeeze %dma_wait3A_119 : memref<1x!tpu.dma_semaphore, #tpu.memory_space<semaphore_mem>> -> memref<!tpu.dma_semaphore, #tpu.memory_space<semaphore_mem>>
      %dma_wait3A_121 = tpu.memref_slice %arg3[%add3A_116] : memref<800000xi32, #tpu.memory_space<hbm>> -> memref<128xi32, #tpu.memory_space<hbm>>
      tpu.wait_dma2 semaphore(%dma_wait3A_120 : memref<!tpu.dma_semaphore, #tpu.memory_space<semaphore_mem>>) src(%dma_wait3A_121 : memref<128xi32, #tpu.memory_space<hbm>>) dst(%arg11 : memref<128xi32, #tpu.memory_space<vmem>>)
      %dma_start3A_122 = arith.constant 1 : i32
      %dma_start3A_123 = arith.constant 0 : i32
      %dma_start3A_124 = arith.constant 0 : i32
      %dma_start3A_125 = tpu.memref_slice %arg7[%dma_start3A_123, %dma_start3A_124] : memref<25000x64xf32, #tpu.memory_space<vmem_shared>> -> memref<25000x64xf32, #tpu.memory_space<vmem_shared>>
      %dma_start3A_126 = tpu.memref_slice %arg15[%dma_start3A_122] : memref<2x!tpu.dma_semaphore, #tpu.memory_space<semaphore_mem>> -> memref<1x!tpu.dma_semaphore, #tpu.memory_space<semaphore_mem>>
      %dma_start3A_127 = tpu.memref_squeeze %dma_start3A_126 : memref<1x!tpu.dma_semaphore, #tpu.memory_space<semaphore_mem>> -> memref<!tpu.dma_semaphore, #tpu.memory_space<semaphore_mem>>
      tpu.enqueue_indirect_dma source(%arg9 : memref<128x64xf32, #tpu.memory_space<vmem>>) target(%dma_start3A_125 : memref<25000x64xf32, #tpu.memory_space<vmem_shared>>) offsets(%arg11 : memref<128xi32, #tpu.memory_space<vmem>>) semaphore(%dma_start3A_127 : memref<!tpu.dma_semaphore, #tpu.memory_space<semaphore_mem>>) {add = true}
      %mul3A_128 = arith.constant 2 : i32
      %mul3A_129 = arith.muli %scan3A_71, %mul3A_128 : i32
      %add3A_130 = arith.constant 0 : i32
      %add3A_131 = arith.addi %mul3A_129, %add3A_130 : i32
      %dma_wait3A_132 = arith.constant 0 : i32
      %dma_wait3A_133 = arith.constant 0 : i32
      %dma_wait3A_134 = arith.constant 0 : i32
      %dma_wait3A_135 = tpu.memref_slice %arg7[%dma_wait3A_133, %dma_wait3A_134] : memref<25000x64xf32, #tpu.memory_space<vmem_shared>> -> memref<25000x64xf32, #tpu.memory_space<vmem_shared>>
      %dma_wait3A_136 = tpu.memref_slice %arg15[%dma_wait3A_132] : memref<2x!tpu.dma_semaphore, #tpu.memory_space<semaphore_mem>> -> memref<1x!tpu.dma_semaphore, #tpu.memory_space<semaphore_mem>>
      %dma_wait3A_137 = tpu.memref_squeeze %dma_wait3A_136 : memref<1x!tpu.dma_semaphore, #tpu.memory_space<semaphore_mem>> -> memref<!tpu.dma_semaphore, #tpu.memory_space<semaphore_mem>>
      tpu.wait_indirect_dma semaphore(%dma_wait3A_137 : memref<!tpu.dma_semaphore, #tpu.memory_space<semaphore_mem>>) src(%arg8 : memref<128x64xf32, #tpu.memory_space<vmem>>) dst(%dma_wait3A_135 : memref<25000x64xf32, #tpu.memory_space<vmem_shared>>)
      %add3A_138 = arith.constant 2 : i32
      %add3A_139 = arith.addi %add3A_131, %add3A_138 : i32
      %lt3A = arith.constant 195 : i32
      %lt3A_140 = arith.cmpi slt, %add3A_139, %lt3A : i32
      %convert_element_type3A = arith.extui %lt3A_140 : i1 to i32
      %cond3A = arith.constant 0 : i32
      %cond3A_141 = arith.cmpi ne, %convert_element_type3A, %cond3A : i32
      scf.if %cond3A_141 {
        %add3A_159 = arith.constant 2 : i32
        %add3A_160 = arith.addi %add3A_131, %add3A_159 : i32
        %mul3A_161 = arith.constant 128 : i32
        %mul3A_162 = arith.muli %add3A_160, %mul3A_161 : i32
        %add3A_163 = arith.addi %mul3A_2, %mul3A_162 : i32
        %dma_start3A_164 = arith.constant 0 : i32
        %dma_start3A_165 = arith.constant 0 : i32
        %dma_start3A_166 = tpu.memref_slice %arg2[%add3A_163, %dma_start3A_165] : memref<800000x64xf32, #tpu.memory_space<hbm>> -> memref<128x64xf32, #tpu.memory_space<hbm>>
        %dma_start3A_167 = tpu.memref_slice %arg13[%dma_start3A_164] : memref<2x!tpu.dma_semaphore, #tpu.memory_space<semaphore_mem>> -> memref<1x!tpu.dma_semaphore, #tpu.memory_space<semaphore_mem>>
        %dma_start3A_168 = tpu.memref_squeeze %dma_start3A_167 : memref<1x!tpu.dma_semaphore, #tpu.memory_space<semaphore_mem>> -> memref<!tpu.dma_semaphore, #tpu.memory_space<semaphore_mem>>
        %dma_start3A_169 = arith.constant 0 : i32
        %dma_start3A_170 = tpu.memref_slice %arg2[%add3A_163, %dma_start3A_169] : memref<800000x64xf32, #tpu.memory_space<hbm>> -> memref<128x64xf32, #tpu.memory_space<hbm>>
        tpu.enqueue_dma source(%dma_start3A_170 : memref<128x64xf32, #tpu.memory_space<hbm>>) target(%arg8 : memref<128x64xf32, #tpu.memory_space<vmem>>) target_semaphore(%dma_start3A_168 : memref<!tpu.dma_semaphore, #tpu.memory_space<semaphore_mem>>)
        %mul3A_171 = arith.constant 128 : i32
        %mul3A_172 = arith.muli %add3A_160, %mul3A_171 : i32
        %add3A_173 = arith.addi %mul3A_2, %mul3A_172 : i32
        %dma_start3A_174 = arith.constant 0 : i32
        %dma_start3A_175 = tpu.memref_slice %arg3[%add3A_173] : memref<800000xi32, #tpu.memory_space<hbm>> -> memref<128xi32, #tpu.memory_space<hbm>>
        %dma_start3A_176 = tpu.memref_slice %arg14[%dma_start3A_174] : memref<2x!tpu.dma_semaphore, #tpu.memory_space<semaphore_mem>> -> memref<1x!tpu.dma_semaphore, #tpu.memory_space<semaphore_mem>>
        %dma_start3A_177 = tpu.memref_squeeze %dma_start3A_176 : memref<1x!tpu.dma_semaphore, #tpu.memory_space<semaphore_mem>> -> memref<!tpu.dma_semaphore, #tpu.memory_space<semaphore_mem>>
        %dma_start3A_178 = tpu.memref_slice %arg3[%add3A_173] : memref<800000xi32, #tpu.memory_space<hbm>> -> memref<128xi32, #tpu.memory_space<hbm>>
        tpu.enqueue_dma source(%dma_start3A_178 : memref<128xi32, #tpu.memory_space<hbm>>) target(%arg10 : memref<128xi32, #tpu.memory_space<vmem>>) target_semaphore(%dma_start3A_177 : memref<!tpu.dma_semaphore, #tpu.memory_space<semaphore_mem>>)
      } else {
      }
      %mul3A_142 = arith.constant 2 : i32
      %mul3A_143 = arith.muli %scan3A_71, %mul3A_142 : i32
      %add3A_144 = arith.constant 1 : i32
      %add3A_145 = arith.addi %mul3A_143, %add3A_144 : i32
      %dma_wait3A_146 = arith.constant 1 : i32
      %dma_wait3A_147 = arith.constant 0 : i32
      %dma_wait3A_148 = arith.constant 0 : i32
      %dma_wait3A_149 = tpu.memref_slice %arg7[%dma_wait3A_147, %dma_wait3A_148] : memref<25000x64xf32, #tpu.memory_space<vmem_shared>> -> memref<25000x64xf32, #tpu.memory_space<vmem_shared>>
      %dma_wait3A_150 = tpu.memref_slice %arg15[%dma_wait3A_146] : memref<2x!tpu.dma_semaphore, #tpu.memory_space<semaphore_mem>> -> memref<1x!tpu.dma_semaphore, #tpu.memory_space<semaphore_mem>>
      %dma_wait3A_151 = tpu.memref_squeeze %dma_wait3A_150 : memref<1x!tpu.dma_semaphore, #tpu.memory_space<semaphore_mem>> -> memref<!tpu.dma_semaphore, #tpu.memory_space<semaphore_mem>>
      tpu.wait_indirect_dma semaphore(%dma_wait3A_151 : memref<!tpu.dma_semaphore, #tpu.memory_space<semaphore_mem>>) src(%arg9 : memref<128x64xf32, #tpu.memory_space<vmem>>) dst(%dma_wait3A_149 : memref<25000x64xf32, #tpu.memory_space<vmem_shared>>)
      %add3A_152 = arith.constant 2 : i32
      %add3A_153 = arith.addi %add3A_145, %add3A_152 : i32
      %lt3A_154 = arith.constant 195 : i32
      %lt3A_155 = arith.cmpi slt, %add3A_153, %lt3A_154 : i32
      %convert_element_type3A_156 = arith.extui %lt3A_155 : i1 to i32
      %cond3A_157 = arith.constant 0 : i32
      %cond3A_158 = arith.cmpi ne, %convert_element_type3A_156, %cond3A_157 : i32
      scf.if %cond3A_158 {
        %add3A_159 = arith.constant 2 : i32
        %add3A_160 = arith.addi %add3A_145, %add3A_159 : i32
        %mul3A_161 = arith.constant 128 : i32
        %mul3A_162 = arith.muli %add3A_160, %mul3A_161 : i32
        %add3A_163 = arith.addi %mul3A_2, %mul3A_162 : i32
        %dma_start3A_164 = arith.constant 1 : i32
        %dma_start3A_165 = arith.constant 0 : i32
        %dma_start3A_166 = tpu.memref_slice %arg2[%add3A_163, %dma_start3A_165] : memref<800000x64xf32, #tpu.memory_space<hbm>> -> memref<128x64xf32, #tpu.memory_space<hbm>>
        %dma_start3A_167 = tpu.memref_slice %arg13[%dma_start3A_164] : memref<2x!tpu.dma_semaphore, #tpu.memory_space<semaphore_mem>> -> memref<1x!tpu.dma_semaphore, #tpu.memory_space<semaphore_mem>>
        %dma_start3A_168 = tpu.memref_squeeze %dma_start3A_167 : memref<1x!tpu.dma_semaphore, #tpu.memory_space<semaphore_mem>> -> memref<!tpu.dma_semaphore, #tpu.memory_space<semaphore_mem>>
        %dma_start3A_169 = arith.constant 0 : i32
        %dma_start3A_170 = tpu.memref_slice %arg2[%add3A_163, %dma_start3A_169] : memref<800000x64xf32, #tpu.memory_space<hbm>> -> memref<128x64xf32, #tpu.memory_space<hbm>>
        tpu.enqueue_dma source(%dma_start3A_170 : memref<128x64xf32, #tpu.memory_space<hbm>>) target(%arg9 : memref<128x64xf32, #tpu.memory_space<vmem>>) target_semaphore(%dma_start3A_168 : memref<!tpu.dma_semaphore, #tpu.memory_space<semaphore_mem>>)
        %mul3A_171 = arith.constant 128 : i32
        %mul3A_172 = arith.muli %add3A_160, %mul3A_171 : i32
        %add3A_173 = arith.addi %mul3A_2, %mul3A_172 : i32
        %dma_start3A_174 = arith.constant 1 : i32
        %dma_start3A_175 = tpu.memref_slice %arg3[%add3A_173] : memref<800000xi32, #tpu.memory_space<hbm>> -> memref<128xi32, #tpu.memory_space<hbm>>
        %dma_start3A_176 = tpu.memref_slice %arg14[%dma_start3A_174] : memref<2x!tpu.dma_semaphore, #tpu.memory_space<semaphore_mem>> -> memref<1x!tpu.dma_semaphore, #tpu.memory_space<semaphore_mem>>
        %dma_start3A_177 = tpu.memref_squeeze %dma_start3A_176 : memref<1x!tpu.dma_semaphore, #tpu.memory_space<semaphore_mem>> -> memref<!tpu.dma_semaphore, #tpu.memory_space<semaphore_mem>>
        %dma_start3A_178 = tpu.memref_slice %arg3[%add3A_173] : memref<800000xi32, #tpu.memory_space<hbm>> -> memref<128xi32, #tpu.memory_space<hbm>>
        tpu.enqueue_dma source(%dma_start3A_178 : memref<128xi32, #tpu.memory_space<hbm>>) target(%arg11 : memref<128xi32, #tpu.memory_space<vmem>>) target_semaphore(%dma_start3A_177 : memref<!tpu.dma_semaphore, #tpu.memory_space<semaphore_mem>>)
      } else {
      }
    }
    %scan3A_46 = arith.constant 97 : i32
    %add3A_47 = arith.constant 24832 : i32
    %add3A_48 = arith.addi %mul3A_2, %add3A_47 : i32
    %dma_wait3A = arith.constant 0 : i32
    %dma_wait3A_49 = arith.constant 0 : i32
    %dma_wait3A_50 = tpu.memref_slice %arg2[%add3A_48, %dma_wait3A_49] : memref<800000x64xf32, #tpu.memory_space<hbm>> -> memref<128x64xf32, #tpu.memory_space<hbm>>
    %dma_wait3A_51 = tpu.memref_slice %arg13[%dma_wait3A] : memref<2x!tpu.dma_semaphore, #tpu.memory_space<semaphore_mem>> -> memref<1x!tpu.dma_semaphore, #tpu.memory_space<semaphore_mem>>
    %dma_wait3A_52 = tpu.memref_squeeze %dma_wait3A_51 : memref<1x!tpu.dma_semaphore, #tpu.memory_space<semaphore_mem>> -> memref<!tpu.dma_semaphore, #tpu.memory_space<semaphore_mem>>
    %dma_wait3A_53 = arith.constant 0 : i32
    %dma_wait3A_54 = tpu.memref_slice %arg2[%add3A_48, %dma_wait3A_53] : memref<800000x64xf32, #tpu.memory_space<hbm>> -> memref<128x64xf32, #tpu.memory_space<hbm>>
    tpu.wait_dma2 semaphore(%dma_wait3A_52 : memref<!tpu.dma_semaphore, #tpu.memory_space<semaphore_mem>>) src(%dma_wait3A_54 : memref<128x64xf32, #tpu.memory_space<hbm>>) dst(%arg8 : memref<128x64xf32, #tpu.memory_space<vmem>>)
    %add3A_55 = arith.constant 24832 : i32
    %add3A_56 = arith.addi %mul3A_2, %add3A_55 : i32
    %dma_wait3A_57 = arith.constant 0 : i32
    %dma_wait3A_58 = tpu.memref_slice %arg3[%add3A_56] : memref<800000xi32, #tpu.memory_space<hbm>> -> memref<128xi32, #tpu.memory_space<hbm>>
    %dma_wait3A_59 = tpu.memref_slice %arg14[%dma_wait3A_57] : memref<2x!tpu.dma_semaphore, #tpu.memory_space<semaphore_mem>> -> memref<1x!tpu.dma_semaphore, #tpu.memory_space<semaphore_mem>>
    %dma_wait3A_60 = tpu.memref_squeeze %dma_wait3A_59 : memref<1x!tpu.dma_semaphore, #tpu.memory_space<semaphore_mem>> -> memref<!tpu.dma_semaphore, #tpu.memory_space<semaphore_mem>>
    %dma_wait3A_61 = tpu.memref_slice %arg3[%add3A_56] : memref<800000xi32, #tpu.memory_space<hbm>> -> memref<128xi32, #tpu.memory_space<hbm>>
    tpu.wait_dma2 semaphore(%dma_wait3A_60 : memref<!tpu.dma_semaphore, #tpu.memory_space<semaphore_mem>>) src(%dma_wait3A_61 : memref<128xi32, #tpu.memory_space<hbm>>) dst(%arg10 : memref<128xi32, #tpu.memory_space<vmem>>)
    "tpu.region"() ({
      %run_scoped3A = tpu.sem_alloc : memref<!tpu.dma_semaphore, #tpu.memory_space<semaphore_mem>>
      %dma_start3A_71 = arith.constant 0 : i32
      %dma_start3A_72 = arith.constant 0 : i32
      %dma_start3A_73 = tpu.memref_slice %arg7[%dma_start3A_71, %dma_start3A_72] : memref<25000x64xf32, #tpu.memory_space<vmem_shared>> -> memref<25000x64xf32, #tpu.memory_space<vmem_shared>>
      tpu.enqueue_indirect_dma source(%arg8 : memref<128x64xf32, #tpu.memory_space<vmem>>) target(%dma_start3A_73 : memref<25000x64xf32, #tpu.memory_space<vmem_shared>>) offsets(%arg10 : memref<128xi32, #tpu.memory_space<vmem>>) semaphore(%run_scoped3A : memref<!tpu.dma_semaphore, #tpu.memory_space<semaphore_mem>>) {add = true}
      %dma_wait3A_74 = arith.constant 0 : i32
      %dma_wait3A_75 = arith.constant 0 : i32
      %dma_wait3A_76 = tpu.memref_slice %arg7[%dma_wait3A_74, %dma_wait3A_75] : memref<25000x64xf32, #tpu.memory_space<vmem_shared>> -> memref<25000x64xf32, #tpu.memory_space<vmem_shared>>
      tpu.wait_indirect_dma semaphore(%run_scoped3A : memref<!tpu.dma_semaphore, #tpu.memory_space<semaphore_mem>>) src(%arg8 : memref<128x64xf32, #tpu.memory_space<vmem>>) dst(%dma_wait3A_76 : memref<25000x64xf32, #tpu.memory_space<vmem_shared>>)
      tpu.yield
    }) : () -> ()
    %add3A_62 = arith.constant 24960 : i32
    %add3A_63 = arith.addi %mul3A_2, %add3A_62 : i32
    "tpu.region"() ({
      %run_scoped3A = tpu.sem_alloc : memref<!tpu.dma_semaphore, #tpu.memory_space<semaphore_mem>>
      %dma_start3A_71 = tpu.memref_slice %arg3[%add3A_63] : memref<800000xi32, #tpu.memory_space<hbm>> -> memref<40xi32, #tpu.memory_space<hbm>>
      %dma_start3A_72 = tpu.memref_slice %arg3[%add3A_63] : memref<800000xi32, #tpu.memory_space<hbm>> -> memref<40xi32, #tpu.memory_space<hbm>>
      tpu.enqueue_dma source(%dma_start3A_72 : memref<40xi32, #tpu.memory_space<hbm>>) target(%arg12 : memref<40xi32, #tpu.memory_space<vmem>>) target_semaphore(%run_scoped3A : memref<!tpu.dma_semaphore, #tpu.memory_space<semaphore_mem>>)
      %dma_wait3A_73 = tpu.memref_slice %arg3[%add3A_63] : memref<800000xi32, #tpu.memory_space<hbm>> -> memref<40xi32, #tpu.memory_space<hbm>>
      %dma_wait3A_74 = tpu.memref_slice %arg3[%add3A_63] : memref<800000xi32, #tpu.memory_space<hbm>> -> memref<40xi32, #tpu.memory_space<hbm>>
      tpu.wait_dma2 semaphore(%run_scoped3A : memref<!tpu.dma_semaphore, #tpu.memory_space<semaphore_mem>>) src(%dma_wait3A_74 : memref<40xi32, #tpu.memory_space<hbm>>) dst(%arg12 : memref<40xi32, #tpu.memory_space<vmem>>)
      tpu.yield
    }) : () -> ()
    "tpu.region"() ({
      %run_scoped3A = tpu.sem_alloc : memref<!tpu.dma_semaphore, #tpu.memory_space<semaphore_mem>>
      %dma_start3A_71 = arith.constant 0 : i32
      %dma_start3A_72 = arith.constant 0 : i32
      %dma_start3A_73 = tpu.memref_slice %arg8[%dma_start3A_71, %dma_start3A_72] : memref<128x64xf32, #tpu.memory_space<vmem>> -> memref<40x64xf32, #tpu.memory_space<vmem>>
      %dma_start3A_74 = arith.constant 0 : i32
      %dma_start3A_75 = tpu.memref_slice %arg2[%add3A_63, %dma_start3A_74] : memref<800000x64xf32, #tpu.memory_space<hbm>> -> memref<40x64xf32, #tpu.memory_space<hbm>>
      %dma_start3A_76 = arith.constant 0 : i32
      %dma_start3A_77 = arith.constant 0 : i32
      %dma_start3A_78 = tpu.memref_slice %arg8[%dma_start3A_76, %dma_start3A_77] : memref<128x64xf32, #tpu.memory_space<vmem>> -> memref<40x64xf32, #tpu.memory_space<vmem>>
      %dma_start3A_79 = arith.constant 0 : i32
      %dma_start3A_80 = tpu.memref_slice %arg2[%add3A_63, %dma_start3A_79] : memref<800000x64xf32, #tpu.memory_space<hbm>> -> memref<40x64xf32, #tpu.memory_space<hbm>>
      tpu.enqueue_dma source(%dma_start3A_80 : memref<40x64xf32, #tpu.memory_space<hbm>>) target(%dma_start3A_78 : memref<40x64xf32, #tpu.memory_space<vmem>>) target_semaphore(%run_scoped3A : memref<!tpu.dma_semaphore, #tpu.memory_space<semaphore_mem>>)
      %dma_wait3A_81 = arith.constant 0 : i32
      %dma_wait3A_82 = arith.constant 0 : i32
      %dma_wait3A_83 = tpu.memref_slice %arg8[%dma_wait3A_81, %dma_wait3A_82] : memref<128x64xf32, #tpu.memory_space<vmem>> -> memref<40x64xf32, #tpu.memory_space<vmem>>
      %dma_wait3A_84 = arith.constant 0 : i32
      %dma_wait3A_85 = tpu.memref_slice %arg2[%add3A_63, %dma_wait3A_84] : memref<800000x64xf32, #tpu.memory_space<hbm>> -> memref<40x64xf32, #tpu.memory_space<hbm>>
      %dma_wait3A_86 = arith.constant 0 : i32
      %dma_wait3A_87 = arith.constant 0 : i32
      %dma_wait3A_88 = tpu.memref_slice %arg8[%dma_wait3A_86, %dma_wait3A_87] : memref<128x64xf32, #tpu.memory_space<vmem>> -> memref<40x64xf32, #tpu.memory_space<vmem>>
      %dma_wait3A_89 = arith.constant 0 : i32
      %dma_wait3A_90 = tpu.memref_slice %arg2[%add3A_63, %dma_wait3A_89] : memref<800000x64xf32, #tpu.memory_space<hbm>> -> memref<40x64xf32, #tpu.memory_space<hbm>>
      tpu.wait_dma2 semaphore(%run_scoped3A : memref<!tpu.dma_semaphore, #tpu.memory_space<semaphore_mem>>) src(%dma_wait3A_90 : memref<40x64xf32, #tpu.memory_space<hbm>>) dst(%dma_wait3A_88 : memref<40x64xf32, #tpu.memory_space<vmem>>)
      tpu.yield
    }) : () -> ()
    "tpu.region"() ({
      %run_scoped3A = tpu.sem_alloc : memref<!tpu.dma_semaphore, #tpu.memory_space<semaphore_mem>>
      %dma_start3A_71 = arith.constant 0 : i32
      %dma_start3A_72 = arith.constant 0 : i32
      %dma_start3A_73 = tpu.memref_slice %arg8[%dma_start3A_71, %dma_start3A_72] : memref<128x64xf32, #tpu.memory_space<vmem>> -> memref<40x64xf32, #tpu.memory_space<vmem>>
      %dma_start3A_74 = arith.constant 0 : i32
      %dma_start3A_75 = arith.constant 0 : i32
      %dma_start3A_76 = tpu.memref_slice %arg7[%dma_start3A_74, %dma_start3A_75] : memref<25000x64xf32, #tpu.memory_space<vmem_shared>> -> memref<25000x64xf32, #tpu.memory_space<vmem_shared>>
      tpu.enqueue_indirect_dma source(%dma_start3A_73 : memref<40x64xf32, #tpu.memory_space<vmem>>) target(%dma_start3A_76 : memref<25000x64xf32, #tpu.memory_space<vmem_shared>>) offsets(%arg12 : memref<40xi32, #tpu.memory_space<vmem>>) semaphore(%run_scoped3A : memref<!tpu.dma_semaphore, #tpu.memory_space<semaphore_mem>>) {add = true}
      %dma_wait3A_77 = arith.constant 0 : i32
      %dma_wait3A_78 = arith.constant 0 : i32
      %dma_wait3A_79 = tpu.memref_slice %arg8[%dma_wait3A_77, %dma_wait3A_78] : memref<128x64xf32, #tpu.memory_space<vmem>> -> memref<40x64xf32, #tpu.memory_space<vmem>>
      %dma_wait3A_80 = arith.constant 0 : i32
      %dma_wait3A_81 = arith.constant 0 : i32
      %dma_wait3A_82 = tpu.memref_slice %arg7[%dma_wait3A_80, %dma_wait3A_81] : memref<25000x64xf32, #tpu.memory_space<vmem_shared>> -> memref<25000x64xf32, #tpu.memory_space<vmem_shared>>
      tpu.wait_indirect_dma semaphore(%run_scoped3A : memref<!tpu.dma_semaphore, #tpu.memory_space<semaphore_mem>>) src(%dma_wait3A_79 : memref<40x64xf32, #tpu.memory_space<vmem>>) dst(%dma_wait3A_82 : memref<25000x64xf32, #tpu.memory_space<vmem_shared>>)
      tpu.yield
    }) : () -> ()
    %barrier3A_64 = arith.constant 0 : index
    tpu.barrier barrier_id(%barrier3A_64)
    %scan3A_65 = arith.constant 0 : i32
    %scan3A_66 = arith.constant 0 : i32
    %scan3A_67 = arith.constant 13 : i32
    %scan3A_68 = arith.addi %scan3A_66, %scan3A_67 : i32
    %scan3A_69 = arith.constant 1 : i32
    scf.for %scan3A_71 = %scan3A_66 to %scan3A_68 step %scan3A_69  : i32 {
      %mul3A_72 = arith.constant 16 : i32
      %mul3A_73 = arith.muli %scan3A_71, %mul3A_72 : i32
      %add3A_74 = arith.addi %arg1, %mul3A_73 : i32
      %le3A = arith.constant 195 : i32
      %le3A_75 = arith.cmpi sle, %add3A_74, %le3A : i32
      %convert_element_type3A = arith.extui %le3A_75 : i1 to i32
      %cond3A = arith.constant 0 : i32
      %cond3A_76 = arith.cmpi ne, %convert_element_type3A, %cond3A : i32
      scf.if %cond3A_76 {
        %lt3A = arith.constant 195 : i32
        %lt3A_77 = arith.cmpi slt, %add3A_74, %lt3A : i32
        %mul3A_78 = arith.constant 128 : i32
        %mul3A_79 = arith.muli %add3A_74, %mul3A_78 : i32
        %jit3A = arith.constant 24872 : i32
        %select_n3A = arith.select %lt3A_77, %mul3A_79, %jit3A : i32
        "tpu.region"() ({
          %run_scoped3A = tpu.sem_alloc : memref<!tpu.dma_semaphore, #tpu.memory_space<semaphore_mem>>
          %dma_start3A_81 = tpu.memref_slice %arg5[%select_n3A] : memref<25000xi32, #tpu.memory_space<hbm>> -> memref<128xi32, #tpu.memory_space<hbm>>
          %dma_start3A_82 = tpu.memref_slice %arg5[%select_n3A] : memref<25000xi32, #tpu.memory_space<hbm>> -> memref<128xi32, #tpu.memory_space<hbm>>
          tpu.enqueue_dma source(%dma_start3A_82 : memref<128xi32, #tpu.memory_space<hbm>>) target(%arg10 : memref<128xi32, #tpu.memory_space<vmem>>) target_semaphore(%run_scoped3A : memref<!tpu.dma_semaphore, #tpu.memory_space<semaphore_mem>>)
          %dma_wait3A_83 = tpu.memref_slice %arg5[%select_n3A] : memref<25000xi32, #tpu.memory_space<hbm>> -> memref<128xi32, #tpu.memory_space<hbm>>
          %dma_wait3A_84 = tpu.memref_slice %arg5[%select_n3A] : memref<25000xi32, #tpu.memory_space<hbm>> -> memref<128xi32, #tpu.memory_space<hbm>>
          tpu.wait_dma2 semaphore(%run_scoped3A : memref<!tpu.dma_semaphore, #tpu.memory_space<semaphore_mem>>) src(%dma_wait3A_84 : memref<128xi32, #tpu.memory_space<hbm>>) dst(%arg10 : memref<128xi32, #tpu.memory_space<vmem>>)
          tpu.yield
        }) : () -> ()
        "tpu.region"() ({
          %run_scoped3A = tpu.sem_alloc : memref<!tpu.dma_semaphore, #tpu.memory_space<semaphore_mem>>
          %dma_start3A_81 = arith.constant 0 : i32
          %dma_start3A_82 = arith.constant 0 : i32
          %dma_start3A_83 = tpu.memref_slice %arg7[%dma_start3A_81, %dma_start3A_82] : memref<25000x64xf32, #tpu.memory_space<vmem_shared>> -> memref<25000x64xf32, #tpu.memory_space<vmem_shared>>
          tpu.enqueue_indirect_dma source(%dma_start3A_83 : memref<25000x64xf32, #tpu.memory_space<vmem_shared>>) target(%arg8 : memref<128x64xf32, #tpu.memory_space<vmem>>) offsets(%arg10 : memref<128xi32, #tpu.memory_space<vmem>>) semaphore(%run_scoped3A : memref<!tpu.dma_semaphore, #tpu.memory_space<semaphore_mem>>)
          %dma_wait3A_84 = arith.constant 0 : i32
          %dma_wait3A_85 = arith.constant 0 : i32
          %dma_wait3A_86 = tpu.memref_slice %arg7[%dma_wait3A_84, %dma_wait3A_85] : memref<25000x64xf32, #tpu.memory_space<vmem_shared>> -> memref<25000x64xf32, #tpu.memory_space<vmem_shared>>
          tpu.wait_indirect_dma semaphore(%run_scoped3A : memref<!tpu.dma_semaphore, #tpu.memory_space<semaphore_mem>>) src(%dma_wait3A_86 : memref<25000x64xf32, #tpu.memory_space<vmem_shared>>) dst(%arg8 : memref<128x64xf32, #tpu.memory_space<vmem>>)
          tpu.yield
        }) : () -> ()
        %add3A_80 = arith.addi %mul3A_4, %select_n3A : i32
        "tpu.region"() ({
          %run_scoped3A = tpu.sem_alloc : memref<!tpu.dma_semaphore, #tpu.memory_space<semaphore_mem>>
          %dma_start3A_81 = arith.constant 0 : i32
          %dma_start3A_82 = tpu.memref_slice %arg6[%add3A_80, %dma_start3A_81] : memref<50000x64xf32, #tpu.memory_space<hbm>> -> memref<128x64xf32, #tpu.memory_space<hbm>>
          %dma_start3A_83 = arith.constant 0 : i32
          %dma_start3A_84 = tpu.memref_slice %arg6[%add3A_80, %dma_start3A_83] : memref<50000x64xf32, #tpu.memory_space<hbm>> -> memref<128x64xf32, #tpu.memory_space<hbm>>
          tpu.enqueue_dma source(%arg8 : memref<128x64xf32, #tpu.memory_space<vmem>>) target(%dma_start3A_84 : memref<128x64xf32, #tpu.memory_space<hbm>>) target_semaphore(%run_scoped3A : memref<!tpu.dma_semaphore, #tpu.memory_space<semaphore_mem>>)
          %dma_wait3A_85 = arith.constant 0 : i32
          %dma_wait3A_86 = tpu.memref_slice %arg6[%add3A_80, %dma_wait3A_85] : memref<50000x64xf32, #tpu.memory_space<hbm>> -> memref<128x64xf32, #tpu.memory_space<hbm>>
          %dma_wait3A_87 = arith.constant 0 : i32
          %dma_wait3A_88 = tpu.memref_slice %arg6[%add3A_80, %dma_wait3A_87] : memref<50000x64xf32, #tpu.memory_space<hbm>> -> memref<128x64xf32, #tpu.memory_space<hbm>>
          tpu.wait_dma2 semaphore(%run_scoped3A : memref<!tpu.dma_semaphore, #tpu.memory_space<semaphore_mem>>) src(%arg8 : memref<128x64xf32, #tpu.memory_space<vmem>>) dst(%dma_wait3A_88 : memref<128x64xf32, #tpu.memory_space<hbm>>)
          tpu.yield
        }) : () -> ()
      } else {
      }
    }
    %scan3A_70 = arith.constant 13 : i32
    return
  }
}

module attributes {stable_mosaic.version = 14 : i64} {
  func.func @_node_body(%arg0: i32, %arg1: memref<1000x128xf32, #tpu.memory_space<vmem>>, %arg2: memref<128x64xf32, #tpu.memory_space<vmem>>, %arg3: memref<1x64xf32, #tpu.memory_space<vmem>>, %arg4: memref<64x64xf32, #tpu.memory_space<vmem>>, %arg5: memref<1x64xf32, #tpu.memory_space<vmem>>, %arg6: memref<1000x64xf32, #tpu.memory_space<vmem>>) attributes {dimension_semantics = [#tpu.dimension_semantics<arbitrary>], iteration_bounds = array<i64: 50>, scalar_prefetch = 0 : i64, scratch_operands = 0 : i64, tpu.core_type = #tpu.core_type<tc>, window_params = [{transform_indices = @transform_0, window_bounds = array<i64: 1000, 128>}, {pipeline_mode = #tpu.pipeline_mode<synchronous>, transform_indices = @transform_1, window_bounds = array<i64: 128, 64>}, {pipeline_mode = #tpu.pipeline_mode<synchronous>, transform_indices = @transform_2, window_bounds = array<i64: 1, 64>}, {pipeline_mode = #tpu.pipeline_mode<synchronous>, transform_indices = @transform_3, window_bounds = array<i64: 64, 64>}, {pipeline_mode = #tpu.pipeline_mode<synchronous>, transform_indices = @transform_4, window_bounds = array<i64: 1, 64>}, {transform_indices = @transform_5, window_bounds = array<i64: 1000, 64>}]} {
    %get3A = arith.constant 0 : index
    %get3A_0 = arith.constant 0 : index
    %get3A_1 = vector.load %arg1[%get3A, %get3A_0] : memref<1000x128xf32, #tpu.memory_space<vmem>>, vector<1000x128xf32>
    %get3A_2 = arith.constant 0 : index
    %get3A_3 = arith.constant 0 : index
    %get3A_4 = vector.load %arg2[%get3A_2, %get3A_3] : memref<128x64xf32, #tpu.memory_space<vmem>>, vector<128x64xf32>
    %dot_general3A = arith.constant dense<0.000000e+00> : vector<1000x64xf32>
    %dot_general3A_5 = tpu.matmul %get3A_1, %get3A_4, %dot_general3A {dimension_numbers = #tpu.dot_dimension_numbers<[1], [0], [0], [1], [0, 0, 1, 1], [], []>, transpose_lhs_hint = false} : vector<1000x128xf32>, vector<128x64xf32>, vector<1000x64xf32> -> vector<1000x64xf32>
    %get3A_6 = arith.constant 0 : index
    %get3A_7 = arith.constant 0 : index
    %get3A_8 = vector.load %arg3[%get3A_6, %get3A_7] : memref<1x64xf32, #tpu.memory_space<vmem>>, vector<1x64xf32>
    %add3A = vector.broadcast %get3A_8 : vector<1x64xf32> to vector<1000x64xf32>
    %add3A_9 = arith.addf %dot_general3A_5, %add3A : vector<1000x64xf32>
    %max3A = arith.constant 0.000000e+00 : f32
    %max3A_10 = vector.broadcast %max3A : f32 to vector<1000x64xf32>
    %max3A_11 = arith.maximumf %add3A_9, %max3A_10 : vector<1000x64xf32>
    %get3A_12 = arith.constant 0 : index
    %get3A_13 = arith.constant 0 : index
    %get3A_14 = vector.load %arg4[%get3A_12, %get3A_13] : memref<64x64xf32, #tpu.memory_space<vmem>>, vector<64x64xf32>
    %dot_general3A_15 = arith.constant dense<0.000000e+00> : vector<1000x64xf32>
    %dot_general3A_16 = tpu.matmul %max3A_11, %get3A_14, %dot_general3A_15 {dimension_numbers = #tpu.dot_dimension_numbers<[1], [0], [0], [1], [0, 0, 1, 1], [], []>, transpose_lhs_hint = false} : vector<1000x64xf32>, vector<64x64xf32>, vector<1000x64xf32> -> vector<1000x64xf32>
    %get3A_17 = arith.constant 0 : index
    %get3A_18 = arith.constant 0 : index
    %get3A_19 = vector.load %arg5[%get3A_17, %get3A_18] : memref<1x64xf32, #tpu.memory_space<vmem>>, vector<1x64xf32>
    %add3A_20 = vector.broadcast %get3A_19 : vector<1x64xf32> to vector<1000x64xf32>
    %add3A_21 = arith.addf %dot_general3A_16, %add3A_20 : vector<1000x64xf32>
    %max3A_22 = arith.constant 0.000000e+00 : f32
    %max3A_23 = vector.broadcast %max3A_22 : f32 to vector<1000x64xf32>
    %max3A_24 = arith.maximumf %add3A_21, %max3A_23 : vector<1000x64xf32>
    %swap3A = arith.constant 0 : index
    %swap3A_25 = arith.constant 0 : index
    %swap3A_26 = vector.load %arg6[%swap3A, %swap3A_25] : memref<1000x64xf32, #tpu.memory_space<vmem>>, vector<1000x64xf32>
    tpu.vector_store %arg6[%swap3A, %swap3A_25], %max3A_24 {strides = array<i32>} : memref<1000x64xf32, #tpu.memory_space<vmem>>, vector<1000x64xf32>,
    return
  }
  func.func @transform_0(%arg0: i32) -> (i32, i32) {
    %c0_i32 = arith.constant 0 : i32
    %c0_i32_0 = arith.constant 0 : i32
    return %arg0, %c0_i32 : i32, i32
  }
  func.func @transform_1(%arg0: i32) -> (i32, i32) {
    %c0_i32 = arith.constant 0 : i32
    %c0_i32_0 = arith.constant 0 : i32
    %c0_i32_1 = arith.constant 0 : i32
    return %c0_i32, %c0_i32_0 : i32, i32
  }
  func.func @transform_2(%arg0: i32) -> (i32, i32) {
    %c0_i32 = arith.constant 0 : i32
    %c0_i32_0 = arith.constant 0 : i32
    %c0_i32_1 = arith.constant 0 : i32
    return %c0_i32, %c0_i32_0 : i32, i32
  }
  func.func @transform_3(%arg0: i32) -> (i32, i32) {
    %c0_i32 = arith.constant 0 : i32
    %c0_i32_0 = arith.constant 0 : i32
    %c0_i32_1 = arith.constant 0 : i32
    return %c0_i32, %c0_i32_0 : i32, i32
  }
  func.func @transform_4(%arg0: i32) -> (i32, i32) {
    %c0_i32 = arith.constant 0 : i32
    %c0_i32_0 = arith.constant 0 : i32
    %c0_i32_1 = arith.constant 0 : i32
    return %c0_i32, %c0_i32_0 : i32, i32
  }
  func.func @transform_5(%arg0: i32) -> (i32, i32) {
    %c0_i32 = arith.constant 0 : i32
    %c0_i32_0 = arith.constant 0 : i32
    return %arg0, %c0_i32 : i32, i32
  }
}

module attributes {stable_mosaic.version = 14 : i64} {
  func.func @_node_c_body(%arg0: i32, %arg1: memref<1000x128xf32, #tpu.memory_space<vmem>>, %arg2: memref<128x64xf32, #tpu.memory_space<vmem>>, %arg3: memref<1x64xf32, #tpu.memory_space<vmem>>, %arg4: memref<64x64xf32, #tpu.memory_space<vmem>>, %arg5: memref<1x64xf32, #tpu.memory_space<vmem>>, %arg6: memref<64x64xf32, #tpu.memory_space<vmem>>, %arg7: memref<1000x64xf32, #tpu.memory_space<vmem>>, %arg8: memref<1000x64xf32, #tpu.memory_space<vmem>>) attributes {dimension_semantics = [#tpu.dimension_semantics<arbitrary>], iteration_bounds = array<i64: 25>, scalar_prefetch = 0 : i64, scratch_operands = 0 : i64, tpu.core_type = #tpu.core_type<tc>, window_params = [{transform_indices = @transform_0, window_bounds = array<i64: 1000, 128>}, {pipeline_mode = #tpu.pipeline_mode<synchronous>, transform_indices = @transform_1, window_bounds = array<i64: 128, 64>}, {pipeline_mode = #tpu.pipeline_mode<synchronous>, transform_indices = @transform_2, window_bounds = array<i64: 1, 64>}, {pipeline_mode = #tpu.pipeline_mode<synchronous>, transform_indices = @transform_3, window_bounds = array<i64: 64, 64>}, {pipeline_mode = #tpu.pipeline_mode<synchronous>, transform_indices = @transform_4, window_bounds = array<i64: 1, 64>}, {pipeline_mode = #tpu.pipeline_mode<synchronous>, transform_indices = @transform_5, window_bounds = array<i64: 64, 64>}, {transform_indices = @transform_6, window_bounds = array<i64: 1000, 64>}, {transform_indices = @transform_7, window_bounds = array<i64: 1000, 64>}]} {
    %get3A = arith.constant 0 : index
    %get3A_0 = arith.constant 0 : index
    %get3A_1 = vector.load %arg1[%get3A, %get3A_0] : memref<1000x128xf32, #tpu.memory_space<vmem>>, vector<1000x128xf32>
    %get3A_2 = arith.constant 0 : index
    %get3A_3 = arith.constant 0 : index
    %get3A_4 = vector.load %arg2[%get3A_2, %get3A_3] : memref<128x64xf32, #tpu.memory_space<vmem>>, vector<128x64xf32>
    %dot_general3A = arith.constant dense<0.000000e+00> : vector<1000x64xf32>
    %dot_general3A_5 = tpu.matmul %get3A_1, %get3A_4, %dot_general3A {dimension_numbers = #tpu.dot_dimension_numbers<[1], [0], [0], [1], [0, 0, 1, 1], [], []>, transpose_lhs_hint = false} : vector<1000x128xf32>, vector<128x64xf32>, vector<1000x64xf32> -> vector<1000x64xf32>
    %get3A_6 = arith.constant 0 : index
    %get3A_7 = arith.constant 0 : index
    %get3A_8 = vector.load %arg3[%get3A_6, %get3A_7] : memref<1x64xf32, #tpu.memory_space<vmem>>, vector<1x64xf32>
    %add3A = vector.broadcast %get3A_8 : vector<1x64xf32> to vector<1000x64xf32>
    %add3A_9 = arith.addf %dot_general3A_5, %add3A : vector<1000x64xf32>
    %max3A = arith.constant 0.000000e+00 : f32
    %max3A_10 = vector.broadcast %max3A : f32 to vector<1000x64xf32>
    %max3A_11 = arith.maximumf %add3A_9, %max3A_10 : vector<1000x64xf32>
    %get3A_12 = arith.constant 0 : index
    %get3A_13 = arith.constant 0 : index
    %get3A_14 = vector.load %arg4[%get3A_12, %get3A_13] : memref<64x64xf32, #tpu.memory_space<vmem>>, vector<64x64xf32>
    %dot_general3A_15 = arith.constant dense<0.000000e+00> : vector<1000x64xf32>
    %dot_general3A_16 = tpu.matmul %max3A_11, %get3A_14, %dot_general3A_15 {dimension_numbers = #tpu.dot_dimension_numbers<[1], [0], [0], [1], [0, 0, 1, 1], [], []>, transpose_lhs_hint = false} : vector<1000x64xf32>, vector<64x64xf32>, vector<1000x64xf32> -> vector<1000x64xf32>
    %get3A_17 = arith.constant 0 : index
    %get3A_18 = arith.constant 0 : index
    %get3A_19 = vector.load %arg5[%get3A_17, %get3A_18] : memref<1x64xf32, #tpu.memory_space<vmem>>, vector<1x64xf32>
    %add3A_20 = vector.broadcast %get3A_19 : vector<1x64xf32> to vector<1000x64xf32>
    %add3A_21 = arith.addf %dot_general3A_16, %add3A_20 : vector<1000x64xf32>
    %max3A_22 = arith.constant 0.000000e+00 : f32
    %max3A_23 = vector.broadcast %max3A_22 : f32 to vector<1000x64xf32>
    %max3A_24 = arith.maximumf %add3A_21, %max3A_23 : vector<1000x64xf32>
    %swap3A = arith.constant 0 : index
    %swap3A_25 = arith.constant 0 : index
    %swap3A_26 = vector.load %arg7[%swap3A, %swap3A_25] : memref<1000x64xf32, #tpu.memory_space<vmem>>, vector<1000x64xf32>
    tpu.vector_store %arg7[%swap3A, %swap3A_25], %max3A_24 {strides = array<i32>} : memref<1000x64xf32, #tpu.memory_space<vmem>>, vector<1000x64xf32>,
    %get3A_27 = arith.constant 0 : index
    %get3A_28 = arith.constant 0 : index
    %get3A_29 = vector.load %arg6[%get3A_27, %get3A_28] : memref<64x64xf32, #tpu.memory_space<vmem>>, vector<64x64xf32>
    %dot_general3A_30 = arith.constant dense<0.000000e+00> : vector<1000x64xf32>
    %dot_general3A_31 = tpu.matmul %max3A_24, %get3A_29, %dot_general3A_30 {dimension_numbers = #tpu.dot_dimension_numbers<[1], [0], [0], [1], [0, 0, 1, 1], [], []>, transpose_lhs_hint = false} : vector<1000x64xf32>, vector<64x64xf32>, vector<1000x64xf32> -> vector<1000x64xf32>
    %swap3A_32 = arith.constant 0 : index
    %swap3A_33 = arith.constant 0 : index
    %swap3A_34 = vector.load %arg8[%swap3A_32, %swap3A_33] : memref<1000x64xf32, #tpu.memory_space<vmem>>, vector<1000x64xf32>
    tpu.vector_store %arg8[%swap3A_32, %swap3A_33], %dot_general3A_31 {strides = array<i32>} : memref<1000x64xf32, #tpu.memory_space<vmem>>, vector<1000x64xf32>,
    return
  }
  func.func @transform_0(%arg0: i32) -> (i32, i32) {
    %c0_i32 = arith.constant 0 : i32
    %c0_i32_0 = arith.constant 0 : i32
    return %arg0, %c0_i32 : i32, i32
  }
  func.func @transform_1(%arg0: i32) -> (i32, i32) {
    %c0_i32 = arith.constant 0 : i32
    %c0_i32_0 = arith.constant 0 : i32
    %c0_i32_1 = arith.constant 0 : i32
    return %c0_i32, %c0_i32_0 : i32, i32
  }
  func.func @transform_2(%arg0: i32) -> (i32, i32) {
    %c0_i32 = arith.constant 0 : i32
    %c0_i32_0 = arith.constant 0 : i32
    %c0_i32_1 = arith.constant 0 : i32
    return %c0_i32, %c0_i32_0 : i32, i32
  }
  func.func @transform_3(%arg0: i32) -> (i32, i32) {
    %c0_i32 = arith.constant 0 : i32
    %c0_i32_0 = arith.constant 0 : i32
    %c0_i32_1 = arith.constant 0 : i32
    return %c0_i32, %c0_i32_0 : i32, i32
  }
  func.func @transform_4(%arg0: i32) -> (i32, i32) {
    %c0_i32 = arith.constant 0 : i32
    %c0_i32_0 = arith.constant 0 : i32
    %c0_i32_1 = arith.constant 0 : i32
    return %c0_i32, %c0_i32_0 : i32, i32
  }
  func.func @transform_5(%arg0: i32) -> (i32, i32) {
    %c0_i32 = arith.constant 0 : i32
    %c0_i32_0 = arith.constant 0 : i32
    %c0_i32_1 = arith.constant 0 : i32
    return %c0_i32, %c0_i32_0 : i32, i32
  }
  func.func @transform_6(%arg0: i32) -> (i32, i32) {
    %c0_i32 = arith.constant 0 : i32
    %c0_i32_0 = arith.constant 0 : i32
    return %arg0, %c0_i32 : i32, i32
  }
  func.func @transform_7(%arg0: i32) -> (i32, i32) {
    %c0_i32 = arith.constant 0 : i32
    %c0_i32_0 = arith.constant 0 : i32
    return %arg0, %c0_i32 : i32, i32
  }
}

module attributes {stable_mosaic.version = 14 : i64} {
  func.func @_proj2_body(%arg0: i32, %arg1: memref<1000x64xf32, #tpu.memory_space<vmem>>, %arg2: memref<64x64xf32, #tpu.memory_space<vmem>>, %arg3: memref<64x64xf32, #tpu.memory_space<vmem>>, %arg4: memref<1000x64xf32, #tpu.memory_space<vmem>>, %arg5: memref<1000x64xf32, #tpu.memory_space<vmem>>) attributes {dimension_semantics = [#tpu.dimension_semantics<arbitrary>], iteration_bounds = array<i64: 25>, scalar_prefetch = 0 : i64, scratch_operands = 0 : i64, tpu.core_type = #tpu.core_type<tc>, window_params = [{transform_indices = @transform_0, window_bounds = array<i64: 1000, 64>}, {pipeline_mode = #tpu.pipeline_mode<synchronous>, transform_indices = @transform_1, window_bounds = array<i64: 64, 64>}, {pipeline_mode = #tpu.pipeline_mode<synchronous>, transform_indices = @transform_2, window_bounds = array<i64: 64, 64>}, {transform_indices = @transform_3, window_bounds = array<i64: 1000, 64>}, {transform_indices = @transform_4, window_bounds = array<i64: 1000, 64>}]} {
    %get3A = arith.constant 0 : index
    %get3A_0 = arith.constant 0 : index
    %get3A_1 = vector.load %arg1[%get3A, %get3A_0] : memref<1000x64xf32, #tpu.memory_space<vmem>>, vector<1000x64xf32>
    %get3A_2 = arith.constant 0 : index
    %get3A_3 = arith.constant 0 : index
    %get3A_4 = vector.load %arg2[%get3A_2, %get3A_3] : memref<64x64xf32, #tpu.memory_space<vmem>>, vector<64x64xf32>
    %dot_general3A = arith.constant dense<0.000000e+00> : vector<1000x64xf32>
    %dot_general3A_5 = tpu.matmul %get3A_1, %get3A_4, %dot_general3A {dimension_numbers = #tpu.dot_dimension_numbers<[1], [0], [0], [1], [0, 0, 1, 1], [], []>, transpose_lhs_hint = false} : vector<1000x64xf32>, vector<64x64xf32>, vector<1000x64xf32> -> vector<1000x64xf32>
    %swap3A = arith.constant 0 : index
    %swap3A_6 = arith.constant 0 : index
    %swap3A_7 = vector.load %arg4[%swap3A, %swap3A_6] : memref<1000x64xf32, #tpu.memory_space<vmem>>, vector<1000x64xf32>
    tpu.vector_store %arg4[%swap3A, %swap3A_6], %dot_general3A_5 {strides = array<i32>} : memref<1000x64xf32, #tpu.memory_space<vmem>>, vector<1000x64xf32>,
    %get3A_8 = arith.constant 0 : index
    %get3A_9 = arith.constant 0 : index
    %get3A_10 = vector.load %arg3[%get3A_8, %get3A_9] : memref<64x64xf32, #tpu.memory_space<vmem>>, vector<64x64xf32>
    %dot_general3A_11 = arith.constant dense<0.000000e+00> : vector<1000x64xf32>
    %dot_general3A_12 = tpu.matmul %get3A_1, %get3A_10, %dot_general3A_11 {dimension_numbers = #tpu.dot_dimension_numbers<[1], [0], [0], [1], [0, 0, 1, 1], [], []>, transpose_lhs_hint = false} : vector<1000x64xf32>, vector<64x64xf32>, vector<1000x64xf32> -> vector<1000x64xf32>
    %swap3A_13 = arith.constant 0 : index
    %swap3A_14 = arith.constant 0 : index
    %swap3A_15 = vector.load %arg5[%swap3A_13, %swap3A_14] : memref<1000x64xf32, #tpu.memory_space<vmem>>, vector<1000x64xf32>
    tpu.vector_store %arg5[%swap3A_13, %swap3A_14], %dot_general3A_12 {strides = array<i32>} : memref<1000x64xf32, #tpu.memory_space<vmem>>, vector<1000x64xf32>,
    return
  }
  func.func @transform_0(%arg0: i32) -> (i32, i32) {
    %c0_i32 = arith.constant 0 : i32
    %c0_i32_0 = arith.constant 0 : i32
    return %arg0, %c0_i32 : i32, i32
  }
  func.func @transform_1(%arg0: i32) -> (i32, i32) {
    %c0_i32 = arith.constant 0 : i32
    %c0_i32_0 = arith.constant 0 : i32
    %c0_i32_1 = arith.constant 0 : i32
    return %c0_i32, %c0_i32_0 : i32, i32
  }
  func.func @transform_2(%arg0: i32) -> (i32, i32) {
    %c0_i32 = arith.constant 0 : i32
    %c0_i32_0 = arith.constant 0 : i32
    %c0_i32_1 = arith.constant 0 : i32
    return %c0_i32, %c0_i32_0 : i32, i32
  }
  func.func @transform_3(%arg0: i32) -> (i32, i32) {
    %c0_i32 = arith.constant 0 : i32
    %c0_i32_0 = arith.constant 0 : i32
    return %arg0, %c0_i32 : i32, i32
  }
  func.func @transform_4(%arg0: i32) -> (i32, i32) {
    %c0_i32 = arith.constant 0 : i32
    %c0_i32_0 = arith.constant 0 : i32
    return %arg0, %c0_i32 : i32, i32
  }
}

module attributes {stable_mosaic.version = 14 : i64} {
  func.func @_edge_body(%arg0: i32, %arg1: memref<1600x128xf32, #tpu.memory_space<vmem>>, %arg2: memref<1600x128xf32, #tpu.memory_space<vmem>>, %arg3: memref<1x1x1600xf32, #tpu.memory_space<vmem>>, %arg4: memref<1x1x1600xf32, #tpu.memory_space<vmem>>, %arg5: memref<1x64xf32, #tpu.memory_space<vmem>>, %arg6: memref<1x128xf32, #tpu.memory_space<vmem>>, %arg7: memref<128x128xf32, #tpu.memory_space<vmem>>, %arg8: memref<1x128xf32, #tpu.memory_space<vmem>>, %arg9: memref<1600x128xf32, #tpu.memory_space<vmem>>) attributes {dimension_semantics = [#tpu.dimension_semantics<arbitrary>], iteration_bounds = array<i64: 250>, scalar_prefetch = 0 : i64, scratch_operands = 0 : i64, tpu.core_type = #tpu.core_type<tc>, window_params = [{transform_indices = @transform_0, window_bounds = array<i64: 1600, 128>}, {transform_indices = @transform_1, window_bounds = array<i64: 1600, 128>}, {transform_indices = @transform_2, window_bounds = array<i64: 1, 1, 1600>}, {transform_indices = @transform_3, window_bounds = array<i64: 1, 1, 1600>}, {pipeline_mode = #tpu.pipeline_mode<synchronous>, transform_indices = @transform_4, window_bounds = array<i64: 1, 64>}, {pipeline_mode = #tpu.pipeline_mode<synchronous>, transform_indices = @transform_5, window_bounds = array<i64: 1, 128>}, {pipeline_mode = #tpu.pipeline_mode<synchronous>, transform_indices = @transform_6, window_bounds = array<i64: 128, 128>}, {pipeline_mode = #tpu.pipeline_mode<synchronous>, transform_indices = @transform_7, window_bounds = array<i64: 1, 128>}, {transform_indices = @transform_8, window_bounds = array<i64: 1600, 128>}]} {
    %get3A = arith.constant 0 : index
    %get3A_0 = arith.constant 0 : index
    %get3A_1 = vector.load %arg1[%get3A, %get3A_0] : memref<1600x128xf32, #tpu.memory_space<vmem>>, vector<1600x128xf32>
    %get3A_2 = arith.constant 0 : index
    %get3A_3 = arith.constant 0 : index
    %get3A_4 = vector.load %arg2[%get3A_2, %get3A_3] : memref<1600x128xf32, #tpu.memory_space<vmem>>, vector<1600x128xf32>
    %add3A = arith.addf %get3A_1, %get3A_4 : vector<1600x128xf32>
    %get3A_5 = arith.constant 0 : index
    %get3A_6 = arith.constant 0 : index
    %get3A_7 = vector.load %arg6[%get3A_5, %get3A_6] : memref<1x128xf32, #tpu.memory_space<vmem>>, vector<1x128xf32>
    %add3A_8 = vector.broadcast %get3A_7 : vector<1x128xf32> to vector<1600x128xf32>
    %add3A_9 = arith.addf %add3A, %add3A_8 : vector<1600x128xf32>
    %get3A_10 = arith.constant 0 : index
    %get3A_11 = arith.constant 0 : index
    %get3A_12 = arith.constant 0 : index
    %get3A_13 = vector.load %arg3[%get3A_10, %get3A_11, %get3A_12] : memref<1x1x1600xf32, #tpu.memory_space<vmem>>, vector<1x1x1600xf32>
    %get3A_14 = vector.shape_cast %get3A_13 : vector<1x1x1600xf32> to vector<1x1600xf32>
    %get3A_15 = arith.constant 0 : index
    %get3A_16 = arith.constant 0 : index
    %get3A_17 = vector.load %arg5[%get3A_15, %get3A_16] : memref<1x64xf32, #tpu.memory_space<vmem>>, vector<1x64xf32>
    %dot_general3A = arith.constant dense<0.000000e+00> : vector<1600x64xf32>
    %dot_general3A_18 = tpu.matmul %get3A_14, %get3A_17, %dot_general3A {dimension_numbers = #tpu.dot_dimension_numbers<[0], [0], [1], [1], [0, 1, 1, 1], [], []>, transpose_lhs_hint = false} : vector<1x1600xf32>, vector<1x64xf32>, vector<1600x64xf32> -> vector<1600x64xf32>
    %get3A_19 = arith.constant 0 : index
    %get3A_20 = arith.constant 0 : index
    %get3A_21 = arith.constant 0 : index
    %get3A_22 = vector.load %arg4[%get3A_19, %get3A_20, %get3A_21] : memref<1x1x1600xf32, #tpu.memory_space<vmem>>, vector<1x1x1600xf32>
    %get3A_23 = vector.shape_cast %get3A_22 : vector<1x1x1600xf32> to vector<1x1600xf32>
    %get3A_24 = arith.constant 0 : index
    %get3A_25 = arith.constant 0 : index
    %get3A_26 = vector.load %arg5[%get3A_24, %get3A_25] : memref<1x64xf32, #tpu.memory_space<vmem>>, vector<1x64xf32>
    %dot_general3A_27 = arith.constant dense<0.000000e+00> : vector<1600x64xf32>
    %dot_general3A_28 = tpu.matmul %get3A_23, %get3A_26, %dot_general3A_27 {dimension_numbers = #tpu.dot_dimension_numbers<[0], [0], [1], [1], [0, 1, 1, 1], [], []>, transpose_lhs_hint = false} : vector<1x1600xf32>, vector<1x64xf32>, vector<1600x64xf32> -> vector<1600x64xf32>
    %concatenate3A = tpu.concatenate %dot_general3A_18, %dot_general3A_28 in 1 : vector<1600x64xf32>, vector<1600x64xf32> -> vector<1600x128xf32>
    %add3A_29 = arith.addf %add3A_9, %concatenate3A : vector<1600x128xf32>
    %max3A = arith.constant 0.000000e+00 : f32
    %max3A_30 = vector.broadcast %max3A : f32 to vector<1600x128xf32>
    %max3A_31 = arith.maximumf %add3A_29, %max3A_30 : vector<1600x128xf32>
    %get3A_32 = arith.constant 0 : index
    %get3A_33 = arith.constant 0 : index
    %get3A_34 = vector.load %arg7[%get3A_32, %get3A_33] : memref<128x128xf32, #tpu.memory_space<vmem>>, vector<128x128xf32>
    %dot_general3A_35 = arith.constant dense<0.000000e+00> : vector<1600x128xf32>
    %dot_general3A_36 = tpu.matmul %max3A_31, %get3A_34, %dot_general3A_35 {dimension_numbers = #tpu.dot_dimension_numbers<[1], [0], [0], [1], [0, 0, 1, 1], [], []>, transpose_lhs_hint = false} : vector<1600x128xf32>, vector<128x128xf32>, vector<1600x128xf32> -> vector<1600x128xf32>
    %get3A_37 = arith.constant 0 : index
    %get3A_38 = arith.constant 0 : index
    %get3A_39 = vector.load %arg8[%get3A_37, %get3A_38] : memref<1x128xf32, #tpu.memory_space<vmem>>, vector<1x128xf32>
    %add3A_40 = vector.broadcast %get3A_39 : vector<1x128xf32> to vector<1600x128xf32>
    %add3A_41 = arith.addf %dot_general3A_36, %add3A_40 : vector<1600x128xf32>
    %max3A_42 = arith.constant 0.000000e+00 : f32
    %max3A_43 = vector.broadcast %max3A_42 : f32 to vector<1600x128xf32>
    %max3A_44 = arith.maximumf %add3A_41, %max3A_43 : vector<1600x128xf32>
    %swap3A = arith.constant 0 : index
    %swap3A_45 = arith.constant 0 : index
    %swap3A_46 = vector.load %arg9[%swap3A, %swap3A_45] : memref<1600x128xf32, #tpu.memory_space<vmem>>, vector<1600x128xf32>
    tpu.vector_store %arg9[%swap3A, %swap3A_45], %max3A_44 {strides = array<i32>} : memref<1600x128xf32, #tpu.memory_space<vmem>>, vector<1600x128xf32>,
    return
  }
  func.func @transform_0(%arg0: i32) -> (i32, i32) {
    %c0_i32 = arith.constant 0 : i32
    %c0_i32_0 = arith.constant 0 : i32
    return %arg0, %c0_i32 : i32, i32
  }
  func.func @transform_1(%arg0: i32) -> (i32, i32) {
    %c0_i32 = arith.constant 0 : i32
    %c0_i32_0 = arith.constant 0 : i32
    return %arg0, %c0_i32 : i32, i32
  }
  func.func @transform_2(%arg0: i32) -> (i32, i32, i32) {
    %c0_i32 = arith.constant 0 : i32
    %c0_i32_0 = arith.constant 0 : i32
    %c0_i32_1 = arith.constant 0 : i32
    return %arg0, %c0_i32, %c0_i32_0 : i32, i32, i32
  }
  func.func @transform_3(%arg0: i32) -> (i32, i32, i32) {
    %c0_i32 = arith.constant 0 : i32
    %c0_i32_0 = arith.constant 0 : i32
    %c0_i32_1 = arith.constant 0 : i32
    return %arg0, %c0_i32, %c0_i32_0 : i32, i32, i32
  }
  func.func @transform_4(%arg0: i32) -> (i32, i32) {
    %c0_i32 = arith.constant 0 : i32
    %c0_i32_0 = arith.constant 0 : i32
    %c0_i32_1 = arith.constant 0 : i32
    return %c0_i32, %c0_i32_0 : i32, i32
  }
  func.func @transform_5(%arg0: i32) -> (i32, i32) {
    %c0_i32 = arith.constant 0 : i32
    %c0_i32_0 = arith.constant 0 : i32
    %c0_i32_1 = arith.constant 0 : i32
    return %c0_i32, %c0_i32_0 : i32, i32
  }
  func.func @transform_6(%arg0: i32) -> (i32, i32) {
    %c0_i32 = arith.constant 0 : i32
    %c0_i32_0 = arith.constant 0 : i32
    %c0_i32_1 = arith.constant 0 : i32
    return %c0_i32, %c0_i32_0 : i32, i32
  }
  func.func @transform_7(%arg0: i32) -> (i32, i32) {
    %c0_i32 = arith.constant 0 : i32
    %c0_i32_0 = arith.constant 0 : i32
    %c0_i32_1 = arith.constant 0 : i32
    return %c0_i32, %c0_i32_0 : i32, i32
  }
  func.func @transform_8(%arg0: i32) -> (i32, i32) {
    %c0_i32 = arith.constant 0 : i32
    %c0_i32_0 = arith.constant 0 : i32
    return %arg0, %c0_i32 : i32, i32
  }
}

module attributes {stable_mosaic.version = 14 : i64} {
  func.func @_cf_body(%arg0: i32, %arg1: memref<1000x64xf32, #tpu.memory_space<vmem>>, %arg2: memref<1000x64xf32, #tpu.memory_space<vmem>>, %arg3: memref<1000x64xf32, #tpu.memory_space<vmem>>, %arg4: memref<64x64xf32, #tpu.memory_space<vmem>>, %arg5: memref<64x64xf32, #tpu.memory_space<vmem>>, %arg6: memref<1x64xf32, #tpu.memory_space<vmem>>, %arg7: memref<64x64xf32, #tpu.memory_space<vmem>>, %arg8: memref<1x64xf32, #tpu.memory_space<vmem>>, %arg9: memref<64x64xf32, #tpu.memory_space<vmem>>, %arg10: memref<1000x64xf32, #tpu.memory_space<vmem>>, %arg11: memref<1000x64xf32, #tpu.memory_space<vmem>>) attributes {dimension_semantics = [#tpu.dimension_semantics<arbitrary>], iteration_bounds = array<i64: 25>, scalar_prefetch = 0 : i64, scratch_operands = 0 : i64, tpu.core_type = #tpu.core_type<tc>, window_params = [{transform_indices = @transform_0, window_bounds = array<i64: 1000, 64>}, {transform_indices = @transform_1, window_bounds = array<i64: 1000, 64>}, {transform_indices = @transform_2, window_bounds = array<i64: 1000, 64>}, {pipeline_mode = #tpu.pipeline_mode<synchronous>, transform_indices = @transform_3, window_bounds = array<i64: 64, 64>}, {pipeline_mode = #tpu.pipeline_mode<synchronous>, transform_indices = @transform_4, window_bounds = array<i64: 64, 64>}, {pipeline_mode = #tpu.pipeline_mode<synchronous>, transform_indices = @transform_5, window_bounds = array<i64: 1, 64>}, {pipeline_mode = #tpu.pipeline_mode<synchronous>, transform_indices = @transform_6, window_bounds = array<i64: 64, 64>}, {pipeline_mode = #tpu.pipeline_mode<synchronous>, transform_indices = @transform_7, window_bounds = array<i64: 1, 64>}, {pipeline_mode = #tpu.pipeline_mode<synchronous>, transform_indices = @transform_8, window_bounds = array<i64: 64, 64>}, {transform_indices = @transform_9, window_bounds = array<i64: 1000, 64>}, {transform_indices = @transform_10, window_bounds = array<i64: 1000, 64>}]} {
    %get3A = arith.constant 0 : index
    %get3A_0 = arith.constant 0 : index
    %get3A_1 = vector.load %arg2[%get3A, %get3A_0] : memref<1000x64xf32, #tpu.memory_space<vmem>>, vector<1000x64xf32>
    %get3A_2 = arith.constant 0 : index
    %get3A_3 = arith.constant 0 : index
    %get3A_4 = vector.load %arg3[%get3A_2, %get3A_3] : memref<1000x64xf32, #tpu.memory_space<vmem>>, vector<1000x64xf32>
    %add3A = arith.addf %get3A_1, %get3A_4 : vector<1000x64xf32>
    %get3A_5 = arith.constant 0 : index
    %get3A_6 = arith.constant 0 : index
    %get3A_7 = vector.load %arg1[%get3A_5, %get3A_6] : memref<1000x64xf32, #tpu.memory_space<vmem>>, vector<1000x64xf32>
    %get3A_8 = arith.constant 0 : index
    %get3A_9 = arith.constant 0 : index
    %get3A_10 = vector.load %arg4[%get3A_8, %get3A_9] : memref<64x64xf32, #tpu.memory_space<vmem>>, vector<64x64xf32>
    %dot_general3A = arith.constant dense<0.000000e+00> : vector<1000x64xf32>
    %dot_general3A_11 = tpu.matmul %get3A_7, %get3A_10, %dot_general3A {dimension_numbers = #tpu.dot_dimension_numbers<[1], [0], [0], [1], [0, 0, 1, 1], [], []>, transpose_lhs_hint = false} : vector<1000x64xf32>, vector<64x64xf32>, vector<1000x64xf32> -> vector<1000x64xf32>
    %get3A_12 = arith.constant 0 : index
    %get3A_13 = arith.constant 0 : index
    %get3A_14 = vector.load %arg5[%get3A_12, %get3A_13] : memref<64x64xf32, #tpu.memory_space<vmem>>, vector<64x64xf32>
    %dot_general3A_15 = arith.constant dense<0.000000e+00> : vector<1000x64xf32>
    %dot_general3A_16 = tpu.matmul %add3A, %get3A_14, %dot_general3A_15 {dimension_numbers = #tpu.dot_dimension_numbers<[1], [0], [0], [1], [0, 0, 1, 1], [], []>, transpose_lhs_hint = false} : vector<1000x64xf32>, vector<64x64xf32>, vector<1000x64xf32> -> vector<1000x64xf32>
    %add3A_17 = arith.addf %dot_general3A_11, %dot_general3A_16 : vector<1000x64xf32>
    %get3A_18 = arith.constant 0 : index
    %get3A_19 = arith.constant 0 : index
    %get3A_20 = vector.load %arg6[%get3A_18, %get3A_19] : memref<1x64xf32, #tpu.memory_space<vmem>>, vector<1x64xf32>
    %add3A_21 = vector.broadcast %get3A_20 : vector<1x64xf32> to vector<1000x64xf32>
    %add3A_22 = arith.addf %add3A_17, %add3A_21 : vector<1000x64xf32>
    %max3A = arith.constant 0.000000e+00 : f32
    %max3A_23 = vector.broadcast %max3A : f32 to vector<1000x64xf32>
    %max3A_24 = arith.maximumf %add3A_22, %max3A_23 : vector<1000x64xf32>
    %get3A_25 = arith.constant 0 : index
    %get3A_26 = arith.constant 0 : index
    %get3A_27 = vector.load %arg7[%get3A_25, %get3A_26] : memref<64x64xf32, #tpu.memory_space<vmem>>, vector<64x64xf32>
    %dot_general3A_28 = arith.constant dense<0.000000e+00> : vector<1000x64xf32>
    %dot_general3A_29 = tpu.matmul %max3A_24, %get3A_27, %dot_general3A_28 {dimension_numbers = #tpu.dot_dimension_numbers<[1], [0], [0], [1], [0, 0, 1, 1], [], []>, transpose_lhs_hint = false} : vector<1000x64xf32>, vector<64x64xf32>, vector<1000x64xf32> -> vector<1000x64xf32>
    %get3A_30 = arith.constant 0 : index
    %get3A_31 = arith.constant 0 : index
    %get3A_32 = vector.load %arg8[%get3A_30, %get3A_31] : memref<1x64xf32, #tpu.memory_space<vmem>>, vector<1x64xf32>
    %add3A_33 = vector.broadcast %get3A_32 : vector<1x64xf32> to vector<1000x64xf32>
    %add3A_34 = arith.addf %dot_general3A_29, %add3A_33 : vector<1000x64xf32>
    %max3A_35 = arith.constant 0.000000e+00 : f32
    %max3A_36 = vector.broadcast %max3A_35 : f32 to vector<1000x64xf32>
    %max3A_37 = arith.maximumf %add3A_34, %max3A_36 : vector<1000x64xf32>
    %swap3A = arith.constant 0 : index
    %swap3A_38 = arith.constant 0 : index
    %swap3A_39 = vector.load %arg10[%swap3A, %swap3A_38] : memref<1000x64xf32, #tpu.memory_space<vmem>>, vector<1000x64xf32>
    tpu.vector_store %arg10[%swap3A, %swap3A_38], %max3A_37 {strides = array<i32>} : memref<1000x64xf32, #tpu.memory_space<vmem>>, vector<1000x64xf32>,
    %get3A_40 = arith.constant 0 : index
    %get3A_41 = arith.constant 0 : index
    %get3A_42 = vector.load %arg9[%get3A_40, %get3A_41] : memref<64x64xf32, #tpu.memory_space<vmem>>, vector<64x64xf32>
    %dot_general3A_43 = arith.constant dense<0.000000e+00> : vector<1000x64xf32>
    %dot_general3A_44 = tpu.matmul %max3A_37, %get3A_42, %dot_general3A_43 {dimension_numbers = #tpu.dot_dimension_numbers<[1], [0], [0], [1], [0, 0, 1, 1], [], []>, transpose_lhs_hint = false} : vector<1000x64xf32>, vector<64x64xf32>, vector<1000x64xf32> -> vector<1000x64xf32>
    %swap3A_45 = arith.constant 0 : index
    %swap3A_46 = arith.constant 0 : index
    %swap3A_47 = vector.load %arg11[%swap3A_45, %swap3A_46] : memref<1000x64xf32, #tpu.memory_space<vmem>>, vector<1000x64xf32>
    tpu.vector_store %arg11[%swap3A_45, %swap3A_46], %dot_general3A_44 {strides = array<i32>} : memref<1000x64xf32, #tpu.memory_space<vmem>>, vector<1000x64xf32>,
    return
  }
  func.func @transform_0(%arg0: i32) -> (i32, i32) {
    %c0_i32 = arith.constant 0 : i32
    %c0_i32_0 = arith.constant 0 : i32
    return %arg0, %c0_i32 : i32, i32
  }
  func.func @transform_1(%arg0: i32) -> (i32, i32) {
    %c0_i32 = arith.constant 0 : i32
    %c0_i32_0 = arith.constant 0 : i32
    return %arg0, %c0_i32 : i32, i32
  }
  func.func @transform_2(%arg0: i32) -> (i32, i32) {
    %c0_i32 = arith.constant 0 : i32
    %c0_i32_0 = arith.constant 0 : i32
    return %arg0, %c0_i32 : i32, i32
  }
  func.func @transform_3(%arg0: i32) -> (i32, i32) {
    %c0_i32 = arith.constant 0 : i32
    %c0_i32_0 = arith.constant 0 : i32
    %c0_i32_1 = arith.constant 0 : i32
    return %c0_i32, %c0_i32_0 : i32, i32
  }
  func.func @transform_4(%arg0: i32) -> (i32, i32) {
    %c0_i32 = arith.constant 0 : i32
    %c0_i32_0 = arith.constant 0 : i32
    %c0_i32_1 = arith.constant 0 : i32
    return %c0_i32, %c0_i32_0 : i32, i32
  }
  func.func @transform_5(%arg0: i32) -> (i32, i32) {
    %c0_i32 = arith.constant 0 : i32
    %c0_i32_0 = arith.constant 0 : i32
    %c0_i32_1 = arith.constant 0 : i32
    return %c0_i32, %c0_i32_0 : i32, i32
  }
  func.func @transform_6(%arg0: i32) -> (i32, i32) {
    %c0_i32 = arith.constant 0 : i32
    %c0_i32_0 = arith.constant 0 : i32
    %c0_i32_1 = arith.constant 0 : i32
    return %c0_i32, %c0_i32_0 : i32, i32
  }
  func.func @transform_7(%arg0: i32) -> (i32, i32) {
    %c0_i32 = arith.constant 0 : i32
    %c0_i32_0 = arith.constant 0 : i32
    %c0_i32_1 = arith.constant 0 : i32
    return %c0_i32, %c0_i32_0 : i32, i32
  }
  func.func @transform_8(%arg0: i32) -> (i32, i32) {
    %c0_i32 = arith.constant 0 : i32
    %c0_i32_0 = arith.constant 0 : i32
    %c0_i32_1 = arith.constant 0 : i32
    return %c0_i32, %c0_i32_0 : i32, i32
  }
  func.func @transform_9(%arg0: i32) -> (i32, i32) {
    %c0_i32 = arith.constant 0 : i32
    %c0_i32_0 = arith.constant 0 : i32
    return %arg0, %c0_i32 : i32, i32
  }
  func.func @transform_10(%arg0: i32) -> (i32, i32) {
    %c0_i32 = arith.constant 0 : i32
    %c0_i32_0 = arith.constant 0 : i32
    return %arg0, %c0_i32 : i32, i32
  }
}

module attributes {stable_mosaic.version = 14 : i64} {
  func.func @_vf_body(%arg0: i32, %arg1: memref<1000x64xf32, #tpu.memory_space<vmem>>, %arg2: memref<1000x64xf32, #tpu.memory_space<vmem>>, %arg3: memref<1000x64xf32, #tpu.memory_space<vmem>>, %arg4: memref<64x64xf32, #tpu.memory_space<vmem>>, %arg5: memref<64x64xf32, #tpu.memory_space<vmem>>, %arg6: memref<1x64xf32, #tpu.memory_space<vmem>>, %arg7: memref<64x64xf32, #tpu.memory_space<vmem>>, %arg8: memref<1x64xf32, #tpu.memory_space<vmem>>, %arg9: memref<64x64xf32, #tpu.memory_space<vmem>>, %arg10: memref<1x64xf32, #tpu.memory_space<vmem>>, %arg11: memref<64x8xf32, #tpu.memory_space<vmem>>, %arg12: memref<1x8xf32, #tpu.memory_space<vmem>>, %arg13: memref<1000x8xf32, #tpu.memory_space<vmem>>) attributes {dimension_semantics = [#tpu.dimension_semantics<arbitrary>], iteration_bounds = array<i64: 50>, scalar_prefetch = 0 : i64, scratch_operands = 0 : i64, tpu.core_type = #tpu.core_type<tc>, window_params = [{transform_indices = @transform_0, window_bounds = array<i64: 1000, 64>}, {transform_indices = @transform_1, window_bounds = array<i64: 1000, 64>}, {transform_indices = @transform_2, window_bounds = array<i64: 1000, 64>}, {pipeline_mode = #tpu.pipeline_mode<synchronous>, transform_indices = @transform_3, window_bounds = array<i64: 64, 64>}, {pipeline_mode = #tpu.pipeline_mode<synchronous>, transform_indices = @transform_4, window_bounds = array<i64: 64, 64>}, {pipeline_mode = #tpu.pipeline_mode<synchronous>, transform_indices = @transform_5, window_bounds = array<i64: 1, 64>}, {pipeline_mode = #tpu.pipeline_mode<synchronous>, transform_indices = @transform_6, window_bounds = array<i64: 64, 64>}, {pipeline_mode = #tpu.pipeline_mode<synchronous>, transform_indices = @transform_7, window_bounds = array<i64: 1, 64>}, {pipeline_mode = #tpu.pipeline_mode<synchronous>, transform_indices = @transform_8, window_bounds = array<i64: 64, 64>}, {pipeline_mode = #tpu.pipeline_mode<synchronous>, transform_indices = @transform_9, window_bounds = array<i64: 1, 64>}, {pipeline_mode = #tpu.pipeline_mode<synchronous>, transform_indices = @transform_10, window_bounds = array<i64: 64, 8>}, {pipeline_mode = #tpu.pipeline_mode<synchronous>, transform_indices = @transform_11, window_bounds = array<i64: 1, 8>}, {transform_indices = @transform_12, window_bounds = array<i64: 1000, 8>}]} {
    %iota3A = tpu.iota {dimensions = array<i32: 0>} : vector<1000x1xi32>
    %mul3A = arith.constant 1000 : i32
    %mul3A_0 = arith.muli %arg0, %mul3A : i32
    %add3A = vector.broadcast %mul3A_0 : i32 to vector<1000x1xi32>
    %add3A_1 = arith.addi %iota3A, %add3A : vector<1000x1xi32>
    %lt3A = arith.constant 25000 : i32
    %lt3A_2 = vector.broadcast %lt3A : i32 to vector<1000x1xi32>
    %lt3A_3 = arith.cmpi slt, %add3A_1, %lt3A_2 : vector<1000x1xi32>
    %get3A = arith.constant 0 : index
    %get3A_4 = arith.constant 0 : index
    %get3A_5 = vector.load %arg2[%get3A, %get3A_4] : memref<1000x64xf32, #tpu.memory_space<vmem>>, vector<1000x64xf32>
    %get3A_6 = arith.constant 0 : index
    %get3A_7 = arith.constant 0 : index
    %get3A_8 = vector.load %arg3[%get3A_6, %get3A_7] : memref<1000x64xf32, #tpu.memory_space<vmem>>, vector<1000x64xf32>
    %add3A_9 = arith.addf %get3A_5, %get3A_8 : vector<1000x64xf32>
    %jit3A = arith.constant 0.000000e+00 : f32
    %broadcast_in_dim3A = vector.shape_cast %lt3A_3 : vector<1000x1xi1> to vector<1000x1xi1>
    %broadcast_in_dim3A_10 = vector.broadcast %broadcast_in_dim3A : vector<1000x1xi1> to vector<1000x64xi1>
    %broadcast_in_dim3A_11 = vector.broadcast %jit3A : f32 to vector<1000x64xf32>
    %select_n3A = arith.select %broadcast_in_dim3A_10, %add3A_9, %broadcast_in_dim3A_11 : vector<1000x64xi1>, vector<1000x64xf32>
    %get3A_12 = arith.constant 0 : index
    %get3A_13 = arith.constant 0 : index
    %get3A_14 = vector.load %arg1[%get3A_12, %get3A_13] : memref<1000x64xf32, #tpu.memory_space<vmem>>, vector<1000x64xf32>
    %get3A_15 = arith.constant 0 : index
    %get3A_16 = arith.constant 0 : index
    %get3A_17 = vector.load %arg4[%get3A_15, %get3A_16] : memref<64x64xf32, #tpu.memory_space<vmem>>, vector<64x64xf32>
    %dot_general3A = arith.constant dense<0.000000e+00> : vector<1000x64xf32>
    %dot_general3A_18 = tpu.matmul %get3A_14, %get3A_17, %dot_general3A {dimension_numbers = #tpu.dot_dimension_numbers<[1], [0], [0], [1], [0, 0, 1, 1], [], []>, transpose_lhs_hint = false} : vector<1000x64xf32>, vector<64x64xf32>, vector<1000x64xf32> -> vector<1000x64xf32>
    %get3A_19 = arith.constant 0 : index
    %get3A_20 = arith.constant 0 : index
    %get3A_21 = vector.load %arg5[%get3A_19, %get3A_20] : memref<64x64xf32, #tpu.memory_space<vmem>>, vector<64x64xf32>
    %dot_general3A_22 = arith.constant dense<0.000000e+00> : vector<1000x64xf32>
    %dot_general3A_23 = tpu.matmul %select_n3A, %get3A_21, %dot_general3A_22 {dimension_numbers = #tpu.dot_dimension_numbers<[1], [0], [0], [1], [0, 0, 1, 1], [], []>, transpose_lhs_hint = false} : vector<1000x64xf32>, vector<64x64xf32>, vector<1000x64xf32> -> vector<1000x64xf32>
    %add3A_24 = arith.addf %dot_general3A_18, %dot_general3A_23 : vector<1000x64xf32>
    %get3A_25 = arith.constant 0 : index
    %get3A_26 = arith.constant 0 : index
    %get3A_27 = vector.load %arg6[%get3A_25, %get3A_26] : memref<1x64xf32, #tpu.memory_space<vmem>>, vector<1x64xf32>
    %add3A_28 = vector.broadcast %get3A_27 : vector<1x64xf32> to vector<1000x64xf32>
    %add3A_29 = arith.addf %add3A_24, %add3A_28 : vector<1000x64xf32>
    %max3A = arith.constant 0.000000e+00 : f32
    %max3A_30 = vector.broadcast %max3A : f32 to vector<1000x64xf32>
    %max3A_31 = arith.maximumf %add3A_29, %max3A_30 : vector<1000x64xf32>
    %get3A_32 = arith.constant 0 : index
    %get3A_33 = arith.constant 0 : index
    %get3A_34 = vector.load %arg7[%get3A_32, %get3A_33] : memref<64x64xf32, #tpu.memory_space<vmem>>, vector<64x64xf32>
    %dot_general3A_35 = arith.constant dense<0.000000e+00> : vector<1000x64xf32>
    %dot_general3A_36 = tpu.matmul %max3A_31, %get3A_34, %dot_general3A_35 {dimension_numbers = #tpu.dot_dimension_numbers<[1], [0], [0], [1], [0, 0, 1, 1], [], []>, transpose_lhs_hint = false} : vector<1000x64xf32>, vector<64x64xf32>, vector<1000x64xf32> -> vector<1000x64xf32>
    %get3A_37 = arith.constant 0 : index
    %get3A_38 = arith.constant 0 : index
    %get3A_39 = vector.load %arg8[%get3A_37, %get3A_38] : memref<1x64xf32, #tpu.memory_space<vmem>>, vector<1x64xf32>
    %add3A_40 = vector.broadcast %get3A_39 : vector<1x64xf32> to vector<1000x64xf32>
    %add3A_41 = arith.addf %dot_general3A_36, %add3A_40 : vector<1000x64xf32>
    %max3A_42 = arith.constant 0.000000e+00 : f32
    %max3A_43 = vector.broadcast %max3A_42 : f32 to vector<1000x64xf32>
    %max3A_44 = arith.maximumf %add3A_41, %max3A_43 : vector<1000x64xf32>
    %get3A_45 = arith.constant 0 : index
    %get3A_46 = arith.constant 0 : index
    %get3A_47 = vector.load %arg9[%get3A_45, %get3A_46] : memref<64x64xf32, #tpu.memory_space<vmem>>, vector<64x64xf32>
    %dot_general3A_48 = arith.constant dense<0.000000e+00> : vector<1000x64xf32>
    %dot_general3A_49 = tpu.matmul %max3A_44, %get3A_47, %dot_general3A_48 {dimension_numbers = #tpu.dot_dimension_numbers<[1], [0], [0], [1], [0, 0, 1, 1], [], []>, transpose_lhs_hint = false} : vector<1000x64xf32>, vector<64x64xf32>, vector<1000x64xf32> -> vector<1000x64xf32>
    %get3A_50 = arith.constant 0 : index
    %get3A_51 = arith.constant 0 : index
    %get3A_52 = vector.load %arg10[%get3A_50, %get3A_51] : memref<1x64xf32, #tpu.memory_space<vmem>>, vector<1x64xf32>
    %add3A_53 = vector.broadcast %get3A_52 : vector<1x64xf32> to vector<1000x64xf32>
    %add3A_54 = arith.addf %dot_general3A_49, %add3A_53 : vector<1000x64xf32>
    %max3A_55 = arith.constant 0.000000e+00 : f32
    %max3A_56 = vector.broadcast %max3A_55 : f32 to vector<1000x64xf32>
    %max3A_57 = arith.maximumf %add3A_54, %max3A_56 : vector<1000x64xf32>
    %get3A_58 = arith.constant 0 : index
    %get3A_59 = arith.constant 0 : index
    %get3A_60 = vector.load %arg11[%get3A_58, %get3A_59] : memref<64x8xf32, #tpu.memory_space<vmem>>, vector<64x8xf32>
    %dot_general3A_61 = arith.constant dense<0.000000e+00> : vector<1000x8xf32>
    %dot_general3A_62 = tpu.matmul %max3A_57, %get3A_60, %dot_general3A_61 {dimension_numbers = #tpu.dot_dimension_numbers<[1], [0], [0], [1], [0, 0, 1, 1], [], []>, transpose_lhs_hint = false} : vector<1000x64xf32>, vector<64x8xf32>, vector<1000x8xf32> -> vector<1000x8xf32>
    %get3A_63 = arith.constant 0 : index
    %get3A_64 = arith.constant 0 : index
    %get3A_65 = vector.load %arg12[%get3A_63, %get3A_64] : memref<1x8xf32, #tpu.memory_space<vmem>>, vector<1x8xf32>
    %add3A_66 = vector.broadcast %get3A_65 : vector<1x8xf32> to vector<1000x8xf32>
    %add3A_67 = arith.addf %dot_general3A_62, %add3A_66 : vector<1000x8xf32>
    %logistic3A = arith.negf %add3A_67 : vector<1000x8xf32>
    %logistic3A_68 = math.exp %logistic3A : vector<1000x8xf32>
    %logistic3A_69 = arith.constant 1.000000e+00 : f32
    %logistic3A_70 = vector.broadcast %logistic3A_69 : f32 to vector<1000x8xf32>
    %logistic3A_71 = arith.addf %logistic3A_70, %logistic3A_68 : vector<1000x8xf32>
    %logistic3A_72 = arith.divf %logistic3A_70, %logistic3A_71 : vector<1000x8xf32>
    %swap3A = arith.constant 0 : index
    %swap3A_73 = arith.constant 0 : index
    %swap3A_74 = vector.load %arg13[%swap3A, %swap3A_73] : memref<1000x8xf32, #tpu.memory_space<vmem>>, vector<1000x8xf32>
    tpu.vector_store %arg13[%swap3A, %swap3A_73], %logistic3A_72 {strides = array<i32>} : memref<1000x8xf32, #tpu.memory_space<vmem>>, vector<1000x8xf32>,
    return
  }
  func.func @transform_0(%arg0: i32) -> (i32, i32) {
    %c0_i32 = arith.constant 0 : i32
    %c0_i32_0 = arith.constant 0 : i32
    return %arg0, %c0_i32 : i32, i32
  }
  func.func @transform_1(%arg0: i32) -> (i32, i32) {
    %min3A = arith.constant 24 : i32
    %min3A_0 = arith.minsi %arg0, %min3A : i32
    %c0_i32 = arith.constant 0 : i32
    %c0_i32_1 = arith.constant 0 : i32
    return %min3A_0, %c0_i32 : i32, i32
  }
  func.func @transform_2(%arg0: i32) -> (i32, i32) {
    %min3A = arith.constant 24 : i32
    %min3A_0 = arith.minsi %arg0, %min3A : i32
    %c0_i32 = arith.constant 0 : i32
    %c0_i32_1 = arith.constant 0 : i32
    return %min3A_0, %c0_i32 : i32, i32
  }
  func.func @transform_3(%arg0: i32) -> (i32, i32) {
    %c0_i32 = arith.constant 0 : i32
    %c0_i32_0 = arith.constant 0 : i32
    %c0_i32_1 = arith.constant 0 : i32
    return %c0_i32, %c0_i32_0 : i32, i32
  }
  func.func @transform_4(%arg0: i32) -> (i32, i32) {
    %c0_i32 = arith.constant 0 : i32
    %c0_i32_0 = arith.constant 0 : i32
    %c0_i32_1 = arith.constant 0 : i32
    return %c0_i32, %c0_i32_0 : i32, i32
  }
  func.func @transform_5(%arg0: i32) -> (i32, i32) {
    %c0_i32 = arith.constant 0 : i32
    %c0_i32_0 = arith.constant 0 : i32
    %c0_i32_1 = arith.constant 0 : i32
    return %c0_i32, %c0_i32_0 : i32, i32
  }
  func.func @transform_6(%arg0: i32) -> (i32, i32) {
    %c0_i32 = arith.constant 0 : i32
    %c0_i32_0 = arith.constant 0 : i32
    %c0_i32_1 = arith.constant 0 : i32
    return %c0_i32, %c0_i32_0 : i32, i32
  }
  func.func @transform_7(%arg0: i32) -> (i32, i32) {
    %c0_i32 = arith.constant 0 : i32
    %c0_i32_0 = arith.constant 0 : i32
    %c0_i32_1 = arith.constant 0 : i32
    return %c0_i32, %c0_i32_0 : i32, i32
  }
  func.func @transform_8(%arg0: i32) -> (i32, i32) {
    %c0_i32 = arith.constant 0 : i32
    %c0_i32_0 = arith.constant 0 : i32
    %c0_i32_1 = arith.constant 0 : i32
    return %c0_i32, %c0_i32_0 : i32, i32
  }
  func.func @transform_9(%arg0: i32) -> (i32, i32) {
    %c0_i32 = arith.constant 0 : i32
    %c0_i32_0 = arith.constant 0 : i32
    %c0_i32_1 = arith.constant 0 : i32
    return %c0_i32, %c0_i32_0 : i32, i32
  }
  func.func @transform_10(%arg0: i32) -> (i32, i32) {
    %c0_i32 = arith.constant 0 : i32
    %c0_i32_0 = arith.constant 0 : i32
    %c0_i32_1 = arith.constant 0 : i32
    return %c0_i32, %c0_i32_0 : i32, i32
  }
  func.func @transform_11(%arg0: i32) -> (i32, i32) {
    %c0_i32 = arith.constant 0 : i32
    %c0_i32_0 = arith.constant 0 : i32
    %c0_i32_1 = arith.constant 0 : i32
    return %c0_i32, %c0_i32_0 : i32, i32
  }
  func.func @transform_12(%arg0: i32) -> (i32, i32) {
    %c0_i32 = arith.constant 0 : i32
    %c0_i32_0 = arith.constant 0 : i32
    return %arg0, %c0_i32 : i32, i32
  }
}

</mosaic_0001>

<sc_bundles>
// kernel: kernel.13.cloned.1.call-start
scs
__scs_entry_jumppad:
0x0: {  	(pc) =	sbr.rel $0x88, $3  }
0x1: {  	(tag) =	ssettag $0x0;
	lr =	simm.s32 $0x1  }
0x2: {  	[smem:$0x3F81] =	sst lr;
	_ =	strace $0xD0000000  }
0x3: {  	_ = 	snop  }
0x4: {  	_ = 	snop  }
0x5: {  	_ = 	snop  }
0x6: {  	_ = 	snop  }
0x7: {  	_ = 	snop  }
__scs_overlays_trampoline_lowered:
0x8: {  	[smem:$0x3F90] =	sst s0  }
0x9: {  	[smem:$0x3F91] =	sst s1  }
0xa: {  	[smem:$0x3F92] =	sst s2  }
0xb: {  	[smem:$0x3F93] =	sst s3  }
0xc: {  	[smem:$0x3F94] =	sst s4  }
0xd: {  	[smem:$0x3F95] =	sst s5  }
0xe: {  	[smem:$0x3F96] =	sst s6  }
0xf: {  	[smem:$0x3F97] =	sst s7  }
0x10: {  	[smem:$0x3F98] =	sst s8  }
0x11: {  	[smem:$0x3F99] =	sst s9;
	s0 =	simm.s32 @!p0 $0x0  }
0x12: {  	s1 =	sld [smem:$0x3F7F];
	s0 =	simm.s32 @p0 $0x1  }
0x13: {  	[smem:$0x3F9A] =	sst s0;
	s0 =	simm.s32 @!p1 $0x0  }
0x14: {  	s2 =	sld [smem:$0x3F7E];
	s0 =	simm.s32 @p1 $0x1  }
0x15: {  	[smem:$0x3F9B] =	sst s0;
	s0 =	simm.s32 @!p2 $0x0  }
0x16: {  	s3 =	sld [smem:$0x3FDB];
	s0 =	simm.s32 @p2 $0x1  }
0x17: {  	s4 =	simm.s32 $0x1BF5;
	[smem:$0x3F9D] =	sst s0  }
0x18: {  	s0 =	sld [smem:$0x3F80];
	_ =	swait.ge [sflag:s4], $0x0  }
0x19: {  	s7 =	sld [smem:$0x3F81]  }
0x1a: {  	s8 =	sadd.s32 $0xFFFFE003, lr  }
0x1b: {  	s9 =	sadd.s32 $0xFFFFFEF7, lr;
	s5 =	simm.s32 $0xFFFFFFFF;
	p2 =	slt.u32 s8, $0xFFFFF086  }
0x1c: {  	p1 =	slt.u32 s9, $0xF7A;
	s5 =	simm.s32 @!p2 $0x0  }
0x1d: {  	s5 =	simm.s32 @p1 $0x1;
	p0 =	seq.s32 s7, s2  }
0x1e: {  	s7 =	smul.u32 @!p0 $0xF7A, s2;
	p2 =	seq.s32 @!p0 s5, $0x0  }
0x1f: {  	s9 =	smul.u32 $0xF7A, s1;
	s8 =	simm.s32 @!p0 $0x1BF5;
	p2 =	por !p2, p0  }
0x20: {  	[sflag:s8] =	ssyncset.s32 @!p0 $0xFFFFF086;
	s6 =	sadd.s32 @!p0 s3, s7;
	s7 =	simm.s32 @!p0 $0x108  }
0x21: {  	s3 =	sadd.s32 s3, s9;
	s6 =	sadd.s32 @!p0 $0x88, s6;
	s7 =	simm.s32 @p2 $0x1082  }
0x22: {  	[simem:s7], [sflag:s8] =	dma.local @!p0 [hbm:s6], $0xF7A  }
0x23: {  	s9 =	sor.u32 $0xD0000000, s2;
	s6 =	simm.s32 $0x108;
	_ =	swait.ge @!p0 [sflag:s8], $0x0  }
0x24: {  	s3 =	sadd.s32 $0x88, s3;
	s6 =	simm.s32 @!p1 $0x1082;
	[sflag:s4] =	ssyncset.s32 $0xFFFFF086  }
0x25: {  	[simem:s6], [sflag:s4] =	dma.local [hbm:s3], $0xF7A  }
0x26: {  	[smem:$0x3F81] =	sst s1;
	(tag) =	ssettag s2;
	_ =	strace s9  }
0x27: {  	s1 =	sld [smem:$0x3F91]  }
0x28: {  	s2 =	sld [smem:$0x3F92]  }
0x29: {  	s4 =	sld [smem:$0x3F94]  }
0x2a: {  	p0 =	seq.s32 s5, $0x0;
	s5 =	sld [smem:$0x3F95]  }
0x2b: {  	s6 =	sld [smem:$0x3F96]  }
0x2c: {  	s7 =	sld [smem:$0x3F97]  }
0x2d: {  	s3 =	simm.s32 $0x108;
	s8 =	sld [smem:$0x3F98]  }
0x2e: {  	s3 =	simm.s32 @!p0 $0x1082;
	s9 =	sld [smem:$0x3F99]  }
0x2f: {  	lr =	sadd.s32 s0, s3;
	s0 =	sld [smem:$0x3F90]  }
0x30: {  	s3 =	sld [smem:$0x3F93]  }
0x31: {  	[smem:$0x3F9C] =	sst s10  }
0x32: {  	s10 =	sld [smem:$0x3F9A];
	_ =	sdelay $0x3  }
0x33: {  	p0 =	seq.s32 s10, $0x1;
	s10 =	sld [smem:$0x3F9C];
	_ =	sdelay $0x3  }
0x34: {  	[smem:$0x3F9C] =	sst s10  }
0x35: {  	s10 =	sld [smem:$0x3F9B];
	_ =	sdelay $0x3  }
0x36: {  	p1 =	seq.s32 s10, $0x1;
	s10 =	sld [smem:$0x3F9C];
	_ =	sdelay $0x3  }
0x37: {  	[smem:$0x3F9C] =	sst s10  }
0x38: {  	s10 =	sld [smem:$0x3F9D]  }
0x39: {  	_ = 	snop;
	(pc) =	sbr.ind lr, $3  }
0x3a: {  	_ = 	snop  }
0x3b: {  	_ = 	snop  }
0x3c: {  	p2 =	seq.s32 s10, $0x1;
	s10 =	sld [smem:$0x3F9C]  }
0x3d: {  	_ =	shalt  }
0x3e: {  	_ =	shalt  }
0x3f: {  	_ =	shalt  }
0x40: {  	_ =	shalt  }
0x41: {  	_ =	shalt  }
0x42: {  	_ =	shalt  }
0x43: {  	_ =	shalt  }
0x44: {  	_ =	shalt  }
0x45: {  	_ =	shalt  }
0x46: {  	_ =	shalt  }
0x47: {  	_ =	shalt  }
0x48: {  	_ =	shalt  }
0x49: {  	_ =	shalt  }
0x4a: {  	_ =	shalt  }
0x4b: {  	_ =	shalt  }
0x4c: {  	_ =	shalt  }
0x4d: {  	_ =	shalt  }
0x4e: {  	_ =	shalt  }
0x4f: {  	_ =	shalt  }
0x50: {  	_ =	shalt  }
0x51: {  	_ =	shalt  }
0x52: {  	_ =	shalt  }
0x53: {  	_ =	shalt  }
0x54: {  	_ =	shalt  }
0x55: {  	_ =	shalt  }
0x56: {  	_ =	shalt  }
0x57: {  	_ =	shalt  }
0x58: {  	_ =	shalt  }
0x59: {  	_ =	shalt  }
0x5a: {  	_ =	shalt  }
0x5b: {  	_ =	shalt  }
0x5c: {  	_ =	shalt  }
0x5d: {  	_ =	shalt  }
0x5e: {  	_ =	shalt  }
0x5f: {  	_ =	shalt  }
0x60: {  	_ =	shalt  }
0x61: {  	_ =	shalt  }
0x62: {  	_ =	shalt  }
0x63: {  	_ =	shalt  }
0x64: {  	_ =	shalt  }
0x65: {  	_ =	shalt  }
0x66: {  	_ =	shalt  }
0x67: {  	_ =	shalt  }
0x68: {  	_ =	shalt  }
0x69: {  	_ =	shalt  }
0x6a: {  	_ =	shalt  }
0x6b: {  	_ =	shalt  }
0x6c: {  	_ =	shalt  }
0x6d: {  	_ =	shalt  }
0x6e: {  	_ =	shalt  }
0x6f: {  	_ =	shalt  }
0x70: {  	_ =	shalt  }
0x71: {  	_ =	shalt  }
0x72: {  	_ =	shalt  }
0x73: {  	_ =	shalt  }
0x74: {  	_ =	shalt  }
0x75: {  	_ =	shalt  }
0x76: {  	_ =	shalt  }
0x77: {  	_ =	shalt  }
0x78: {  	_ =	shalt  }
0x79: {  	_ =	shalt  }
0x7a: {  	_ =	shalt  }
0x7b: {  	_ =	shalt  }
0x7c: {  	_ =	shalt  }
0x7d: {  	_ =	shalt  }
0x7e: {  	_ =	shalt  }
0x7f: {  	_ =	shalt  }
0x80: {  	_ =	shalt  }
0x81: {  	_ =	shalt  }
0x82: {  	_ =	shalt  }
0x83: {  	_ =	shalt  }
0x84: {  	_ =	shalt  }
0x85: {  	_ =	shalt  }
0x86: {  	_ =	shalt  }
0x87: {  	_ =	shalt  }
.Lfunc_end0:
.L_simem_size_0:
called_computation_lowered:
.L_overlay_start_0:
0x88: {  	s2 =	sld [smem:$0x3FD9]  }
0x89: {  	s3 =	sld [smem:$0x3FFE];
	_ =	sdelay $0x1  }
0x8a: {  	s1 =	srdreg.scid  }
0x8b: {  	s0 =	sand.u32 $0x1, s1  }
0x8c: {  	s16 =	sshll.u32 s0, $0xA;
	s2 =	sadd.s32 s3, s2  }
0x8d: {  	s2 =	sadd.s32 s2, s16  }
0x8e: {  	[smem:$0x3FA8] =	sst s2  }
0x8f: {  	_ = 	snop  }
0x90: {  	(tm) =	ssettm $0x1  }
0x91: {  	s17 =	sld [smem:$0x3FFB];
	_ =	sdelay $0x3  }
0x92: {  	_ =	strace s17  }
0x93: {  	s2 =	sld [smem:$0x3FFC];
	_ =	sdelay $0x3  }
0x94: {  	_ =	strace s2  }
0x95: {  	s2 =	sld [smem:$0x3FFD];
	_ =	sdelay $0x3  }
0x96: {  	_ =	strace s2  }
0x97: {  	_ =	strace $0x8FFFFFFF  }
0x98: {  	s18 =	sld [smem:$0x3FDB];
	_ =	sdelay $0x1  }
0x99: {  	s19 =	simm.s32 $_scs_section_size  }
0x9a: {  	s4 =	simm.s32 $_size__tile_overlayer_lowered;
	s5 =	simm.s32 $_tile_overlayer_lowered  }
0x9b: {  	s22 =	simm.s32 $0x1BFF;
	s21 =	sshll.u32 s5, $0x1;
	s2 =	sadd.s32 s19, s18  }
0x9c: {  	s6 =	simm.s32 $0x0;
	s20 =	sshll.u32 s4, $0x1;
	s4 =	sadd.s32 s21, s2  }
0x9d: {  	[timem:s6], [sflag:s22] =	dma.local [hbm:s4], s20  }
0x9e: {  	_ =	swait.ge [sflag:s22], s20  }
0x9f: {  	s3 =	ssub.s32 $0x0, s20;
	[sflag:s22] =	ssyncset.done $0x0  }
0xa0: {  	[sflag:s22] =	ssyncadd.s32 s3;
	_ =	sdelay $0x1  }
0xa1: {  	s23 =	simm.s32 $0x1B8B  }
0xa2: {  	_ =	swait.ge [sflag:s23], $0x1  }
0xa3: {  	[sflag:s23] =	ssyncset.done $0x0  }
0xa4: {  	s25 =	simm.s32 $0x1B8E;
	s24 =	sld [smem:$0x3FFE];
	[sflag:s23] =	ssyncadd.s32 $0xFFFFFFFF  }
0xa5: {  	s26 =	simm.s32 $execute0_lowered;
	[smem:$0x3FD2] =	sst s25  }
0xa6: {  	s4 =	sshll.u32 s26, $0x1;
	_ =	strace $0x80000046;
	[dreg:$0x1] =	wrdreg $0xFFFFFFFF  }
0xa7: {  	s28 =	simm.s32 $_size_execute0_lowered;
	s2 =	sadd.s32 s2, s4;
	[dreg:$0x0] =	wrdreg $0x0  }
0xa8: {  	s4 =	sshll.u32 s28, $0x1;
	[dreg:$0x2] =	wrdreg s2  }
0xa9: {  	[dreg:$0x3] =	wrdreg s4  }
0xaa: {  	[dreg:$0x4] =	wrdreg $0xC0  }
0xab: {  	_ =	task [dreg:s6], $0x5FFFF  }
0xac: {  	[dreg:$0x1] =	wrdreg $0xFFFFFFFF  }
0xad: {  	[dreg:$0x0] =	wrdreg $0x60  }
0xae: {  	[dreg:$0x2] =	wrdreg s24  }
0xaf: {  	[dreg:$0x3] =	wrdreg $0x0  }
0xb0: {  	[dreg:$0x4] =	wrdreg $0x9  }
0xb1: {  	_ =	task.clear_ibuf [dreg:s6], $0x5FFFF;
	_ =	strace $0x90000046  }
0xb2: {  	s29 =	simm.s32 $0x9;
	_ =	strace $0x80000048  }
0xb3: {  	_ =	swait.ge [sflag:s29], $0x1  }
0xb4: {  	[sflag:s29] =	ssyncadd.s32 $0xFFFFFFFF  }
0xb5: {  	_ =	strace $0x90000048  }
0xb6: {  	_ =	sfence  }
0xb7: {  	s30 =	sld [smem:$0x0];
	_ =	sdelay $0x2  }
0xb8: {  	s31 =	sshll.u32 s1, $0xD;
	s1 =	sshrl.u32 s1, $0x2  }
0xb9: {  	s3 =	sand.u32 $0x4000, s31;
	s1 =	sadd.s32 s1, s30  }
0xba: {  	s0 =	sor.u32 s3, s0;
	s1 =	sshll.u32 s1, $0x11  }
0xbb: {  	s0 =	sor.u32 s1, s0  }
0xbc: {  	s0 =	sadd.s32 $0x8F2B, s0  }
0xbd: {  	[sflag:s0] =	ssyncadd.remote.s32 $0x1  }
0xbe: {  	_ =	sfence.sel $0xFFFF  }
0xbf: {  	[dreg:$0x0] =	wrdreg $0xFFFFFFFF;
	(pc) =	sbr.abs _section_cstart, $3  }
0xc0: {  	[dreg:$0x1] =	wrdreg $0xFFFFFFFF  }
0xc1: {  	_ =	task.clear_ibuf [dreg:s6], $0x2FFFF;
	_ =	strace $0x9FFFFFFF  }
0xc2: {  	(tm) =	ssettm $0x7FFFFFFF  }
0xc3: {  	_ =	shalt  }
tec
execute0_lowered:
.L_overlay_start_1:
0x0: {  	(tag) =	ssettag $0x1  }
0x1: {  	s0 =	rddreg [dreg:$0x0]  }
0x2: {  	s1 =	rddreg [dreg:$0x1];
	s2 =	simm.s32 $0x0;
	s5 =	srdreg.scid  }
0x3: {  	s28 =	simm.s32 $0x3;
	s29 =	simm.s32 $0x2;
	s31 =	simm.s32 $0x199A0  }
0x4: {  	s18 =	simm.s32 $0x19A20;
	[smem:$0x7FF] =	sst s2;
	s3 =	sadd.s32 $0xCB200, s0  }
0x5: {  	s30 =	simm.s32 $0x4;
	s4 =	sadd.s32 $0x1BF600, s0;
	s6 =	sadd.s32 $0x1F0400, s0  }
0x6: {  	s19 =	sadd.s32 $0x208C00, s0;
	_ =	strace $0x80000047;
	[dreg:$0x3] =	wrdreg s6  }
0x7: {  	s5 =	sand.u32 $0x1, s5;
	s20 =	sadd.s32 $0x22BA00, s0;
	[dreg:$0x4] =	wrdreg s19  }
0x8: {  	s8 =	sadd.s32 $0x221400, s0;
	s22 =	sadd.s32 $0x22BE00, s0;
	[dreg:$0x6] =	wrdreg s20  }
0x9: {  	s12 =	sadd.s32 $0x222200, s0;
	s23 =	sadd.s32 $0x22B600, s0;
	[dreg:$0x7] =	wrdreg s22  }
0xa: {  	s10 =	sadd.s32 $0x83CA00, s0;
	s0 =	sadd.s32 $0x845E00, s0;
	[dreg:$0x9] =	wrdreg s23  }
0xb: {  	s7 =	ssub.s32 $0x2, s5;
	s6 =	stileid.u32;
	[dreg:$0xa] =	wrdreg s0  }
0xc: {  	p0 =	seq.s32 s5, $0x1;
	[dreg:$0x5] =	wrdreg s12;
	s20 =	simm.s32 $0x186A0  }
0xd: {  	s22 =	simm.s32 $0x80;
	s23 =	simm.s32 $0x19AA8;
	s9 =	sshrl.u32 s7, $0x1  }
0xe: {  	s21 =	smul.u32 $0x61A80, s6;
	s24 =	sshll.u32 s6, $0x7;
	s7 =	ssub.s32 s7, s9  }
.Ltmp0:
0xf: {  	[dreg:$0xb] =	wrdreg s24;
	s7 =	smax.u32 s7, $0x1;
	(pc) =	sbr.rel .LBB2_1-.Ltmp0, $4  }
0x10: {  	s0 =	simm.s32 $0x8;
	s25 =	sadd.s32 s21, s12;
	[dreg:$0x8] =	wrdreg s7  }
0x11: {  	s11 =	smul.u32 $0xC350, s6;
	s26 =	sadd.s32 s21, s10;
	[dreg:$0xc] =	wrdreg s25  }
0x12: {  	s24 =	simm.s32 $0x18720;
	s21 =	simm.s32 $0x5;
	[dreg:$0xd] =	wrdreg s26  }
0x13: {  	s25 =	simm.s32 $0x1BAA8;
	s26 =	simm.s32 $0x1;
	s7 =	simm.s32 $0x0  }
.LBB2_14:
0x14: {  	s7 =	rddreg [dreg:$0xe]  }
0x15: {  	s5 =	rddreg [dreg:$0x8];
	s7 =	sadd.s32 $0x1, s7  }
0x16: {  	p1 =	sne.s32 s7, s5  }
.Ltmp1:
0x17: {  	_ = 	snop;
	(pc) =	sbr.rel @!p1 .LBB2_15-.Ltmp1, $1  }
0x18: {  	_ =	sdelay $0x3  }
.LBB2_1:
.Ltmp2:
0x19: {  	(pc) =	sbr.rel @!p0 .LBB2_2-.Ltmp2, $4  }
0x1a: {  	_ = 	snop  }
0x1b: {  	s5 =	sadd.s32 $0xFFFFFF30, s6  }
0x1c: {  	s19 =	sadd.s32 $0xD0, s5  }
0x1d: {  	[dreg:$0xe] =	wrdreg s7;
	p1 =	sgt.u32 s19, $0xC3  }
0x1e: {  	p2 =	seq.s32 @!p1 s5, $0xFFFFFFF3;
	s15 =	rddreg [dreg:$0xb]  }
0x1f: {  	p2 =	por !p2, p1;
	s5 =	smov.u32 s15  }
0x20: {  	s17 =	simm.s32 @!p1 $0x6;
	s5 =	simm.s32 @!p2 $0x6128  }
0x21: {  	s14 =	simm.s32 @!p1 $0x19AA8;
	s9 =	simm.s32 @!p1 $0x0;
	s7 =	sshll.u32 @!p1 s5, $0x3  }
0x22: {  	s12 =	sadd.s32 $0xFFFFFF40, s6;
	s19 =	simm.s32 $0xFFFFFF50;
	s7 =	sadd.s32 @!p1 s4, s7  }
0x23: {  	[tilespmem:s14], [sflag:$0x6] =	stream.linear.gather @!p1 [hbm4b:s7+s9], $0x2000, $0x38;
	[tilespmem:$0x1DAA8] =	vst v63  }
0x24: {  	s13 =	sadd.s32 $0xD0, s12;
	s5 =	sshrl.u32 @!p1 s5, $0x3;
	_ =	swait.ge @!p1 [sflag:s17], $0x2000  }
0x25: {  	p2 =	por p1, p1;
	s5 =	sadd.s32 @!p1 s8, s5;
	[sflag:s17] =	ssyncset.done @!p1 $0x0  }
0x26: {  	s7 =	simm.s32 @!p2 $0x19A28;
	p1 =	sgt.u32 s13, $0xC3;
	[sflag:s17] =	ssyncadd.s32 @!p2 $0xFFFFE000  }
0x27: {  	[tilespmem:s7], [sflag:$0x6] =	stream.linear.gather @!p2 [hbm4b:s5+s9], $0x80, $0x38;
	[tilespmem:$0x1DAA8] =	vst v63  }
0x28: {  	p4 =	seq.s32 @!p1 s12, $0xFFFFFFF3;
	s5 =	sadd.s32 $0x800, s15;
	_ =	swait.ge @!p2 [sflag:s17], $0x80  }
.LBB2_9:
0x29: {  	[sflag:s17] =	ssyncset.done @!p2 $0x0;
	s9 =	smov.u32 s19;
	s19 =	sadd.s32 $0x10, s19  }
0x2a: {  	s12 =	simm.s32 @!p2 $0x80;
	s13 =	simm.s32 @!p2 $0x5;
	[sflag:s17] =	ssyncadd.s32 @!p2 $0xFFFFFF80  }
0x2b: {  	[spmem:s1] =	stream.indirect.scatter @!p2 [tilespmem:s14], [sflag:$0x5], $0x40, s7, s12, $0xb8;
	[tilespmem:$0x1DAA8] =	vst v63  }
0x2c: {  	p3 =	sne.s32 s19, $0x0;
	_ =	swait.ge @!p2 [sflag:s13], $0x2000  }
0x2d: {  	p4 =	por !p4, p1;
	s7 =	smov.u32 s5;
	[sflag:s13] =	ssyncset.done @!p2 $0x0  }
0x2e: {  	s17 =	simm.s32 @!p1 $0x6;
	s7 =	simm.s32 @!p4 $0x6128;
	[sflag:s13] =	ssyncadd.s32 @!p2 $0xFFFFE000  }
0x2f: {  	s14 =	simm.s32 @!p1 $0x19AA8;
	s12 =	sshll.u32 @!p1 s7, $0x3;
	s7 =	sshrl.u32 @!p1 s7, $0x3  }
0x30: {  	s12 =	sadd.s32 @!p1 s4, s12;
	s13 =	simm.s32 @!p1 $0x0;
	s15 =	sadd.s32 @!p1 s8, s7  }
0x31: {  	[tilespmem:s14], [sflag:$0x6] =	stream.linear.gather @!p1 [hbm4b:s12+s13], $0x2000, $0x38;
	[tilespmem:$0x1DAA8] =	vst v63  }
.Ltmp3:
0x32: {  	s9 =	sadd.s32 s9, s6;
	_ =	swait.ge @!p1 [sflag:s17], $0x2000;
	(pc) =	sbr.rel @p3 .LBB2_9-.Ltmp3, $4  }
0x33: {  	s7 =	sadd.s32 $0xD0, s9;
	p2 =	por p1, p1;
	[sflag:s17] =	ssyncset.done @!p1 $0x0  }
0x34: {  	p1 =	sgt.u32 s7, $0xC3;
	s7 =	simm.s32 @!p2 $0x19A28;
	[sflag:s17] =	ssyncadd.s32 @!p2 $0xFFFFE000  }
0x35: {  	[tilespmem:s7], [sflag:$0x6] =	stream.linear.gather @!p2 [hbm4b:s15+s13], $0x80, $0x38;
	[tilespmem:$0x1DAA8] =	vst v63  }
0x36: {  	s5 =	sadd.s32 $0x800, s5;
	p4 =	seq.s32 @!p1 s9, $0xFFFFFFF3;
	_ =	swait.ge @!p2 [sflag:s17], $0x80  }
0x37: {  	[sflag:s17] =	ssyncset.done @!p2 $0x0;
	s9 =	simm.s32 @!p2 $0x80  }
0x38: {  	s12 =	simm.s32 @!p2 $0x5;
	p3 =	por !p4, p1;
	[sflag:s17] =	ssyncadd.s32 @!p2 $0xFFFFFF80  }
0x39: {  	[spmem:s1] =	stream.indirect.scatter @!p2 [tilespmem:s14], [sflag:$0x5], $0x40, s7, s9, $0xb8;
	[tilespmem:$0x1DAA8] =	vst v63  }
0x3a: {  	s13 =	simm.s32 @!p1 $0x0;
	s5 =	simm.s32 @!p3 $0x6128;
	_ =	swait.ge @!p2 [sflag:s12], $0x2000  }
0x3b: {  	s7 =	simm.s32 @!p1 $0x6;
	s9 =	sshll.u32 @!p1 s5, $0x3;
	[sflag:s12] =	ssyncset.done @!p2 $0x0  }
0x3c: {  	s9 =	sadd.s32 @!p1 s4, s9;
	[sflag:s12] =	ssyncadd.s32 @!p2 $0xFFFFE000;
	s12 =	simm.s32 @!p1 $0x19AA8  }
0x3d: {  	[tilespmem:s12], [sflag:$0x6] =	stream.linear.gather @!p1 [hbm4b:s9+s13], $0x2000, $0x38;
	[tilespmem:$0x1DAA8] =	vst v63  }
0x3e: {  	_ =	swait.ge @!p1 [sflag:s7], $0x2000  }
0x3f: {  	s5 =	sshrl.u32 @!p1 s5, $0x3;
	p2 =	por p1, p1;
	[sflag:s7] =	ssyncset.done @!p1 $0x0  }
0x40: {  	s5 =	sadd.s32 @!p1 s8, s5;
	s9 =	simm.s32 @!p2 $0x19A28;
	[sflag:s7] =	ssyncadd.s32 @!p2 $0xFFFFE000  }
0x41: {  	[tilespmem:s9], [sflag:$0x6] =	stream.linear.gather @!p2 [hbm4b:s5+s13], $0x80, $0x38;
	[tilespmem:$0x1DAA8] =	vst v63  }
0x42: {  	_ =	swait.ge @!p2 [sflag:s7], $0x80  }
0x43: {  	[sflag:s7] =	ssyncset.done @!p2 $0x0  }
0x44: {  	s5 =	simm.s32 @!p2 $0x80;
	[sflag:s7] =	ssyncadd.s32 @!p2 $0xFFFFFF80;
	s7 =	simm.s32 @!p2 $0x5  }
0x45: {  	[spmem:s1] =	stream.indirect.scatter @!p2 [tilespmem:s12], [sflag:$0x5], $0x40, s9, s5, $0xb8;
	[tilespmem:$0x1DAA8] =	vst v63  }
0x46: {  	_ =	swait.ge @!p2 [sflag:s7], $0x2000  }
0x47: {  	[sflag:s7] =	ssyncset.done @!p2 $0x0  }
0x48: {  	[sflag:s7] =	ssyncadd.s32 @!p2 $0xFFFFE000  }
0x49: {  	[bflag:$0x0] =	sbarrier.arrive $0xFFFF  }
0x4a: {  	s19 =	simm.s32 $0x0;
	s14 =	simm.s32 $0x0;
	s17 =	rddreg [dreg:$0xd]  }
.LBB2_11:
0x4b: {  	s5 =	smul.u32 $0x1388, s19;
	_ =	sdelay $0x1  }
0x4c: {  	s5 =	sadd.s32 s11, s5  }
0x4d: {  	s9 =	rddreg [dreg:$0x4];
	s7 =	sshrl.u32 s5, $0x3  }
0x4e: {  	s7 =	sadd.s32 s9, s7  }
0x4f: {  	[tilespmem:s20], [sflag:$0x5] =	stream.linear.gather [hbm4b:s7+s14], $0x1388, $0x38;
	[tilespmem:$0x1DAA8] =	vst v63  }
0x50: {  	_ =	swait.ge [sflag:s21], $0x1388  }
0x51: {  	[sflag:s21] =	ssyncset.done $0x0  }
0x52: {  	[sflag:s21] =	ssyncadd.s32 $0xFFFFEC78  }
0x53: {  	[tilespmem:s23], [sflag:$0x1] =	stream.indirect.gather [spmem:s1], $0x40, s20, s22, $0xb8;
	[tilespmem:$0x1DAA8] =	vst v63  }
0x54: {  	_ = 	snop  }
0x55: {  	[tilespmem:s25], [sflag:$0x2] =	stream.indirect.gather [spmem:s1], $0x40, s24, s22, $0xb8;
	[tilespmem:$0x1DAA8] =	vst v63  }
0x56: {  	_ =	swait.ge [sflag:s26], $0x2000  }
0x57: {  	[sflag:s26] =	ssyncset.done $0x0  }
0x58: {  	s15 =	sadd.s32 $0x0, s17;
	[sflag:s26] =	ssyncadd.s32 $0xFFFFE000  }
0x59: {  	[hbm4b:s15+s2] =	stream.linear.scatter [tilespmem:s23], [sflag:$0x3], $0x2000, $0x38;
	[tilespmem:$0x1DAA8] =	vst v63  }
0x5a: {  	_ =	swait.ge [sflag:s28], $0x2000  }
0x5b: {  	[sflag:s28] =	ssyncset.done $0x0  }
0x5c: {  	s16 =	simm.s32 $0x187A0;
	[sflag:s28] =	ssyncadd.s32 $0xFFFFE000  }
0x5d: {  	[tilespmem:s23], [sflag:$0x1] =	stream.indirect.gather [spmem:s1], $0x40, s16, s22, $0xb8;
	[tilespmem:$0x1DAA8] =	vst v63  }
0x5e: {  	_ =	swait.ge [sflag:s29], $0x2000  }
0x5f: {  	[sflag:s29] =	ssyncset.done $0x0  }
0x60: {  	s7 =	sadd.s32 $0x400, s15;
	[sflag:s29] =	ssyncadd.s32 $0xFFFFE000  }
0x61: {  	[hbm4b:s7+s2] =	stream.linear.scatter [tilespmem:s25], [sflag:$0x4], $0x2000, $0x38;
	[tilespmem:$0x1DAA8] =	vst v63  }
0x62: {  	s12 =	simm.s32 $0x800;
	_ =	swait.ge [sflag:s30], $0x2000  }
0x63: {  	s13 =	simm.s32 $0x18920;
	s5 =	sshll.u32 s5, $0x3;
	[sflag:s30] =	ssyncset.done $0x0  }
0x64: {  	s9 =	simm.s32 $0x18820;
	s7 =	sadd.s32 s10, s5;
	[sflag:s30] =	ssyncadd.s32 $0xFFFFE000  }
.LBB2_12:
0x65: {  	[tilespmem:s25], [sflag:$0x2] =	stream.indirect.gather [spmem:s1], $0x40, s9, s22, $0xb8;
	[tilespmem:$0x1DAA8] =	vst v63  }
0x66: {  	s15 =	smov.u32 s12;
	s9 =	smov.u32 s13  }
0x67: {  	p1 =	sne.s32 s12, $0x8800;
	s12 =	sadd.s32 $0x800, s12;
	_ =	swait.ge [sflag:s26], $0x2000  }
0x68: {  	[sflag:s26] =	ssyncset.done $0x0  }
0x69: {  	s15 =	sadd.s32 s15, s17;
	[sflag:s26] =	ssyncadd.s32 $0xFFFFE000  }
0x6a: {  	[hbm4b:s15+s2] =	stream.linear.scatter [tilespmem:s23], [sflag:$0x3], $0x2000, $0x38;
	[tilespmem:$0x1DAA8] =	vst v63  }
0x6b: {  	_ =	swait.ge [sflag:s28], $0x2000  }
0x6c: {  	[sflag:s28] =	ssyncset.done $0x0  }
0x6d: {  	s16 =	sadd.s32 $0xFFFFFF80, s13;
	[sflag:s28] =	ssyncadd.s32 $0xFFFFE000  }
0x6e: {  	[tilespmem:s23], [sflag:$0x1] =	stream.indirect.gather [spmem:s1], $0x40, s16, s22, $0xb8;
	[tilespmem:$0x1DAA8] =	vst v63  }
0x6f: {  	_ =	swait.ge [sflag:s29], $0x2000  }
0x70: {  	[sflag:s29] =	ssyncset.done $0x0  }
.Ltmp4:
0x71: {  	s15 =	sadd.s32 $0x400, s15;
	[sflag:s29] =	ssyncadd.s32 $0xFFFFE000;
	(pc) =	sbr.rel @p1 .LBB2_12-.Ltmp4, $4  }
0x72: {  	[hbm4b:s15+s2] =	stream.linear.scatter [tilespmem:s25], [sflag:$0x4], $0x2000, $0x38;
	[tilespmem:$0x1DAA8] =	vst v63  }
0x73: {  	_ =	swait.ge [sflag:s30], $0x2000  }
0x74: {  	[sflag:s30] =	ssyncset.done $0x0  }
0x75: {  	s13 =	sadd.s32 $0x100, s13;
	[sflag:s30] =	ssyncadd.s32 $0xFFFFE000  }
0x76: {  	[tilespmem:s25], [sflag:$0x2] =	stream.indirect.gather [spmem:s1], $0x40, s9, s22, $0xb8;
	[tilespmem:$0x1DAA8] =	vst v63  }
0x77: {  	_ =	swait.ge [sflag:s26], $0x2000  }
0x78: {  	[sflag:s26] =	ssyncset.done $0x0  }
0x79: {  	s7 =	sadd.s32 $0x9000, s7;
	[sflag:s26] =	ssyncadd.s32 $0xFFFFE000  }
0x7a: {  	[hbm4b:s7+s2] =	stream.linear.scatter [tilespmem:s23], [sflag:$0x3], $0x2000, $0x38;
	[tilespmem:$0x1DAA8] =	vst v63  }
0x7b: {  	_ =	swait.ge [sflag:s28], $0x2000  }
0x7c: {  	[sflag:s28] =	ssyncset.done $0x0  }
0x7d: {  	[sflag:s28] =	ssyncadd.s32 $0xFFFFE000  }
0x7e: {  	[tilespmem:s23], [sflag:$0x1] =	stream.indirect.gather [spmem:s1], $0x40, s31, s22, $0xb8;
	[tilespmem:$0x1DAA8] =	vst v63  }
0x7f: {  	_ =	swait.ge [sflag:s29], $0x2000  }
0x80: {  	[sflag:s29] =	ssyncset.done $0x0;
	s13 =	rddreg [dreg:$0xa]  }
0x81: {  	[sflag:s29] =	ssyncadd.s32 $0xFFFFE000;
	s7 =	sadd.s32 s13, s5  }
0x82: {  	[hbm4b:s7+s2] =	stream.linear.scatter [tilespmem:s25], [sflag:$0x4], $0x2000, $0x38;
	[tilespmem:$0x1DAA8] =	vst v63  }
0x83: {  	_ =	swait.ge [sflag:s30], $0x2000  }
0x84: {  	[sflag:s30] =	ssyncset.done $0x0  }
0x85: {  	[sflag:s30] =	ssyncadd.s32 $0xFFFFE000  }
0x86: {  	s15 =	sand.u32 $0x1FFFFFF8, s5;
	_ =	swait.ge [sflag:s26], $0x2000  }
0x87: {  	s5 =	sadd.s32 s10, s15;
	[sflag:s26] =	ssyncset.done $0x0  }
0x88: {  	s16 =	sadd.s32 $0x9800, s5;
	[sflag:s26] =	ssyncadd.s32 $0xFFFFE000  }
0x89: {  	[hbm4b:s16+s2] =	stream.linear.scatter [tilespmem:s23], [sflag:$0x3], $0x2000, $0x38;
	[tilespmem:$0x1DAA8] =	vst v63  }
0x8a: {  	_ =	swait.ge [sflag:s28], $0x2000  }
0x8b: {  	[sflag:s28] =	ssyncset.done $0x0  }
0x8c: {  	[sflag:s28] =	ssyncadd.s32 $0xFFFFE000  }
0x8d: {  	[tilespmem:s23], [sflag:$0x1] =	stream.indirect.gather [spmem:s1], $0x40, s18, s0, $0xb8;
	[tilespmem:$0x1DAA8] =	vst v63  }
0x8e: {  	_ =	swait.ge [sflag:s26], $0x200  }
0x8f: {  	s19 =	sadd.s32 $0x1, s19;
	[sflag:s26] =	ssyncset.done $0x0  }
0x90: {  	p1 =	sne.s32 s19, $0xA;
	s5 =	sadd.s32 $0x9C00, s5;
	[sflag:s26] =	ssyncadd.s32 $0xFFFFFE00  }
0x91: {  	[hbm4b:s5+s2] =	stream.linear.scatter [tilespmem:s23], [sflag:$0x3], $0x200, $0x38;
	[tilespmem:$0x1DAA8] =	vst v63  }
.Ltmp5:
0x92: {  	_ = 	snop;
	(pc) =	sbr.rel @p1 .LBB2_11-.Ltmp5, $4  }
.Ltmp6:
0x93: {  	_ = 	snop;
	(pc) =	sbr.rel @!p1 .LBB2_14-.Ltmp6, $4  }
0x94: {  	_ =	swait.ge [sflag:s28], $0x200  }
0x95: {  	[sflag:s28] =	ssyncset.done $0x0  }
0x96: {  	s17 =	sadd.s32 $0x9C40, s17;
	[sflag:s28] =	ssyncadd.s32 $0xFFFFFE00  }
0x97: {  	_ = 	snop  }
.LBB2_2:
0x98: {  	p2 =	seq.s32 @!p1 s5, $0xFFFFFFF3;
	s15 =	rddreg [dreg:$0xb]  }
0x99: {  	p2 =	por !p2, p1;
	s5 =	smov.u32 s15  }
0x9a: {  	s17 =	simm.s32 @!p1 $0x6;
	s5 =	simm.s32 @!p2 $0x6128  }
0x9b: {  	s14 =	simm.s32 @!p1 $0x19AA8;
	s9 =	simm.s32 @!p1 $0x0;
	s7 =	sshll.u32 @!p1 s5, $0x3  }
0x9c: {  	s12 =	sadd.s32 $0xFFFFFF40, s6;
	s19 =	simm.s32 $0xFFFFFF50;
	s7 =	sadd.s32 @!p1 s3, s7  }
0x9d: {  	[tilespmem:s14], [sflag:$0x6] =	stream.linear.gather @!p1 [hbm4b:s7+s9], $0x2000, $0x38;
	[tilespmem:$0x1DAA8] =	vst v63  }
0x9e: {  	s13 =	sadd.s32 $0xD0, s12;
	s5 =	sshrl.u32 @!p1 s5, $0x3;
	_ =	swait.ge @!p1 [sflag:s17], $0x2000  }
0x9f: {  	p2 =	por p1, p1;
	s5 =	sadd.s32 @!p1 s8, s5;
	[sflag:s17] =	ssyncset.done @!p1 $0x0  }
0xa0: {  	s7 =	simm.s32 @!p2 $0x19A28;
	p1 =	sgt.u32 s13, $0xC3;
	[sflag:s17] =	ssyncadd.s32 @!p2 $0xFFFFE000  }
0xa1: {  	[tilespmem:s7], [sflag:$0x6] =	stream.linear.gather @!p2 [hbm4b:s5+s9], $0x80, $0x38;
	[tilespmem:$0x1DAA8] =	vst v63  }
0xa2: {  	p4 =	seq.s32 @!p1 s12, $0xFFFFFFF3;
	s5 =	sadd.s32 $0x800, s15;
	_ =	swait.ge @!p2 [sflag:s17], $0x80  }
.LBB2_3:
0xa3: {  	[sflag:s17] =	ssyncset.done @!p2 $0x0;
	s9 =	smov.u32 s19;
	s19 =	sadd.s32 $0x10, s19  }
0xa4: {  	s12 =	simm.s32 @!p2 $0x80;
	s13 =	simm.s32 @!p2 $0x5;
	[sflag:s17] =	ssyncadd.s32 @!p2 $0xFFFFFF80  }
0xa5: {  	[spmem:s1] =	stream.indirect.scatter @!p2 [tilespmem:s14], [sflag:$0x5], $0x40, s7, s12, $0xb8;
	[tilespmem:$0x1DAA8] =	vst v63  }
0xa6: {  	p3 =	sne.s32 s19, $0x0;
	_ =	swait.ge @!p2 [sflag:s13], $0x2000  }
0xa7: {  	p4 =	por !p4, p1;
	s7 =	smov.u32 s5;
	[sflag:s13] =	ssyncset.done @!p2 $0x0  }
0xa8: {  	s17 =	simm.s32 @!p1 $0x6;
	s7 =	simm.s32 @!p4 $0x6128;
	[sflag:s13] =	ssyncadd.s32 @!p2 $0xFFFFE000  }
0xa9: {  	s14 =	simm.s32 @!p1 $0x19AA8;
	s12 =	sshll.u32 @!p1 s7, $0x3;
	s7 =	sshrl.u32 @!p1 s7, $0x3  }
0xaa: {  	s12 =	sadd.s32 @!p1 s3, s12;
	s13 =	simm.s32 @!p1 $0x0;
	s15 =	sadd.s32 @!p1 s8, s7  }
0xab: {  	[tilespmem:s14], [sflag:$0x6] =	stream.linear.gather @!p1 [hbm4b:s12+s13], $0x2000, $0x38;
	[tilespmem:$0x1DAA8] =	vst v63  }
.Ltmp7:
0xac: {  	s9 =	sadd.s32 s9, s6;
	_ =	swait.ge @!p1 [sflag:s17], $0x2000;
	(pc) =	sbr.rel @p3 .LBB2_3-.Ltmp7, $4  }
0xad: {  	s7 =	sadd.s32 $0xD0, s9;
	p2 =	por p1, p1;
	[sflag:s17] =	ssyncset.done @!p1 $0x0  }
0xae: {  	p1 =	sgt.u32 s7, $0xC3;
	s7 =	simm.s32 @!p2 $0x19A28;
	[sflag:s17] =	ssyncadd.s32 @!p2 $0xFFFFE000  }
0xaf: {  	[tilespmem:s7], [sflag:$0x6] =	stream.linear.gather @!p2 [hbm4b:s15+s13], $0x80, $0x38;
	[tilespmem:$0x1DAA8] =	vst v63  }
0xb0: {  	s5 =	sadd.s32 $0x800, s5;
	p4 =	seq.s32 @!p1 s9, $0xFFFFFFF3;
	_ =	swait.ge @!p2 [sflag:s17], $0x80  }
0xb1: {  	[sflag:s17] =	ssyncset.done @!p2 $0x0;
	s9 =	simm.s32 @!p2 $0x80  }
0xb2: {  	s12 =	simm.s32 @!p2 $0x5;
	p3 =	por !p4, p1;
	[sflag:s17] =	ssyncadd.s32 @!p2 $0xFFFFFF80  }
0xb3: {  	[spmem:s1] =	stream.indirect.scatter @!p2 [tilespmem:s14], [sflag:$0x5], $0x40, s7, s9, $0xb8;
	[tilespmem:$0x1DAA8] =	vst v63  }
0xb4: {  	s13 =	simm.s32 @!p1 $0x0;
	s5 =	simm.s32 @!p3 $0x6128;
	_ =	swait.ge @!p2 [sflag:s12], $0x2000  }
0xb5: {  	s7 =	simm.s32 @!p1 $0x6;
	s9 =	sshll.u32 @!p1 s5, $0x3;
	[sflag:s12] =	ssyncset.done @!p2 $0x0  }
0xb6: {  	s9 =	sadd.s32 @!p1 s3, s9;
	[sflag:s12] =	ssyncadd.s32 @!p2 $0xFFFFE000;
	s12 =	simm.s32 @!p1 $0x19AA8  }
0xb7: {  	[tilespmem:s12], [sflag:$0x6] =	stream.linear.gather @!p1 [hbm4b:s9+s13], $0x2000, $0x38;
	[tilespmem:$0x1DAA8] =	vst v63  }
0xb8: {  	_ =	swait.ge @!p1 [sflag:s7], $0x2000  }
0xb9: {  	s5 =	sshrl.u32 @!p1 s5, $0x3;
	p2 =	por p1, p1;
	[sflag:s7] =	ssyncset.done @!p1 $0x0  }
0xba: {  	s5 =	sadd.s32 @!p1 s8, s5;
	s9 =	simm.s32 @!p2 $0x19A28;
	[sflag:s7] =	ssyncadd.s32 @!p2 $0xFFFFE000  }
0xbb: {  	[tilespmem:s9], [sflag:$0x6] =	stream.linear.gather @!p2 [hbm4b:s5+s13], $0x80, $0x38;
	[tilespmem:$0x1DAA8] =	vst v63  }
0xbc: {  	_ =	swait.ge @!p2 [sflag:s7], $0x80  }
0xbd: {  	[sflag:s7] =	ssyncset.done @!p2 $0x0  }
0xbe: {  	s5 =	simm.s32 @!p2 $0x80;
	[sflag:s7] =	ssyncadd.s32 @!p2 $0xFFFFFF80;
	s7 =	simm.s32 @!p2 $0x5  }
0xbf: {  	[spmem:s1] =	stream.indirect.scatter @!p2 [tilespmem:s12], [sflag:$0x5], $0x40, s9, s5, $0xb8;
	[tilespmem:$0x1DAA8] =	vst v63  }
0xc0: {  	_ =	swait.ge @!p2 [sflag:s7], $0x2000  }
0xc1: {  	[sflag:s7] =	ssyncset.done @!p2 $0x0  }
0xc2: {  	[sflag:s7] =	ssyncadd.s32 @!p2 $0xFFFFE000  }
0xc3: {  	[bflag:$0x0] =	sbarrier.arrive $0xFFFF  }
0xc4: {  	s19 =	simm.s32 $0x0;
	s14 =	simm.s32 $0x0;
	s17 =	rddreg [dreg:$0xc]  }
.LBB2_5:
0xc5: {  	s5 =	smul.u32 $0x1388, s19;
	_ =	sdelay $0x1  }
0xc6: {  	s5 =	sadd.s32 s11, s5  }
0xc7: {  	s9 =	rddreg [dreg:$0x3];
	s7 =	sshrl.u32 s5, $0x3  }
0xc8: {  	s7 =	sadd.s32 s9, s7  }
0xc9: {  	[tilespmem:s20], [sflag:$0x5] =	stream.linear.gather [hbm4b:s7+s14], $0x1388, $0x38;
	[tilespmem:$0x1DAA8] =	vst v63  }
0xca: {  	_ =	swait.ge [sflag:s21], $0x1388  }
0xcb: {  	[sflag:s21] =	ssyncset.done $0x0  }
0xcc: {  	[sflag:s21] =	ssyncadd.s32 $0xFFFFEC78  }
0xcd: {  	[tilespmem:s23], [sflag:$0x1] =	stream.indirect.gather [spmem:s1], $0x40, s20, s22, $0xb8;
	[tilespmem:$0x1DAA8] =	vst v63  }
0xce: {  	_ = 	snop  }
0xcf: {  	[tilespmem:s25], [sflag:$0x2] =	stream.indirect.gather [spmem:s1], $0x40, s24, s22, $0xb8;
	[tilespmem:$0x1DAA8] =	vst v63  }
0xd0: {  	_ =	swait.ge [sflag:s26], $0x2000  }
0xd1: {  	[sflag:s26] =	ssyncset.done $0x0  }
0xd2: {  	s13 =	sadd.s32 $0x0, s17;
	[sflag:s26] =	ssyncadd.s32 $0xFFFFE000  }
0xd3: {  	[hbm4b:s13+s2] =	stream.linear.scatter [tilespmem:s23], [sflag:$0x3], $0x2000, $0x38;
	[tilespmem:$0x1DAA8] =	vst v63  }
0xd4: {  	_ =	swait.ge [sflag:s28], $0x2000  }
0xd5: {  	[sflag:s28] =	ssyncset.done $0x0  }
0xd6: {  	s15 =	simm.s32 $0x187A0;
	[sflag:s28] =	ssyncadd.s32 $0xFFFFE000  }
0xd7: {  	[tilespmem:s23], [sflag:$0x1] =	stream.indirect.gather [spmem:s1], $0x40, s15, s22, $0xb8;
	[tilespmem:$0x1DAA8] =	vst v63  }
0xd8: {  	_ =	swait.ge [sflag:s29], $0x2000  }
0xd9: {  	[sflag:s29] =	ssyncset.done $0x0  }
0xda: {  	s7 =	sadd.s32 $0x400, s13;
	[sflag:s29] =	ssyncadd.s32 $0xFFFFE000  }
0xdb: {  	[hbm4b:s7+s2] =	stream.linear.scatter [tilespmem:s25], [sflag:$0x4], $0x2000, $0x38;
	[tilespmem:$0x1DAA8] =	vst v63  }
0xdc: {  	s12 =	simm.s32 $0x800;
	s5 =	sshll.u32 s5, $0x3;
	_ =	swait.ge [sflag:s30], $0x2000  }
0xdd: {  	s9 =	simm.s32 $0x18820;
	s16 =	rddreg [dreg:$0x5];
	[sflag:s30] =	ssyncset.done $0x0  }
0xde: {  	s13 =	simm.s32 $0x18920;
	s7 =	sadd.s32 s16, s5;
	[sflag:s30] =	ssyncadd.s32 $0xFFFFE000  }
.LBB2_6:
0xdf: {  	[tilespmem:s25], [sflag:$0x2] =	stream.indirect.gather [spmem:s1], $0x40, s9, s22, $0xb8;
	[tilespmem:$0x1DAA8] =	vst v63  }
0xe0: {  	s15 =	smov.u32 s12;
	s9 =	smov.u32 s13  }
0xe1: {  	p1 =	sne.s32 s12, $0x8800;
	s12 =	sadd.s32 $0x800, s12;
	_ =	swait.ge [sflag:s26], $0x2000  }
0xe2: {  	[sflag:s26] =	ssyncset.done $0x0  }
0xe3: {  	s15 =	sadd.s32 s15, s17;
	[sflag:s26] =	ssyncadd.s32 $0xFFFFE000  }
0xe4: {  	[hbm4b:s15+s2] =	stream.linear.scatter [tilespmem:s23], [sflag:$0x3], $0x2000, $0x38;
	[tilespmem:$0x1DAA8] =	vst v63  }
0xe5: {  	_ =	swait.ge [sflag:s28], $0x2000  }
0xe6: {  	[sflag:s28] =	ssyncset.done $0x0  }
0xe7: {  	s16 =	sadd.s32 $0xFFFFFF80, s13;
	[sflag:s28] =	ssyncadd.s32 $0xFFFFE000  }
0xe8: {  	[tilespmem:s23], [sflag:$0x1] =	stream.indirect.gather [spmem:s1], $0x40, s16, s22, $0xb8;
	[tilespmem:$0x1DAA8] =	vst v63  }
0xe9: {  	_ =	swait.ge [sflag:s29], $0x2000  }
0xea: {  	[sflag:s29] =	ssyncset.done $0x0  }
.Ltmp8:
0xeb: {  	s15 =	sadd.s32 $0x400, s15;
	[sflag:s29] =	ssyncadd.s32 $0xFFFFE000;
	(pc) =	sbr.rel @p1 .LBB2_6-.Ltmp8, $4  }
0xec: {  	[hbm4b:s15+s2] =	stream.linear.scatter [tilespmem:s25], [sflag:$0x4], $0x2000, $0x38;
	[tilespmem:$0x1DAA8] =	vst v63  }
0xed: {  	_ =	swait.ge [sflag:s30], $0x2000  }
0xee: {  	[sflag:s30] =	ssyncset.done $0x0  }
0xef: {  	s13 =	sadd.s32 $0x100, s13;
	[sflag:s30] =	ssyncadd.s32 $0xFFFFE000  }
0xf0: {  	[tilespmem:s25], [sflag:$0x2] =	stream.indirect.gather [spmem:s1], $0x40, s9, s22, $0xb8;
	[tilespmem:$0x1DAA8] =	vst v63  }
0xf1: {  	_ =	swait.ge [sflag:s26], $0x2000  }
0xf2: {  	[sflag:s26] =	ssyncset.done $0x0  }
0xf3: {  	s7 =	sadd.s32 $0x9000, s7;
	[sflag:s26] =	ssyncadd.s32 $0xFFFFE000  }
0xf4: {  	[hbm4b:s7+s2] =	stream.linear.scatter [tilespmem:s23], [sflag:$0x3], $0x2000, $0x38;
	[tilespmem:$0x1DAA8] =	vst v63  }
0xf5: {  	_ =	swait.ge [sflag:s28], $0x2000  }
0xf6: {  	[sflag:s28] =	ssyncset.done $0x0  }
0xf7: {  	[sflag:s28] =	ssyncadd.s32 $0xFFFFE000  }
0xf8: {  	[tilespmem:s23], [sflag:$0x1] =	stream.indirect.gather [spmem:s1], $0x40, s31, s22, $0xb8;
	[tilespmem:$0x1DAA8] =	vst v63  }
0xf9: {  	_ =	swait.ge [sflag:s29], $0x2000  }
0xfa: {  	[sflag:s29] =	ssyncset.done $0x0;
	s12 =	rddreg [dreg:$0x9]  }
0xfb: {  	[sflag:s29] =	ssyncadd.s32 $0xFFFFE000;
	s7 =	sadd.s32 s12, s5  }
0xfc: {  	[hbm4b:s7+s2] =	stream.linear.scatter [tilespmem:s25], [sflag:$0x4], $0x2000, $0x38;
	[tilespmem:$0x1DAA8] =	vst v63  }
0xfd: {  	_ =	swait.ge [sflag:s30], $0x2000  }
0xfe: {  	[sflag:s30] =	ssyncset.done $0x0  }
0xff: {  	[sflag:s30] =	ssyncadd.s32 $0xFFFFE000  }
0x100: {  	_ =	swait.ge [sflag:s26], $0x2000  }
0x101: {  	[sflag:s26] =	ssyncset.done $0x0;
	s13 =	rddreg [dreg:$0x6]  }
0x102: {  	[sflag:s26] =	ssyncadd.s32 $0xFFFFE000;
	s7 =	sadd.s32 s5, s13  }
0x103: {  	[hbm4b:s7+s2] =	stream.linear.scatter [tilespmem:s23], [sflag:$0x3], $0x2000, $0x38;
	[tilespmem:$0x1DAA8] =	vst v63  }
0x104: {  	_ =	swait.ge [sflag:s28], $0x2000  }
0x105: {  	[sflag:s28] =	ssyncset.done $0x0  }
0x106: {  	[sflag:s28] =	ssyncadd.s32 $0xFFFFE000  }
0x107: {  	[tilespmem:s23], [sflag:$0x1] =	stream.indirect.gather [spmem:s1], $0x40, s18, s0, $0xb8;
	[tilespmem:$0x1DAA8] =	vst v63  }
0x108: {  	_ =	swait.ge [sflag:s26], $0x200  }
0x109: {  	s19 =	sadd.s32 $0x1, s19;
	[sflag:s26] =	ssyncset.done $0x0;
	s15 =	rddreg [dreg:$0x7]  }
0x10a: {  	p1 =	seq.s32 s19, $0xA;
	[sflag:s26] =	ssyncadd.s32 $0xFFFFFE00;
	s16 =	sadd.s32 s5, s15  }
0x10b: {  	[hbm4b:s16+s2] =	stream.linear.scatter [tilespmem:s23], [sflag:$0x3], $0x200, $0x38;
	[tilespmem:$0x1DAA8] =	vst v63  }
.Ltmp9:
0x10c: {  	_ = 	snop;
	(pc) =	sbr.rel @!p1 .LBB2_5-.Ltmp9, $4  }
.Ltmp10:
0x10d: {  	_ = 	snop;
	(pc) =	sbr.rel @p1 .LBB2_14-.Ltmp10, $4  }
0x10e: {  	_ =	swait.ge [sflag:s28], $0x200  }
0x10f: {  	[sflag:s28] =	ssyncset.done $0x0  }
0x110: {  	s17 =	sadd.s32 $0x9C40, s17;
	[sflag:s28] =	ssyncadd.s32 $0xFFFFFE00  }
0x111: {  	_ = 	snop  }
.LBB2_15:
0x112: {  	_ =	sfence.sel $0x180000  }
0x113: {  	[bflag:$0x0] =	sbarrier.arrive $0xFFFF  }
0x114: {  	_ =	strace $0x90000047  }
0x115: {  	[bflag:$0x2] =	sbarrier.arrive $0xFFFF  }
0x116: {  	p0 =	sne.s32 s6, $0x0;
	s0 =	rddreg [dreg:$0x2]  }
0x117: {  	s0 =	sadd.s32 @!p0 $0x100000, s0  }
0x118: {  	[sflag:s0] =	ssyncadd.tile.s32 @!p0 $0x1;
	_ =	shalt  }
.Lfunc_end2:
_tile_overlayer_lowered:
.L_overlay_start_2:
0x119: {  	(tag) =	ssettag $0x2  }
0x11a: {  	s0 =	rddreg [dreg:$0x0];
	s2 =	stileid.u32  }
0x11b: {  	s1 =	rddreg [dreg:$0x1];
	p0 =	sne.s32 s2, $0x0  }
0x11c: {  	s3 =	rddreg [dreg:$0x2];
	[bflag:$0x3] =	sbarrier.arrive $0xFFFF;
	s2 =	simm.s32 @!p0 $0x1C05  }
0x11d: {  	[timem:s3], [sflag:s2] =	dma.local @!p0 [hbm:s0], s1  }
0x11e: {  	s0 =	simm.s32 @!p0 $0x5  }
0x11f: {  	_ =	swait.ge @!p0 [sflag:s0], s1  }
0x120: {  	s1 =	ssub.s32 @!p0 $0x0, s1;
	[sflag:s0] =	ssyncset.done @!p0 $0x0  }
0x121: {  	[sflag:s0] =	ssyncadd.s32 @!p0 s1  }
0x122: {  	[bflag:$0x3] =	sbarrier.arrive $0xFFFF  }
0x123: {  	_ =	shalt  }

// kernel: kernel.16.cloned.1.call-start
scs
__scs_entry_jumppad:
0x0: {  	(pc) =	sbr.rel $0x88, $3  }
0x1: {  	(tag) =	ssettag $0x0;
	lr =	simm.s32 $0x1  }
0x2: {  	[smem:$0x3F81] =	sst lr;
	_ =	strace $0xD0000000  }
0x3: {  	_ = 	snop  }
0x4: {  	_ = 	snop  }
0x5: {  	_ = 	snop  }
0x6: {  	_ = 	snop  }
0x7: {  	_ = 	snop  }
__scs_overlays_trampoline_lowered:
0x8: {  	[smem:$0x3F90] =	sst s0  }
0x9: {  	[smem:$0x3F91] =	sst s1  }
0xa: {  	[smem:$0x3F92] =	sst s2  }
0xb: {  	[smem:$0x3F93] =	sst s3  }
0xc: {  	[smem:$0x3F94] =	sst s4  }
0xd: {  	[smem:$0x3F95] =	sst s5  }
0xe: {  	[smem:$0x3F96] =	sst s6  }
0xf: {  	[smem:$0x3F97] =	sst s7  }
0x10: {  	[smem:$0x3F98] =	sst s8  }
0x11: {  	[smem:$0x3F99] =	sst s9;
	s0 =	simm.s32 @!p0 $0x0  }
0x12: {  	s1 =	sld [smem:$0x3F7F];
	s0 =	simm.s32 @p0 $0x1  }
0x13: {  	[smem:$0x3F9A] =	sst s0;
	s0 =	simm.s32 @!p1 $0x0  }
0x14: {  	s2 =	sld [smem:$0x3F7E];
	s0 =	simm.s32 @p1 $0x1  }
0x15: {  	[smem:$0x3F9B] =	sst s0;
	s0 =	simm.s32 @!p2 $0x0  }
0x16: {  	s3 =	sld [smem:$0x3FDB];
	s0 =	simm.s32 @p2 $0x1  }
0x17: {  	s4 =	simm.s32 $0x1BF5;
	[smem:$0x3F9D] =	sst s0  }
0x18: {  	s0 =	sld [smem:$0x3F80];
	_ =	swait.ge [sflag:s4], $0x0  }
0x19: {  	s7 =	sld [smem:$0x3F81]  }
0x1a: {  	s8 =	sadd.s32 $0xFFFFE003, lr  }
0x1b: {  	s9 =	sadd.s32 $0xFFFFFEF7, lr;
	s5 =	simm.s32 $0xFFFFFFFF;
	p2 =	slt.u32 s8, $0xFFFFF086  }
0x1c: {  	p1 =	slt.u32 s9, $0xF7A;
	s5 =	simm.s32 @!p2 $0x0  }
0x1d: {  	s5 =	simm.s32 @p1 $0x1;
	p0 =	seq.s32 s7, s2  }
0x1e: {  	s7 =	smul.u32 @!p0 $0xF7A, s2;
	p2 =	seq.s32 @!p0 s5, $0x0  }
0x1f: {  	s9 =	smul.u32 $0xF7A, s1;
	s8 =	simm.s32 @!p0 $0x1BF5;
	p2 =	por !p2, p0  }
0x20: {  	[sflag:s8] =	ssyncset.s32 @!p0 $0xFFFFF086;
	s6 =	sadd.s32 @!p0 s3, s7;
	s7 =	simm.s32 @!p0 $0x108  }
0x21: {  	s3 =	sadd.s32 s3, s9;
	s6 =	sadd.s32 @!p0 $0x88, s6;
	s7 =	simm.s32 @p2 $0x1082  }
0x22: {  	[simem:s7], [sflag:s8] =	dma.local @!p0 [hbm:s6], $0xF7A  }
0x23: {  	s9 =	sor.u32 $0xD0000000, s2;
	s6 =	simm.s32 $0x108;
	_ =	swait.ge @!p0 [sflag:s8], $0x0  }
0x24: {  	s3 =	sadd.s32 $0x88, s3;
	s6 =	simm.s32 @!p1 $0x1082;
	[sflag:s4] =	ssyncset.s32 $0xFFFFF086  }
0x25: {  	[simem:s6], [sflag:s4] =	dma.local [hbm:s3], $0xF7A  }
0x26: {  	[smem:$0x3F81] =	sst s1;
	(tag) =	ssettag s2;
	_ =	strace s9  }
0x27: {  	s1 =	sld [smem:$0x3F91]  }
0x28: {  	s2 =	sld [smem:$0x3F92]  }
0x29: {  	s4 =	sld [smem:$0x3F94]  }
0x2a: {  	p0 =	seq.s32 s5, $0x0;
	s5 =	sld [smem:$0x3F95]  }
0x2b: {  	s6 =	sld [smem:$0x3F96]  }
0x2c: {  	s7 =	sld [smem:$0x3F97]  }
0x2d: {  	s3 =	simm.s32 $0x108;
	s8 =	sld [smem:$0x3F98]  }
0x2e: {  	s3 =	simm.s32 @!p0 $0x1082;
	s9 =	sld [smem:$0x3F99]  }
0x2f: {  	lr =	sadd.s32 s0, s3;
	s0 =	sld [smem:$0x3F90]  }
0x30: {  	s3 =	sld [smem:$0x3F93]  }
0x31: {  	[smem:$0x3F9C] =	sst s10  }
0x32: {  	s10 =	sld [smem:$0x3F9A];
	_ =	sdelay $0x3  }
0x33: {  	p0 =	seq.s32 s10, $0x1;
	s10 =	sld [smem:$0x3F9C];
	_ =	sdelay $0x3  }
0x34: {  	[smem:$0x3F9C] =	sst s10  }
0x35: {  	s10 =	sld [smem:$0x3F9B];
	_ =	sdelay $0x3  }
0x36: {  	p1 =	seq.s32 s10, $0x1;
	s10 =	sld [smem:$0x3F9C];
	_ =	sdelay $0x3  }
0x37: {  	[smem:$0x3F9C] =	sst s10  }
0x38: {  	s10 =	sld [smem:$0x3F9D]  }
0x39: {  	_ = 	snop;
	(pc) =	sbr.ind lr, $3  }
0x3a: {  	_ = 	snop  }
0x3b: {  	_ = 	snop  }
0x3c: {  	p2 =	seq.s32 s10, $0x1;
	s10 =	sld [smem:$0x3F9C]  }
0x3d: {  	_ =	shalt  }
0x3e: {  	_ =	shalt  }
0x3f: {  	_ =	shalt  }
0x40: {  	_ =	shalt  }
0x41: {  	_ =	shalt  }
0x42: {  	_ =	shalt  }
0x43: {  	_ =	shalt  }
0x44: {  	_ =	shalt  }
0x45: {  	_ =	shalt  }
0x46: {  	_ =	shalt  }
0x47: {  	_ =	shalt  }
0x48: {  	_ =	shalt  }
0x49: {  	_ =	shalt  }
0x4a: {  	_ =	shalt  }
0x4b: {  	_ =	shalt  }
0x4c: {  	_ =	shalt  }
0x4d: {  	_ =	shalt  }
0x4e: {  	_ =	shalt  }
0x4f: {  	_ =	shalt  }
0x50: {  	_ =	shalt  }
0x51: {  	_ =	shalt  }
0x52: {  	_ =	shalt  }
0x53: {  	_ =	shalt  }
0x54: {  	_ =	shalt  }
0x55: {  	_ =	shalt  }
0x56: {  	_ =	shalt  }
0x57: {  	_ =	shalt  }
0x58: {  	_ =	shalt  }
0x59: {  	_ =	shalt  }
0x5a: {  	_ =	shalt  }
0x5b: {  	_ =	shalt  }
0x5c: {  	_ =	shalt  }
0x5d: {  	_ =	shalt  }
0x5e: {  	_ =	shalt  }
0x5f: {  	_ =	shalt  }
0x60: {  	_ =	shalt  }
0x61: {  	_ =	shalt  }
0x62: {  	_ =	shalt  }
0x63: {  	_ =	shalt  }
0x64: {  	_ =	shalt  }
0x65: {  	_ =	shalt  }
0x66: {  	_ =	shalt  }
0x67: {  	_ =	shalt  }
0x68: {  	_ =	shalt  }
0x69: {  	_ =	shalt  }
0x6a: {  	_ =	shalt  }
0x6b: {  	_ =	shalt  }
0x6c: {  	_ =	shalt  }
0x6d: {  	_ =	shalt  }
0x6e: {  	_ =	shalt  }
0x6f: {  	_ =	shalt  }
0x70: {  	_ =	shalt  }
0x71: {  	_ =	shalt  }
0x72: {  	_ =	shalt  }
0x73: {  	_ =	shalt  }
0x74: {  	_ =	shalt  }
0x75: {  	_ =	shalt  }
0x76: {  	_ =	shalt  }
0x77: {  	_ =	shalt  }
0x78: {  	_ =	shalt  }
0x79: {  	_ =	shalt  }
0x7a: {  	_ =	shalt  }
0x7b: {  	_ =	shalt  }
0x7c: {  	_ =	shalt  }
0x7d: {  	_ =	shalt  }
0x7e: {  	_ =	shalt  }
0x7f: {  	_ =	shalt  }
0x80: {  	_ =	shalt  }
0x81: {  	_ =	shalt  }
0x82: {  	_ =	shalt  }
0x83: {  	_ =	shalt  }
0x84: {  	_ =	shalt  }
0x85: {  	_ =	shalt  }
0x86: {  	_ =	shalt  }
0x87: {  	_ =	shalt  }
.Lfunc_end0:
.L_simem_size_0:
called_computation.1_lowered:
.L_overlay_start_0:
0x88: {  	s2 =	sld [smem:$0x3FD9]  }
0x89: {  	s3 =	sld [smem:$0x3FFE];
	_ =	sdelay $0x1  }
0x8a: {  	s1 =	srdreg.scid  }
0x8b: {  	s0 =	sand.u32 $0x1, s1  }
0x8c: {  	s16 =	sshll.u32 s0, $0xA;
	s2 =	sadd.s32 s3, s2  }
0x8d: {  	s2 =	sadd.s32 s2, s16  }
0x8e: {  	[smem:$0x3FA8] =	sst s2  }
0x8f: {  	_ = 	snop  }
0x90: {  	(tm) =	ssettm $0x1  }
0x91: {  	s17 =	sld [smem:$0x3FFB];
	_ =	sdelay $0x3  }
0x92: {  	_ =	strace s17  }
0x93: {  	s2 =	sld [smem:$0x3FFC];
	_ =	sdelay $0x3  }
0x94: {  	_ =	strace s2  }
0x95: {  	s2 =	sld [smem:$0x3FFD];
	_ =	sdelay $0x3  }
0x96: {  	_ =	strace s2  }
0x97: {  	_ =	strace $0x8FFFFFFF  }
0x98: {  	s18 =	sld [smem:$0x3FDB];
	_ =	sdelay $0x1  }
0x99: {  	s19 =	simm.s32 $_scs_section_size  }
0x9a: {  	s4 =	simm.s32 $_size__tile_overlayer_lowered;
	s5 =	simm.s32 $_tile_overlayer_lowered  }
0x9b: {  	s22 =	simm.s32 $0x1BFF;
	s21 =	sshll.u32 s5, $0x1;
	s2 =	sadd.s32 s19, s18  }
0x9c: {  	s6 =	simm.s32 $0x0;
	s20 =	sshll.u32 s4, $0x1;
	s4 =	sadd.s32 s21, s2  }
0x9d: {  	[timem:s6], [sflag:s22] =	dma.local [hbm:s4], s20  }
0x9e: {  	_ =	swait.ge [sflag:s22], s20  }
0x9f: {  	s3 =	ssub.s32 $0x0, s20;
	[sflag:s22] =	ssyncset.done $0x0  }
0xa0: {  	[sflag:s22] =	ssyncadd.s32 s3;
	_ =	sdelay $0x1  }
0xa1: {  	s23 =	simm.s32 $0x1B8B  }
0xa2: {  	_ =	swait.ge [sflag:s23], $0x1  }
0xa3: {  	[sflag:s23] =	ssyncset.done $0x0  }
0xa4: {  	s25 =	simm.s32 $0x1B8E;
	s24 =	sld [smem:$0x3FFE];
	[sflag:s23] =	ssyncadd.s32 $0xFFFFFFFF  }
0xa5: {  	s26 =	simm.s32 $execute0_lowered;
	[smem:$0x3FD2] =	sst s25  }
0xa6: {  	s4 =	sshll.u32 s26, $0x1;
	_ =	strace $0x80000049;
	[dreg:$0x1] =	wrdreg $0xFFFFFFFF  }
0xa7: {  	s28 =	simm.s32 $_size_execute0_lowered;
	s2 =	sadd.s32 s2, s4;
	[dreg:$0x0] =	wrdreg $0x0  }
0xa8: {  	s4 =	sshll.u32 s28, $0x1;
	[dreg:$0x2] =	wrdreg s2  }
0xa9: {  	[dreg:$0x3] =	wrdreg s4  }
0xaa: {  	[dreg:$0x4] =	wrdreg $0xC0  }
0xab: {  	_ =	task [dreg:s6], $0x5FFFF  }
0xac: {  	[dreg:$0x1] =	wrdreg $0xFFFFFFFF  }
0xad: {  	[dreg:$0x0] =	wrdreg $0x60  }
0xae: {  	[dreg:$0x2] =	wrdreg s24  }
0xaf: {  	[dreg:$0x3] =	wrdreg $0x0  }
0xb0: {  	[dreg:$0x4] =	wrdreg $0x9  }
0xb1: {  	_ =	task.clear_ibuf [dreg:s6], $0x5FFFF;
	_ =	strace $0x90000049  }
0xb2: {  	s29 =	simm.s32 $0x9;
	_ =	strace $0x8000004B  }
0xb3: {  	_ =	swait.ge [sflag:s29], $0x1  }
0xb4: {  	[sflag:s29] =	ssyncadd.s32 $0xFFFFFFFF  }
0xb5: {  	_ =	strace $0x9000004B  }
0xb6: {  	_ =	sfence  }
0xb7: {  	s30 =	sld [smem:$0x0];
	_ =	sdelay $0x2  }
0xb8: {  	s31 =	sshll.u32 s1, $0xD;
	s1 =	sshrl.u32 s1, $0x2  }
0xb9: {  	s3 =	sand.u32 $0x4000, s31;
	s1 =	sadd.s32 s1, s30  }
0xba: {  	s0 =	sor.u32 s3, s0;
	s1 =	sshll.u32 s1, $0x11  }
0xbb: {  	s0 =	sor.u32 s1, s0  }
0xbc: {  	s0 =	sadd.s32 $0x8F2B, s0  }
0xbd: {  	[sflag:s0] =	ssyncadd.remote.s32 $0x1  }
0xbe: {  	_ =	sfence.sel $0xFFFF  }
0xbf: {  	[dreg:$0x0] =	wrdreg $0xFFFFFFFF;
	(pc) =	sbr.abs _section_cstart, $3  }
0xc0: {  	[dreg:$0x1] =	wrdreg $0xFFFFFFFF  }
0xc1: {  	_ =	task.clear_ibuf [dreg:s6], $0x2FFFF;
	_ =	strace $0x9FFFFFFF  }
0xc2: {  	(tm) =	ssettm $0x7FFFFFFF  }
0xc3: {  	_ =	shalt  }
tec
execute0_lowered:
.L_overlay_start_1:
0x0: {  	(tag) =	ssettag $0x1  }
0x1: {  	s0 =	rddreg [dreg:$0x0]  }
0x2: {  	s1 =	rddreg [dreg:$0x1];
	s3 =	simm.s32 $0x0;
	s4 =	srdreg.scid  }
0x3: {  	s2 =	stileid.u32;
	s28 =	simm.s32 $0x1A6A0;
	s29 =	simm.s32 $0x1C720  }
0x4: {  	s30 =	simm.s32 $0x1;
	s31 =	simm.s32 $0x3;
	[smem:$0x7FF] =	sst s3  }
0x5: {  	s5 =	sadd.s32 $0xE70A00, s0;
	s8 =	sand.u32 $0x1, s4;
	s6 =	sshll.u32 s2, $0x1  }
0x6: {  	s4 =	sadd.s32 $0x1F0400, s0;
	s7 =	sadd.s32 $0xCB200, s0;
	s19 =	smul.u32 $0xC350, s2  }
0x7: {  	s23 =	sshll.u32 s2, $0x4;
	s26 =	sshll.u32 s2, $0x7;
	_ =	strace $0x8000004A  }
0x8: {  	s9 =	sor.u32 s8, s6;
	s10 =	ssub.s32 $0x2, s8;
	s8 =	smul.u32 $0x61A8, s8  }
0x9: {  	[dreg:$0x3] =	wrdreg s7;
	s6 =	sadd.s32 $0x221400, s0;
	s11 =	smul.u32 $0x61A8, s9  }
0xa: {  	s7 =	sadd.s32 $0x222200, s0;
	[dreg:$0xd] =	wrdreg s23;
	s9 =	smul.u32 $0x30D40, s9  }
0xb: {  	[dreg:$0x10] =	wrdreg s26;
	s26 =	simm.s32 $0x1C6A0;
	s12 =	sshrl.u32 s10, $0x1  }
0xc: {  	s0 =	ssub.s32 s10, s12;
	s13 =	sshrl.u32 s11, $0x3;
	s9 =	sadd.s32 s5, s9  }
0xd: {  	s15 =	sadd.s32 $0x80, s11;
	s12 =	sadd.s32 $0x6180, s11;
	s0 =	smax.u32 s0, $0x1  }
0xe: {  	s20 =	sadd.s32 $0x6100, s11;
	s11 =	simm.s32 $0x6;
	[dreg:$0x4] =	wrdreg s9  }
0xf: {  	s14 =	sadd.s32 s4, s13;
	s16 =	sshll.u32 s15, $0x3;
	s9 =	sshrl.u32 s15, $0x3  }
0x10: {  	s17 =	sshrl.u32 s12, $0x3;
	s18 =	sshll.u32 s12, $0x3;
	[dreg:$0xa] =	wrdreg s0  }
0x11: {  	s21 =	sshll.u32 s20, $0x3;
	[dreg:$0x5] =	wrdreg s14;
	s10 =	sadd.s32 s5, s16  }
0x12: {  	s0 =	sshrl.u32 s20, $0x3;
	s9 =	sadd.s32 s4, s9;
	[dreg:$0x6] =	wrdreg s10  }
0x13: {  	s13 =	simm.s32 $0x0;
	s0 =	sadd.s32 s4, s0;
	[dreg:$0x7] =	wrdreg s9  }
0x14: {  	s9 =	sadd.s32 s4, s17;
	s10 =	sadd.s32 s8, s19;
	[dreg:$0xc] =	wrdreg s0  }
0x15: {  	[dreg:$0x8] =	wrdreg s9;
	s9 =	sadd.s32 s5, s18;
	s22 =	sadd.s32 $0x180, s10  }
0x16: {  	s24 =	sadd.s32 $0x100, s10;
	s10 =	simm.s32 $0x5;
	[dreg:$0x9] =	wrdreg s9  }
0x17: {  	s9 =	sadd.s32 s5, s21;
	s0 =	sshrl.u32 s22, $0x3;
	[dreg:$0xe] =	wrdreg s24  }
0x18: {  	[dreg:$0xb] =	wrdreg s9;
	s25 =	sadd.s32 s0, s4;
	s0 =	sshll.u32 s0, $0x6  }
0x19: {  	s9 =	sshll.u32 s24, $0x3;
	s24 =	simm.s32 $0x186A0;
	[dreg:$0xf] =	wrdreg s25  }
0x1a: {  	s21 =	sadd.s32 s0, s5;
	s22 =	sadd.s32 s9, s5;
	s25 =	simm.s32 $0x7  }
0x1b: {  	s0 =	simm.s32 $0x80;
	s5 =	simm.s32 $0x2;
	s9 =	simm.s32 $0x4  }
.LBB2_1:
0x1c: {  	s12 =	rddreg [dreg:$0x3]  }
0x1d: {  	[tilespmem:s24], [sflag:$0x7] =	stream.linear.gather [hbm4b:s12+s3], $0x2000, $0x38;
	[tilespmem:$0x1C7C8] =	vst v63  }
0x1e: {  	s12 =	sadd.s32 $0xFFFFFF30, s2  }
0x1f: {  	s14 =	sadd.s32 $0xD0, s12  }
0x20: {  	_ =	swait.ge [sflag:s25], $0x2000;
	p0 =	sgt.u32 s14, $0xC3  }
0x21: {  	s17 =	rddreg [dreg:$0xd];
	p1 =	seq.s32 @!p0 s12, $0xFFFFFFF3;
	p0 =	por p0, p0  }
0x22: {  	[sflag:s25] =	ssyncset.done $0x0;
	s12 =	smov.u32 s17;
	p1 =	por !p1, p0  }
0x23: {  	[sflag:s25] =	ssyncadd.s32 $0xFFFFE000;
	s14 =	simm.s32 @!p0 $0x8;
	s12 =	simm.s32 @!p1 $0xC25  }
0x24: {  	s15 =	simm.s32 @!p0 $0x0;
	s18 =	simm.s32 @!p0 $0x1C6A0;
	s12 =	sadd.s32 @!p0 s6, s12  }
0x25: {  	[tilespmem:s18], [sflag:$0x8] =	stream.linear.gather @!p0 [hbm4b:s12+s15], $0x80, $0x38;
	[tilespmem:$0x1C7C8] =	vst v63  }
0x26: {  	s16 =	simm.s32 @!p0 $0x7;
	_ =	swait.ge @!p0 [sflag:s14], $0x80  }
0x27: {  	s12 =	sadd.s32 $0xFFFFFF40, s2;
	s15 =	simm.s32 @!p0 $0x186A0;
	[sflag:s14] =	ssyncset.done @!p0 $0x0  }
0x28: {  	s23 =	sadd.s32 $0xD0, s12;
	[sflag:s14] =	ssyncadd.s32 @!p0 $0xFFFFFF80;
	s14 =	simm.s32 @!p0 $0x80  }
0x29: {  	[spmem:s1] =	stream.indirect.scatter @!p0 [tilespmem:s15], [sflag:$0x7], $0x40, s18, s14, $0xb8;
	[tilespmem:$0x1C7C8] =	vst v63  }
0x2a: {  	p2 =	sgt.u32 s23, $0xC3;
	_ =	swait.ge @!p0 [sflag:s16], $0x2000  }
0x2b: {  	s15 =	simm.s32 $0xFFFFFF50;
	s14 =	sadd.s32 $0x100, s17;
	[sflag:s16] =	ssyncset.done @!p0 $0x0  }
.LBB2_2:
0x2c: {  	p3 =	seq.s32 @!p2 s12, $0xFFFFFFF3;
	[sflag:s16] =	ssyncadd.s32 @!p0 $0xFFFFE000  }
0x2d: {  	s12 =	smov.u32 s15;
	s15 =	sadd.s32 $0x10, s15;
	p0 =	por p2, p2  }
0x2e: {  	s16 =	smov.u32 s14;
	p1 =	sne.s32 s15, $0x0;
	p2 =	por !p3, p0  }
0x2f: {  	s18 =	simm.s32 @!p0 $0x8;
	s16 =	simm.s32 @!p2 $0xC25  }
0x30: {  	s20 =	simm.s32 @!p0 $0x0;
	s17 =	simm.s32 @!p0 $0x1C6A0;
	s16 =	sadd.s32 @!p0 s6, s16  }
0x31: {  	[tilespmem:s17], [sflag:$0x8] =	stream.linear.gather @!p0 [hbm4b:s16+s20], $0x80, $0x38;
	[tilespmem:$0x1C7C8] =	vst v63  }
0x32: {  	s12 =	sadd.s32 s12, s2;
	_ =	swait.ge @!p0 [sflag:s18], $0x80  }
.Ltmp0:
0x33: {  	s16 =	simm.s32 @!p0 $0x7;
	[sflag:s18] =	ssyncset.done @!p0 $0x0;
	(pc) =	sbr.rel @p1 .LBB2_2-.Ltmp0, $4  }
0x34: {  	s20 =	simm.s32 @!p0 $0x186A0;
	[sflag:s18] =	ssyncadd.s32 @!p0 $0xFFFFFF80;
	s18 =	simm.s32 @!p0 $0x80  }
0x35: {  	[spmem:s1] =	stream.indirect.scatter @!p0 [tilespmem:s20], [sflag:$0x7], $0x40, s17, s18, $0xb8;
	[tilespmem:$0x1C7C8] =	vst v63  }
0x36: {  	s17 =	sadd.s32 $0xD0, s12;
	_ =	swait.ge @!p0 [sflag:s16], $0x2000  }
0x37: {  	s14 =	sadd.s32 $0x100, s14;
	p2 =	sgt.u32 s17, $0xC3;
	[sflag:s16] =	ssyncset.done @!p0 $0x0  }
0x38: {  	p3 =	seq.s32 @!p2 s12, $0xFFFFFFF3;
	p1 =	por p2, p2  }
0x39: {  	p2 =	por !p3, p1  }
0x3a: {  	[sflag:s16] =	ssyncadd.s32 @!p0 $0xFFFFE000;
	s12 =	simm.s32 @!p1 $0x8;
	s14 =	simm.s32 @!p2 $0xC25  }
0x3b: {  	s15 =	simm.s32 @!p1 $0x0;
	s16 =	simm.s32 @!p1 $0x1C6A0;
	s14 =	sadd.s32 @!p1 s6, s14  }
0x3c: {  	[tilespmem:s16], [sflag:$0x8] =	stream.linear.gather @!p1 [hbm4b:s14+s15], $0x80, $0x38;
	[tilespmem:$0x1C7C8] =	vst v63  }
0x3d: {  	_ =	swait.ge @!p1 [sflag:s12], $0x80  }
0x3e: {  	s14 =	simm.s32 @!p1 $0x7;
	[sflag:s12] =	ssyncset.done @!p1 $0x0  }
0x3f: {  	s15 =	simm.s32 @!p1 $0x186A0;
	[sflag:s12] =	ssyncadd.s32 @!p1 $0xFFFFFF80;
	s12 =	simm.s32 @!p1 $0x80  }
0x40: {  	[spmem:s1] =	stream.indirect.scatter @!p1 [tilespmem:s15], [sflag:$0x7], $0x40, s16, s12, $0xb8;
	[tilespmem:$0x1C7C8] =	vst v63  }
0x41: {  	_ =	swait.ge @!p1 [sflag:s14], $0x2000  }
0x42: {  	[sflag:s14] =	ssyncset.done @!p1 $0x0  }
0x43: {  	[sflag:s14] =	ssyncadd.s32 @!p1 $0xFFFFE000  }
0x44: {  	[bflag:$0x0] =	sbarrier.arrive $0xFFFF  }
0x45: {  	s19 =	simm.s32 $0x0;
	s20 =	rddreg [dreg:$0x4]  }
0x46: {  	[tilespmem:s24], [sflag:$0x1] =	stream.linear.gather [hbm4b:s20+s19], $0x2000, $0x38;
	[tilespmem:$0x1C7C8] =	vst v63  }
0x47: {  	s23 =	rddreg [dreg:$0x5]  }
0x48: {  	[tilespmem:s26], [sflag:$0x3] =	stream.linear.gather [hbm4b:s23+s19], $0x80, $0x38;
	[tilespmem:$0x1C7C8] =	vst v63  }
0x49: {  	s15 =	rddreg [dreg:$0x6]  }
0x4a: {  	[tilespmem:s28], [sflag:$0x2] =	stream.linear.gather [hbm4b:s15+s19], $0x2000, $0x38;
	[tilespmem:$0x1C7C8] =	vst v63  }
0x4b: {  	s16 =	rddreg [dreg:$0x7]  }
0x4c: {  	[tilespmem:s29], [sflag:$0x4] =	stream.linear.gather [hbm4b:s16+s19], $0x80, $0x38;
	[tilespmem:$0x1C7C8] =	vst v63  }
0x4d: {  	_ =	swait.ge [sflag:s30], $0x2000  }
0x4e: {  	[sflag:s30] =	ssyncset.done $0x0  }
0x4f: {  	[sflag:s30] =	ssyncadd.s32 $0xFFFFE000  }
0x50: {  	_ =	swait.ge [sflag:s31], $0x80  }
0x51: {  	[sflag:s31] =	ssyncset.done $0x0  }
0x52: {  	[sflag:s31] =	ssyncadd.s32 $0xFFFFFF80  }
0x53: {  	[spmem:s1] =	stream.indirect.scatter.add.f32 [tilespmem:s24], [sflag:$0x5], $0x40, s26, s0, $0xb8;
	[tilespmem:$0x1C7C8] =	vst v63  }
0x54: {  	_ =	swait.ge [sflag:s5], $0x2000  }
0x55: {  	[sflag:s5] =	ssyncset.done $0x0  }
0x56: {  	[sflag:s5] =	ssyncadd.s32 $0xFFFFE000  }
0x57: {  	_ =	swait.ge [sflag:s9], $0x80  }
0x58: {  	[sflag:s9] =	ssyncset.done $0x0  }
0x59: {  	[sflag:s9] =	ssyncadd.s32 $0xFFFFFF80  }
0x5a: {  	[spmem:s1] =	stream.indirect.scatter.add.f32 [tilespmem:s28], [sflag:$0x6], $0x40, s29, s0, $0xb8;
	[tilespmem:$0x1C7C8] =	vst v63  }
0x5b: {  	_ =	swait.ge [sflag:s10], $0x2000  }
0x5c: {  	[sflag:s10] =	ssyncset.done $0x0;
	s18 =	rddreg [dreg:$0xe]  }
0x5d: {  	s17 =	sadd.s32 $0x0, s22;
	[sflag:s10] =	ssyncadd.s32 $0xFFFFE000;
	s19 =	sshrl.u32 s18, $0x3  }
0x5e: {  	[tilespmem:s24], [sflag:$0x1] =	stream.linear.gather [hbm4b:s17+s3], $0x2000, $0x38;
	[tilespmem:$0x1C7C8] =	vst v63  }
0x5f: {  	s20 =	sadd.s32 s4, s19  }
0x60: {  	[tilespmem:s26], [sflag:$0x3] =	stream.linear.gather [hbm4b:s20+s3], $0x80, $0x38;
	[tilespmem:$0x1C7C8] =	vst v63  }
0x61: {  	s14 =	simm.s32 $0x800;
	_ =	swait.ge [sflag:s11], $0x2000  }
0x62: {  	s23 =	sadd.s32 $0x0, s21;
	[sflag:s11] =	ssyncset.done $0x0;
	s20 =	rddreg [dreg:$0xf]  }
0x63: {  	s16 =	sadd.s32 $0x100, s18;
	[sflag:s11] =	ssyncadd.s32 $0xFFFFE000;
	s15 =	sadd.s32 $0x20, s20  }
0x64: {  	[tilespmem:s28], [sflag:$0x2] =	stream.linear.gather [hbm4b:s23+s3], $0x2000, $0x38;
	[tilespmem:$0x1C7C8] =	vst v63  }
.LBB2_4:
0x65: {  	[tilespmem:s29], [sflag:$0x4] =	stream.linear.gather [hbm4b:s20+s3], $0x80, $0x38;
	[tilespmem:$0x1C7C8] =	vst v63  }
0x66: {  	s12 =	smov.u32 s14;
	s20 =	smov.u32 s15  }
0x67: {  	p0 =	sne.s32 s14, $0x2F800;
	s14 =	sadd.s32 $0x800, s14;
	_ =	swait.ge [sflag:s30], $0x2000  }
0x68: {  	[sflag:s30] =	ssyncset.done $0x0  }
0x69: {  	[sflag:s30] =	ssyncadd.s32 $0xFFFFE000  }
0x6a: {  	_ =	swait.ge [sflag:s31], $0x80  }
0x6b: {  	[sflag:s31] =	ssyncset.done $0x0  }
0x6c: {  	[sflag:s31] =	ssyncadd.s32 $0xFFFFFF80  }
0x6d: {  	[spmem:s1] =	stream.indirect.scatter.add.f32 [tilespmem:s24], [sflag:$0x5], $0x40, s26, s0, $0xb8;
	[tilespmem:$0x1C7C8] =	vst v63  }
0x6e: {  	_ =	swait.ge [sflag:s5], $0x2000  }
0x6f: {  	[sflag:s5] =	ssyncset.done $0x0  }
0x70: {  	[sflag:s5] =	ssyncadd.s32 $0xFFFFE000  }
0x71: {  	_ =	swait.ge [sflag:s9], $0x80  }
0x72: {  	[sflag:s9] =	ssyncset.done $0x0  }
0x73: {  	[sflag:s9] =	ssyncadd.s32 $0xFFFFFF80  }
0x74: {  	[spmem:s1] =	stream.indirect.scatter.add.f32 [tilespmem:s28], [sflag:$0x6], $0x40, s29, s0, $0xb8;
	[tilespmem:$0x1C7C8] =	vst v63  }
0x75: {  	_ =	swait.ge [sflag:s10], $0x2000  }
0x76: {  	[sflag:s10] =	ssyncset.done $0x0  }
0x77: {  	s18 =	sshrl.u32 s16, $0x3;
	s17 =	sadd.s32 s12, s22;
	[sflag:s10] =	ssyncadd.s32 $0xFFFFE000  }
0x78: {  	[tilespmem:s24], [sflag:$0x1] =	stream.linear.gather [hbm4b:s17+s3], $0x2000, $0x38;
	[tilespmem:$0x1C7C8] =	vst v63  }
0x79: {  	s17 =	sadd.s32 s4, s18  }
0x7a: {  	[tilespmem:s26], [sflag:$0x3] =	stream.linear.gather [hbm4b:s17+s3], $0x80, $0x38;
	[tilespmem:$0x1C7C8] =	vst v63  }
.Ltmp1:
0x7b: {  	_ =	swait.ge [sflag:s11], $0x2000;
	(pc) =	sbr.rel @p0 .LBB2_4-.Ltmp1, $4  }
0x7c: {  	[sflag:s11] =	ssyncset.done $0x0  }
0x7d: {  	s12 =	sadd.s32 s12, s21;
	[sflag:s11] =	ssyncadd.s32 $0xFFFFE000  }
0x7e: {  	[tilespmem:s28], [sflag:$0x2] =	stream.linear.gather [hbm4b:s12+s3], $0x2000, $0x38;
	[tilespmem:$0x1C7C8] =	vst v63  }
0x7f: {  	s15 =	sadd.s32 $0x20, s15;
	s16 =	sadd.s32 $0x100, s16  }
0x80: {  	[tilespmem:s29], [sflag:$0x4] =	stream.linear.gather [hbm4b:s20+s3], $0x80, $0x38;
	[tilespmem:$0x1C7C8] =	vst v63  }
0x81: {  	_ =	swait.ge [sflag:s30], $0x2000  }
0x82: {  	[sflag:s30] =	ssyncset.done $0x0  }
0x83: {  	[sflag:s30] =	ssyncadd.s32 $0xFFFFE000  }
0x84: {  	_ =	swait.ge [sflag:s31], $0x80  }
0x85: {  	[sflag:s31] =	ssyncset.done $0x0  }
0x86: {  	[sflag:s31] =	ssyncadd.s32 $0xFFFFFF80  }
0x87: {  	[spmem:s1] =	stream.indirect.scatter.add.f32 [tilespmem:s24], [sflag:$0x5], $0x40, s26, s0, $0xb8;
	[tilespmem:$0x1C7C8] =	vst v63  }
0x88: {  	_ =	swait.ge [sflag:s5], $0x2000  }
0x89: {  	[sflag:s5] =	ssyncset.done $0x0  }
0x8a: {  	[sflag:s5] =	ssyncadd.s32 $0xFFFFE000  }
0x8b: {  	_ =	swait.ge [sflag:s9], $0x80  }
0x8c: {  	[sflag:s9] =	ssyncset.done $0x0  }
0x8d: {  	[sflag:s9] =	ssyncadd.s32 $0xFFFFFF80  }
0x8e: {  	[spmem:s1] =	stream.indirect.scatter.add.f32 [tilespmem:s28], [sflag:$0x6], $0x40, s29, s0, $0xb8;
	[tilespmem:$0x1C7C8] =	vst v63  }
0x8f: {  	_ =	swait.ge [sflag:s10], $0x2000  }
0x90: {  	[sflag:s10] =	ssyncset.done $0x0  }
0x91: {  	s12 =	rddreg [dreg:$0xb];
	[sflag:s10] =	ssyncadd.s32 $0xFFFFE000  }
0x92: {  	[tilespmem:s24], [sflag:$0x1] =	stream.linear.gather [hbm4b:s12+s3], $0x2000, $0x38;
	[tilespmem:$0x1C7C8] =	vst v63  }
0x93: {  	s16 =	rddreg [dreg:$0xc]  }
0x94: {  	[tilespmem:s26], [sflag:$0x3] =	stream.linear.gather [hbm4b:s16+s3], $0x80, $0x38;
	[tilespmem:$0x1C7C8] =	vst v63  }
0x95: {  	_ =	swait.ge [sflag:s11], $0x2000  }
0x96: {  	[sflag:s11] =	ssyncset.done $0x0  }
0x97: {  	[sflag:s11] =	ssyncadd.s32 $0xFFFFE000  }
0x98: {  	_ =	swait.ge [sflag:s30], $0x2000  }
0x99: {  	[sflag:s30] =	ssyncset.done $0x0  }
0x9a: {  	[sflag:s30] =	ssyncadd.s32 $0xFFFFE000  }
0x9b: {  	_ =	swait.ge [sflag:s31], $0x80  }
0x9c: {  	[sflag:s31] =	ssyncset.done $0x0  }
0x9d: {  	[sflag:s31] =	ssyncadd.s32 $0xFFFFFF80  }
0x9e: {  	[spmem:s1] =	stream.indirect.scatter.add.f32 [tilespmem:s24], [sflag:$0x7], $0x40, s26, s0, $0xb8;
	[tilespmem:$0x1C7C8] =	vst v63  }
0x9f: {  	_ =	swait.ge [sflag:s25], $0x2000  }
0xa0: {  	[sflag:s25] =	ssyncset.done $0x0  }
0xa1: {  	s14 =	simm.s32 $0x1C7A0;
	s17 =	rddreg [dreg:$0x8];
	[sflag:s25] =	ssyncadd.s32 $0xFFFFE000  }
0xa2: {  	[tilespmem:s14], [sflag:$0x7] =	stream.linear.gather [hbm4b:s17+s3], $0x28, $0x38;
	[tilespmem:$0x1C7C8] =	vst v63  }
0xa3: {  	_ =	swait.ge [sflag:s25], $0x28  }
0xa4: {  	[sflag:s25] =	ssyncset.done $0x0  }
0xa5: {  	s18 =	rddreg [dreg:$0x9];
	[sflag:s25] =	ssyncadd.s32 $0xFFFFFFD8  }
0xa6: {  	[tilespmem:s24], [sflag:$0x7] =	stream.linear.gather [hbm4b:s18+s3], $0xA00, $0x38;
	[tilespmem:$0x1C7C8] =	vst v63  }
0xa7: {  	_ =	swait.ge [sflag:s25], $0xA00  }
0xa8: {  	s12 =	sadd.s32 $0xFFFFFF30, s2;
	[sflag:s25] =	ssyncset.done $0x0  }
0xa9: {  	s19 =	simm.s32 $0x28;
	s20 =	sadd.s32 $0xD0, s12;
	[sflag:s25] =	ssyncadd.s32 $0xFFFFF600  }
0xaa: {  	[spmem:s1] =	stream.indirect.scatter.add.f32 [tilespmem:s24], [sflag:$0x7], $0x40, s14, s19, $0xb8;
	[tilespmem:$0x1C7C8] =	vst v63  }
0xab: {  	p0 =	sgt.u32 s20, $0xC3;
	_ =	swait.ge [sflag:s25], $0xA00  }
0xac: {  	p1 =	seq.s32 @!p0 s12, $0xFFFFFFF3;
	p0 =	por p0, p0;
	s19 =	rddreg [dreg:$0x10]  }
0xad: {  	p1 =	por !p1, p0;
	s14 =	smov.u32 s19  }
0xae: {  	s15 =	simm.s32 @!p0 $0x8;
	[sflag:s25] =	ssyncset.done $0x0;
	s14 =	simm.s32 @!p1 $0x6128  }
0xaf: {  	s16 =	simm.s32 @!p0 $0x1C6A0;
	[sflag:s25] =	ssyncadd.s32 $0xFFFFF600;
	s12 =	sshrl.u32 @!p0 s14, $0x3  }
0xb0: {  	s20 =	simm.s32 @!p0 $0x0;
	[bflag:$0x0] =	sbarrier.arrive $0xFFFF;
	s12 =	sadd.s32 @!p0 s6, s12  }
0xb1: {  	[tilespmem:s16], [sflag:$0x8] =	stream.linear.gather @!p0 [hbm4b:s12+s20], $0x80, $0x38;
	[tilespmem:$0x1C7C8] =	vst v63  }
0xb2: {  	_ =	swait.ge @!p0 [sflag:s15], $0x80  }
0xb3: {  	[sflag:s15] =	ssyncset.done @!p0 $0x0  }
0xb4: {  	s17 =	simm.s32 @!p0 $0x80;
	s12 =	simm.s32 @!p0 $0x186A0;
	[sflag:s15] =	ssyncadd.s32 @!p0 $0xFFFFFF80  }
0xb5: {  	[tilespmem:s12], [sflag:$0x8] =	stream.indirect.gather @!p0 [spmem:s1], $0x40, s16, s17, $0xb8;
	[tilespmem:$0x1C7C8] =	vst v63  }
0xb6: {  	s14 =	sadd.s32 @!p0 s8, s14;
	s17 =	sadd.s32 $0xFFFFFF40, s2  }
0xb7: {  	s14 =	sshll.u32 @!p0 s14, $0x3;
	s23 =	sadd.s32 $0xD0, s17  }
0xb8: {  	s18 =	sadd.s32 @!p0 s7, s14;
	s14 =	sadd.s32 $0x800, s19;
	p2 =	sgt.u32 s23, $0xC3  }
0xb9: {  	s16 =	simm.s32 $0xFFFFFF50;
	_ =	swait.ge @!p0 [sflag:s15], $0x2000;
	p3 =	seq.s32 @!p2 s17, $0xFFFFFFF3  }
.LBB2_6:
0xba: {  	[sflag:s15] =	ssyncset.done @!p0 $0x0  }
0xbb: {  	s17 =	smov.u32 s16;
	s16 =	sadd.s32 $0x10, s16;
	s19 =	simm.s32 @!p0 $0x7  }
0xbc: {  	p4 =	por p0, p0;
	p1 =	sne.s32 s16, $0x0;
	[sflag:s15] =	ssyncadd.s32 @!p0 $0xFFFFE000  }
0xbd: {  	[hbm4b:s18+s20] =	stream.linear.scatter @!p0 [tilespmem:s12], [sflag:$0x7], $0x2000, $0x38;
	[tilespmem:$0x1C7C8] =	vst v63  }
0xbe: {  	s17 =	sadd.s32 s17, s2;
	_ =	swait.ge @!p0 [sflag:s19], $0x2000;
	p0 =	por p2, p2  }
0xbf: {  	s12 =	smov.u32 s14;
	p2 =	por !p3, p0;
	[sflag:s19] =	ssyncset.done @!p4 $0x0  }
0xc0: {  	s15 =	simm.s32 @!p0 $0x8;
	s12 =	simm.s32 @!p2 $0x6128;
	[sflag:s19] =	ssyncadd.s32 @!p4 $0xFFFFE000  }
0xc1: {  	s19 =	simm.s32 @!p0 $0x1C6A0;
	s18 =	sshrl.u32 @!p0 s12, $0x3;
	s12 =	sadd.s32 @!p0 s8, s12  }
0xc2: {  	s20 =	simm.s32 @!p0 $0x0;
	s18 =	sadd.s32 @!p0 s6, s18;
	s12 =	sshll.u32 @!p0 s12, $0x3  }
0xc3: {  	[tilespmem:s19], [sflag:$0x8] =	stream.linear.gather @!p0 [hbm4b:s18+s20], $0x80, $0x38;
	[tilespmem:$0x1C7C8] =	vst v63  }
.Ltmp2:
0xc4: {  	s18 =	sadd.s32 @!p0 s7, s12;
	_ =	swait.ge @!p0 [sflag:s15], $0x80;
	(pc) =	sbr.rel @p1 .LBB2_6-.Ltmp2, $4  }
0xc5: {  	s23 =	sadd.s32 $0xD0, s17;
	s12 =	simm.s32 @!p0 $0x186A0;
	[sflag:s15] =	ssyncset.done @!p0 $0x0  }
0xc6: {  	p2 =	sgt.u32 s23, $0xC3;
	s23 =	simm.s32 @!p0 $0x80;
	[sflag:s15] =	ssyncadd.s32 @!p0 $0xFFFFFF80  }
0xc7: {  	[tilespmem:s12], [sflag:$0x8] =	stream.indirect.gather @!p0 [spmem:s1], $0x40, s19, s23, $0xb8;
	[tilespmem:$0x1C7C8] =	vst v63  }
0xc8: {  	s14 =	sadd.s32 $0x800, s14;
	p3 =	seq.s32 @!p2 s17, $0xFFFFFFF3;
	_ =	swait.ge @!p0 [sflag:s15], $0x2000  }
0xc9: {  	[sflag:s15] =	ssyncset.done @!p0 $0x0  }
0xca: {  	[sflag:s15] =	ssyncadd.s32 @!p0 $0xFFFFE000  }
0xcb: {  	[hbm4b:s18+s20] =	stream.linear.scatter @!p0 [tilespmem:s12], [sflag:$0x7], $0x2000, $0x38;
	[tilespmem:$0x1C7C8] =	vst v63  }
0xcc: {  	p1 =	por p2, p2;
	s12 =	simm.s32 @!p0 $0x7  }
0xcd: {  	p2 =	por !p3, p1;
	_ =	swait.ge @!p0 [sflag:s12], $0x2000;
	p0 =	por p0, p0  }
0xce: {  	s14 =	simm.s32 @!p2 $0x6128;
	[sflag:s12] =	ssyncset.done @!p0 $0x0  }
0xcf: {  	s15 =	simm.s32 @!p1 $0x8;
	[sflag:s12] =	ssyncadd.s32 @!p0 $0xFFFFE000;
	s12 =	sshrl.u32 @!p1 s14, $0x3  }
0xd0: {  	s16 =	simm.s32 @!p1 $0x1C6A0;
	s17 =	simm.s32 @!p1 $0x0;
	s12 =	sadd.s32 @!p1 s6, s12  }
0xd1: {  	[tilespmem:s16], [sflag:$0x8] =	stream.linear.gather @!p1 [hbm4b:s12+s17], $0x80, $0x38;
	[tilespmem:$0x1C7C8] =	vst v63  }
0xd2: {  	_ =	swait.ge @!p1 [sflag:s15], $0x80  }
0xd3: {  	[sflag:s15] =	ssyncset.done @!p1 $0x0  }
0xd4: {  	s18 =	simm.s32 @!p1 $0x80;
	s12 =	simm.s32 @!p1 $0x186A0;
	[sflag:s15] =	ssyncadd.s32 @!p1 $0xFFFFFF80  }
0xd5: {  	[tilespmem:s12], [sflag:$0x8] =	stream.indirect.gather @!p1 [spmem:s1], $0x40, s16, s18, $0xb8;
	[tilespmem:$0x1C7C8] =	vst v63  }
0xd6: {  	s14 =	sadd.s32 @!p1 s8, s14;
	_ =	swait.ge @!p1 [sflag:s15], $0x2000  }
0xd7: {  	s14 =	sshll.u32 @!p1 s14, $0x3;
	[sflag:s15] =	ssyncset.done @!p1 $0x0  }
0xd8: {  	s14 =	sadd.s32 @!p1 s7, s14;
	[sflag:s15] =	ssyncadd.s32 @!p1 $0xFFFFE000;
	s15 =	simm.s32 @!p1 $0x7  }
0xd9: {  	[hbm4b:s14+s17] =	stream.linear.scatter @!p1 [tilespmem:s12], [sflag:$0x7], $0x2000, $0x38;
	[tilespmem:$0x1C7C8] =	vst v63  }
0xda: {  	_ =	swait.ge @!p1 [sflag:s15], $0x2000  }
0xdb: {  	s13 =	sadd.s32 $0x1, s13;
	s23 =	rddreg [dreg:$0xa]  }
0xdc: {  	p0 =	por p1, p1;
	p1 =	sne.s32 s13, s23  }
.Ltmp3:
0xdd: {  	_ = 	snop;
	(pc) =	sbr.rel @p1 .LBB2_1-.Ltmp3, $3  }
0xde: {  	_ =	sdelay $0x1  }
0xdf: {  	[sflag:s15] =	ssyncset.done @!p0 $0x0  }
0xe0: {  	[sflag:s15] =	ssyncadd.s32 @!p0 $0xFFFFE000  }
0xe1: {  	_ =	sfence.sel $0x180000  }
0xe2: {  	[bflag:$0x0] =	sbarrier.arrive $0xFFFF  }
0xe3: {  	_ =	strace $0x9000004A  }
0xe4: {  	[bflag:$0x2] =	sbarrier.arrive $0xFFFF  }
0xe5: {  	p0 =	sne.s32 s2, $0x0;
	s0 =	rddreg [dreg:$0x2]  }
0xe6: {  	s0 =	sadd.s32 @!p0 $0x100000, s0  }
0xe7: {  	[sflag:s0] =	ssyncadd.tile.s32 @!p0 $0x1;
	_ =	shalt  }
.Lfunc_end2:
_tile_overlayer_lowered:
.L_overlay_start_2:
0xe8: {  	(tag) =	ssettag $0x2  }
0xe9: {  	s0 =	rddreg [dreg:$0x0];
	s2 =	stileid.u32  }
0xea: {  	s1 =	rddreg [dreg:$0x1];
	p0 =	sne.s32 s2, $0x0  }
0xeb: {  	s3 =	rddreg [dreg:$0x2];
	[bflag:$0x3] =	sbarrier.arrive $0xFFFF;
	s2 =	simm.s32 @!p0 $0x1C07  }
0xec: {  	[timem:s3], [sflag:s2] =	dma.local @!p0 [hbm:s0], s1  }
0xed: {  	s0 =	simm.s32 @!p0 $0x7  }
0xee: {  	_ =	swait.ge @!p0 [sflag:s0], s1  }
0xef: {  	s1 =	ssub.s32 @!p0 $0x0, s1;
	[sflag:s0] =	ssyncset.done @!p0 $0x0  }
0xf0: {  	[sflag:s0] =	ssyncadd.s32 @!p0 s1  }
0xf1: {  	[bflag:$0x3] =	sbarrier.arrive $0xFFFF  }
0xf2: {  	_ =	shalt  }

// kernel: kernel.19.cloned.1.call-start
scs
__scs_entry_jumppad:
0x0: {  	(pc) =	sbr.rel $0x88, $3  }
0x1: {  	(tag) =	ssettag $0x0;
	lr =	simm.s32 $0x1  }
0x2: {  	[smem:$0x3F81] =	sst lr;
	_ =	strace $0xD0000000  }
0x3: {  	_ = 	snop  }
0x4: {  	_ = 	snop  }
0x5: {  	_ = 	snop  }
0x6: {  	_ = 	snop  }
0x7: {  	_ = 	snop  }
__scs_overlays_trampoline_lowered:
0x8: {  	[smem:$0x3F90] =	sst s0  }
0x9: {  	[smem:$0x3F91] =	sst s1  }
0xa: {  	[smem:$0x3F92] =	sst s2  }
0xb: {  	[smem:$0x3F93] =	sst s3  }
0xc: {  	[smem:$0x3F94] =	sst s4  }
0xd: {  	[smem:$0x3F95] =	sst s5  }
0xe: {  	[smem:$0x3F96] =	sst s6  }
0xf: {  	[smem:$0x3F97] =	sst s7  }
0x10: {  	[smem:$0x3F98] =	sst s8  }
0x11: {  	[smem:$0x3F99] =	sst s9;
	s0 =	simm.s32 @!p0 $0x0  }
0x12: {  	s1 =	sld [smem:$0x3F7F];
	s0 =	simm.s32 @p0 $0x1  }
0x13: {  	[smem:$0x3F9A] =	sst s0;
	s0 =	simm.s32 @!p1 $0x0  }
0x14: {  	s2 =	sld [smem:$0x3F7E];
	s0 =	simm.s32 @p1 $0x1  }
0x15: {  	[smem:$0x3F9B] =	sst s0;
	s0 =	simm.s32 @!p2 $0x0  }
0x16: {  	s3 =	sld [smem:$0x3FDB];
	s0 =	simm.s32 @p2 $0x1  }
0x17: {  	s4 =	simm.s32 $0x1BF5;
	[smem:$0x3F9D] =	sst s0  }
0x18: {  	s0 =	sld [smem:$0x3F80];
	_ =	swait.ge [sflag:s4], $0x0  }
0x19: {  	s7 =	sld [smem:$0x3F81]  }
0x1a: {  	s8 =	sadd.s32 $0xFFFFE003, lr  }
0x1b: {  	s9 =	sadd.s32 $0xFFFFFEF7, lr;
	s5 =	simm.s32 $0xFFFFFFFF;
	p2 =	slt.u32 s8, $0xFFFFF086  }
0x1c: {  	p1 =	slt.u32 s9, $0xF7A;
	s5 =	simm.s32 @!p2 $0x0  }
0x1d: {  	s5 =	simm.s32 @p1 $0x1;
	p0 =	seq.s32 s7, s2  }
0x1e: {  	s7 =	smul.u32 @!p0 $0xF7A, s2;
	p2 =	seq.s32 @!p0 s5, $0x0  }
0x1f: {  	s9 =	smul.u32 $0xF7A, s1;
	s8 =	simm.s32 @!p0 $0x1BF5;
	p2 =	por !p2, p0  }
0x20: {  	[sflag:s8] =	ssyncset.s32 @!p0 $0xFFFFF086;
	s6 =	sadd.s32 @!p0 s3, s7;
	s7 =	simm.s32 @!p0 $0x108  }
0x21: {  	s3 =	sadd.s32 s3, s9;
	s6 =	sadd.s32 @!p0 $0x88, s6;
	s7 =	simm.s32 @p2 $0x1082  }
0x22: {  	[simem:s7], [sflag:s8] =	dma.local @!p0 [hbm:s6], $0xF7A  }
0x23: {  	s9 =	sor.u32 $0xD0000000, s2;
	s6 =	simm.s32 $0x108;
	_ =	swait.ge @!p0 [sflag:s8], $0x0  }
0x24: {  	s3 =	sadd.s32 $0x88, s3;
	s6 =	simm.s32 @!p1 $0x1082;
	[sflag:s4] =	ssyncset.s32 $0xFFFFF086  }
0x25: {  	[simem:s6], [sflag:s4] =	dma.local [hbm:s3], $0xF7A  }
0x26: {  	[smem:$0x3F81] =	sst s1;
	(tag) =	ssettag s2;
	_ =	strace s9  }
0x27: {  	s1 =	sld [smem:$0x3F91]  }
0x28: {  	s2 =	sld [smem:$0x3F92]  }
0x29: {  	s4 =	sld [smem:$0x3F94]  }
0x2a: {  	p0 =	seq.s32 s5, $0x0;
	s5 =	sld [smem:$0x3F95]  }
0x2b: {  	s6 =	sld [smem:$0x3F96]  }
0x2c: {  	s7 =	sld [smem:$0x3F97]  }
0x2d: {  	s3 =	simm.s32 $0x108;
	s8 =	sld [smem:$0x3F98]  }
0x2e: {  	s3 =	simm.s32 @!p0 $0x1082;
	s9 =	sld [smem:$0x3F99]  }
0x2f: {  	lr =	sadd.s32 s0, s3;
	s0 =	sld [smem:$0x3F90]  }
0x30: {  	s3 =	sld [smem:$0x3F93]  }
0x31: {  	[smem:$0x3F9C] =	sst s10  }
0x32: {  	s10 =	sld [smem:$0x3F9A];
	_ =	sdelay $0x3  }
0x33: {  	p0 =	seq.s32 s10, $0x1;
	s10 =	sld [smem:$0x3F9C];
	_ =	sdelay $0x3  }
0x34: {  	[smem:$0x3F9C] =	sst s10  }
0x35: {  	s10 =	sld [smem:$0x3F9B];
	_ =	sdelay $0x3  }
0x36: {  	p1 =	seq.s32 s10, $0x1;
	s10 =	sld [smem:$0x3F9C];
	_ =	sdelay $0x3  }
0x37: {  	[smem:$0x3F9C] =	sst s10  }
0x38: {  	s10 =	sld [smem:$0x3F9D]  }
0x39: {  	_ = 	snop;
	(pc) =	sbr.ind lr, $3  }
0x3a: {  	_ = 	snop  }
0x3b: {  	_ = 	snop  }
0x3c: {  	p2 =	seq.s32 s10, $0x1;
	s10 =	sld [smem:$0x3F9C]  }
0x3d: {  	_ =	shalt  }
0x3e: {  	_ =	shalt  }
0x3f: {  	_ =	shalt  }
0x40: {  	_ =	shalt  }
0x41: {  	_ =	shalt  }
0x42: {  	_ =	shalt  }
0x43: {  	_ =	shalt  }
0x44: {  	_ =	shalt  }
0x45: {  	_ =	shalt  }
0x46: {  	_ =	shalt  }
0x47: {  	_ =	shalt  }
0x48: {  	_ =	shalt  }
0x49: {  	_ =	shalt  }
0x4a: {  	_ =	shalt  }
0x4b: {  	_ =	shalt  }
0x4c: {  	_ =	shalt  }
0x4d: {  	_ =	shalt  }
0x4e: {  	_ =	shalt  }
0x4f: {  	_ =	shalt  }
0x50: {  	_ =	shalt  }
0x51: {  	_ =	shalt  }
0x52: {  	_ =	shalt  }
0x53: {  	_ =	shalt  }
0x54: {  	_ =	shalt  }
0x55: {  	_ =	shalt  }
0x56: {  	_ =	shalt  }
0x57: {  	_ =	shalt  }
0x58: {  	_ =	shalt  }
0x59: {  	_ =	shalt  }
0x5a: {  	_ =	shalt  }
0x5b: {  	_ =	shalt  }
0x5c: {  	_ =	shalt  }
0x5d: {  	_ =	shalt  }
0x5e: {  	_ =	shalt  }
0x5f: {  	_ =	shalt  }
0x60: {  	_ =	shalt  }
0x61: {  	_ =	shalt  }
0x62: {  	_ =	shalt  }
0x63: {  	_ =	shalt  }
0x64: {  	_ =	shalt  }
0x65: {  	_ =	shalt  }
0x66: {  	_ =	shalt  }
0x67: {  	_ =	shalt  }
0x68: {  	_ =	shalt  }
0x69: {  	_ =	shalt  }
0x6a: {  	_ =	shalt  }
0x6b: {  	_ =	shalt  }
0x6c: {  	_ =	shalt  }
0x6d: {  	_ =	shalt  }
0x6e: {  	_ =	shalt  }
0x6f: {  	_ =	shalt  }
0x70: {  	_ =	shalt  }
0x71: {  	_ =	shalt  }
0x72: {  	_ =	shalt  }
0x73: {  	_ =	shalt  }
0x74: {  	_ =	shalt  }
0x75: {  	_ =	shalt  }
0x76: {  	_ =	shalt  }
0x77: {  	_ =	shalt  }
0x78: {  	_ =	shalt  }
0x79: {  	_ =	shalt  }
0x7a: {  	_ =	shalt  }
0x7b: {  	_ =	shalt  }
0x7c: {  	_ =	shalt  }
0x7d: {  	_ =	shalt  }
0x7e: {  	_ =	shalt  }
0x7f: {  	_ =	shalt  }
0x80: {  	_ =	shalt  }
0x81: {  	_ =	shalt  }
0x82: {  	_ =	shalt  }
0x83: {  	_ =	shalt  }
0x84: {  	_ =	shalt  }
0x85: {  	_ =	shalt  }
0x86: {  	_ =	shalt  }
0x87: {  	_ =	shalt  }
.Lfunc_end0:
.L_simem_size_0:
called_computation.2_lowered:
.L_overlay_start_0:
0x88: {  	s2 =	sld [smem:$0x3FD9]  }
0x89: {  	s3 =	sld [smem:$0x3FFE];
	_ =	sdelay $0x1  }
0x8a: {  	s1 =	srdreg.scid  }
0x8b: {  	s0 =	sand.u32 $0x1, s1  }
0x8c: {  	s16 =	sshll.u32 s0, $0xA;
	s2 =	sadd.s32 s3, s2  }
0x8d: {  	s2 =	sadd.s32 s2, s16  }
0x8e: {  	[smem:$0x3FA8] =	sst s2  }
0x8f: {  	_ = 	snop  }
0x90: {  	(tm) =	ssettm $0x1  }
0x91: {  	s17 =	sld [smem:$0x3FFB];
	_ =	sdelay $0x3  }
0x92: {  	_ =	strace s17  }
0x93: {  	s2 =	sld [smem:$0x3FFC];
	_ =	sdelay $0x3  }
0x94: {  	_ =	strace s2  }
0x95: {  	s2 =	sld [smem:$0x3FFD];
	_ =	sdelay $0x3  }
0x96: {  	_ =	strace s2  }
0x97: {  	_ =	strace $0x8FFFFFFF  }
0x98: {  	s18 =	sld [smem:$0x3FDB];
	_ =	sdelay $0x1  }
0x99: {  	s19 =	simm.s32 $_scs_section_size  }
0x9a: {  	s4 =	simm.s32 $_size__tile_overlayer_lowered;
	s5 =	simm.s32 $_tile_overlayer_lowered  }
0x9b: {  	s22 =	simm.s32 $0x1BFF;
	s21 =	sshll.u32 s5, $0x1;
	s2 =	sadd.s32 s19, s18  }
0x9c: {  	s6 =	simm.s32 $0x0;
	s20 =	sshll.u32 s4, $0x1;
	s4 =	sadd.s32 s21, s2  }
0x9d: {  	[timem:s6], [sflag:s22] =	dma.local [hbm:s4], s20  }
0x9e: {  	_ =	swait.ge [sflag:s22], s20  }
0x9f: {  	s3 =	ssub.s32 $0x0, s20;
	[sflag:s22] =	ssyncset.done $0x0  }
0xa0: {  	[sflag:s22] =	ssyncadd.s32 s3;
	_ =	sdelay $0x1  }
0xa1: {  	s23 =	simm.s32 $0x1B8B  }
0xa2: {  	_ =	swait.ge [sflag:s23], $0x1  }
0xa3: {  	[sflag:s23] =	ssyncset.done $0x0  }
0xa4: {  	s25 =	simm.s32 $0x1B8E;
	s24 =	sld [smem:$0x3FFE];
	[sflag:s23] =	ssyncadd.s32 $0xFFFFFFFF  }
0xa5: {  	s26 =	simm.s32 $execute0_lowered;
	[smem:$0x3FD2] =	sst s25  }
0xa6: {  	s4 =	sshll.u32 s26, $0x1;
	_ =	strace $0x8000004C;
	[dreg:$0x1] =	wrdreg $0xFFFFFFFF  }
0xa7: {  	s28 =	simm.s32 $_size_execute0_lowered;
	s2 =	sadd.s32 s2, s4;
	[dreg:$0x0] =	wrdreg $0x0  }
0xa8: {  	s4 =	sshll.u32 s28, $0x1;
	[dreg:$0x2] =	wrdreg s2  }
0xa9: {  	[dreg:$0x3] =	wrdreg s4  }
0xaa: {  	[dreg:$0x4] =	wrdreg $0xC0  }
0xab: {  	_ =	task [dreg:s6], $0x5FFFF  }
0xac: {  	[dreg:$0x1] =	wrdreg $0xFFFFFFFF  }
0xad: {  	[dreg:$0x0] =	wrdreg $0x60  }
0xae: {  	[dreg:$0x2] =	wrdreg s24  }
0xaf: {  	[dreg:$0x3] =	wrdreg $0x0  }
0xb0: {  	[dreg:$0x4] =	wrdreg $0x9  }
0xb1: {  	_ =	task.clear_ibuf [dreg:s6], $0x5FFFF;
	_ =	strace $0x9000004C  }
0xb2: {  	s29 =	simm.s32 $0x9;
	_ =	strace $0x8000004E  }
0xb3: {  	_ =	swait.ge [sflag:s29], $0x1  }
0xb4: {  	[sflag:s29] =	ssyncadd.s32 $0xFFFFFFFF  }
0xb5: {  	_ =	strace $0x9000004E  }
0xb6: {  	_ =	sfence  }
0xb7: {  	s30 =	sld [smem:$0x0];
	_ =	sdelay $0x2  }
0xb8: {  	s31 =	sshll.u32 s1, $0xD;
	s1 =	sshrl.u32 s1, $0x2  }
0xb9: {  	s3 =	sand.u32 $0x4000, s31;
	s1 =	sadd.s32 s1, s30  }
0xba: {  	s0 =	sor.u32 s3, s0;
	s1 =	sshll.u32 s1, $0x11  }
0xbb: {  	s0 =	sor.u32 s1, s0  }
0xbc: {  	s0 =	sadd.s32 $0x8F2B, s0  }
0xbd: {  	[sflag:s0] =	ssyncadd.remote.s32 $0x1  }
0xbe: {  	_ =	sfence.sel $0xFFFF  }
0xbf: {  	[dreg:$0x0] =	wrdreg $0xFFFFFFFF;
	(pc) =	sbr.abs _section_cstart, $3  }
0xc0: {  	[dreg:$0x1] =	wrdreg $0xFFFFFFFF  }
0xc1: {  	_ =	task.clear_ibuf [dreg:s6], $0x2FFFF;
	_ =	strace $0x9FFFFFFF  }
0xc2: {  	(tm) =	ssettm $0x7FFFFFFF  }
0xc3: {  	_ =	shalt  }
tec
execute0_lowered:
.L_overlay_start_1:
0x0: {  	(tag) =	ssettag $0x1  }
0x1: {  	s0 =	rddreg [dreg:$0x0]  }
0x2: {  	s1 =	rddreg [dreg:$0x1];
	s2 =	simm.s32 $0x0;
	s5 =	srdreg.scid  }
0x3: {  	s28 =	simm.s32 $0x3;
	s29 =	simm.s32 $0x2;
	s31 =	simm.s32 $0x199A0  }
0x4: {  	s18 =	simm.s32 $0x19A20;
	[smem:$0x7FF] =	sst s2;
	s3 =	sadd.s32 $0x1BF600, s0  }
0x5: {  	s30 =	simm.s32 $0x4;
	s4 =	sadd.s32 $0x222200, s0;
	s6 =	sadd.s32 $0x208C00, s0  }
0x6: {  	s19 =	sadd.s32 $0x1F0400, s0;
	_ =	strace $0x8000004D;
	[dreg:$0x3] =	wrdreg s6  }
0x7: {  	s5 =	sand.u32 $0x1, s5;
	s20 =	sadd.s32 $0x25C800, s0;
	[dreg:$0x4] =	wrdreg s19  }
0x8: {  	s8 =	sadd.s32 $0x221400, s0;
	s22 =	sadd.s32 $0x25CC00, s0;
	[dreg:$0x6] =	wrdreg s20  }
0x9: {  	s12 =	sadd.s32 $0x253000, s0;
	s23 =	sadd.s32 $0x25C400, s0;
	[dreg:$0x7] =	wrdreg s22  }
0xa: {  	s10 =	sadd.s32 $0xE70A00, s0;
	s0 =	sadd.s32 $0xE79E00, s0;
	[dreg:$0x9] =	wrdreg s23  }
0xb: {  	s7 =	ssub.s32 $0x2, s5;
	s6 =	stileid.u32;
	[dreg:$0xa] =	wrdreg s0  }
0xc: {  	p0 =	seq.s32 s5, $0x1;
	[dreg:$0x5] =	wrdreg s12;
	s20 =	simm.s32 $0x186A0  }
0xd: {  	s22 =	simm.s32 $0x80;
	s23 =	simm.s32 $0x19AA8;
	s9 =	sshrl.u32 s7, $0x1  }
0xe: {  	s21 =	smul.u32 $0x61A80, s6;
	s24 =	sshll.u32 s6, $0x7;
	s7 =	ssub.s32 s7, s9  }
.Ltmp0:
0xf: {  	[dreg:$0xb] =	wrdreg s24;
	s7 =	smax.u32 s7, $0x1;
	(pc) =	sbr.rel .LBB2_1-.Ltmp0, $4  }
0x10: {  	s0 =	simm.s32 $0x8;
	s25 =	sadd.s32 s21, s12;
	[dreg:$0x8] =	wrdreg s7  }
0x11: {  	s11 =	smul.u32 $0xC350, s6;
	s26 =	sadd.s32 s21, s10;
	[dreg:$0xc] =	wrdreg s25  }
0x12: {  	s24 =	simm.s32 $0x18720;
	s21 =	simm.s32 $0x5;
	[dreg:$0xd] =	wrdreg s26  }
0x13: {  	s25 =	simm.s32 $0x1BAA8;
	s26 =	simm.s32 $0x1;
	s7 =	simm.s32 $0x0  }
.LBB2_14:
0x14: {  	s7 =	rddreg [dreg:$0xe]  }
0x15: {  	s5 =	rddreg [dreg:$0x8];
	s7 =	sadd.s32 $0x1, s7  }
0x16: {  	p1 =	sne.s32 s7, s5  }
.Ltmp1:
0x17: {  	_ = 	snop;
	(pc) =	sbr.rel @!p1 .LBB2_15-.Ltmp1, $1  }
0x18: {  	_ =	sdelay $0x3  }
.LBB2_1:
.Ltmp2:
0x19: {  	(pc) =	sbr.rel @!p0 .LBB2_2-.Ltmp2, $4  }
0x1a: {  	_ = 	snop  }
0x1b: {  	s5 =	sadd.s32 $0xFFFFFF30, s6  }
0x1c: {  	s19 =	sadd.s32 $0xD0, s5  }
0x1d: {  	[dreg:$0xe] =	wrdreg s7;
	p1 =	sgt.u32 s19, $0xC3  }
0x1e: {  	p2 =	seq.s32 @!p1 s5, $0xFFFFFFF3;
	s15 =	rddreg [dreg:$0xb]  }
0x1f: {  	p2 =	por !p2, p1;
	s5 =	smov.u32 s15  }
0x20: {  	s17 =	simm.s32 @!p1 $0x6;
	s5 =	simm.s32 @!p2 $0x6128  }
0x21: {  	s14 =	simm.s32 @!p1 $0x19AA8;
	s9 =	simm.s32 @!p1 $0x0;
	s7 =	sshll.u32 @!p1 s5, $0x3  }
0x22: {  	s12 =	sadd.s32 $0xFFFFFF40, s6;
	s19 =	simm.s32 $0xFFFFFF50;
	s7 =	sadd.s32 @!p1 s4, s7  }
0x23: {  	[tilespmem:s14], [sflag:$0x6] =	stream.linear.gather @!p1 [hbm4b:s7+s9], $0x2000, $0x38;
	[tilespmem:$0x1DAA8] =	vst v63  }
0x24: {  	s13 =	sadd.s32 $0xD0, s12;
	s5 =	sshrl.u32 @!p1 s5, $0x3;
	_ =	swait.ge @!p1 [sflag:s17], $0x2000  }
0x25: {  	p2 =	por p1, p1;
	s5 =	sadd.s32 @!p1 s8, s5;
	[sflag:s17] =	ssyncset.done @!p1 $0x0  }
0x26: {  	s7 =	simm.s32 @!p2 $0x19A28;
	p1 =	sgt.u32 s13, $0xC3;
	[sflag:s17] =	ssyncadd.s32 @!p2 $0xFFFFE000  }
0x27: {  	[tilespmem:s7], [sflag:$0x6] =	stream.linear.gather @!p2 [hbm4b:s5+s9], $0x80, $0x38;
	[tilespmem:$0x1DAA8] =	vst v63  }
0x28: {  	p4 =	seq.s32 @!p1 s12, $0xFFFFFFF3;
	s5 =	sadd.s32 $0x800, s15;
	_ =	swait.ge @!p2 [sflag:s17], $0x80  }
.LBB2_9:
0x29: {  	[sflag:s17] =	ssyncset.done @!p2 $0x0;
	s9 =	smov.u32 s19;
	s19 =	sadd.s32 $0x10, s19  }
0x2a: {  	s12 =	simm.s32 @!p2 $0x80;
	s13 =	simm.s32 @!p2 $0x5;
	[sflag:s17] =	ssyncadd.s32 @!p2 $0xFFFFFF80  }
0x2b: {  	[spmem:s1] =	stream.indirect.scatter @!p2 [tilespmem:s14], [sflag:$0x5], $0x40, s7, s12, $0xb8;
	[tilespmem:$0x1DAA8] =	vst v63  }
0x2c: {  	p3 =	sne.s32 s19, $0x0;
	_ =	swait.ge @!p2 [sflag:s13], $0x2000  }
0x2d: {  	p4 =	por !p4, p1;
	s7 =	smov.u32 s5;
	[sflag:s13] =	ssyncset.done @!p2 $0x0  }
0x2e: {  	s17 =	simm.s32 @!p1 $0x6;
	s7 =	simm.s32 @!p4 $0x6128;
	[sflag:s13] =	ssyncadd.s32 @!p2 $0xFFFFE000  }
0x2f: {  	s14 =	simm.s32 @!p1 $0x19AA8;
	s12 =	sshll.u32 @!p1 s7, $0x3;
	s7 =	sshrl.u32 @!p1 s7, $0x3  }
0x30: {  	s12 =	sadd.s32 @!p1 s4, s12;
	s13 =	simm.s32 @!p1 $0x0;
	s15 =	sadd.s32 @!p1 s8, s7  }
0x31: {  	[tilespmem:s14], [sflag:$0x6] =	stream.linear.gather @!p1 [hbm4b:s12+s13], $0x2000, $0x38;
	[tilespmem:$0x1DAA8] =	vst v63  }
.Ltmp3:
0x32: {  	s9 =	sadd.s32 s9, s6;
	_ =	swait.ge @!p1 [sflag:s17], $0x2000;
	(pc) =	sbr.rel @p3 .LBB2_9-.Ltmp3, $4  }
0x33: {  	s7 =	sadd.s32 $0xD0, s9;
	p2 =	por p1, p1;
	[sflag:s17] =	ssyncset.done @!p1 $0x0  }
0x34: {  	p1 =	sgt.u32 s7, $0xC3;
	s7 =	simm.s32 @!p2 $0x19A28;
	[sflag:s17] =	ssyncadd.s32 @!p2 $0xFFFFE000  }
0x35: {  	[tilespmem:s7], [sflag:$0x6] =	stream.linear.gather @!p2 [hbm4b:s15+s13], $0x80, $0x38;
	[tilespmem:$0x1DAA8] =	vst v63  }
0x36: {  	s5 =	sadd.s32 $0x800, s5;
	p4 =	seq.s32 @!p1 s9, $0xFFFFFFF3;
	_ =	swait.ge @!p2 [sflag:s17], $0x80  }
0x37: {  	[sflag:s17] =	ssyncset.done @!p2 $0x0;
	s9 =	simm.s32 @!p2 $0x80  }
0x38: {  	s12 =	simm.s32 @!p2 $0x5;
	p3 =	por !p4, p1;
	[sflag:s17] =	ssyncadd.s32 @!p2 $0xFFFFFF80  }
0x39: {  	[spmem:s1] =	stream.indirect.scatter @!p2 [tilespmem:s14], [sflag:$0x5], $0x40, s7, s9, $0xb8;
	[tilespmem:$0x1DAA8] =	vst v63  }
0x3a: {  	s13 =	simm.s32 @!p1 $0x0;
	s5 =	simm.s32 @!p3 $0x6128;
	_ =	swait.ge @!p2 [sflag:s12], $0x2000  }
0x3b: {  	s7 =	simm.s32 @!p1 $0x6;
	s9 =	sshll.u32 @!p1 s5, $0x3;
	[sflag:s12] =	ssyncset.done @!p2 $0x0  }
0x3c: {  	s9 =	sadd.s32 @!p1 s4, s9;
	[sflag:s12] =	ssyncadd.s32 @!p2 $0xFFFFE000;
	s12 =	simm.s32 @!p1 $0x19AA8  }
0x3d: {  	[tilespmem:s12], [sflag:$0x6] =	stream.linear.gather @!p1 [hbm4b:s9+s13], $0x2000, $0x38;
	[tilespmem:$0x1DAA8] =	vst v63  }
0x3e: {  	_ =	swait.ge @!p1 [sflag:s7], $0x2000  }
0x3f: {  	s5 =	sshrl.u32 @!p1 s5, $0x3;
	p2 =	por p1, p1;
	[sflag:s7] =	ssyncset.done @!p1 $0x0  }
0x40: {  	s5 =	sadd.s32 @!p1 s8, s5;
	s9 =	simm.s32 @!p2 $0x19A28;
	[sflag:s7] =	ssyncadd.s32 @!p2 $0xFFFFE000  }
0x41: {  	[tilespmem:s9], [sflag:$0x6] =	stream.linear.gather @!p2 [hbm4b:s5+s13], $0x80, $0x38;
	[tilespmem:$0x1DAA8] =	vst v63  }
0x42: {  	_ =	swait.ge @!p2 [sflag:s7], $0x80  }
0x43: {  	[sflag:s7] =	ssyncset.done @!p2 $0x0  }
0x44: {  	s5 =	simm.s32 @!p2 $0x80;
	[sflag:s7] =	ssyncadd.s32 @!p2 $0xFFFFFF80;
	s7 =	simm.s32 @!p2 $0x5  }
0x45: {  	[spmem:s1] =	stream.indirect.scatter @!p2 [tilespmem:s12], [sflag:$0x5], $0x40, s9, s5, $0xb8;
	[tilespmem:$0x1DAA8] =	vst v63  }
0x46: {  	_ =	swait.ge @!p2 [sflag:s7], $0x2000  }
0x47: {  	[sflag:s7] =	ssyncset.done @!p2 $0x0  }
0x48: {  	[sflag:s7] =	ssyncadd.s32 @!p2 $0xFFFFE000  }
0x49: {  	[bflag:$0x0] =	sbarrier.arrive $0xFFFF  }
0x4a: {  	s19 =	simm.s32 $0x0;
	s14 =	simm.s32 $0x0;
	s17 =	rddreg [dreg:$0xd]  }
.LBB2_11:
0x4b: {  	s5 =	smul.u32 $0x1388, s19;
	_ =	sdelay $0x1  }
0x4c: {  	s5 =	sadd.s32 s11, s5  }
0x4d: {  	s9 =	rddreg [dreg:$0x4];
	s7 =	sshrl.u32 s5, $0x3  }
0x4e: {  	s7 =	sadd.s32 s9, s7  }
0x4f: {  	[tilespmem:s20], [sflag:$0x5] =	stream.linear.gather [hbm4b:s7+s14], $0x1388, $0x38;
	[tilespmem:$0x1DAA8] =	vst v63  }
0x50: {  	_ =	swait.ge [sflag:s21], $0x1388  }
0x51: {  	[sflag:s21] =	ssyncset.done $0x0  }
0x52: {  	[sflag:s21] =	ssyncadd.s32 $0xFFFFEC78  }
0x53: {  	[tilespmem:s23], [sflag:$0x1] =	stream.indirect.gather [spmem:s1], $0x40, s20, s22, $0xb8;
	[tilespmem:$0x1DAA8] =	vst v63  }
0x54: {  	_ = 	snop  }
0x55: {  	[tilespmem:s25], [sflag:$0x2] =	stream.indirect.gather [spmem:s1], $0x40, s24, s22, $0xb8;
	[tilespmem:$0x1DAA8] =	vst v63  }
0x56: {  	_ =	swait.ge [sflag:s26], $0x2000  }
0x57: {  	[sflag:s26] =	ssyncset.done $0x0  }
0x58: {  	s15 =	sadd.s32 $0x0, s17;
	[sflag:s26] =	ssyncadd.s32 $0xFFFFE000  }
0x59: {  	[hbm4b:s15+s2] =	stream.linear.scatter [tilespmem:s23], [sflag:$0x3], $0x2000, $0x38;
	[tilespmem:$0x1DAA8] =	vst v63  }
0x5a: {  	_ =	swait.ge [sflag:s28], $0x2000  }
0x5b: {  	[sflag:s28] =	ssyncset.done $0x0  }
0x5c: {  	s16 =	simm.s32 $0x187A0;
	[sflag:s28] =	ssyncadd.s32 $0xFFFFE000  }
0x5d: {  	[tilespmem:s23], [sflag:$0x1] =	stream.indirect.gather [spmem:s1], $0x40, s16, s22, $0xb8;
	[tilespmem:$0x1DAA8] =	vst v63  }
0x5e: {  	_ =	swait.ge [sflag:s29], $0x2000  }
0x5f: {  	[sflag:s29] =	ssyncset.done $0x0  }
0x60: {  	s7 =	sadd.s32 $0x400, s15;
	[sflag:s29] =	ssyncadd.s32 $0xFFFFE000  }
0x61: {  	[hbm4b:s7+s2] =	stream.linear.scatter [tilespmem:s25], [sflag:$0x4], $0x2000, $0x38;
	[tilespmem:$0x1DAA8] =	vst v63  }
0x62: {  	s12 =	simm.s32 $0x800;
	_ =	swait.ge [sflag:s30], $0x2000  }
0x63: {  	s13 =	simm.s32 $0x18920;
	s5 =	sshll.u32 s5, $0x3;
	[sflag:s30] =	ssyncset.done $0x0  }
0x64: {  	s9 =	simm.s32 $0x18820;
	s7 =	sadd.s32 s10, s5;
	[sflag:s30] =	ssyncadd.s32 $0xFFFFE000  }
.LBB2_12:
0x65: {  	[tilespmem:s25], [sflag:$0x2] =	stream.indirect.gather [spmem:s1], $0x40, s9, s22, $0xb8;
	[tilespmem:$0x1DAA8] =	vst v63  }
0x66: {  	s15 =	smov.u32 s12;
	s9 =	smov.u32 s13  }
0x67: {  	p1 =	sne.s32 s12, $0x8800;
	s12 =	sadd.s32 $0x800, s12;
	_ =	swait.ge [sflag:s26], $0x2000  }
0x68: {  	[sflag:s26] =	ssyncset.done $0x0  }
0x69: {  	s15 =	sadd.s32 s15, s17;
	[sflag:s26] =	ssyncadd.s32 $0xFFFFE000  }
0x6a: {  	[hbm4b:s15+s2] =	stream.linear.scatter [tilespmem:s23], [sflag:$0x3], $0x2000, $0x38;
	[tilespmem:$0x1DAA8] =	vst v63  }
0x6b: {  	_ =	swait.ge [sflag:s28], $0x2000  }
0x6c: {  	[sflag:s28] =	ssyncset.done $0x0  }
0x6d: {  	s16 =	sadd.s32 $0xFFFFFF80, s13;
	[sflag:s28] =	ssyncadd.s32 $0xFFFFE000  }
0x6e: {  	[tilespmem:s23], [sflag:$0x1] =	stream.indirect.gather [spmem:s1], $0x40, s16, s22, $0xb8;
	[tilespmem:$0x1DAA8] =	vst v63  }
0x6f: {  	_ =	swait.ge [sflag:s29], $0x2000  }
0x70: {  	[sflag:s29] =	ssyncset.done $0x0  }
.Ltmp4:
0x71: {  	s15 =	sadd.s32 $0x400, s15;
	[sflag:s29] =	ssyncadd.s32 $0xFFFFE000;
	(pc) =	sbr.rel @p1 .LBB2_12-.Ltmp4, $4  }
0x72: {  	[hbm4b:s15+s2] =	stream.linear.scatter [tilespmem:s25], [sflag:$0x4], $0x2000, $0x38;
	[tilespmem:$0x1DAA8] =	vst v63  }
0x73: {  	_ =	swait.ge [sflag:s30], $0x2000  }
0x74: {  	[sflag:s30] =	ssyncset.done $0x0  }
0x75: {  	s13 =	sadd.s32 $0x100, s13;
	[sflag:s30] =	ssyncadd.s32 $0xFFFFE000  }
0x76: {  	[tilespmem:s25], [sflag:$0x2] =	stream.indirect.gather [spmem:s1], $0x40, s9, s22, $0xb8;
	[tilespmem:$0x1DAA8] =	vst v63  }
0x77: {  	_ =	swait.ge [sflag:s26], $0x2000  }
0x78: {  	[sflag:s26] =	ssyncset.done $0x0  }
0x79: {  	s7 =	sadd.s32 $0x9000, s7;
	[sflag:s26] =	ssyncadd.s32 $0xFFFFE000  }
0x7a: {  	[hbm4b:s7+s2] =	stream.linear.scatter [tilespmem:s23], [sflag:$0x3], $0x2000, $0x38;
	[tilespmem:$0x1DAA8] =	vst v63  }
0x7b: {  	_ =	swait.ge [sflag:s28], $0x2000  }
0x7c: {  	[sflag:s28] =	ssyncset.done $0x0  }
0x7d: {  	[sflag:s28] =	ssyncadd.s32 $0xFFFFE000  }
0x7e: {  	[tilespmem:s23], [sflag:$0x1] =	stream.indirect.gather [spmem:s1], $0x40, s31, s22, $0xb8;
	[tilespmem:$0x1DAA8] =	vst v63  }
0x7f: {  	_ =	swait.ge [sflag:s29], $0x2000  }
0x80: {  	[sflag:s29] =	ssyncset.done $0x0;
	s13 =	rddreg [dreg:$0xa]  }
0x81: {  	[sflag:s29] =	ssyncadd.s32 $0xFFFFE000;
	s7 =	sadd.s32 s13, s5  }
0x82: {  	[hbm4b:s7+s2] =	stream.linear.scatter [tilespmem:s25], [sflag:$0x4], $0x2000, $0x38;
	[tilespmem:$0x1DAA8] =	vst v63  }
0x83: {  	_ =	swait.ge [sflag:s30], $0x2000  }
0x84: {  	[sflag:s30] =	ssyncset.done $0x0  }
0x85: {  	[sflag:s30] =	ssyncadd.s32 $0xFFFFE000  }
0x86: {  	s15 =	sand.u32 $0x1FFFFFF8, s5;
	_ =	swait.ge [sflag:s26], $0x2000  }
0x87: {  	s5 =	sadd.s32 s10, s15;
	[sflag:s26] =	ssyncset.done $0x0  }
0x88: {  	s16 =	sadd.s32 $0x9800, s5;
	[sflag:s26] =	ssyncadd.s32 $0xFFFFE000  }
0x89: {  	[hbm4b:s16+s2] =	stream.linear.scatter [tilespmem:s23], [sflag:$0x3], $0x2000, $0x38;
	[tilespmem:$0x1DAA8] =	vst v63  }
0x8a: {  	_ =	swait.ge [sflag:s28], $0x2000  }
0x8b: {  	[sflag:s28] =	ssyncset.done $0x0  }
0x8c: {  	[sflag:s28] =	ssyncadd.s32 $0xFFFFE000  }
0x8d: {  	[tilespmem:s23], [sflag:$0x1] =	stream.indirect.gather [spmem:s1], $0x40, s18, s0, $0xb8;
	[tilespmem:$0x1DAA8] =	vst v63  }
0x8e: {  	_ =	swait.ge [sflag:s26], $0x200  }
0x8f: {  	s19 =	sadd.s32 $0x1, s19;
	[sflag:s26] =	ssyncset.done $0x0  }
0x90: {  	p1 =	sne.s32 s19, $0xA;
	s5 =	sadd.s32 $0x9C00, s5;
	[sflag:s26] =	ssyncadd.s32 $0xFFFFFE00  }
0x91: {  	[hbm4b:s5+s2] =	stream.linear.scatter [tilespmem:s23], [sflag:$0x3], $0x200, $0x38;
	[tilespmem:$0x1DAA8] =	vst v63  }
.Ltmp5:
0x92: {  	_ = 	snop;
	(pc) =	sbr.rel @p1 .LBB2_11-.Ltmp5, $4  }
.Ltmp6:
0x93: {  	_ = 	snop;
	(pc) =	sbr.rel @!p1 .LBB2_14-.Ltmp6, $4  }
0x94: {  	_ =	swait.ge [sflag:s28], $0x200  }
0x95: {  	[sflag:s28] =	ssyncset.done $0x0  }
0x96: {  	s17 =	sadd.s32 $0x9C40, s17;
	[sflag:s28] =	ssyncadd.s32 $0xFFFFFE00  }
0x97: {  	_ = 	snop  }
.LBB2_2:
0x98: {  	p2 =	seq.s32 @!p1 s5, $0xFFFFFFF3;
	s15 =	rddreg [dreg:$0xb]  }
0x99: {  	p2 =	por !p2, p1;
	s5 =	smov.u32 s15  }
0x9a: {  	s17 =	simm.s32 @!p1 $0x6;
	s5 =	simm.s32 @!p2 $0x6128  }
0x9b: {  	s14 =	simm.s32 @!p1 $0x19AA8;
	s9 =	simm.s32 @!p1 $0x0;
	s7 =	sshll.u32 @!p1 s5, $0x3  }
0x9c: {  	s12 =	sadd.s32 $0xFFFFFF40, s6;
	s19 =	simm.s32 $0xFFFFFF50;
	s7 =	sadd.s32 @!p1 s3, s7  }
0x9d: {  	[tilespmem:s14], [sflag:$0x6] =	stream.linear.gather @!p1 [hbm4b:s7+s9], $0x2000, $0x38;
	[tilespmem:$0x1DAA8] =	vst v63  }
0x9e: {  	s13 =	sadd.s32 $0xD0, s12;
	s5 =	sshrl.u32 @!p1 s5, $0x3;
	_ =	swait.ge @!p1 [sflag:s17], $0x2000  }
0x9f: {  	p2 =	por p1, p1;
	s5 =	sadd.s32 @!p1 s8, s5;
	[sflag:s17] =	ssyncset.done @!p1 $0x0  }
0xa0: {  	s7 =	simm.s32 @!p2 $0x19A28;
	p1 =	sgt.u32 s13, $0xC3;
	[sflag:s17] =	ssyncadd.s32 @!p2 $0xFFFFE000  }
0xa1: {  	[tilespmem:s7], [sflag:$0x6] =	stream.linear.gather @!p2 [hbm4b:s5+s9], $0x80, $0x38;
	[tilespmem:$0x1DAA8] =	vst v63  }
0xa2: {  	p4 =	seq.s32 @!p1 s12, $0xFFFFFFF3;
	s5 =	sadd.s32 $0x800, s15;
	_ =	swait.ge @!p2 [sflag:s17], $0x80  }
.LBB2_3:
0xa3: {  	[sflag:s17] =	ssyncset.done @!p2 $0x0;
	s9 =	smov.u32 s19;
	s19 =	sadd.s32 $0x10, s19  }
0xa4: {  	s12 =	simm.s32 @!p2 $0x80;
	s13 =	simm.s32 @!p2 $0x5;
	[sflag:s17] =	ssyncadd.s32 @!p2 $0xFFFFFF80  }
0xa5: {  	[spmem:s1] =	stream.indirect.scatter @!p2 [tilespmem:s14], [sflag:$0x5], $0x40, s7, s12, $0xb8;
	[tilespmem:$0x1DAA8] =	vst v63  }
0xa6: {  	p3 =	sne.s32 s19, $0x0;
	_ =	swait.ge @!p2 [sflag:s13], $0x2000  }
0xa7: {  	p4 =	por !p4, p1;
	s7 =	smov.u32 s5;
	[sflag:s13] =	ssyncset.done @!p2 $0x0  }
0xa8: {  	s17 =	simm.s32 @!p1 $0x6;
	s7 =	simm.s32 @!p4 $0x6128;
	[sflag:s13] =	ssyncadd.s32 @!p2 $0xFFFFE000  }
0xa9: {  	s14 =	simm.s32 @!p1 $0x19AA8;
	s12 =	sshll.u32 @!p1 s7, $0x3;
	s7 =	sshrl.u32 @!p1 s7, $0x3  }
0xaa: {  	s12 =	sadd.s32 @!p1 s3, s12;
	s13 =	simm.s32 @!p1 $0x0;
	s15 =	sadd.s32 @!p1 s8, s7  }
0xab: {  	[tilespmem:s14], [sflag:$0x6] =	stream.linear.gather @!p1 [hbm4b:s12+s13], $0x2000, $0x38;
	[tilespmem:$0x1DAA8] =	vst v63  }
.Ltmp7:
0xac: {  	s9 =	sadd.s32 s9, s6;
	_ =	swait.ge @!p1 [sflag:s17], $0x2000;
	(pc) =	sbr.rel @p3 .LBB2_3-.Ltmp7, $4  }
0xad: {  	s7 =	sadd.s32 $0xD0, s9;
	p2 =	por p1, p1;
	[sflag:s17] =	ssyncset.done @!p1 $0x0  }
0xae: {  	p1 =	sgt.u32 s7, $0xC3;
	s7 =	simm.s32 @!p2 $0x19A28;
	[sflag:s17] =	ssyncadd.s32 @!p2 $0xFFFFE000  }
0xaf: {  	[tilespmem:s7], [sflag:$0x6] =	stream.linear.gather @!p2 [hbm4b:s15+s13], $0x80, $0x38;
	[tilespmem:$0x1DAA8] =	vst v63  }
0xb0: {  	s5 =	sadd.s32 $0x800, s5;
	p4 =	seq.s32 @!p1 s9, $0xFFFFFFF3;
	_ =	swait.ge @!p2 [sflag:s17], $0x80  }
0xb1: {  	[sflag:s17] =	ssyncset.done @!p2 $0x0;
	s9 =	simm.s32 @!p2 $0x80  }
0xb2: {  	s12 =	simm.s32 @!p2 $0x5;
	p3 =	por !p4, p1;
	[sflag:s17] =	ssyncadd.s32 @!p2 $0xFFFFFF80  }
0xb3: {  	[spmem:s1] =	stream.indirect.scatter @!p2 [tilespmem:s14], [sflag:$0x5], $0x40, s7, s9, $0xb8;
	[tilespmem:$0x1DAA8] =	vst v63  }
0xb4: {  	s13 =	simm.s32 @!p1 $0x0;
	s5 =	simm.s32 @!p3 $0x6128;
	_ =	swait.ge @!p2 [sflag:s12], $0x2000  }
0xb5: {  	s7 =	simm.s32 @!p1 $0x6;
	s9 =	sshll.u32 @!p1 s5, $0x3;
	[sflag:s12] =	ssyncset.done @!p2 $0x0  }
0xb6: {  	s9 =	sadd.s32 @!p1 s3, s9;
	[sflag:s12] =	ssyncadd.s32 @!p2 $0xFFFFE000;
	s12 =	simm.s32 @!p1 $0x19AA8  }
0xb7: {  	[tilespmem:s12], [sflag:$0x6] =	stream.linear.gather @!p1 [hbm4b:s9+s13], $0x2000, $0x38;
	[tilespmem:$0x1DAA8] =	vst v63  }
0xb8: {  	_ =	swait.ge @!p1 [sflag:s7], $0x2000  }
0xb9: {  	s5 =	sshrl.u32 @!p1 s5, $0x3;
	p2 =	por p1, p1;
	[sflag:s7] =	ssyncset.done @!p1 $0x0  }
0xba: {  	s5 =	sadd.s32 @!p1 s8, s5;
	s9 =	simm.s32 @!p2 $0x19A28;
	[sflag:s7] =	ssyncadd.s32 @!p2 $0xFFFFE000  }
0xbb: {  	[tilespmem:s9], [sflag:$0x6] =	stream.linear.gather @!p2 [hbm4b:s5+s13], $0x80, $0x38;
	[tilespmem:$0x1DAA8] =	vst v63  }
0xbc: {  	_ =	swait.ge @!p2 [sflag:s7], $0x80  }
0xbd: {  	[sflag:s7] =	ssyncset.done @!p2 $0x0  }
0xbe: {  	s5 =	simm.s32 @!p2 $0x80;
	[sflag:s7] =	ssyncadd.s32 @!p2 $0xFFFFFF80;
	s7 =	simm.s32 @!p2 $0x5  }
0xbf: {  	[spmem:s1] =	stream.indirect.scatter @!p2 [tilespmem:s12], [sflag:$0x5], $0x40, s9, s5, $0xb8;
	[tilespmem:$0x1DAA8] =	vst v63  }
0xc0: {  	_ =	swait.ge @!p2 [sflag:s7], $0x2000  }
0xc1: {  	[sflag:s7] =	ssyncset.done @!p2 $0x0  }
0xc2: {  	[sflag:s7] =	ssyncadd.s32 @!p2 $0xFFFFE000  }
0xc3: {  	[bflag:$0x0] =	sbarrier.arrive $0xFFFF  }
0xc4: {  	s19 =	simm.s32 $0x0;
	s14 =	simm.s32 $0x0;
	s17 =	rddreg [dreg:$0xc]  }
.LBB2_5:
0xc5: {  	s5 =	smul.u32 $0x1388, s19;
	_ =	sdelay $0x1  }
0xc6: {  	s5 =	sadd.s32 s11, s5  }
0xc7: {  	s9 =	rddreg [dreg:$0x3];
	s7 =	sshrl.u32 s5, $0x3  }
0xc8: {  	s7 =	sadd.s32 s9, s7  }
0xc9: {  	[tilespmem:s20], [sflag:$0x5] =	stream.linear.gather [hbm4b:s7+s14], $0x1388, $0x38;
	[tilespmem:$0x1DAA8] =	vst v63  }
0xca: {  	_ =	swait.ge [sflag:s21], $0x1388  }
0xcb: {  	[sflag:s21] =	ssyncset.done $0x0  }
0xcc: {  	[sflag:s21] =	ssyncadd.s32 $0xFFFFEC78  }
0xcd: {  	[tilespmem:s23], [sflag:$0x1] =	stream.indirect.gather [spmem:s1], $0x40, s20, s22, $0xb8;
	[tilespmem:$0x1DAA8] =	vst v63  }
0xce: {  	_ = 	snop  }
0xcf: {  	[tilespmem:s25], [sflag:$0x2] =	stream.indirect.gather [spmem:s1], $0x40, s24, s22, $0xb8;
	[tilespmem:$0x1DAA8] =	vst v63  }
0xd0: {  	_ =	swait.ge [sflag:s26], $0x2000  }
0xd1: {  	[sflag:s26] =	ssyncset.done $0x0  }
0xd2: {  	s13 =	sadd.s32 $0x0, s17;
	[sflag:s26] =	ssyncadd.s32 $0xFFFFE000  }
0xd3: {  	[hbm4b:s13+s2] =	stream.linear.scatter [tilespmem:s23], [sflag:$0x3], $0x2000, $0x38;
	[tilespmem:$0x1DAA8] =	vst v63  }
0xd4: {  	_ =	swait.ge [sflag:s28], $0x2000  }
0xd5: {  	[sflag:s28] =	ssyncset.done $0x0  }
0xd6: {  	s15 =	simm.s32 $0x187A0;
	[sflag:s28] =	ssyncadd.s32 $0xFFFFE000  }
0xd7: {  	[tilespmem:s23], [sflag:$0x1] =	stream.indirect.gather [spmem:s1], $0x40, s15, s22, $0xb8;
	[tilespmem:$0x1DAA8] =	vst v63  }
0xd8: {  	_ =	swait.ge [sflag:s29], $0x2000  }
0xd9: {  	[sflag:s29] =	ssyncset.done $0x0  }
0xda: {  	s7 =	sadd.s32 $0x400, s13;
	[sflag:s29] =	ssyncadd.s32 $0xFFFFE000  }
0xdb: {  	[hbm4b:s7+s2] =	stream.linear.scatter [tilespmem:s25], [sflag:$0x4], $0x2000, $0x38;
	[tilespmem:$0x1DAA8] =	vst v63  }
0xdc: {  	s12 =	simm.s32 $0x800;
	s5 =	sshll.u32 s5, $0x3;
	_ =	swait.ge [sflag:s30], $0x2000  }
0xdd: {  	s9 =	simm.s32 $0x18820;
	s16 =	rddreg [dreg:$0x5];
	[sflag:s30] =	ssyncset.done $0x0  }
0xde: {  	s13 =	simm.s32 $0x18920;
	s7 =	sadd.s32 s16, s5;
	[sflag:s30] =	ssyncadd.s32 $0xFFFFE000  }
.LBB2_6:
0xdf: {  	[tilespmem:s25], [sflag:$0x2] =	stream.indirect.gather [spmem:s1], $0x40, s9, s22, $0xb8;
	[tilespmem:$0x1DAA8] =	vst v63  }
0xe0: {  	s15 =	smov.u32 s12;
	s9 =	smov.u32 s13  }
0xe1: {  	p1 =	sne.s32 s12, $0x8800;
	s12 =	sadd.s32 $0x800, s12;
	_ =	swait.ge [sflag:s26], $0x2000  }
0xe2: {  	[sflag:s26] =	ssyncset.done $0x0  }
0xe3: {  	s15 =	sadd.s32 s15, s17;
	[sflag:s26] =	ssyncadd.s32 $0xFFFFE000  }
0xe4: {  	[hbm4b:s15+s2] =	stream.linear.scatter [tilespmem:s23], [sflag:$0x3], $0x2000, $0x38;
	[tilespmem:$0x1DAA8] =	vst v63  }
0xe5: {  	_ =	swait.ge [sflag:s28], $0x2000  }
0xe6: {  	[sflag:s28] =	ssyncset.done $0x0  }
0xe7: {  	s16 =	sadd.s32 $0xFFFFFF80, s13;
	[sflag:s28] =	ssyncadd.s32 $0xFFFFE000  }
0xe8: {  	[tilespmem:s23], [sflag:$0x1] =	stream.indirect.gather [spmem:s1], $0x40, s16, s22, $0xb8;
	[tilespmem:$0x1DAA8] =	vst v63  }
0xe9: {  	_ =	swait.ge [sflag:s29], $0x2000  }
0xea: {  	[sflag:s29] =	ssyncset.done $0x0  }
.Ltmp8:
0xeb: {  	s15 =	sadd.s32 $0x400, s15;
	[sflag:s29] =	ssyncadd.s32 $0xFFFFE000;
	(pc) =	sbr.rel @p1 .LBB2_6-.Ltmp8, $4  }
0xec: {  	[hbm4b:s15+s2] =	stream.linear.scatter [tilespmem:s25], [sflag:$0x4], $0x2000, $0x38;
	[tilespmem:$0x1DAA8] =	vst v63  }
0xed: {  	_ =	swait.ge [sflag:s30], $0x2000  }
0xee: {  	[sflag:s30] =	ssyncset.done $0x0  }
0xef: {  	s13 =	sadd.s32 $0x100, s13;
	[sflag:s30] =	ssyncadd.s32 $0xFFFFE000  }
0xf0: {  	[tilespmem:s25], [sflag:$0x2] =	stream.indirect.gather [spmem:s1], $0x40, s9, s22, $0xb8;
	[tilespmem:$0x1DAA8] =	vst v63  }
0xf1: {  	_ =	swait.ge [sflag:s26], $0x2000  }
0xf2: {  	[sflag:s26] =	ssyncset.done $0x0  }
0xf3: {  	s7 =	sadd.s32 $0x9000, s7;
	[sflag:s26] =	ssyncadd.s32 $0xFFFFE000  }
0xf4: {  	[hbm4b:s7+s2] =	stream.linear.scatter [tilespmem:s23], [sflag:$0x3], $0x2000, $0x38;
	[tilespmem:$0x1DAA8] =	vst v63  }
0xf5: {  	_ =	swait.ge [sflag:s28], $0x2000  }
0xf6: {  	[sflag:s28] =	ssyncset.done $0x0  }
0xf7: {  	[sflag:s28] =	ssyncadd.s32 $0xFFFFE000  }
0xf8: {  	[tilespmem:s23], [sflag:$0x1] =	stream.indirect.gather [spmem:s1], $0x40, s31, s22, $0xb8;
	[tilespmem:$0x1DAA8] =	vst v63  }
0xf9: {  	_ =	swait.ge [sflag:s29], $0x2000  }
0xfa: {  	[sflag:s29] =	ssyncset.done $0x0;
	s12 =	rddreg [dreg:$0x9]  }
0xfb: {  	[sflag:s29] =	ssyncadd.s32 $0xFFFFE000;
	s7 =	sadd.s32 s12, s5  }
0xfc: {  	[hbm4b:s7+s2] =	stream.linear.scatter [tilespmem:s25], [sflag:$0x4], $0x2000, $0x38;
	[tilespmem:$0x1DAA8] =	vst v63  }
0xfd: {  	_ =	swait.ge [sflag:s30], $0x2000  }
0xfe: {  	[sflag:s30] =	ssyncset.done $0x0  }
0xff: {  	[sflag:s30] =	ssyncadd.s32 $0xFFFFE000  }
0x100: {  	_ =	swait.ge [sflag:s26], $0x2000  }
0x101: {  	[sflag:s26] =	ssyncset.done $0x0;
	s13 =	rddreg [dreg:$0x6]  }
0x102: {  	[sflag:s26] =	ssyncadd.s32 $0xFFFFE000;
	s7 =	sadd.s32 s5, s13  }
0x103: {  	[hbm4b:s7+s2] =	stream.linear.scatter [tilespmem:s23], [sflag:$0x3], $0x2000, $0x38;
	[tilespmem:$0x1DAA8] =	vst v63  }
0x104: {  	_ =	swait.ge [sflag:s28], $0x2000  }
0x105: {  	[sflag:s28] =	ssyncset.done $0x0  }
0x106: {  	[sflag:s28] =	ssyncadd.s32 $0xFFFFE000  }
0x107: {  	[tilespmem:s23], [sflag:$0x1] =	stream.indirect.gather [spmem:s1], $0x40, s18, s0, $0xb8;
	[tilespmem:$0x1DAA8] =	vst v63  }
0x108: {  	_ =	swait.ge [sflag:s26], $0x200  }
0x109: {  	s19 =	sadd.s32 $0x1, s19;
	[sflag:s26] =	ssyncset.done $0x0;
	s15 =	rddreg [dreg:$0x7]  }
0x10a: {  	p1 =	seq.s32 s19, $0xA;
	[sflag:s26] =	ssyncadd.s32 $0xFFFFFE00;
	s16 =	sadd.s32 s5, s15  }
0x10b: {  	[hbm4b:s16+s2] =	stream.linear.scatter [tilespmem:s23], [sflag:$0x3], $0x200, $0x38;
	[tilespmem:$0x1DAA8] =	vst v63  }
.Ltmp9:
0x10c: {  	_ = 	snop;
	(pc) =	sbr.rel @!p1 .LBB2_5-.Ltmp9, $4  }
.Ltmp10:
0x10d: {  	_ = 	snop;
	(pc) =	sbr.rel @p1 .LBB2_14-.Ltmp10, $4  }
0x10e: {  	_ =	swait.ge [sflag:s28], $0x200  }
0x10f: {  	[sflag:s28] =	ssyncset.done $0x0  }
0x110: {  	s17 =	sadd.s32 $0x9C40, s17;
	[sflag:s28] =	ssyncadd.s32 $0xFFFFFE00  }
0x111: {  	_ = 	snop  }
.LBB2_15:
0x112: {  	_ =	sfence.sel $0x180000  }
0x113: {  	[bflag:$0x0] =	sbarrier.arrive $0xFFFF  }
0x114: {  	_ =	strace $0x9000004D  }
0x115: {  	[bflag:$0x2] =	sbarrier.arrive $0xFFFF  }
0x116: {  	p0 =	sne.s32 s6, $0x0;
	s0 =	rddreg [dreg:$0x2]  }
0x117: {  	s0 =	sadd.s32 @!p0 $0x100000, s0  }
0x118: {  	[sflag:s0] =	ssyncadd.tile.s32 @!p0 $0x1;
	_ =	shalt  }
.Lfunc_end2:
_tile_overlayer_lowered:
.L_overlay_start_2:
0x119: {  	(tag) =	ssettag $0x2  }
0x11a: {  	s0 =	rddreg [dreg:$0x0];
	s2 =	stileid.u32  }
0x11b: {  	s1 =	rddreg [dreg:$0x1];
	p0 =	sne.s32 s2, $0x0  }
0x11c: {  	s3 =	rddreg [dreg:$0x2];
	[bflag:$0x3] =	sbarrier.arrive $0xFFFF;
	s2 =	simm.s32 @!p0 $0x1C05  }
0x11d: {  	[timem:s3], [sflag:s2] =	dma.local @!p0 [hbm:s0], s1  }
0x11e: {  	s0 =	simm.s32 @!p0 $0x5  }
0x11f: {  	_ =	swait.ge @!p0 [sflag:s0], s1  }
0x120: {  	s1 =	ssub.s32 @!p0 $0x0, s1;
	[sflag:s0] =	ssyncset.done @!p0 $0x0  }
0x121: {  	[sflag:s0] =	ssyncadd.s32 @!p0 s1  }
0x122: {  	[bflag:$0x3] =	sbarrier.arrive $0xFFFF  }
0x123: {  	_ =	shalt  }

// kernel: kernel.22.cloned.1.call-start
scs
__scs_entry_jumppad:
0x0: {  	(pc) =	sbr.rel $0x88, $3  }
0x1: {  	(tag) =	ssettag $0x0;
	lr =	simm.s32 $0x1  }
0x2: {  	[smem:$0x3F81] =	sst lr;
	_ =	strace $0xD0000000  }
0x3: {  	_ = 	snop  }
0x4: {  	_ = 	snop  }
0x5: {  	_ = 	snop  }
0x6: {  	_ = 	snop  }
0x7: {  	_ = 	snop  }
__scs_overlays_trampoline_lowered:
0x8: {  	[smem:$0x3F90] =	sst s0  }
0x9: {  	[smem:$0x3F91] =	sst s1  }
0xa: {  	[smem:$0x3F92] =	sst s2  }
0xb: {  	[smem:$0x3F93] =	sst s3  }
0xc: {  	[smem:$0x3F94] =	sst s4  }
0xd: {  	[smem:$0x3F95] =	sst s5  }
0xe: {  	[smem:$0x3F96] =	sst s6  }
0xf: {  	[smem:$0x3F97] =	sst s7  }
0x10: {  	[smem:$0x3F98] =	sst s8  }
0x11: {  	[smem:$0x3F99] =	sst s9;
	s0 =	simm.s32 @!p0 $0x0  }
0x12: {  	s1 =	sld [smem:$0x3F7F];
	s0 =	simm.s32 @p0 $0x1  }
0x13: {  	[smem:$0x3F9A] =	sst s0;
	s0 =	simm.s32 @!p1 $0x0  }
0x14: {  	s2 =	sld [smem:$0x3F7E];
	s0 =	simm.s32 @p1 $0x1  }
0x15: {  	[smem:$0x3F9B] =	sst s0;
	s0 =	simm.s32 @!p2 $0x0  }
0x16: {  	s3 =	sld [smem:$0x3FDB];
	s0 =	simm.s32 @p2 $0x1  }
0x17: {  	s4 =	simm.s32 $0x1BF5;
	[smem:$0x3F9D] =	sst s0  }
0x18: {  	s0 =	sld [smem:$0x3F80];
	_ =	swait.ge [sflag:s4], $0x0  }
0x19: {  	s7 =	sld [smem:$0x3F81]  }
0x1a: {  	s8 =	sadd.s32 $0xFFFFE003, lr  }
0x1b: {  	s9 =	sadd.s32 $0xFFFFFEF7, lr;
	s5 =	simm.s32 $0xFFFFFFFF;
	p2 =	slt.u32 s8, $0xFFFFF086  }
0x1c: {  	p1 =	slt.u32 s9, $0xF7A;
	s5 =	simm.s32 @!p2 $0x0  }
0x1d: {  	s5 =	simm.s32 @p1 $0x1;
	p0 =	seq.s32 s7, s2  }
0x1e: {  	s7 =	smul.u32 @!p0 $0xF7A, s2;
	p2 =	seq.s32 @!p0 s5, $0x0  }
0x1f: {  	s9 =	smul.u32 $0xF7A, s1;
	s8 =	simm.s32 @!p0 $0x1BF5;
	p2 =	por !p2, p0  }
0x20: {  	[sflag:s8] =	ssyncset.s32 @!p0 $0xFFFFF086;
	s6 =	sadd.s32 @!p0 s3, s7;
	s7 =	simm.s32 @!p0 $0x108  }
0x21: {  	s3 =	sadd.s32 s3, s9;
	s6 =	sadd.s32 @!p0 $0x88, s6;
	s7 =	simm.s32 @p2 $0x1082  }
0x22: {  	[simem:s7], [sflag:s8] =	dma.local @!p0 [hbm:s6], $0xF7A  }
0x23: {  	s9 =	sor.u32 $0xD0000000, s2;
	s6 =	simm.s32 $0x108;
	_ =	swait.ge @!p0 [sflag:s8], $0x0  }
0x24: {  	s3 =	sadd.s32 $0x88, s3;
	s6 =	simm.s32 @!p1 $0x1082;
	[sflag:s4] =	ssyncset.s32 $0xFFFFF086  }
0x25: {  	[simem:s6], [sflag:s4] =	dma.local [hbm:s3], $0xF7A  }
0x26: {  	[smem:$0x3F81] =	sst s1;
	(tag) =	ssettag s2;
	_ =	strace s9  }
0x27: {  	s1 =	sld [smem:$0x3F91]  }
0x28: {  	s2 =	sld [smem:$0x3F92]  }
0x29: {  	s4 =	sld [smem:$0x3F94]  }
0x2a: {  	p0 =	seq.s32 s5, $0x0;
	s5 =	sld [smem:$0x3F95]  }
0x2b: {  	s6 =	sld [smem:$0x3F96]  }
0x2c: {  	s7 =	sld [smem:$0x3F97]  }
0x2d: {  	s3 =	simm.s32 $0x108;
	s8 =	sld [smem:$0x3F98]  }
0x2e: {  	s3 =	simm.s32 @!p0 $0x1082;
	s9 =	sld [smem:$0x3F99]  }
0x2f: {  	lr =	sadd.s32 s0, s3;
	s0 =	sld [smem:$0x3F90]  }
0x30: {  	s3 =	sld [smem:$0x3F93]  }
0x31: {  	[smem:$0x3F9C] =	sst s10  }
0x32: {  	s10 =	sld [smem:$0x3F9A];
	_ =	sdelay $0x3  }
0x33: {  	p0 =	seq.s32 s10, $0x1;
	s10 =	sld [smem:$0x3F9C];
	_ =	sdelay $0x3  }
0x34: {  	[smem:$0x3F9C] =	sst s10  }
0x35: {  	s10 =	sld [smem:$0x3F9B];
	_ =	sdelay $0x3  }
0x36: {  	p1 =	seq.s32 s10, $0x1;
	s10 =	sld [smem:$0x3F9C];
	_ =	sdelay $0x3  }
0x37: {  	[smem:$0x3F9C] =	sst s10  }
0x38: {  	s10 =	sld [smem:$0x3F9D]  }
0x39: {  	_ = 	snop;
	(pc) =	sbr.ind lr, $3  }
0x3a: {  	_ = 	snop  }
0x3b: {  	_ = 	snop  }
0x3c: {  	p2 =	seq.s32 s10, $0x1;
	s10 =	sld [smem:$0x3F9C]  }
0x3d: {  	_ =	shalt  }
0x3e: {  	_ =	shalt  }
0x3f: {  	_ =	shalt  }
0x40: {  	_ =	shalt  }
0x41: {  	_ =	shalt  }
0x42: {  	_ =	shalt  }
0x43: {  	_ =	shalt  }
0x44: {  	_ =	shalt  }
0x45: {  	_ =	shalt  }
0x46: {  	_ =	shalt  }
0x47: {  	_ =	shalt  }
0x48: {  	_ =	shalt  }
0x49: {  	_ =	shalt  }
0x4a: {  	_ =	shalt  }
0x4b: {  	_ =	shalt  }
0x4c: {  	_ =	shalt  }
0x4d: {  	_ =	shalt  }
0x4e: {  	_ =	shalt  }
0x4f: {  	_ =	shalt  }
0x50: {  	_ =	shalt  }
0x51: {  	_ =	shalt  }
0x52: {  	_ =	shalt  }
0x53: {  	_ =	shalt  }
0x54: {  	_ =	shalt  }
0x55: {  	_ =	shalt  }
0x56: {  	_ =	shalt  }
0x57: {  	_ =	shalt  }
0x58: {  	_ =	shalt  }
0x59: {  	_ =	shalt  }
0x5a: {  	_ =	shalt  }
0x5b: {  	_ =	shalt  }
0x5c: {  	_ =	shalt  }
0x5d: {  	_ =	shalt  }
0x5e: {  	_ =	shalt  }
0x5f: {  	_ =	shalt  }
0x60: {  	_ =	shalt  }
0x61: {  	_ =	shalt  }
0x62: {  	_ =	shalt  }
0x63: {  	_ =	shalt  }
0x64: {  	_ =	shalt  }
0x65: {  	_ =	shalt  }
0x66: {  	_ =	shalt  }
0x67: {  	_ =	shalt  }
0x68: {  	_ =	shalt  }
0x69: {  	_ =	shalt  }
0x6a: {  	_ =	shalt  }
0x6b: {  	_ =	shalt  }
0x6c: {  	_ =	shalt  }
0x6d: {  	_ =	shalt  }
0x6e: {  	_ =	shalt  }
0x6f: {  	_ =	shalt  }
0x70: {  	_ =	shalt  }
0x71: {  	_ =	shalt  }
0x72: {  	_ =	shalt  }
0x73: {  	_ =	shalt  }
0x74: {  	_ =	shalt  }
0x75: {  	_ =	shalt  }
0x76: {  	_ =	shalt  }
0x77: {  	_ =	shalt  }
0x78: {  	_ =	shalt  }
0x79: {  	_ =	shalt  }
0x7a: {  	_ =	shalt  }
0x7b: {  	_ =	shalt  }
0x7c: {  	_ =	shalt  }
0x7d: {  	_ =	shalt  }
0x7e: {  	_ =	shalt  }
0x7f: {  	_ =	shalt  }
0x80: {  	_ =	shalt  }
0x81: {  	_ =	shalt  }
0x82: {  	_ =	shalt  }
0x83: {  	_ =	shalt  }
0x84: {  	_ =	shalt  }
0x85: {  	_ =	shalt  }
0x86: {  	_ =	shalt  }
0x87: {  	_ =	shalt  }
.Lfunc_end0:
.L_simem_size_0:
called_computation.3_lowered:
.L_overlay_start_0:
0x88: {  	s2 =	sld [smem:$0x3FD9]  }
0x89: {  	s3 =	sld [smem:$0x3FFE];
	_ =	sdelay $0x1  }
0x8a: {  	s1 =	srdreg.scid  }
0x8b: {  	s0 =	sand.u32 $0x1, s1  }
0x8c: {  	s16 =	sshll.u32 s0, $0xA;
	s2 =	sadd.s32 s3, s2  }
0x8d: {  	s2 =	sadd.s32 s2, s16  }
0x8e: {  	[smem:$0x3FA8] =	sst s2  }
0x8f: {  	_ = 	snop  }
0x90: {  	(tm) =	ssettm $0x1  }
0x91: {  	s17 =	sld [smem:$0x3FFB];
	_ =	sdelay $0x3  }
0x92: {  	_ =	strace s17  }
0x93: {  	s2 =	sld [smem:$0x3FFC];
	_ =	sdelay $0x3  }
0x94: {  	_ =	strace s2  }
0x95: {  	s2 =	sld [smem:$0x3FFD];
	_ =	sdelay $0x3  }
0x96: {  	_ =	strace s2  }
0x97: {  	_ =	strace $0x8FFFFFFF  }
0x98: {  	s18 =	sld [smem:$0x3FDB];
	_ =	sdelay $0x1  }
0x99: {  	s19 =	simm.s32 $_scs_section_size  }
0x9a: {  	s4 =	simm.s32 $_size__tile_overlayer_lowered;
	s5 =	simm.s32 $_tile_overlayer_lowered  }
0x9b: {  	s22 =	simm.s32 $0x1BFF;
	s21 =	sshll.u32 s5, $0x1;
	s2 =	sadd.s32 s19, s18  }
0x9c: {  	s6 =	simm.s32 $0x0;
	s20 =	sshll.u32 s4, $0x1;
	s4 =	sadd.s32 s21, s2  }
0x9d: {  	[timem:s6], [sflag:s22] =	dma.local [hbm:s4], s20  }
0x9e: {  	_ =	swait.ge [sflag:s22], s20  }
0x9f: {  	s3 =	ssub.s32 $0x0, s20;
	[sflag:s22] =	ssyncset.done $0x0  }
0xa0: {  	[sflag:s22] =	ssyncadd.s32 s3;
	_ =	sdelay $0x1  }
0xa1: {  	s23 =	simm.s32 $0x1B8B  }
0xa2: {  	_ =	swait.ge [sflag:s23], $0x1  }
0xa3: {  	[sflag:s23] =	ssyncset.done $0x0  }
0xa4: {  	s25 =	simm.s32 $0x1B8E;
	s24 =	sld [smem:$0x3FFE];
	[sflag:s23] =	ssyncadd.s32 $0xFFFFFFFF  }
0xa5: {  	s26 =	simm.s32 $execute0_lowered;
	[smem:$0x3FD2] =	sst s25  }
0xa6: {  	s4 =	sshll.u32 s26, $0x1;
	_ =	strace $0x8000004F;
	[dreg:$0x1] =	wrdreg $0xFFFFFFFF  }
0xa7: {  	s28 =	simm.s32 $_size_execute0_lowered;
	s2 =	sadd.s32 s2, s4;
	[dreg:$0x0] =	wrdreg $0x0  }
0xa8: {  	s4 =	sshll.u32 s28, $0x1;
	[dreg:$0x2] =	wrdreg s2  }
0xa9: {  	[dreg:$0x3] =	wrdreg s4  }
0xaa: {  	[dreg:$0x4] =	wrdreg $0xC0  }
0xab: {  	_ =	task [dreg:s6], $0x5FFFF  }
0xac: {  	[dreg:$0x1] =	wrdreg $0xFFFFFFFF  }
0xad: {  	[dreg:$0x0] =	wrdreg $0x60  }
0xae: {  	[dreg:$0x2] =	wrdreg s24  }
0xaf: {  	[dreg:$0x3] =	wrdreg $0x0  }
0xb0: {  	[dreg:$0x4] =	wrdreg $0x9  }
0xb1: {  	_ =	task.clear_ibuf [dreg:s6], $0x5FFFF;
	_ =	strace $0x9000004F  }
0xb2: {  	s29 =	simm.s32 $0x9;
	_ =	strace $0x80000051  }
0xb3: {  	_ =	swait.ge [sflag:s29], $0x1  }
0xb4: {  	[sflag:s29] =	ssyncadd.s32 $0xFFFFFFFF  }
0xb5: {  	_ =	strace $0x90000051  }
0xb6: {  	_ =	sfence  }
0xb7: {  	s30 =	sld [smem:$0x0];
	_ =	sdelay $0x2  }
0xb8: {  	s31 =	sshll.u32 s1, $0xD;
	s1 =	sshrl.u32 s1, $0x2  }
0xb9: {  	s3 =	sand.u32 $0x4000, s31;
	s1 =	sadd.s32 s1, s30  }
0xba: {  	s0 =	sor.u32 s3, s0;
	s1 =	sshll.u32 s1, $0x11  }
0xbb: {  	s0 =	sor.u32 s1, s0  }
0xbc: {  	s0 =	sadd.s32 $0x8F2B, s0  }
0xbd: {  	[sflag:s0] =	ssyncadd.remote.s32 $0x1  }
0xbe: {  	_ =	sfence.sel $0xFFFF  }
0xbf: {  	[dreg:$0x0] =	wrdreg $0xFFFFFFFF;
	(pc) =	sbr.abs _section_cstart, $3  }
0xc0: {  	[dreg:$0x1] =	wrdreg $0xFFFFFFFF  }
0xc1: {  	_ =	task.clear_ibuf [dreg:s6], $0x2FFFF;
	_ =	strace $0x9FFFFFFF  }
0xc2: {  	(tm) =	ssettm $0x7FFFFFFF  }
0xc3: {  	_ =	shalt  }
tec
execute0_lowered:
.L_overlay_start_1:
0x0: {  	(tag) =	ssettag $0x1  }
0x1: {  	s0 =	rddreg [dreg:$0x0]  }
0x2: {  	s1 =	rddreg [dreg:$0x1];
	s3 =	simm.s32 $0x0;
	s4 =	srdreg.scid  }
0x3: {  	s2 =	stileid.u32;
	s28 =	simm.s32 $0x1A6A0;
	s29 =	simm.s32 $0x1C720  }
0x4: {  	s30 =	simm.s32 $0x1;
	s31 =	simm.s32 $0x3;
	[smem:$0x7FF] =	sst s3  }
0x5: {  	s5 =	sadd.s32 $0x148B200, s0;
	s8 =	sand.u32 $0x1, s4;
	s6 =	sshll.u32 s2, $0x1  }
0x6: {  	s4 =	sadd.s32 $0x208C00, s0;
	s7 =	sadd.s32 $0xCB200, s0;
	s19 =	smul.u32 $0xC350, s2  }
0x7: {  	s23 =	sshll.u32 s2, $0x4;
	s26 =	sshll.u32 s2, $0x7;
	_ =	strace $0x80000050  }
0x8: {  	s9 =	sor.u32 s8, s6;
	s10 =	ssub.s32 $0x2, s8;
	s8 =	smul.u32 $0x61A8, s8  }
0x9: {  	[dreg:$0x3] =	wrdreg s7;
	s6 =	sadd.s32 $0x221400, s0;
	s11 =	smul.u32 $0x61A8, s9  }
0xa: {  	s7 =	sadd.s32 $0x7600, s0;
	[dreg:$0xd] =	wrdreg s23;
	s9 =	smul.u32 $0x30D40, s9  }
0xb: {  	[dreg:$0x10] =	wrdreg s26;
	s26 =	simm.s32 $0x1C6A0;
	s12 =	sshrl.u32 s10, $0x1  }
0xc: {  	s0 =	ssub.s32 s10, s12;
	s13 =	sshrl.u32 s11, $0x3;
	s9 =	sadd.s32 s5, s9  }
0xd: {  	s15 =	sadd.s32 $0x80, s11;
	s12 =	sadd.s32 $0x6180, s11;
	s0 =	smax.u32 s0, $0x1  }
0xe: {  	s20 =	sadd.s32 $0x6100, s11;
	s11 =	simm.s32 $0x6;
	[dreg:$0x4] =	wrdreg s9  }
0xf: {  	s14 =	sadd.s32 s4, s13;
	s16 =	sshll.u32 s15, $0x3;
	s9 =	sshrl.u32 s15, $0x3  }
0x10: {  	s17 =	sshrl.u32 s12, $0x3;
	s18 =	sshll.u32 s12, $0x3;
	[dreg:$0xa] =	wrdreg s0  }
0x11: {  	s21 =	sshll.u32 s20, $0x3;
	[dreg:$0x5] =	wrdreg s14;
	s10 =	sadd.s32 s5, s16  }
0x12: {  	s0 =	sshrl.u32 s20, $0x3;
	s9 =	sadd.s32 s4, s9;
	[dreg:$0x6] =	wrdreg s10  }
0x13: {  	s13 =	simm.s32 $0x0;
	s0 =	sadd.s32 s4, s0;
	[dreg:$0x7] =	wrdreg s9  }
0x14: {  	s9 =	sadd.s32 s4, s17;
	s10 =	sadd.s32 s8, s19;
	[dreg:$0xc] =	wrdreg s0  }
0x15: {  	[dreg:$0x8] =	wrdreg s9;
	s9 =	sadd.s32 s5, s18;
	s22 =	sadd.s32 $0x180, s10  }
0x16: {  	s24 =	sadd.s32 $0x100, s10;
	s10 =	simm.s32 $0x5;
	[dreg:$0x9] =	wrdreg s9  }
0x17: {  	s9 =	sadd.s32 s5, s21;
	s0 =	sshrl.u32 s22, $0x3;
	[dreg:$0xe] =	wrdreg s24  }
0x18: {  	[dreg:$0xb] =	wrdreg s9;
	s25 =	sadd.s32 s0, s4;
	s0 =	sshll.u32 s0, $0x6  }
0x19: {  	s9 =	sshll.u32 s24, $0x3;
	s24 =	simm.s32 $0x186A0;
	[dreg:$0xf] =	wrdreg s25  }
0x1a: {  	s21 =	sadd.s32 s0, s5;
	s22 =	sadd.s32 s9, s5;
	s25 =	simm.s32 $0x7  }
0x1b: {  	s0 =	simm.s32 $0x80;
	s5 =	simm.s32 $0x2;
	s9 =	simm.s32 $0x4  }
.LBB2_1:
0x1c: {  	s12 =	rddreg [dreg:$0x3]  }
0x1d: {  	[tilespmem:s24], [sflag:$0x7] =	stream.linear.gather [hbm4b:s12+s3], $0x2000, $0x38;
	[tilespmem:$0x1C7C8] =	vst v63  }
0x1e: {  	s12 =	sadd.s32 $0xFFFFFF30, s2  }
0x1f: {  	s14 =	sadd.s32 $0xD0, s12  }
0x20: {  	_ =	swait.ge [sflag:s25], $0x2000;
	p0 =	sgt.u32 s14, $0xC3  }
0x21: {  	s17 =	rddreg [dreg:$0xd];
	p1 =	seq.s32 @!p0 s12, $0xFFFFFFF3;
	p0 =	por p0, p0  }
0x22: {  	[sflag:s25] =	ssyncset.done $0x0;
	s12 =	smov.u32 s17;
	p1 =	por !p1, p0  }
0x23: {  	[sflag:s25] =	ssyncadd.s32 $0xFFFFE000;
	s14 =	simm.s32 @!p0 $0x8;
	s12 =	simm.s32 @!p1 $0xC25  }
0x24: {  	s15 =	simm.s32 @!p0 $0x0;
	s18 =	simm.s32 @!p0 $0x1C6A0;
	s12 =	sadd.s32 @!p0 s6, s12  }
0x25: {  	[tilespmem:s18], [sflag:$0x8] =	stream.linear.gather @!p0 [hbm4b:s12+s15], $0x80, $0x38;
	[tilespmem:$0x1C7C8] =	vst v63  }
0x26: {  	s16 =	simm.s32 @!p0 $0x7;
	_ =	swait.ge @!p0 [sflag:s14], $0x80  }
0x27: {  	s12 =	sadd.s32 $0xFFFFFF40, s2;
	s15 =	simm.s32 @!p0 $0x186A0;
	[sflag:s14] =	ssyncset.done @!p0 $0x0  }
0x28: {  	s23 =	sadd.s32 $0xD0, s12;
	[sflag:s14] =	ssyncadd.s32 @!p0 $0xFFFFFF80;
	s14 =	simm.s32 @!p0 $0x80  }
0x29: {  	[spmem:s1] =	stream.indirect.scatter @!p0 [tilespmem:s15], [sflag:$0x7], $0x40, s18, s14, $0xb8;
	[tilespmem:$0x1C7C8] =	vst v63  }
0x2a: {  	p2 =	sgt.u32 s23, $0xC3;
	_ =	swait.ge @!p0 [sflag:s16], $0x2000  }
0x2b: {  	s15 =	simm.s32 $0xFFFFFF50;
	s14 =	sadd.s32 $0x100, s17;
	[sflag:s16] =	ssyncset.done @!p0 $0x0  }
.LBB2_2:
0x2c: {  	p3 =	seq.s32 @!p2 s12, $0xFFFFFFF3;
	[sflag:s16] =	ssyncadd.s32 @!p0 $0xFFFFE000  }
0x2d: {  	s12 =	smov.u32 s15;
	s15 =	sadd.s32 $0x10, s15;
	p0 =	por p2, p2  }
0x2e: {  	s16 =	smov.u32 s14;
	p1 =	sne.s32 s15, $0x0;
	p2 =	por !p3, p0  }
0x2f: {  	s18 =	simm.s32 @!p0 $0x8;
	s16 =	simm.s32 @!p2 $0xC25  }
0x30: {  	s20 =	simm.s32 @!p0 $0x0;
	s17 =	simm.s32 @!p0 $0x1C6A0;
	s16 =	sadd.s32 @!p0 s6, s16  }
0x31: {  	[tilespmem:s17], [sflag:$0x8] =	stream.linear.gather @!p0 [hbm4b:s16+s20], $0x80, $0x38;
	[tilespmem:$0x1C7C8] =	vst v63  }
0x32: {  	s12 =	sadd.s32 s12, s2;
	_ =	swait.ge @!p0 [sflag:s18], $0x80  }
.Ltmp0:
0x33: {  	s16 =	simm.s32 @!p0 $0x7;
	[sflag:s18] =	ssyncset.done @!p0 $0x0;
	(pc) =	sbr.rel @p1 .LBB2_2-.Ltmp0, $4  }
0x34: {  	s20 =	simm.s32 @!p0 $0x186A0;
	[sflag:s18] =	ssyncadd.s32 @!p0 $0xFFFFFF80;
	s18 =	simm.s32 @!p0 $0x80  }
0x35: {  	[spmem:s1] =	stream.indirect.scatter @!p0 [tilespmem:s20], [sflag:$0x7], $0x40, s17, s18, $0xb8;
	[tilespmem:$0x1C7C8] =	vst v63  }
0x36: {  	s17 =	sadd.s32 $0xD0, s12;
	_ =	swait.ge @!p0 [sflag:s16], $0x2000  }
0x37: {  	s14 =	sadd.s32 $0x100, s14;
	p2 =	sgt.u32 s17, $0xC3;
	[sflag:s16] =	ssyncset.done @!p0 $0x0  }
0x38: {  	p3 =	seq.s32 @!p2 s12, $0xFFFFFFF3;
	p1 =	por p2, p2  }
0x39: {  	p2 =	por !p3, p1  }
0x3a: {  	[sflag:s16] =	ssyncadd.s32 @!p0 $0xFFFFE000;
	s12 =	simm.s32 @!p1 $0x8;
	s14 =	simm.s32 @!p2 $0xC25  }
0x3b: {  	s15 =	simm.s32 @!p1 $0x0;
	s16 =	simm.s32 @!p1 $0x1C6A0;
	s14 =	sadd.s32 @!p1 s6, s14  }
0x3c: {  	[tilespmem:s16], [sflag:$0x8] =	stream.linear.gather @!p1 [hbm4b:s14+s15], $0x80, $0x38;
	[tilespmem:$0x1C7C8] =	vst v63  }
0x3d: {  	_ =	swait.ge @!p1 [sflag:s12], $0x80  }
0x3e: {  	s14 =	simm.s32 @!p1 $0x7;
	[sflag:s12] =	ssyncset.done @!p1 $0x0  }
0x3f: {  	s15 =	simm.s32 @!p1 $0x186A0;
	[sflag:s12] =	ssyncadd.s32 @!p1 $0xFFFFFF80;
	s12 =	simm.s32 @!p1 $0x80  }
0x40: {  	[spmem:s1] =	stream.indirect.scatter @!p1 [tilespmem:s15], [sflag:$0x7], $0x40, s16, s12, $0xb8;
	[tilespmem:$0x1C7C8] =	vst v63  }
0x41: {  	_ =	swait.ge @!p1 [sflag:s14], $0x2000  }
0x42: {  	[sflag:s14] =	ssyncset.done @!p1 $0x0  }
0x43: {  	[sflag:s14] =	ssyncadd.s32 @!p1 $0xFFFFE000  }
0x44: {  	[bflag:$0x0] =	sbarrier.arrive $0xFFFF  }
0x45: {  	s19 =	simm.s32 $0x0;
	s20 =	rddreg [dreg:$0x4]  }
0x46: {  	[tilespmem:s24], [sflag:$0x1] =	stream.linear.gather [hbm4b:s20+s19], $0x2000, $0x38;
	[tilespmem:$0x1C7C8] =	vst v63  }
0x47: {  	s23 =	rddreg [dreg:$0x5]  }
0x48: {  	[tilespmem:s26], [sflag:$0x3] =	stream.linear.gather [hbm4b:s23+s19], $0x80, $0x38;
	[tilespmem:$0x1C7C8] =	vst v63  }
0x49: {  	s15 =	rddreg [dreg:$0x6]  }
0x4a: {  	[tilespmem:s28], [sflag:$0x2] =	stream.linear.gather [hbm4b:s15+s19], $0x2000, $0x38;
	[tilespmem:$0x1C7C8] =	vst v63  }
0x4b: {  	s16 =	rddreg [dreg:$0x7]  }
0x4c: {  	[tilespmem:s29], [sflag:$0x4] =	stream.linear.gather [hbm4b:s16+s19], $0x80, $0x38;
	[tilespmem:$0x1C7C8] =	vst v63  }
0x4d: {  	_ =	swait.ge [sflag:s30], $0x2000  }
0x4e: {  	[sflag:s30] =	ssyncset.done $0x0  }
0x4f: {  	[sflag:s30] =	ssyncadd.s32 $0xFFFFE000  }
0x50: {  	_ =	swait.ge [sflag:s31], $0x80  }
0x51: {  	[sflag:s31] =	ssyncset.done $0x0  }
0x52: {  	[sflag:s31] =	ssyncadd.s32 $0xFFFFFF80  }
0x53: {  	[spmem:s1] =	stream.indirect.scatter.add.f32 [tilespmem:s24], [sflag:$0x5], $0x40, s26, s0, $0xb8;
	[tilespmem:$0x1C7C8] =	vst v63  }
0x54: {  	_ =	swait.ge [sflag:s5], $0x2000  }
0x55: {  	[sflag:s5] =	ssyncset.done $0x0  }
0x56: {  	[sflag:s5] =	ssyncadd.s32 $0xFFFFE000  }
0x57: {  	_ =	swait.ge [sflag:s9], $0x80  }
0x58: {  	[sflag:s9] =	ssyncset.done $0x0  }
0x59: {  	[sflag:s9] =	ssyncadd.s32 $0xFFFFFF80  }
0x5a: {  	[spmem:s1] =	stream.indirect.scatter.add.f32 [tilespmem:s28], [sflag:$0x6], $0x40, s29, s0, $0xb8;
	[tilespmem:$0x1C7C8] =	vst v63  }
0x5b: {  	_ =	swait.ge [sflag:s10], $0x2000  }
0x5c: {  	[sflag:s10] =	ssyncset.done $0x0;
	s18 =	rddreg [dreg:$0xe]  }
0x5d: {  	s17 =	sadd.s32 $0x0, s22;
	[sflag:s10] =	ssyncadd.s32 $0xFFFFE000;
	s19 =	sshrl.u32 s18, $0x3  }
0x5e: {  	[tilespmem:s24], [sflag:$0x1] =	stream.linear.gather [hbm4b:s17+s3], $0x2000, $0x38;
	[tilespmem:$0x1C7C8] =	vst v63  }
0x5f: {  	s20 =	sadd.s32 s4, s19  }
0x60: {  	[tilespmem:s26], [sflag:$0x3] =	stream.linear.gather [hbm4b:s20+s3], $0x80, $0x38;
	[tilespmem:$0x1C7C8] =	vst v63  }
0x61: {  	s14 =	simm.s32 $0x800;
	_ =	swait.ge [sflag:s11], $0x2000  }
0x62: {  	s23 =	sadd.s32 $0x0, s21;
	[sflag:s11] =	ssyncset.done $0x0;
	s20 =	rddreg [dreg:$0xf]  }
0x63: {  	s16 =	sadd.s32 $0x100, s18;
	[sflag:s11] =	ssyncadd.s32 $0xFFFFE000;
	s15 =	sadd.s32 $0x20, s20  }
0x64: {  	[tilespmem:s28], [sflag:$0x2] =	stream.linear.gather [hbm4b:s23+s3], $0x2000, $0x38;
	[tilespmem:$0x1C7C8] =	vst v63  }
.LBB2_4:
0x65: {  	[tilespmem:s29], [sflag:$0x4] =	stream.linear.gather [hbm4b:s20+s3], $0x80, $0x38;
	[tilespmem:$0x1C7C8] =	vst v63  }
0x66: {  	s12 =	smov.u32 s14;
	s20 =	smov.u32 s15  }
0x67: {  	p0 =	sne.s32 s14, $0x2F800;
	s14 =	sadd.s32 $0x800, s14;
	_ =	swait.ge [sflag:s30], $0x2000  }
0x68: {  	[sflag:s30] =	ssyncset.done $0x0  }
0x69: {  	[sflag:s30] =	ssyncadd.s32 $0xFFFFE000  }
0x6a: {  	_ =	swait.ge [sflag:s31], $0x80  }
0x6b: {  	[sflag:s31] =	ssyncset.done $0x0  }
0x6c: {  	[sflag:s31] =	ssyncadd.s32 $0xFFFFFF80  }
0x6d: {  	[spmem:s1] =	stream.indirect.scatter.add.f32 [tilespmem:s24], [sflag:$0x5], $0x40, s26, s0, $0xb8;
	[tilespmem:$0x1C7C8] =	vst v63  }
0x6e: {  	_ =	swait.ge [sflag:s5], $0x2000  }
0x6f: {  	[sflag:s5] =	ssyncset.done $0x0  }
0x70: {  	[sflag:s5] =	ssyncadd.s32 $0xFFFFE000  }
0x71: {  	_ =	swait.ge [sflag:s9], $0x80  }
0x72: {  	[sflag:s9] =	ssyncset.done $0x0  }
0x73: {  	[sflag:s9] =	ssyncadd.s32 $0xFFFFFF80  }
0x74: {  	[spmem:s1] =	stream.indirect.scatter.add.f32 [tilespmem:s28], [sflag:$0x6], $0x40, s29, s0, $0xb8;
	[tilespmem:$0x1C7C8] =	vst v63  }
0x75: {  	_ =	swait.ge [sflag:s10], $0x2000  }
0x76: {  	[sflag:s10] =	ssyncset.done $0x0  }
0x77: {  	s18 =	sshrl.u32 s16, $0x3;
	s17 =	sadd.s32 s12, s22;
	[sflag:s10] =	ssyncadd.s32 $0xFFFFE000  }
0x78: {  	[tilespmem:s24], [sflag:$0x1] =	stream.linear.gather [hbm4b:s17+s3], $0x2000, $0x38;
	[tilespmem:$0x1C7C8] =	vst v63  }
0x79: {  	s17 =	sadd.s32 s4, s18  }
0x7a: {  	[tilespmem:s26], [sflag:$0x3] =	stream.linear.gather [hbm4b:s17+s3], $0x80, $0x38;
	[tilespmem:$0x1C7C8] =	vst v63  }
.Ltmp1:
0x7b: {  	_ =	swait.ge [sflag:s11], $0x2000;
	(pc) =	sbr.rel @p0 .LBB2_4-.Ltmp1, $4  }
0x7c: {  	[sflag:s11] =	ssyncset.done $0x0  }
0x7d: {  	s12 =	sadd.s32 s12, s21;
	[sflag:s11] =	ssyncadd.s32 $0xFFFFE000  }
0x7e: {  	[tilespmem:s28], [sflag:$0x2] =	stream.linear.gather [hbm4b:s12+s3], $0x2000, $0x38;
	[tilespmem:$0x1C7C8] =	vst v63  }
0x7f: {  	s15 =	sadd.s32 $0x20, s15;
	s16 =	sadd.s32 $0x100, s16  }
0x80: {  	[tilespmem:s29], [sflag:$0x4] =	stream.linear.gather [hbm4b:s20+s3], $0x80, $0x38;
	[tilespmem:$0x1C7C8] =	vst v63  }
0x81: {  	_ =	swait.ge [sflag:s30], $0x2000  }
0x82: {  	[sflag:s30] =	ssyncset.done $0x0  }
0x83: {  	[sflag:s30] =	ssyncadd.s32 $0xFFFFE000  }
0x84: {  	_ =	swait.ge [sflag:s31], $0x80  }
0x85: {  	[sflag:s31] =	ssyncset.done $0x0  }
0x86: {  	[sflag:s31] =	ssyncadd.s32 $0xFFFFFF80  }
0x87: {  	[spmem:s1] =	stream.indirect.scatter.add.f32 [tilespmem:s24], [sflag:$0x5], $0x40, s26, s0, $0xb8;
	[tilespmem:$0x1C7C8] =	vst v63  }
0x88: {  	_ =	swait.ge [sflag:s5], $0x2000  }
0x89: {  	[sflag:s5] =	ssyncset.done $0x0  }
0x8a: {  	[sflag:s5] =	ssyncadd.s32 $0xFFFFE000  }
0x8b: {  	_ =	swait.ge [sflag:s9], $0x80  }
0x8c: {  	[sflag:s9] =	ssyncset.done $0x0  }
0x8d: {  	[sflag:s9] =	ssyncadd.s32 $0xFFFFFF80  }
0x8e: {  	[spmem:s1] =	stream.indirect.scatter.add.f32 [tilespmem:s28], [sflag:$0x6], $0x40, s29, s0, $0xb8;
	[tilespmem:$0x1C7C8] =	vst v63  }
0x8f: {  	_ =	swait.ge [sflag:s10], $0x2000  }
0x90: {  	[sflag:s10] =	ssyncset.done $0x0  }
0x91: {  	s12 =	rddreg [dreg:$0xb];
	[sflag:s10] =	ssyncadd.s32 $0xFFFFE000  }
0x92: {  	[tilespmem:s24], [sflag:$0x1] =	stream.linear.gather [hbm4b:s12+s3], $0x2000, $0x38;
	[tilespmem:$0x1C7C8] =	vst v63  }
0x93: {  	s16 =	rddreg [dreg:$0xc]  }
0x94: {  	[tilespmem:s26], [sflag:$0x3] =	stream.linear.gather [hbm4b:s16+s3], $0x80, $0x38;
	[tilespmem:$0x1C7C8] =	vst v63  }
0x95: {  	_ =	swait.ge [sflag:s11], $0x2000  }
0x96: {  	[sflag:s11] =	ssyncset.done $0x0  }
0x97: {  	[sflag:s11] =	ssyncadd.s32 $0xFFFFE000  }
0x98: {  	_ =	swait.ge [sflag:s30], $0x2000  }
0x99: {  	[sflag:s30] =	ssyncset.done $0x0  }
0x9a: {  	[sflag:s30] =	ssyncadd.s32 $0xFFFFE000  }
0x9b: {  	_ =	swait.ge [sflag:s31], $0x80  }
0x9c: {  	[sflag:s31] =	ssyncset.done $0x0  }
0x9d: {  	[sflag:s31] =	ssyncadd.s32 $0xFFFFFF80  }
0x9e: {  	[spmem:s1] =	stream.indirect.scatter.add.f32 [tilespmem:s24], [sflag:$0x7], $0x40, s26, s0, $0xb8;
	[tilespmem:$0x1C7C8] =	vst v63  }
0x9f: {  	_ =	swait.ge [sflag:s25], $0x2000  }
0xa0: {  	[sflag:s25] =	ssyncset.done $0x0  }
0xa1: {  	s14 =	simm.s32 $0x1C7A0;
	s17 =	rddreg [dreg:$0x8];
	[sflag:s25] =	ssyncadd.s32 $0xFFFFE000  }
0xa2: {  	[tilespmem:s14], [sflag:$0x7] =	stream.linear.gather [hbm4b:s17+s3], $0x28, $0x38;
	[tilespmem:$0x1C7C8] =	vst v63  }
0xa3: {  	_ =	swait.ge [sflag:s25], $0x28  }
0xa4: {  	[sflag:s25] =	ssyncset.done $0x0  }
0xa5: {  	s18 =	rddreg [dreg:$0x9];
	[sflag:s25] =	ssyncadd.s32 $0xFFFFFFD8  }
0xa6: {  	[tilespmem:s24], [sflag:$0x7] =	stream.linear.gather [hbm4b:s18+s3], $0xA00, $0x38;
	[tilespmem:$0x1C7C8] =	vst v63  }
0xa7: {  	_ =	swait.ge [sflag:s25], $0xA00  }
0xa8: {  	s12 =	sadd.s32 $0xFFFFFF30, s2;
	[sflag:s25] =	ssyncset.done $0x0  }
0xa9: {  	s19 =	simm.s32 $0x28;
	s20 =	sadd.s32 $0xD0, s12;
	[sflag:s25] =	ssyncadd.s32 $0xFFFFF600  }
0xaa: {  	[spmem:s1] =	stream.indirect.scatter.add.f32 [tilespmem:s24], [sflag:$0x7], $0x40, s14, s19, $0xb8;
	[tilespmem:$0x1C7C8] =	vst v63  }
0xab: {  	p0 =	sgt.u32 s20, $0xC3;
	_ =	swait.ge [sflag:s25], $0xA00  }
0xac: {  	p1 =	seq.s32 @!p0 s12, $0xFFFFFFF3;
	p0 =	por p0, p0;
	s19 =	rddreg [dreg:$0x10]  }
0xad: {  	p1 =	por !p1, p0;
	s14 =	smov.u32 s19  }
0xae: {  	s15 =	simm.s32 @!p0 $0x8;
	[sflag:s25] =	ssyncset.done $0x0;
	s14 =	simm.s32 @!p1 $0x6128  }
0xaf: {  	s16 =	simm.s32 @!p0 $0x1C6A0;
	[sflag:s25] =	ssyncadd.s32 $0xFFFFF600;
	s12 =	sshrl.u32 @!p0 s14, $0x3  }
0xb0: {  	s20 =	simm.s32 @!p0 $0x0;
	[bflag:$0x0] =	sbarrier.arrive $0xFFFF;
	s12 =	sadd.s32 @!p0 s6, s12  }
0xb1: {  	[tilespmem:s16], [sflag:$0x8] =	stream.linear.gather @!p0 [hbm4b:s12+s20], $0x80, $0x38;
	[tilespmem:$0x1C7C8] =	vst v63  }
0xb2: {  	_ =	swait.ge @!p0 [sflag:s15], $0x80  }
0xb3: {  	[sflag:s15] =	ssyncset.done @!p0 $0x0  }
0xb4: {  	s17 =	simm.s32 @!p0 $0x80;
	s12 =	simm.s32 @!p0 $0x186A0;
	[sflag:s15] =	ssyncadd.s32 @!p0 $0xFFFFFF80  }
0xb5: {  	[tilespmem:s12], [sflag:$0x8] =	stream.indirect.gather @!p0 [spmem:s1], $0x40, s16, s17, $0xb8;
	[tilespmem:$0x1C7C8] =	vst v63  }
0xb6: {  	s14 =	sadd.s32 @!p0 s8, s14;
	s17 =	sadd.s32 $0xFFFFFF40, s2  }
0xb7: {  	s14 =	sshll.u32 @!p0 s14, $0x3;
	s23 =	sadd.s32 $0xD0, s17  }
0xb8: {  	s18 =	sadd.s32 @!p0 s7, s14;
	s14 =	sadd.s32 $0x800, s19;
	p2 =	sgt.u32 s23, $0xC3  }
0xb9: {  	s16 =	simm.s32 $0xFFFFFF50;
	_ =	swait.ge @!p0 [sflag:s15], $0x2000;
	p3 =	seq.s32 @!p2 s17, $0xFFFFFFF3  }
.LBB2_6:
0xba: {  	[sflag:s15] =	ssyncset.done @!p0 $0x0  }
0xbb: {  	s17 =	smov.u32 s16;
	s16 =	sadd.s32 $0x10, s16;
	s19 =	simm.s32 @!p0 $0x7  }
0xbc: {  	p4 =	por p0, p0;
	p1 =	sne.s32 s16, $0x0;
	[sflag:s15] =	ssyncadd.s32 @!p0 $0xFFFFE000  }
0xbd: {  	[hbm4b:s18+s20] =	stream.linear.scatter @!p0 [tilespmem:s12], [sflag:$0x7], $0x2000, $0x38;
	[tilespmem:$0x1C7C8] =	vst v63  }
0xbe: {  	s17 =	sadd.s32 s17, s2;
	_ =	swait.ge @!p0 [sflag:s19], $0x2000;
	p0 =	por p2, p2  }
0xbf: {  	s12 =	smov.u32 s14;
	p2 =	por !p3, p0;
	[sflag:s19] =	ssyncset.done @!p4 $0x0  }
0xc0: {  	s15 =	simm.s32 @!p0 $0x8;
	s12 =	simm.s32 @!p2 $0x6128;
	[sflag:s19] =	ssyncadd.s32 @!p4 $0xFFFFE000  }
0xc1: {  	s19 =	simm.s32 @!p0 $0x1C6A0;
	s18 =	sshrl.u32 @!p0 s12, $0x3;
	s12 =	sadd.s32 @!p0 s8, s12  }
0xc2: {  	s20 =	simm.s32 @!p0 $0x0;
	s18 =	sadd.s32 @!p0 s6, s18;
	s12 =	sshll.u32 @!p0 s12, $0x3  }
0xc3: {  	[tilespmem:s19], [sflag:$0x8] =	stream.linear.gather @!p0 [hbm4b:s18+s20], $0x80, $0x38;
	[tilespmem:$0x1C7C8] =	vst v63  }
.Ltmp2:
0xc4: {  	s18 =	sadd.s32 @!p0 s7, s12;
	_ =	swait.ge @!p0 [sflag:s15], $0x80;
	(pc) =	sbr.rel @p1 .LBB2_6-.Ltmp2, $4  }
0xc5: {  	s23 =	sadd.s32 $0xD0, s17;
	s12 =	simm.s32 @!p0 $0x186A0;
	[sflag:s15] =	ssyncset.done @!p0 $0x0  }
0xc6: {  	p2 =	sgt.u32 s23, $0xC3;
	s23 =	simm.s32 @!p0 $0x80;
	[sflag:s15] =	ssyncadd.s32 @!p0 $0xFFFFFF80  }
0xc7: {  	[tilespmem:s12], [sflag:$0x8] =	stream.indirect.gather @!p0 [spmem:s1], $0x40, s19, s23, $0xb8;
	[tilespmem:$0x1C7C8] =	vst v63  }
0xc8: {  	s14 =	sadd.s32 $0x800, s14;
	p3 =	seq.s32 @!p2 s17, $0xFFFFFFF3;
	_ =	swait.ge @!p0 [sflag:s15], $0x2000  }
0xc9: {  	[sflag:s15] =	ssyncset.done @!p0 $0x0  }
0xca: {  	[sflag:s15] =	ssyncadd.s32 @!p0 $0xFFFFE000  }
0xcb: {  	[hbm4b:s18+s20] =	stream.linear.scatter @!p0 [tilespmem:s12], [sflag:$0x7], $0x2000, $0x38;
	[tilespmem:$0x1C7C8] =	vst v63  }
0xcc: {  	p1 =	por p2, p2;
	s12 =	simm.s32 @!p0 $0x7  }
0xcd: {  	p2 =	por !p3, p1;
	_ =	swait.ge @!p0 [sflag:s12], $0x2000;
	p0 =	por p0, p0  }
0xce: {  	s14 =	simm.s32 @!p2 $0x6128;
	[sflag:s12] =	ssyncset.done @!p0 $0x0  }
0xcf: {  	s15 =	simm.s32 @!p1 $0x8;
	[sflag:s12] =	ssyncadd.s32 @!p0 $0xFFFFE000;
	s12 =	sshrl.u32 @!p1 s14, $0x3  }
0xd0: {  	s16 =	simm.s32 @!p1 $0x1C6A0;
	s17 =	simm.s32 @!p1 $0x0;
	s12 =	sadd.s32 @!p1 s6, s12  }
0xd1: {  	[tilespmem:s16], [sflag:$0x8] =	stream.linear.gather @!p1 [hbm4b:s12+s17], $0x80, $0x38;
	[tilespmem:$0x1C7C8] =	vst v63  }
0xd2: {  	_ =	swait.ge @!p1 [sflag:s15], $0x80  }
0xd3: {  	[sflag:s15] =	ssyncset.done @!p1 $0x0  }
0xd4: {  	s18 =	simm.s32 @!p1 $0x80;
	s12 =	simm.s32 @!p1 $0x186A0;
	[sflag:s15] =	ssyncadd.s32 @!p1 $0xFFFFFF80  }
0xd5: {  	[tilespmem:s12], [sflag:$0x8] =	stream.indirect.gather @!p1 [spmem:s1], $0x40, s16, s18, $0xb8;
	[tilespmem:$0x1C7C8] =	vst v63  }
0xd6: {  	s14 =	sadd.s32 @!p1 s8, s14;
	_ =	swait.ge @!p1 [sflag:s15], $0x2000  }
0xd7: {  	s14 =	sshll.u32 @!p1 s14, $0x3;
	[sflag:s15] =	ssyncset.done @!p1 $0x0  }
0xd8: {  	s14 =	sadd.s32 @!p1 s7, s14;
	[sflag:s15] =	ssyncadd.s32 @!p1 $0xFFFFE000;
	s15 =	simm.s32 @!p1 $0x7  }
0xd9: {  	[hbm4b:s14+s17] =	stream.linear.scatter @!p1 [tilespmem:s12], [sflag:$0x7], $0x2000, $0x38;
	[tilespmem:$0x1C7C8] =	vst v63  }
0xda: {  	_ =	swait.ge @!p1 [sflag:s15], $0x2000  }
0xdb: {  	s13 =	sadd.s32 $0x1, s13;
	s23 =	rddreg [dreg:$0xa]  }
0xdc: {  	p0 =	por p1, p1;
	p1 =	sne.s32 s13, s23  }
.Ltmp3:
0xdd: {  	_ = 	snop;
	(pc) =	sbr.rel @p1 .LBB2_1-.Ltmp3, $3  }
0xde: {  	_ =	sdelay $0x1  }
0xdf: {  	[sflag:s15] =	ssyncset.done @!p0 $0x0  }
0xe0: {  	[sflag:s15] =	ssyncadd.s32 @!p0 $0xFFFFE000  }
0xe1: {  	_ =	sfence.sel $0x180000  }
0xe2: {  	[bflag:$0x0] =	sbarrier.arrive $0xFFFF  }
0xe3: {  	_ =	strace $0x90000050  }
0xe4: {  	[bflag:$0x2] =	sbarrier.arrive $0xFFFF  }
0xe5: {  	p0 =	sne.s32 s2, $0x0;
	s0 =	rddreg [dreg:$0x2]  }
0xe6: {  	s0 =	sadd.s32 @!p0 $0x100000, s0  }
0xe7: {  	[sflag:s0] =	ssyncadd.tile.s32 @!p0 $0x1;
	_ =	shalt  }
.Lfunc_end2:
_tile_overlayer_lowered:
.L_overlay_start_2:
0xe8: {  	(tag) =	ssettag $0x2  }
0xe9: {  	s0 =	rddreg [dreg:$0x0];
	s2 =	stileid.u32  }
0xea: {  	s1 =	rddreg [dreg:$0x1];
	p0 =	sne.s32 s2, $0x0  }
0xeb: {  	s3 =	rddreg [dreg:$0x2];
	[bflag:$0x3] =	sbarrier.arrive $0xFFFF;
	s2 =	simm.s32 @!p0 $0x1C07  }
0xec: {  	[timem:s3], [sflag:s2] =	dma.local @!p0 [hbm:s0], s1  }
0xed: {  	s0 =	simm.s32 @!p0 $0x7  }
0xee: {  	_ =	swait.ge @!p0 [sflag:s0], s1  }
0xef: {  	s1 =	ssub.s32 @!p0 $0x0, s1;
	[sflag:s0] =	ssyncset.done @!p0 $0x0  }
0xf0: {  	[sflag:s0] =	ssyncadd.s32 @!p0 s1  }
0xf1: {  	[bflag:$0x3] =	sbarrier.arrive $0xFFFF  }
0xf2: {  	_ =	shalt  }

</sc_bundles>
